<compile_context>
chip_gen: v7x
topology: tpu7x:2x2x1
jax: 0.10.2.dev20260603
libtpu: 0.0.44.dev20260713+nightly
codegen_flags: <defaults>
</compile_context>

<pallas_src>
import functools

import jax
import jax.numpy as jnp
import numpy as np
from jax import lax
from jax.experimental import pallas as pl
from jax.experimental.pallas import tpu as pltpu
from jax.experimental.pallas import tpu_sc as plsc

N = 10000
PN = 10240
E = 160000
PE = 163840
F = 256
HF = 128
NSUB = 16
CHUNK = 128
CH_PER_SUB = (PE // NSUB) // CHUNK

_MESH = plsc.VectorSubcoreMesh(
    core_axis_name="c", subcore_axis_name="s", num_cores=2, num_subcores=NSUB
)


@functools.partial(
    pl.kernel,
    out_type=(
        jax.ShapeDtypeStruct((PN, HF), jnp.float32),
        jax.ShapeDtypeStruct((PN, HF), jnp.float32),
    ),
    mesh=_MESH,
    compiler_params=pltpu.CompilerParams(needs_layout_passes=False),
    scratch_types=[
        pltpu.VMEM((1, CHUNK), jnp.int32),
        pltpu.VMEM((CHUNK,), jnp.float32),
        pltpu.VMEM((640,), jnp.float32),
        pltpu.VMEM((640, HF), jnp.float32),
        pltpu.VMEM_SHARED((PN,), jnp.float32),
    ],
)
def _sc_scales(src_hbm, dst_hbm, sout_hbm, sin_hbm, idxb, onesb, cntv, srep, cnt_sp):
    c = lax.axis_index("c")
    s = lax.axis_index("s")

    for j in range(CHUNK // 16):
        onesb[pl.ds(j * 16, 16)] = jnp.full((16,), 1.0, jnp.float32)
    for j in range(640 // 16):
        cntv[pl.ds(j * 16, 16)] = jnp.zeros((16,), jnp.float32)
    pltpu.sync_copy(cntv, cnt_sp.at[pl.ds(s * 640, 640)])
    plsc.subcore_barrier()

    @pl.loop(0, CH_PER_SUB)
    def _count(g):
        base = (s * CH_PER_SUB + g) * CHUNK

        @pl.when(c == 0)
        def _():
            pltpu.sync_copy(src_hbm.at[pl.ds(base, CHUNK)], idxb.at[0])

        @pl.when(c == 1)
        def _():
            pltpu.sync_copy(dst_hbm.at[pl.ds(base, CHUNK)], idxb.at[0])

        pltpu.sync_copy(onesb, cnt_sp.at[idxb.at[0]], add=True)

    plsc.subcore_barrier()

    pltpu.sync_copy(cnt_sp.at[pl.ds(s * 640, 640)], cntv)

    @pl.loop(0, 640)
    def _rep(r):
        val = plsc.load_gather(cntv, [jnp.full((16,), r, jnp.int32)])
        for j in range(HF // 16):
            srep[r, pl.ds(j * 16, 16)] = val

    @pl.when(c == 0)
    def _():
        pltpu.sync_copy(srep, sout_hbm.at[pl.ds(s * 640, 640)])

    @pl.when(c == 1)
    def _():
        pltpu.sync_copy(srep, sin_hbm.at[pl.ds(s * 640, 640)])


@functools.partial(
    pl.kernel,
    out_type=jax.ShapeDtypeStruct((2, PN, HF), jnp.float32),
    mesh=_MESH,
    compiler_params=pltpu.CompilerParams(needs_layout_passes=False),
    scratch_types=[
        pltpu.VMEM((2, CHUNK), jnp.int32),
        pltpu.VMEM((2, CHUNK), jnp.int32),
        pltpu.VMEM((2, CHUNK, HF), jnp.float32),
        pltpu.VMEM_SHARED((PN, HF), jnp.float32),
        pltpu.SemaphoreType.DMA,
        pltpu.SemaphoreType.DMA,
    ],
)
def _sc_agg(table_hbm, src_hbm, dst_hbm, out_hbm, srcb, dstb, rowsb, accum, sem0, sem1):
    c = lax.axis_index("c")
    s = lax.axis_index("s")
    sems = (sem0, sem1)
    ebase = s * (PE // NSUB)

    @pl.loop(0, CHUNK)
    def _z(r):
        for j in range(HF // 16):
            rowsb[0, r, pl.ds(j * 16, 16)] = jnp.zeros((16,), jnp.float32)

    for k in range(640 // CHUNK):
        pltpu.sync_copy(rowsb.at[0], accum.at[pl.ds(s * 640 + k * CHUNK, CHUNK)])
    plsc.subcore_barrier()

    roff = c * PN

    def fetch(g, b):
        base = ebase + g * CHUNK
        pltpu.sync_copy(src_hbm.at[pl.ds(base, CHUNK)], srcb.at[b])
        pltpu.sync_copy(dst_hbm.at[pl.ds(base, CHUNK)], dstb.at[b])
        for j in range(CHUNK // 16):
            srcb[b, pl.ds(j * 16, 16)] = srcb[b, pl.ds(j * 16, 16)] + roff
        pltpu.async_copy(table_hbm.at[srcb.at[b]], rowsb.at[b], sems[b])

    def drain(g, b):
        pltpu.make_async_copy(table_hbm.at[srcb.at[b]], rowsb.at[b], sems[b]).wait()
        pltpu.sync_copy(rowsb.at[b], accum.at[dstb.at[b]], add=True)

    fetch(0, 0)

    @pl.loop(0, CH_PER_SUB - 2, step=2)
    def _main(g):
        fetch(g + 1, 1)
        drain(g, 0)
        fetch(g + 2, 0)
        drain(g + 1, 1)

    fetch(CH_PER_SUB - 1, 1)
    drain(CH_PER_SUB - 2, 0)
    drain(CH_PER_SUB - 1, 1)

    plsc.subcore_barrier()
    pltpu.sync_copy(accum.at[pl.ds(s * 640, 640)], out_hbm.at[c, pl.ds(s * 640, 640)])


def _rsqrt_col(cnt_ref):
    return lax.rsqrt(jnp.maximum(cnt_ref[:, :1], 1.0))


def _prep_body(x_ref, cout_ref, out_ref):
    out_ref[0] = x_ref[...] * _rsqrt_col(cout_ref)


def _mid_body(agg_ref, w1_ref, w2_ref, cin_ref, cout_ref, out_ref):
    a0 = agg_ref[0]
    a1 = agg_ref[1]
    t = jnp.dot(a0, w1_ref[:HF, :], preferred_element_type=jnp.float32)
    t += jnp.dot(a1, w1_ref[HF:, :], preferred_element_type=jnp.float32)
    h1 = jnp.maximum(t * _rsqrt_col(cin_ref), 0.0)
    g = h1 * _rsqrt_col(cout_ref)
    r = jnp.dot(g, w2_ref[...], preferred_element_type=jnp.float32)
    out_ref[0] = r[:, :HF]
    out_ref[1] = r[:, HF:]


def _final_body(agg_ref, cin_ref, out_ref):
    sc = _rsqrt_col(cin_ref)
    out_ref[...] = jnp.concatenate([agg_ref[0] * sc, agg_ref[1] * sc], axis=1)


def kernel(x, edge_index, W1, W2):
    f32 = jnp.float32
    src = edge_index[0]
    dst = edge_index[1]
    pad_idx = jnp.asarray(N + (np.arange(PE - E) % 64), jnp.int32)
    src_p = jnp.concatenate([src, pad_idx])
    dst_p = jnp.concatenate([dst, pad_idx])
    x_p = jnp.pad(x, ((0, PN - N), (0, 0)))

    cout_rep, cin_rep = _sc_scales(src_p, dst_p)

    h0 = pl.pallas_call(
        _prep_body,
        grid=(PN // 512, 2),
        in_specs=[
            pl.BlockSpec((512, HF), lambda r, h: (r, h)),
            pl.BlockSpec((512, HF), lambda r, h: (r, 0)),
        ],
        out_specs=pl.BlockSpec((1, 512, HF), lambda r, h: (h, r, 0)),
        out_shape=jax.ShapeDtypeStruct((2, PN, HF), f32),
    )(x_p, cout_rep)

    a1 = _sc_agg(h0.reshape(2 * PN, HF), src_p, dst_p)

    h2 = pl.pallas_call(
        _mid_body,
        grid=(PN // 512,),
        in_specs=[
            pl.BlockSpec((2, 512, HF), lambda r: (0, r, 0)),
            pl.BlockSpec((F, 512), lambda r: (0, 0)),
            pl.BlockSpec((512, F), lambda r: (0, 0)),
            pl.BlockSpec((512, HF), lambda r: (r, 0)),
            pl.BlockSpec((512, HF), lambda r: (r, 0)),
        ],
        out_specs=pl.BlockSpec((2, 512, HF), lambda r: (0, r, 0)),
        out_shape=jax.ShapeDtypeStruct((2, PN, HF), f32),
    )(a1, W1, W2, cin_rep, cout_rep)

    a2 = _sc_agg(h2.reshape(2 * PN, HF), src_p, dst_p)

    out = pl.pallas_call(
        _final_body,
        grid=(N // 400,),
        in_specs=[
            pl.BlockSpec((2, 400, HF), lambda r: (0, r, 0)),
            pl.BlockSpec((400, HF), lambda r: (r, 0)),
        ],
        out_specs=pl.BlockSpec((400, F), lambda r: (r, 0)),
        out_shape=jax.ShapeDtypeStruct((N, F), f32),
    )(a2, cin_rep)
    return out

# --- scband reference (transcript-rebuilt; emitter-appended) ---
"""Pipeline reference for scband-dglgcn-61083024884273 (READ-ONLY COPY).

The authoritative reference and input builder live on the scoring server;
editing this copy changes nothing except your own understanding.
"""

import jax, jax.numpy as jnp
import numpy as np

N_NODES = 10000

def graph_conv(edge_index, feat, W, activation=None):
    # Faithful port of dgl.nn.GraphConv(norm='both', bias=False)
    src = edge_index[0]
    dst = edge_index[1]
    # normalize by src out-degree^{-1/2}
    out_deg = jnp.maximum(jnp.bincount(src, length=N_NODES), 1).astype(feat.dtype)
    h = feat * (out_deg ** -0.5)[:, None]
    in_f, out_f = W.shape
    if in_f > out_f:
        # mult W first to reduce feature size for aggregation
        h = h @ W
        h = jax.ops.segment_sum(h[src], dst, num_segments=N_NODES)
    else:
        # aggregate first then mult W
        h = jax.ops.segment_sum(h[src], dst, num_segments=N_NODES)
        h = h @ W
    # normalize by dst in-degree^{-1/2}
    in_deg = jnp.maximum(jnp.bincount(dst, length=N_NODES), 1).astype(feat.dtype)
    h = h * (in_deg ** -0.5)[:, None]
    if activation is not None:
        h = activation(h)
    return h

def setup_inputs(seed: int = 0):
    key = jax.random.key(seed)
    k1, k2, k3, k4 = jax.random.split(key, 4)
    x = jax.random.normal(k1, (N_NODES, 256), dtype=jnp.float32)
    edge_index = jax.random.randint(k2, (2, 160000), 0, N_NODES, dtype=jnp.int32)
    W1 = jax.random.normal(k3, (256, 512), dtype=jnp.float32) * (1.0 / np.sqrt(256))
    W2 = jax.random.normal(k4, (512, 256), dtype=jnp.float32) * (1.0 / np.sqrt(512))
    return {"x": x, "edge_index": edge_index, "W1": W1, "W2": W2}

def reference(x, edge_index, W1, W2):
    # num_layers=2: layer0 with ReLU activation, final layer without
    h = graph_conv(edge_index, x, W1, activation=jax.nn.relu)
    h = graph_conv(edge_index, h, W2, activation=None)
    return h

if __name__ == "__main__":
    import jax
    _d = setup_inputs()
    print(jax.jit(kernel)(*tuple(_d.values())))

</pallas_src>

<mosaic_0001>
#map = affine_map<(d0, d1) -> (0)>
#map1 = affine_map<(d0, d1) -> (0, 0)>
module attributes {stable_mosaic.version = 14 : i64} {
  func.func @_sc_scales(%arg0: i32, %arg1: i32, %arg2: memref<163840xi32, #tpu.memory_space<hbm>>, %arg3: memref<163840xi32, #tpu.memory_space<hbm>>, %arg4: memref<10240x128xf32, #tpu.memory_space<hbm>>, %arg5: memref<10240x128xf32, #tpu.memory_space<hbm>>, %arg6: memref<1x128xi32, #tpu.memory_space<vmem>>, %arg7: memref<128xf32, #tpu.memory_space<vmem>>, %arg8: memref<640xf32, #tpu.memory_space<vmem>>, %arg9: memref<640x128xf32, #tpu.memory_space<vmem>>, %arg10: memref<10240xf32, #tpu.memory_space<vmem_shared>>) attributes {dimension_semantics = [#tpu.dimension_semantics<core_parallel>, #tpu.dimension_semantics<subcore_parallel>], iteration_bounds = array<i64: 2, 16>, scalar_prefetch = 0 : i64, scratch_operands = 5 : i64, tpu.core_type = #tpu.core_type<sc_vector_subcore>, window_params = [{transform_indices = #map}, {transform_indices = #map}, {transform_indices = #map1}, {transform_indices = #map1}]} {
    %broadcast_in_dim3A = arith.constant 1.000000e+00 : f32
    %broadcast_in_dim3A_0 = vector.broadcast %broadcast_in_dim3A : f32 to vector<16xf32>
    %swap3A = arith.constant 0 : index
    %swap3A_1 = tpu.vector_load %arg7[%swap3A] {strides = array<i32>} : memref<128xf32, #tpu.memory_space<vmem>>, vector<16xf32>,
    tpu.vector_store %arg7[%swap3A], %broadcast_in_dim3A_0 {strides = array<i32>} : memref<128xf32, #tpu.memory_space<vmem>>, vector<16xf32>,
    %broadcast_in_dim3A_2 = arith.constant 1.000000e+00 : f32
    %broadcast_in_dim3A_3 = vector.broadcast %broadcast_in_dim3A_2 : f32 to vector<16xf32>
    %swap3A_4 = arith.constant 16 : index
    %swap3A_5 = tpu.vector_load %arg7[%swap3A_4] {strides = array<i32>} : memref<128xf32, #tpu.memory_space<vmem>>, vector<16xf32>,
    tpu.vector_store %arg7[%swap3A_4], %broadcast_in_dim3A_3 {strides = array<i32>} : memref<128xf32, #tpu.memory_space<vmem>>, vector<16xf32>,
    %broadcast_in_dim3A_6 = arith.constant 1.000000e+00 : f32
    %broadcast_in_dim3A_7 = vector.broadcast %broadcast_in_dim3A_6 : f32 to vector<16xf32>
    %swap3A_8 = arith.constant 32 : index
    %swap3A_9 = tpu.vector_load %arg7[%swap3A_8] {strides = array<i32>} : memref<128xf32, #tpu.memory_space<vmem>>, vector<16xf32>,
    tpu.vector_store %arg7[%swap3A_8], %broadcast_in_dim3A_7 {strides = array<i32>} : memref<128xf32, #tpu.memory_space<vmem>>, vector<16xf32>,
    %broadcast_in_dim3A_10 = arith.constant 1.000000e+00 : f32
    %broadcast_in_dim3A_11 = vector.broadcast %broadcast_in_dim3A_10 : f32 to vector<16xf32>
    %swap3A_12 = arith.constant 48 : index
    %swap3A_13 = tpu.vector_load %arg7[%swap3A_12] {strides = array<i32>} : memref<128xf32, #tpu.memory_space<vmem>>, vector<16xf32>,
    tpu.vector_store %arg7[%swap3A_12], %broadcast_in_dim3A_11 {strides = array<i32>} : memref<128xf32, #tpu.memory_space<vmem>>, vector<16xf32>,
    %broadcast_in_dim3A_14 = arith.constant 1.000000e+00 : f32
    %broadcast_in_dim3A_15 = vector.broadcast %broadcast_in_dim3A_14 : f32 to vector<16xf32>
    %swap3A_16 = arith.constant 64 : index
    %swap3A_17 = tpu.vector_load %arg7[%swap3A_16] {strides = array<i32>} : memref<128xf32, #tpu.memory_space<vmem>>, vector<16xf32>,
    tpu.vector_store %arg7[%swap3A_16], %broadcast_in_dim3A_15 {strides = array<i32>} : memref<128xf32, #tpu.memory_space<vmem>>, vector<16xf32>,
    %broadcast_in_dim3A_18 = arith.constant 1.000000e+00 : f32
    %broadcast_in_dim3A_19 = vector.broadcast %broadcast_in_dim3A_18 : f32 to vector<16xf32>
    %swap3A_20 = arith.constant 80 : index
    %swap3A_21 = tpu.vector_load %arg7[%swap3A_20] {strides = array<i32>} : memref<128xf32, #tpu.memory_space<vmem>>, vector<16xf32>,
    tpu.vector_store %arg7[%swap3A_20], %broadcast_in_dim3A_19 {strides = array<i32>} : memref<128xf32, #tpu.memory_space<vmem>>, vector<16xf32>,
    %broadcast_in_dim3A_22 = arith.constant 1.000000e+00 : f32
    %broadcast_in_dim3A_23 = vector.broadcast %broadcast_in_dim3A_22 : f32 to vector<16xf32>
    %swap3A_24 = arith.constant 96 : index
    %swap3A_25 = tpu.vector_load %arg7[%swap3A_24] {strides = array<i32>} : memref<128xf32, #tpu.memory_space<vmem>>, vector<16xf32>,
    tpu.vector_store %arg7[%swap3A_24], %broadcast_in_dim3A_23 {strides = array<i32>} : memref<128xf32, #tpu.memory_space<vmem>>, vector<16xf32>,
    %broadcast_in_dim3A_26 = arith.constant 1.000000e+00 : f32
    %broadcast_in_dim3A_27 = vector.broadcast %broadcast_in_dim3A_26 : f32 to vector<16xf32>
    %swap3A_28 = arith.constant 112 : index
    %swap3A_29 = tpu.vector_load %arg7[%swap3A_28] {strides = array<i32>} : memref<128xf32, #tpu.memory_space<vmem>>, vector<16xf32>,
    tpu.vector_store %arg7[%swap3A_28], %broadcast_in_dim3A_27 {strides = array<i32>} : memref<128xf32, #tpu.memory_space<vmem>>, vector<16xf32>,
    %broadcast_in_dim3A_30 = arith.constant 0.000000e+00 : f32
    %broadcast_in_dim3A_31 = vector.broadcast %broadcast_in_dim3A_30 : f32 to vector<16xf32>
    %swap3A_32 = arith.constant 0 : index
    %swap3A_33 = tpu.vector_load %arg8[%swap3A_32] {strides = array<i32>} : memref<640xf32, #tpu.memory_space<vmem>>, vector<16xf32>,
    tpu.vector_store %arg8[%swap3A_32], %broadcast_in_dim3A_31 {strides = array<i32>} : memref<640xf32, #tpu.memory_space<vmem>>, vector<16xf32>,
    %broadcast_in_dim3A_34 = arith.constant 0.000000e+00 : f32
    %broadcast_in_dim3A_35 = vector.broadcast %broadcast_in_dim3A_34 : f32 to vector<16xf32>
    %swap3A_36 = arith.constant 16 : index
    %swap3A_37 = tpu.vector_load %arg8[%swap3A_36] {strides = array<i32>} : memref<640xf32, #tpu.memory_space<vmem>>, vector<16xf32>,
    tpu.vector_store %arg8[%swap3A_36], %broadcast_in_dim3A_35 {strides = array<i32>} : memref<640xf32, #tpu.memory_space<vmem>>, vector<16xf32>,
    %broadcast_in_dim3A_38 = arith.constant 0.000000e+00 : f32
    %broadcast_in_dim3A_39 = vector.broadcast %broadcast_in_dim3A_38 : f32 to vector<16xf32>
    %swap3A_40 = arith.constant 32 : index
    %swap3A_41 = tpu.vector_load %arg8[%swap3A_40] {strides = array<i32>} : memref<640xf32, #tpu.memory_space<vmem>>, vector<16xf32>,
    tpu.vector_store %arg8[%swap3A_40], %broadcast_in_dim3A_39 {strides = array<i32>} : memref<640xf32, #tpu.memory_space<vmem>>, vector<16xf32>,
    %broadcast_in_dim3A_42 = arith.constant 0.000000e+00 : f32
    %broadcast_in_dim3A_43 = vector.broadcast %broadcast_in_dim3A_42 : f32 to vector<16xf32>
    %swap3A_44 = arith.constant 48 : index
    %swap3A_45 = tpu.vector_load %arg8[%swap3A_44] {strides = array<i32>} : memref<640xf32, #tpu.memory_space<vmem>>, vector<16xf32>,
    tpu.vector_store %arg8[%swap3A_44], %broadcast_in_dim3A_43 {strides = array<i32>} : memref<640xf32, #tpu.memory_space<vmem>>, vector<16xf32>,
    %broadcast_in_dim3A_46 = arith.constant 0.000000e+00 : f32
    %broadcast_in_dim3A_47 = vector.broadcast %broadcast_in_dim3A_46 : f32 to vector<16xf32>
    %swap3A_48 = arith.constant 64 : index
    %swap3A_49 = tpu.vector_load %arg8[%swap3A_48] {strides = array<i32>} : memref<640xf32, #tpu.memory_space<vmem>>, vector<16xf32>,
    tpu.vector_store %arg8[%swap3A_48], %broadcast_in_dim3A_47 {strides = array<i32>} : memref<640xf32, #tpu.memory_space<vmem>>, vector<16xf32>,
    %broadcast_in_dim3A_50 = arith.constant 0.000000e+00 : f32
    %broadcast_in_dim3A_51 = vector.broadcast %broadcast_in_dim3A_50 : f32 to vector<16xf32>
    %swap3A_52 = arith.constant 80 : index
    %swap3A_53 = tpu.vector_load %arg8[%swap3A_52] {strides = array<i32>} : memref<640xf32, #tpu.memory_space<vmem>>, vector<16xf32>,
    tpu.vector_store %arg8[%swap3A_52], %broadcast_in_dim3A_51 {strides = array<i32>} : memref<640xf32, #tpu.memory_space<vmem>>, vector<16xf32>,
    %broadcast_in_dim3A_54 = arith.constant 0.000000e+00 : f32
    %broadcast_in_dim3A_55 = vector.broadcast %broadcast_in_dim3A_54 : f32 to vector<16xf32>
    %swap3A_56 = arith.constant 96 : index
    %swap3A_57 = tpu.vector_load %arg8[%swap3A_56] {strides = array<i32>} : memref<640xf32, #tpu.memory_space<vmem>>, vector<16xf32>,
    tpu.vector_store %arg8[%swap3A_56], %broadcast_in_dim3A_55 {strides = array<i32>} : memref<640xf32, #tpu.memory_space<vmem>>, vector<16xf32>,
    %broadcast_in_dim3A_58 = arith.constant 0.000000e+00 : f32
    %broadcast_in_dim3A_59 = vector.broadcast %broadcast_in_dim3A_58 : f32 to vector<16xf32>
    %swap3A_60 = arith.constant 112 : index
    %swap3A_61 = tpu.vector_load %arg8[%swap3A_60] {strides = array<i32>} : memref<640xf32, #tpu.memory_space<vmem>>, vector<16xf32>,
    tpu.vector_store %arg8[%swap3A_60], %broadcast_in_dim3A_59 {strides = array<i32>} : memref<640xf32, #tpu.memory_space<vmem>>, vector<16xf32>,
    %broadcast_in_dim3A_62 = arith.constant 0.000000e+00 : f32
    %broadcast_in_dim3A_63 = vector.broadcast %broadcast_in_dim3A_62 : f32 to vector<16xf32>
    %swap3A_64 = arith.constant 128 : index
    %swap3A_65 = tpu.vector_load %arg8[%swap3A_64] {strides = array<i32>} : memref<640xf32, #tpu.memory_space<vmem>>, vector<16xf32>,
    tpu.vector_store %arg8[%swap3A_64], %broadcast_in_dim3A_63 {strides = array<i32>} : memref<640xf32, #tpu.memory_space<vmem>>, vector<16xf32>,
    %broadcast_in_dim3A_66 = arith.constant 0.000000e+00 : f32
    %broadcast_in_dim3A_67 = vector.broadcast %broadcast_in_dim3A_66 : f32 to vector<16xf32>
    %swap3A_68 = arith.constant 144 : index
    %swap3A_69 = tpu.vector_load %arg8[%swap3A_68] {strides = array<i32>} : memref<640xf32, #tpu.memory_space<vmem>>, vector<16xf32>,
    tpu.vector_store %arg8[%swap3A_68], %broadcast_in_dim3A_67 {strides = array<i32>} : memref<640xf32, #tpu.memory_space<vmem>>, vector<16xf32>,
    %broadcast_in_dim3A_70 = arith.constant 0.000000e+00 : f32
    %broadcast_in_dim3A_71 = vector.broadcast %broadcast_in_dim3A_70 : f32 to vector<16xf32>
    %swap3A_72 = arith.constant 160 : index
    %swap3A_73 = tpu.vector_load %arg8[%swap3A_72] {strides = array<i32>} : memref<640xf32, #tpu.memory_space<vmem>>, vector<16xf32>,
    tpu.vector_store %arg8[%swap3A_72], %broadcast_in_dim3A_71 {strides = array<i32>} : memref<640xf32, #tpu.memory_space<vmem>>, vector<16xf32>,
    %broadcast_in_dim3A_74 = arith.constant 0.000000e+00 : f32
    %broadcast_in_dim3A_75 = vector.broadcast %broadcast_in_dim3A_74 : f32 to vector<16xf32>
    %swap3A_76 = arith.constant 176 : index
    %swap3A_77 = tpu.vector_load %arg8[%swap3A_76] {strides = array<i32>} : memref<640xf32, #tpu.memory_space<vmem>>, vector<16xf32>,
    tpu.vector_store %arg8[%swap3A_76], %broadcast_in_dim3A_75 {strides = array<i32>} : memref<640xf32, #tpu.memory_space<vmem>>, vector<16xf32>,
    %broadcast_in_dim3A_78 = arith.constant 0.000000e+00 : f32
    %broadcast_in_dim3A_79 = vector.broadcast %broadcast_in_dim3A_78 : f32 to vector<16xf32>
    %swap3A_80 = arith.constant 192 : index
    %swap3A_81 = tpu.vector_load %arg8[%swap3A_80] {strides = array<i32>} : memref<640xf32, #tpu.memory_space<vmem>>, vector<16xf32>,
    tpu.vector_store %arg8[%swap3A_80], %broadcast_in_dim3A_79 {strides = array<i32>} : memref<640xf32, #tpu.memory_space<vmem>>, vector<16xf32>,
    %broadcast_in_dim3A_82 = arith.constant 0.000000e+00 : f32
    %broadcast_in_dim3A_83 = vector.broadcast %broadcast_in_dim3A_82 : f32 to vector<16xf32>
    %swap3A_84 = arith.constant 208 : index
    %swap3A_85 = tpu.vector_load %arg8[%swap3A_84] {strides = array<i32>} : memref<640xf32, #tpu.memory_space<vmem>>, vector<16xf32>,
    tpu.vector_store %arg8[%swap3A_84], %broadcast_in_dim3A_83 {strides = array<i32>} : memref<640xf32, #tpu.memory_space<vmem>>, vector<16xf32>,
    %broadcast_in_dim3A_86 = arith.constant 0.000000e+00 : f32
    %broadcast_in_dim3A_87 = vector.broadcast %broadcast_in_dim3A_86 : f32 to vector<16xf32>
    %swap3A_88 = arith.constant 224 : index
    %swap3A_89 = tpu.vector_load %arg8[%swap3A_88] {strides = array<i32>} : memref<640xf32, #tpu.memory_space<vmem>>, vector<16xf32>,
    tpu.vector_store %arg8[%swap3A_88], %broadcast_in_dim3A_87 {strides = array<i32>} : memref<640xf32, #tpu.memory_space<vmem>>, vector<16xf32>,
    %broadcast_in_dim3A_90 = arith.constant 0.000000e+00 : f32
    %broadcast_in_dim3A_91 = vector.broadcast %broadcast_in_dim3A_90 : f32 to vector<16xf32>
    %swap3A_92 = arith.constant 240 : index
    %swap3A_93 = tpu.vector_load %arg8[%swap3A_92] {strides = array<i32>} : memref<640xf32, #tpu.memory_space<vmem>>, vector<16xf32>,
    tpu.vector_store %arg8[%swap3A_92], %broadcast_in_dim3A_91 {strides = array<i32>} : memref<640xf32, #tpu.memory_space<vmem>>, vector<16xf32>,
    %broadcast_in_dim3A_94 = arith.constant 0.000000e+00 : f32
    %broadcast_in_dim3A_95 = vector.broadcast %broadcast_in_dim3A_94 : f32 to vector<16xf32>
    %swap3A_96 = arith.constant 256 : index
    %swap3A_97 = tpu.vector_load %arg8[%swap3A_96] {strides = array<i32>} : memref<640xf32, #tpu.memory_space<vmem>>, vector<16xf32>,
    tpu.vector_store %arg8[%swap3A_96], %broadcast_in_dim3A_95 {strides = array<i32>} : memref<640xf32, #tpu.memory_space<vmem>>, vector<16xf32>,
    %broadcast_in_dim3A_98 = arith.constant 0.000000e+00 : f32
    %broadcast_in_dim3A_99 = vector.broadcast %broadcast_in_dim3A_98 : f32 to vector<16xf32>
    %swap3A_100 = arith.constant 272 : index
    %swap3A_101 = tpu.vector_load %arg8[%swap3A_100] {strides = array<i32>} : memref<640xf32, #tpu.memory_space<vmem>>, vector<16xf32>,
    tpu.vector_store %arg8[%swap3A_100], %broadcast_in_dim3A_99 {strides = array<i32>} : memref<640xf32, #tpu.memory_space<vmem>>, vector<16xf32>,
    %broadcast_in_dim3A_102 = arith.constant 0.000000e+00 : f32
    %broadcast_in_dim3A_103 = vector.broadcast %broadcast_in_dim3A_102 : f32 to vector<16xf32>
    %swap3A_104 = arith.constant 288 : index
    %swap3A_105 = tpu.vector_load %arg8[%swap3A_104] {strides = array<i32>} : memref<640xf32, #tpu.memory_space<vmem>>, vector<16xf32>,
    tpu.vector_store %arg8[%swap3A_104], %broadcast_in_dim3A_103 {strides = array<i32>} : memref<640xf32, #tpu.memory_space<vmem>>, vector<16xf32>,
    %broadcast_in_dim3A_106 = arith.constant 0.000000e+00 : f32
    %broadcast_in_dim3A_107 = vector.broadcast %broadcast_in_dim3A_106 : f32 to vector<16xf32>
    %swap3A_108 = arith.constant 304 : index
    %swap3A_109 = tpu.vector_load %arg8[%swap3A_108] {strides = array<i32>} : memref<640xf32, #tpu.memory_space<vmem>>, vector<16xf32>,
    tpu.vector_store %arg8[%swap3A_108], %broadcast_in_dim3A_107 {strides = array<i32>} : memref<640xf32, #tpu.memory_space<vmem>>, vector<16xf32>,
    %broadcast_in_dim3A_110 = arith.constant 0.000000e+00 : f32
    %broadcast_in_dim3A_111 = vector.broadcast %broadcast_in_dim3A_110 : f32 to vector<16xf32>
    %swap3A_112 = arith.constant 320 : index
    %swap3A_113 = tpu.vector_load %arg8[%swap3A_112] {strides = array<i32>} : memref<640xf32, #tpu.memory_space<vmem>>, vector<16xf32>,
    tpu.vector_store %arg8[%swap3A_112], %broadcast_in_dim3A_111 {strides = array<i32>} : memref<640xf32, #tpu.memory_space<vmem>>, vector<16xf32>,
    %broadcast_in_dim3A_114 = arith.constant 0.000000e+00 : f32
    %broadcast_in_dim3A_115 = vector.broadcast %broadcast_in_dim3A_114 : f32 to vector<16xf32>
    %swap3A_116 = arith.constant 336 : index
    %swap3A_117 = tpu.vector_load %arg8[%swap3A_116] {strides = array<i32>} : memref<640xf32, #tpu.memory_space<vmem>>, vector<16xf32>,
    tpu.vector_store %arg8[%swap3A_116], %broadcast_in_dim3A_115 {strides = array<i32>} : memref<640xf32, #tpu.memory_space<vmem>>, vector<16xf32>,
    %broadcast_in_dim3A_118 = arith.constant 0.000000e+00 : f32
    %broadcast_in_dim3A_119 = vector.broadcast %broadcast_in_dim3A_118 : f32 to vector<16xf32>
    %swap3A_120 = arith.constant 352 : index
    %swap3A_121 = tpu.vector_load %arg8[%swap3A_120] {strides = array<i32>} : memref<640xf32, #tpu.memory_space<vmem>>, vector<16xf32>,
    tpu.vector_store %arg8[%swap3A_120], %broadcast_in_dim3A_119 {strides = array<i32>} : memref<640xf32, #tpu.memory_space<vmem>>, vector<16xf32>,
    %broadcast_in_dim3A_122 = arith.constant 0.000000e+00 : f32
    %broadcast_in_dim3A_123 = vector.broadcast %broadcast_in_dim3A_122 : f32 to vector<16xf32>
    %swap3A_124 = arith.constant 368 : index
    %swap3A_125 = tpu.vector_load %arg8[%swap3A_124] {strides = array<i32>} : memref<640xf32, #tpu.memory_space<vmem>>, vector<16xf32>,
    tpu.vector_store %arg8[%swap3A_124], %broadcast_in_dim3A_123 {strides = array<i32>} : memref<640xf32, #tpu.memory_space<vmem>>, vector<16xf32>,
    %broadcast_in_dim3A_126 = arith.constant 0.000000e+00 : f32
    %broadcast_in_dim3A_127 = vector.broadcast %broadcast_in_dim3A_126 : f32 to vector<16xf32>
    %swap3A_128 = arith.constant 384 : index
    %swap3A_129 = tpu.vector_load %arg8[%swap3A_128] {strides = array<i32>} : memref<640xf32, #tpu.memory_space<vmem>>, vector<16xf32>,
    tpu.vector_store %arg8[%swap3A_128], %broadcast_in_dim3A_127 {strides = array<i32>} : memref<640xf32, #tpu.memory_space<vmem>>, vector<16xf32>,
    %broadcast_in_dim3A_130 = arith.constant 0.000000e+00 : f32
    %broadcast_in_dim3A_131 = vector.broadcast %broadcast_in_dim3A_130 : f32 to vector<16xf32>
    %swap3A_132 = arith.constant 400 : index
    %swap3A_133 = tpu.vector_load %arg8[%swap3A_132] {strides = array<i32>} : memref<640xf32, #tpu.memory_space<vmem>>, vector<16xf32>,
    tpu.vector_store %arg8[%swap3A_132], %broadcast_in_dim3A_131 {strides = array<i32>} : memref<640xf32, #tpu.memory_space<vmem>>, vector<16xf32>,
    %broadcast_in_dim3A_134 = arith.constant 0.000000e+00 : f32
    %broadcast_in_dim3A_135 = vector.broadcast %broadcast_in_dim3A_134 : f32 to vector<16xf32>
    %swap3A_136 = arith.constant 416 : index
    %swap3A_137 = tpu.vector_load %arg8[%swap3A_136] {strides = array<i32>} : memref<640xf32, #tpu.memory_space<vmem>>, vector<16xf32>,
    tpu.vector_store %arg8[%swap3A_136], %broadcast_in_dim3A_135 {strides = array<i32>} : memref<640xf32, #tpu.memory_space<vmem>>, vector<16xf32>,
    %broadcast_in_dim3A_138 = arith.constant 0.000000e+00 : f32
    %broadcast_in_dim3A_139 = vector.broadcast %broadcast_in_dim3A_138 : f32 to vector<16xf32>
    %swap3A_140 = arith.constant 432 : index
    %swap3A_141 = tpu.vector_load %arg8[%swap3A_140] {strides = array<i32>} : memref<640xf32, #tpu.memory_space<vmem>>, vector<16xf32>,
    tpu.vector_store %arg8[%swap3A_140], %broadcast_in_dim3A_139 {strides = array<i32>} : memref<640xf32, #tpu.memory_space<vmem>>, vector<16xf32>,
    %broadcast_in_dim3A_142 = arith.constant 0.000000e+00 : f32
    %broadcast_in_dim3A_143 = vector.broadcast %broadcast_in_dim3A_142 : f32 to vector<16xf32>
    %swap3A_144 = arith.constant 448 : index
    %swap3A_145 = tpu.vector_load %arg8[%swap3A_144] {strides = array<i32>} : memref<640xf32, #tpu.memory_space<vmem>>, vector<16xf32>,
    tpu.vector_store %arg8[%swap3A_144], %broadcast_in_dim3A_143 {strides = array<i32>} : memref<640xf32, #tpu.memory_space<vmem>>, vector<16xf32>,
    %broadcast_in_dim3A_146 = arith.constant 0.000000e+00 : f32
    %broadcast_in_dim3A_147 = vector.broadcast %broadcast_in_dim3A_146 : f32 to vector<16xf32>
    %swap3A_148 = arith.constant 464 : index
    %swap3A_149 = tpu.vector_load %arg8[%swap3A_148] {strides = array<i32>} : memref<640xf32, #tpu.memory_space<vmem>>, vector<16xf32>,
    tpu.vector_store %arg8[%swap3A_148], %broadcast_in_dim3A_147 {strides = array<i32>} : memref<640xf32, #tpu.memory_space<vmem>>, vector<16xf32>,
    %broadcast_in_dim3A_150 = arith.constant 0.000000e+00 : f32
    %broadcast_in_dim3A_151 = vector.broadcast %broadcast_in_dim3A_150 : f32 to vector<16xf32>
    %swap3A_152 = arith.constant 480 : index
    %swap3A_153 = tpu.vector_load %arg8[%swap3A_152] {strides = array<i32>} : memref<640xf32, #tpu.memory_space<vmem>>, vector<16xf32>,
    tpu.vector_store %arg8[%swap3A_152], %broadcast_in_dim3A_151 {strides = array<i32>} : memref<640xf32, #tpu.memory_space<vmem>>, vector<16xf32>,
    %broadcast_in_dim3A_154 = arith.constant 0.000000e+00 : f32
    %broadcast_in_dim3A_155 = vector.broadcast %broadcast_in_dim3A_154 : f32 to vector<16xf32>
    %swap3A_156 = arith.constant 496 : index
    %swap3A_157 = tpu.vector_load %arg8[%swap3A_156] {strides = array<i32>} : memref<640xf32, #tpu.memory_space<vmem>>, vector<16xf32>,
    tpu.vector_store %arg8[%swap3A_156], %broadcast_in_dim3A_155 {strides = array<i32>} : memref<640xf32, #tpu.memory_space<vmem>>, vector<16xf32>,
    %broadcast_in_dim3A_158 = arith.constant 0.000000e+00 : f32
    %broadcast_in_dim3A_159 = vector.broadcast %broadcast_in_dim3A_158 : f32 to vector<16xf32>
    %swap3A_160 = arith.constant 512 : index
    %swap3A_161 = tpu.vector_load %arg8[%swap3A_160] {strides = array<i32>} : memref<640xf32, #tpu.memory_space<vmem>>, vector<16xf32>,
    tpu.vector_store %arg8[%swap3A_160], %broadcast_in_dim3A_159 {strides = array<i32>} : memref<640xf32, #tpu.memory_space<vmem>>, vector<16xf32>,
    %broadcast_in_dim3A_162 = arith.constant 0.000000e+00 : f32
    %broadcast_in_dim3A_163 = vector.broadcast %broadcast_in_dim3A_162 : f32 to vector<16xf32>
    %swap3A_164 = arith.constant 528 : index
    %swap3A_165 = tpu.vector_load %arg8[%swap3A_164] {strides = array<i32>} : memref<640xf32, #tpu.memory_space<vmem>>, vector<16xf32>,
    tpu.vector_store %arg8[%swap3A_164], %broadcast_in_dim3A_163 {strides = array<i32>} : memref<640xf32, #tpu.memory_space<vmem>>, vector<16xf32>,
    %broadcast_in_dim3A_166 = arith.constant 0.000000e+00 : f32
    %broadcast_in_dim3A_167 = vector.broadcast %broadcast_in_dim3A_166 : f32 to vector<16xf32>
    %swap3A_168 = arith.constant 544 : index
    %swap3A_169 = tpu.vector_load %arg8[%swap3A_168] {strides = array<i32>} : memref<640xf32, #tpu.memory_space<vmem>>, vector<16xf32>,
    tpu.vector_store %arg8[%swap3A_168], %broadcast_in_dim3A_167 {strides = array<i32>} : memref<640xf32, #tpu.memory_space<vmem>>, vector<16xf32>,
    %broadcast_in_dim3A_170 = arith.constant 0.000000e+00 : f32
    %broadcast_in_dim3A_171 = vector.broadcast %broadcast_in_dim3A_170 : f32 to vector<16xf32>
    %swap3A_172 = arith.constant 560 : index
    %swap3A_173 = tpu.vector_load %arg8[%swap3A_172] {strides = array<i32>} : memref<640xf32, #tpu.memory_space<vmem>>, vector<16xf32>,
    tpu.vector_store %arg8[%swap3A_172], %broadcast_in_dim3A_171 {strides = array<i32>} : memref<640xf32, #tpu.memory_space<vmem>>, vector<16xf32>,
    %broadcast_in_dim3A_174 = arith.constant 0.000000e+00 : f32
    %broadcast_in_dim3A_175 = vector.broadcast %broadcast_in_dim3A_174 : f32 to vector<16xf32>
    %swap3A_176 = arith.constant 576 : index
    %swap3A_177 = tpu.vector_load %arg8[%swap3A_176] {strides = array<i32>} : memref<640xf32, #tpu.memory_space<vmem>>, vector<16xf32>,
    tpu.vector_store %arg8[%swap3A_176], %broadcast_in_dim3A_175 {strides = array<i32>} : memref<640xf32, #tpu.memory_space<vmem>>, vector<16xf32>,
    %broadcast_in_dim3A_178 = arith.constant 0.000000e+00 : f32
    %broadcast_in_dim3A_179 = vector.broadcast %broadcast_in_dim3A_178 : f32 to vector<16xf32>
    %swap3A_180 = arith.constant 592 : index
    %swap3A_181 = tpu.vector_load %arg8[%swap3A_180] {strides = array<i32>} : memref<640xf32, #tpu.memory_space<vmem>>, vector<16xf32>,
    tpu.vector_store %arg8[%swap3A_180], %broadcast_in_dim3A_179 {strides = array<i32>} : memref<640xf32, #tpu.memory_space<vmem>>, vector<16xf32>,
    %broadcast_in_dim3A_182 = arith.constant 0.000000e+00 : f32
    %broadcast_in_dim3A_183 = vector.broadcast %broadcast_in_dim3A_182 : f32 to vector<16xf32>
    %swap3A_184 = arith.constant 608 : index
    %swap3A_185 = tpu.vector_load %arg8[%swap3A_184] {strides = array<i32>} : memref<640xf32, #tpu.memory_space<vmem>>, vector<16xf32>,
    tpu.vector_store %arg8[%swap3A_184], %broadcast_in_dim3A_183 {strides = array<i32>} : memref<640xf32, #tpu.memory_space<vmem>>, vector<16xf32>,
    %broadcast_in_dim3A_186 = arith.constant 0.000000e+00 : f32
    %broadcast_in_dim3A_187 = vector.broadcast %broadcast_in_dim3A_186 : f32 to vector<16xf32>
    %swap3A_188 = arith.constant 624 : index
    %swap3A_189 = tpu.vector_load %arg8[%swap3A_188] {strides = array<i32>} : memref<640xf32, #tpu.memory_space<vmem>>, vector<16xf32>,
    tpu.vector_store %arg8[%swap3A_188], %broadcast_in_dim3A_187 {strides = array<i32>} : memref<640xf32, #tpu.memory_space<vmem>>, vector<16xf32>,
    %mul3A = arith.constant 640 : i32
    %mul3A_190 = arith.muli %arg1, %mul3A : i32
    "tpu.region"() ({
      %run_scoped3A = tpu.sem_alloc : memref<!tpu.dma_semaphore, #tpu.memory_space<semaphore_mem>>
      %dma_start3A = tpu.memref_slice %arg10[%mul3A_190] : memref<10240xf32, #tpu.memory_space<vmem_shared>> -> memref<640xf32, #tpu.memory_space<vmem_shared>>
      %dma_start3A_210 = tpu.memref_slice %arg10[%mul3A_190] : memref<10240xf32, #tpu.memory_space<vmem_shared>> -> memref<640xf32, #tpu.memory_space<vmem_shared>>
      tpu.enqueue_dma source(%arg8 : memref<640xf32, #tpu.memory_space<vmem>>) target(%dma_start3A_210 : memref<640xf32, #tpu.memory_space<vmem_shared>>) target_semaphore(%run_scoped3A : memref<!tpu.dma_semaphore, #tpu.memory_space<semaphore_mem>>)
      %dma_wait3A = tpu.memref_slice %arg10[%mul3A_190] : memref<10240xf32, #tpu.memory_space<vmem_shared>> -> memref<640xf32, #tpu.memory_space<vmem_shared>>
      %dma_wait3A_211 = tpu.memref_slice %arg10[%mul3A_190] : memref<10240xf32, #tpu.memory_space<vmem_shared>> -> memref<640xf32, #tpu.memory_space<vmem_shared>>
      tpu.wait_dma2 semaphore(%run_scoped3A : memref<!tpu.dma_semaphore, #tpu.memory_space<semaphore_mem>>) src(%arg8 : memref<640xf32, #tpu.memory_space<vmem>>) dst(%dma_wait3A_211 : memref<640xf32, #tpu.memory_space<vmem_shared>>)
      tpu.yield
    }) : () -> ()
    %barrier3A = arith.constant 0 : index
    tpu.barrier barrier_id(%barrier3A)
    %scan3A = arith.constant 0 : i32
    %scan3A_191 = arith.constant 80 : i32
    %scan3A_192 = arith.addi %scan3A, %scan3A_191 : i32
    %scan3A_193 = arith.constant 1 : i32
    scf.for %scan3A_210 = %scan3A to %scan3A_192 step %scan3A_193  : i32 {
      %mul3A_211 = arith.constant 1 : i32
      %mul3A_212 = arith.muli %scan3A_210, %mul3A_211 : i32
      %add3A = arith.constant 0 : i32
      %add3A_213 = arith.addi %add3A, %mul3A_212 : i32
      %mul3A_214 = arith.constant 80 : i32
      %mul3A_215 = arith.muli %arg1, %mul3A_214 : i32
      %add3A_216 = arith.addi %mul3A_215, %add3A_213 : i32
      %mul3A_217 = arith.constant 128 : i32
      %mul3A_218 = arith.muli %add3A_216, %mul3A_217 : i32
      %eq3A_219 = arith.constant 0 : i32
      %eq3A_220 = arith.cmpi eq, %arg0, %eq3A_219 : i32
      %convert_element_type3A_221 = arith.extui %eq3A_220 : i1 to i32
      %cond3A_222 = arith.constant 0 : i32
      %cond3A_223 = arith.cmpi ne, %convert_element_type3A_221, %cond3A_222 : i32
      scf.if %cond3A_223 {
        %run_scoped3A_229 = arith.constant 0 : i32
        "tpu.region"() ({
          %run_scoped3A_230 = tpu.sem_alloc : memref<!tpu.dma_semaphore, #tpu.memory_space<semaphore_mem>>
          %dma_start3A = arith.constant 0 : i32
          %dma_start3A_231 = tpu.memref_slice %arg6[%run_scoped3A_229, %dma_start3A] : memref<1x128xi32, #tpu.memory_space<vmem>> -> memref<1x128xi32, #tpu.memory_space<vmem>>
          %dma_start3A_232 = tpu.memref_squeeze %dma_start3A_231 : memref<1x128xi32, #tpu.memory_space<vmem>> -> memref<128xi32, #tpu.memory_space<vmem>>
          %dma_start3A_233 = tpu.memref_slice %arg2[%mul3A_218] : memref<163840xi32, #tpu.memory_space<hbm>> -> memref<128xi32, #tpu.memory_space<hbm>>
          %dma_start3A_234 = arith.constant 0 : i32
          %dma_start3A_235 = tpu.memref_slice %arg6[%run_scoped3A_229, %dma_start3A_234] : memref<1x128xi32, #tpu.memory_space<vmem>> -> memref<1x128xi32, #tpu.memory_space<vmem>>
          %dma_start3A_236 = tpu.memref_squeeze %dma_start3A_235 : memref<1x128xi32, #tpu.memory_space<vmem>> -> memref<128xi32, #tpu.memory_space<vmem>>
          %dma_start3A_237 = tpu.memref_slice %arg2[%mul3A_218] : memref<163840xi32, #tpu.memory_space<hbm>> -> memref<128xi32, #tpu.memory_space<hbm>>
          tpu.enqueue_dma source(%dma_start3A_237 : memref<128xi32, #tpu.memory_space<hbm>>) target(%dma_start3A_236 : memref<128xi32, #tpu.memory_space<vmem>>) target_semaphore(%run_scoped3A_230 : memref<!tpu.dma_semaphore, #tpu.memory_space<semaphore_mem>>)
          %dma_wait3A = arith.constant 0 : i32
          %dma_wait3A_238 = tpu.memref_slice %arg6[%run_scoped3A_229, %dma_wait3A] : memref<1x128xi32, #tpu.memory_space<vmem>> -> memref<1x128xi32, #tpu.memory_space<vmem>>
          %dma_wait3A_239 = tpu.memref_squeeze %dma_wait3A_238 : memref<1x128xi32, #tpu.memory_space<vmem>> -> memref<128xi32, #tpu.memory_space<vmem>>
          %dma_wait3A_240 = tpu.memref_slice %arg2[%mul3A_218] : memref<163840xi32, #tpu.memory_space<hbm>> -> memref<128xi32, #tpu.memory_space<hbm>>
          %dma_wait3A_241 = arith.constant 0 : i32
          %dma_wait3A_242 = tpu.memref_slice %arg6[%run_scoped3A_229, %dma_wait3A_241] : memref<1x128xi32, #tpu.memory_space<vmem>> -> memref<1x128xi32, #tpu.memory_space<vmem>>
          %dma_wait3A_243 = tpu.memref_squeeze %dma_wait3A_242 : memref<1x128xi32, #tpu.memory_space<vmem>> -> memref<128xi32, #tpu.memory_space<vmem>>
          %dma_wait3A_244 = tpu.memref_slice %arg2[%mul3A_218] : memref<163840xi32, #tpu.memory_space<hbm>> -> memref<128xi32, #tpu.memory_space<hbm>>
          tpu.wait_dma2 semaphore(%run_scoped3A_230 : memref<!tpu.dma_semaphore, #tpu.memory_space<semaphore_mem>>) src(%dma_wait3A_244 : memref<128xi32, #tpu.memory_space<hbm>>) dst(%dma_wait3A_243 : memref<128xi32, #tpu.memory_space<vmem>>)
          tpu.yield
        }) : () -> ()
      } else {
      }
      %eq3A_224 = arith.constant 1 : i32
      %eq3A_225 = arith.cmpi eq, %arg0, %eq3A_224 : i32
      %convert_element_type3A_226 = arith.extui %eq3A_225 : i1 to i32
      %cond3A_227 = arith.constant 0 : i32
      %cond3A_228 = arith.cmpi ne, %convert_element_type3A_226, %cond3A_227 : i32
      scf.if %cond3A_228 {
        %run_scoped3A_229 = arith.constant 0 : i32
        "tpu.region"() ({
          %run_scoped3A_230 = tpu.sem_alloc : memref<!tpu.dma_semaphore, #tpu.memory_space<semaphore_mem>>
          %dma_start3A = arith.constant 0 : i32
          %dma_start3A_231 = tpu.memref_slice %arg6[%run_scoped3A_229, %dma_start3A] : memref<1x128xi32, #tpu.memory_space<vmem>> -> memref<1x128xi32, #tpu.memory_space<vmem>>
          %dma_start3A_232 = tpu.memref_squeeze %dma_start3A_231 : memref<1x128xi32, #tpu.memory_space<vmem>> -> memref<128xi32, #tpu.memory_space<vmem>>
          %dma_start3A_233 = tpu.memref_slice %arg3[%mul3A_218] : memref<163840xi32, #tpu.memory_space<hbm>> -> memref<128xi32, #tpu.memory_space<hbm>>
          %dma_start3A_234 = arith.constant 0 : i32
          %dma_start3A_235 = tpu.memref_slice %arg6[%run_scoped3A_229, %dma_start3A_234] : memref<1x128xi32, #tpu.memory_space<vmem>> -> memref<1x128xi32, #tpu.memory_space<vmem>>
          %dma_start3A_236 = tpu.memref_squeeze %dma_start3A_235 : memref<1x128xi32, #tpu.memory_space<vmem>> -> memref<128xi32, #tpu.memory_space<vmem>>
          %dma_start3A_237 = tpu.memref_slice %arg3[%mul3A_218] : memref<163840xi32, #tpu.memory_space<hbm>> -> memref<128xi32, #tpu.memory_space<hbm>>
          tpu.enqueue_dma source(%dma_start3A_237 : memref<128xi32, #tpu.memory_space<hbm>>) target(%dma_start3A_236 : memref<128xi32, #tpu.memory_space<vmem>>) target_semaphore(%run_scoped3A_230 : memref<!tpu.dma_semaphore, #tpu.memory_space<semaphore_mem>>)
          %dma_wait3A = arith.constant 0 : i32
          %dma_wait3A_238 = tpu.memref_slice %arg6[%run_scoped3A_229, %dma_wait3A] : memref<1x128xi32, #tpu.memory_space<vmem>> -> memref<1x128xi32, #tpu.memory_space<vmem>>
          %dma_wait3A_239 = tpu.memref_squeeze %dma_wait3A_238 : memref<1x128xi32, #tpu.memory_space<vmem>> -> memref<128xi32, #tpu.memory_space<vmem>>
          %dma_wait3A_240 = tpu.memref_slice %arg3[%mul3A_218] : memref<163840xi32, #tpu.memory_space<hbm>> -> memref<128xi32, #tpu.memory_space<hbm>>
          %dma_wait3A_241 = arith.constant 0 : i32
          %dma_wait3A_242 = tpu.memref_slice %arg6[%run_scoped3A_229, %dma_wait3A_241] : memref<1x128xi32, #tpu.memory_space<vmem>> -> memref<1x128xi32, #tpu.memory_space<vmem>>
          %dma_wait3A_243 = tpu.memref_squeeze %dma_wait3A_242 : memref<1x128xi32, #tpu.memory_space<vmem>> -> memref<128xi32, #tpu.memory_space<vmem>>
          %dma_wait3A_244 = tpu.memref_slice %arg3[%mul3A_218] : memref<163840xi32, #tpu.memory_space<hbm>> -> memref<128xi32, #tpu.memory_space<hbm>>
          tpu.wait_dma2 semaphore(%run_scoped3A_230 : memref<!tpu.dma_semaphore, #tpu.memory_space<semaphore_mem>>) src(%dma_wait3A_244 : memref<128xi32, #tpu.memory_space<hbm>>) dst(%dma_wait3A_243 : memref<128xi32, #tpu.memory_space<vmem>>)
          tpu.yield
        }) : () -> ()
      } else {
      }
      %run_scoped3A = arith.constant 0 : i32
      "tpu.region"() ({
        %run_scoped3A_229 = tpu.sem_alloc : memref<!tpu.dma_semaphore, #tpu.memory_space<semaphore_mem>>
        %dma_start3A = arith.constant 0 : i32
        %dma_start3A_230 = tpu.memref_slice %arg6[%run_scoped3A, %dma_start3A] : memref<1x128xi32, #tpu.memory_space<vmem>> -> memref<1x128xi32, #tpu.memory_space<vmem>>
        %dma_start3A_231 = tpu.memref_squeeze %dma_start3A_230 : memref<1x128xi32, #tpu.memory_space<vmem>> -> memref<128xi32, #tpu.memory_space<vmem>>
        %dma_start3A_232 = arith.constant 0 : i32
        %dma_start3A_233 = tpu.memref_slice %arg10[%dma_start3A_232] : memref<10240xf32, #tpu.memory_space<vmem_shared>> -> memref<10240xf32, #tpu.memory_space<vmem_shared>>
        tpu.enqueue_indirect_dma source(%arg7 : memref<128xf32, #tpu.memory_space<vmem>>) target(%dma_start3A_233 : memref<10240xf32, #tpu.memory_space<vmem_shared>>) offsets(%dma_start3A_231 : memref<128xi32, #tpu.memory_space<vmem>>) semaphore(%run_scoped3A_229 : memref<!tpu.dma_semaphore, #tpu.memory_space<semaphore_mem>>) {add = true}
        %dma_wait3A = arith.constant 0 : i32
        %dma_wait3A_234 = tpu.memref_slice %arg6[%run_scoped3A, %dma_wait3A] : memref<1x128xi32, #tpu.memory_space<vmem>> -> memref<1x128xi32, #tpu.memory_space<vmem>>
        %dma_wait3A_235 = tpu.memref_squeeze %dma_wait3A_234 : memref<1x128xi32, #tpu.memory_space<vmem>> -> memref<128xi32, #tpu.memory_space<vmem>>
        %dma_wait3A_236 = arith.constant 0 : i32
        %dma_wait3A_237 = tpu.memref_slice %arg10[%dma_wait3A_236] : memref<10240xf32, #tpu.memory_space<vmem_shared>> -> memref<10240xf32, #tpu.memory_space<vmem_shared>>
        tpu.wait_indirect_dma semaphore(%run_scoped3A_229 : memref<!tpu.dma_semaphore, #tpu.memory_space<semaphore_mem>>) src(%arg7 : memref<128xf32, #tpu.memory_space<vmem>>) dst(%dma_wait3A_237 : memref<10240xf32, #tpu.memory_space<vmem_shared>>)
        tpu.yield
      }) : () -> ()
    }
    %scan3A_194 = arith.constant 80 : i32
    %barrier3A_195 = arith.constant 0 : index
    tpu.barrier barrier_id(%barrier3A_195)
    %mul3A_196 = arith.constant 640 : i32
    %mul3A_197 = arith.muli %arg1, %mul3A_196 : i32
    "tpu.region"() ({
      %run_scoped3A = tpu.sem_alloc : memref<!tpu.dma_semaphore, #tpu.memory_space<semaphore_mem>>
      %dma_start3A = tpu.memref_slice %arg10[%mul3A_197] : memref<10240xf32, #tpu.memory_space<vmem_shared>> -> memref<640xf32, #tpu.memory_space<vmem_shared>>
      %dma_start3A_210 = tpu.memref_slice %arg10[%mul3A_197] : memref<10240xf32, #tpu.memory_space<vmem_shared>> -> memref<640xf32, #tpu.memory_space<vmem_shared>>
      tpu.enqueue_dma source(%dma_start3A_210 : memref<640xf32, #tpu.memory_space<vmem_shared>>) target(%arg8 : memref<640xf32, #tpu.memory_space<vmem>>) target_semaphore(%run_scoped3A : memref<!tpu.dma_semaphore, #tpu.memory_space<semaphore_mem>>)
      %dma_wait3A = tpu.memref_slice %arg10[%mul3A_197] : memref<10240xf32, #tpu.memory_space<vmem_shared>> -> memref<640xf32, #tpu.memory_space<vmem_shared>>
      %dma_wait3A_211 = tpu.memref_slice %arg10[%mul3A_197] : memref<10240xf32, #tpu.memory_space<vmem_shared>> -> memref<640xf32, #tpu.memory_space<vmem_shared>>
      tpu.wait_dma2 semaphore(%run_scoped3A : memref<!tpu.dma_semaphore, #tpu.memory_space<semaphore_mem>>) src(%dma_wait3A_211 : memref<640xf32, #tpu.memory_space<vmem_shared>>) dst(%arg8 : memref<640xf32, #tpu.memory_space<vmem>>)
      tpu.yield
    }) : () -> ()
    %scan3A_198 = arith.constant 0 : i32
    %scan3A_199 = arith.constant 640 : i32
    %scan3A_200 = arith.addi %scan3A_198, %scan3A_199 : i32
    %scan3A_201 = arith.constant 1 : i32
    scf.for %scan3A_210 = %scan3A_198 to %scan3A_200 step %scan3A_201  : i32 {
      %mul3A_211 = arith.constant 1 : i32
      %mul3A_212 = arith.muli %scan3A_210, %mul3A_211 : i32
      %add3A = arith.constant 0 : i32
      %add3A_213 = arith.addi %add3A, %mul3A_212 : i32
      %broadcast_in_dim3A_214 = vector.broadcast %add3A_213 : i32 to vector<16xi32>
      %gather3A = tpu.vector_load_idx %arg8[%broadcast_in_dim3A_214] : memref<640xf32, #tpu.memory_space<vmem>>[vector<16xi32>], vector<16xf32>,
      %swap3A_215 = arith.index_cast %add3A_213 : i32 to index
      %swap3A_216 = arith.constant 0 : index
      %swap3A_217 = tpu.vector_load %arg9[%swap3A_215, %swap3A_216] {strides = array<i32>} : memref<640x128xf32, #tpu.memory_space<vmem>>, vector<16xf32>,
      tpu.vector_store %arg9[%swap3A_215, %swap3A_216], %gather3A {strides = array<i32>} : memref<640x128xf32, #tpu.memory_space<vmem>>, vector<16xf32>,
      %swap3A_218 = arith.index_cast %add3A_213 : i32 to index
      %swap3A_219 = arith.constant 16 : index
      %swap3A_220 = tpu.vector_load %arg9[%swap3A_218, %swap3A_219] {strides = array<i32>} : memref<640x128xf32, #tpu.memory_space<vmem>>, vector<16xf32>,
      tpu.vector_store %arg9[%swap3A_218, %swap3A_219], %gather3A {strides = array<i32>} : memref<640x128xf32, #tpu.memory_space<vmem>>, vector<16xf32>,
      %swap3A_221 = arith.index_cast %add3A_213 : i32 to index
      %swap3A_222 = arith.constant 32 : index
      %swap3A_223 = tpu.vector_load %arg9[%swap3A_221, %swap3A_222] {strides = array<i32>} : memref<640x128xf32, #tpu.memory_space<vmem>>, vector<16xf32>,
      tpu.vector_store %arg9[%swap3A_221, %swap3A_222], %gather3A {strides = array<i32>} : memref<640x128xf32, #tpu.memory_space<vmem>>, vector<16xf32>,
      %swap3A_224 = arith.index_cast %add3A_213 : i32 to index
      %swap3A_225 = arith.constant 48 : index
      %swap3A_226 = tpu.vector_load %arg9[%swap3A_224, %swap3A_225] {strides = array<i32>} : memref<640x128xf32, #tpu.memory_space<vmem>>, vector<16xf32>,
      tpu.vector_store %arg9[%swap3A_224, %swap3A_225], %gather3A {strides = array<i32>} : memref<640x128xf32, #tpu.memory_space<vmem>>, vector<16xf32>,
      %swap3A_227 = arith.index_cast %add3A_213 : i32 to index
      %swap3A_228 = arith.constant 64 : index
      %swap3A_229 = tpu.vector_load %arg9[%swap3A_227, %swap3A_228] {strides = array<i32>} : memref<640x128xf32, #tpu.memory_space<vmem>>, vector<16xf32>,
      tpu.vector_store %arg9[%swap3A_227, %swap3A_228], %gather3A {strides = array<i32>} : memref<640x128xf32, #tpu.memory_space<vmem>>, vector<16xf32>,
      %swap3A_230 = arith.index_cast %add3A_213 : i32 to index
      %swap3A_231 = arith.constant 80 : index
      %swap3A_232 = tpu.vector_load %arg9[%swap3A_230, %swap3A_231] {strides = array<i32>} : memref<640x128xf32, #tpu.memory_space<vmem>>, vector<16xf32>,
      tpu.vector_store %arg9[%swap3A_230, %swap3A_231], %gather3A {strides = array<i32>} : memref<640x128xf32, #tpu.memory_space<vmem>>, vector<16xf32>,
      %swap3A_233 = arith.index_cast %add3A_213 : i32 to index
      %swap3A_234 = arith.constant 96 : index
      %swap3A_235 = tpu.vector_load %arg9[%swap3A_233, %swap3A_234] {strides = array<i32>} : memref<640x128xf32, #tpu.memory_space<vmem>>, vector<16xf32>,
      tpu.vector_store %arg9[%swap3A_233, %swap3A_234], %gather3A {strides = array<i32>} : memref<640x128xf32, #tpu.memory_space<vmem>>, vector<16xf32>,
      %swap3A_236 = arith.index_cast %add3A_213 : i32 to index
      %swap3A_237 = arith.constant 112 : index
      %swap3A_238 = tpu.vector_load %arg9[%swap3A_236, %swap3A_237] {strides = array<i32>} : memref<640x128xf32, #tpu.memory_space<vmem>>, vector<16xf32>,
      tpu.vector_store %arg9[%swap3A_236, %swap3A_237], %gather3A {strides = array<i32>} : memref<640x128xf32, #tpu.memory_space<vmem>>, vector<16xf32>,
    }
    %scan3A_202 = arith.constant 640 : i32
    %eq3A = arith.constant 0 : i32
    %eq3A_203 = arith.cmpi eq, %arg0, %eq3A : i32
    %convert_element_type3A = arith.extui %eq3A_203 : i1 to i32
    %cond3A = arith.constant 0 : i32
    %cond3A_204 = arith.cmpi ne, %convert_element_type3A, %cond3A : i32
    scf.if %cond3A_204 {
      %mul3A_210 = arith.constant 640 : i32
      %mul3A_211 = arith.muli %arg1, %mul3A_210 : i32
      "tpu.region"() ({
        %run_scoped3A = tpu.sem_alloc : memref<!tpu.dma_semaphore, #tpu.memory_space<semaphore_mem>>
        %dma_start3A = arith.constant 0 : i32
        %dma_start3A_212 = tpu.memref_slice %arg4[%mul3A_211, %dma_start3A] : memref<10240x128xf32, #tpu.memory_space<hbm>> -> memref<640x128xf32, #tpu.memory_space<hbm>>
        %dma_start3A_213 = arith.constant 0 : i32
        %dma_start3A_214 = tpu.memref_slice %arg4[%mul3A_211, %dma_start3A_213] : memref<10240x128xf32, #tpu.memory_space<hbm>> -> memref<640x128xf32, #tpu.memory_space<hbm>>
        tpu.enqueue_dma source(%arg9 : memref<640x128xf32, #tpu.memory_space<vmem>>) target(%dma_start3A_214 : memref<640x128xf32, #tpu.memory_space<hbm>>) target_semaphore(%run_scoped3A : memref<!tpu.dma_semaphore, #tpu.memory_space<semaphore_mem>>)
        %dma_wait3A = arith.constant 0 : i32
        %dma_wait3A_215 = tpu.memref_slice %arg4[%mul3A_211, %dma_wait3A] : memref<10240x128xf32, #tpu.memory_space<hbm>> -> memref<640x128xf32, #tpu.memory_space<hbm>>
        %dma_wait3A_216 = arith.constant 0 : i32
        %dma_wait3A_217 = tpu.memref_slice %arg4[%mul3A_211, %dma_wait3A_216] : memref<10240x128xf32, #tpu.memory_space<hbm>> -> memref<640x128xf32, #tpu.memory_space<hbm>>
        tpu.wait_dma2 semaphore(%run_scoped3A : memref<!tpu.dma_semaphore, #tpu.memory_space<semaphore_mem>>) src(%arg9 : memref<640x128xf32, #tpu.memory_space<vmem>>) dst(%dma_wait3A_217 : memref<640x128xf32, #tpu.memory_space<hbm>>)
        tpu.yield
      }) : () -> ()
    } else {
    }
    %eq3A_205 = arith.constant 1 : i32
    %eq3A_206 = arith.cmpi eq, %arg0, %eq3A_205 : i32
    %convert_element_type3A_207 = arith.extui %eq3A_206 : i1 to i32
    %cond3A_208 = arith.constant 0 : i32
    %cond3A_209 = arith.cmpi ne, %convert_element_type3A_207, %cond3A_208 : i32
    scf.if %cond3A_209 {
      %mul3A_210 = arith.constant 640 : i32
      %mul3A_211 = arith.muli %arg1, %mul3A_210 : i32
      "tpu.region"() ({
        %run_scoped3A = tpu.sem_alloc : memref<!tpu.dma_semaphore, #tpu.memory_space<semaphore_mem>>
        %dma_start3A = arith.constant 0 : i32
        %dma_start3A_212 = tpu.memref_slice %arg5[%mul3A_211, %dma_start3A] : memref<10240x128xf32, #tpu.memory_space<hbm>> -> memref<640x128xf32, #tpu.memory_space<hbm>>
        %dma_start3A_213 = arith.constant 0 : i32
        %dma_start3A_214 = tpu.memref_slice %arg5[%mul3A_211, %dma_start3A_213] : memref<10240x128xf32, #tpu.memory_space<hbm>> -> memref<640x128xf32, #tpu.memory_space<hbm>>
        tpu.enqueue_dma source(%arg9 : memref<640x128xf32, #tpu.memory_space<vmem>>) target(%dma_start3A_214 : memref<640x128xf32, #tpu.memory_space<hbm>>) target_semaphore(%run_scoped3A : memref<!tpu.dma_semaphore, #tpu.memory_space<semaphore_mem>>)
        %dma_wait3A = arith.constant 0 : i32
        %dma_wait3A_215 = tpu.memref_slice %arg5[%mul3A_211, %dma_wait3A] : memref<10240x128xf32, #tpu.memory_space<hbm>> -> memref<640x128xf32, #tpu.memory_space<hbm>>
        %dma_wait3A_216 = arith.constant 0 : i32
        %dma_wait3A_217 = tpu.memref_slice %arg5[%mul3A_211, %dma_wait3A_216] : memref<10240x128xf32, #tpu.memory_space<hbm>> -> memref<640x128xf32, #tpu.memory_space<hbm>>
        tpu.wait_dma2 semaphore(%run_scoped3A : memref<!tpu.dma_semaphore, #tpu.memory_space<semaphore_mem>>) src(%arg9 : memref<640x128xf32, #tpu.memory_space<vmem>>) dst(%dma_wait3A_217 : memref<640x128xf32, #tpu.memory_space<hbm>>)
        tpu.yield
      }) : () -> ()
    } else {
    }
    return
  }
}

#map = affine_map<(d0, d1) -> (0, 0)>
#map1 = affine_map<(d0, d1) -> (0)>
#map2 = affine_map<(d0, d1) -> (0, 0, 0)>
module attributes {stable_mosaic.version = 14 : i64} {
  func.func @_sc_agg(%arg0: i32, %arg1: i32, %arg2: memref<20480x128xf32, #tpu.memory_space<hbm>>, %arg3: memref<163840xi32, #tpu.memory_space<hbm>>, %arg4: memref<163840xi32, #tpu.memory_space<hbm>>, %arg5: memref<2x10240x128xf32, #tpu.memory_space<hbm>>, %arg6: memref<2x128xi32, #tpu.memory_space<vmem>>, %arg7: memref<2x128xi32, #tpu.memory_space<vmem>>, %arg8: memref<2x128x128xf32, #tpu.memory_space<vmem>>, %arg9: memref<10240x128xf32, #tpu.memory_space<vmem_shared>>, %arg10: memref<!tpu.dma_semaphore, #tpu.memory_space<semaphore_mem>>, %arg11: memref<!tpu.dma_semaphore, #tpu.memory_space<semaphore_mem>>) attributes {dimension_semantics = [#tpu.dimension_semantics<core_parallel>, #tpu.dimension_semantics<subcore_parallel>], iteration_bounds = array<i64: 2, 16>, scalar_prefetch = 0 : i64, scratch_operands = 6 : i64, tpu.core_type = #tpu.core_type<sc_vector_subcore>, window_params = [{transform_indices = #map}, {transform_indices = #map1}, {transform_indices = #map1}, {transform_indices = #map2}]} {
    %mul3A = arith.constant 10240 : i32
    %mul3A_0 = arith.muli %arg1, %mul3A : i32
    %scan3A = arith.constant 0 : i32
    %scan3A_1 = arith.constant 128 : i32
    %scan3A_2 = arith.addi %scan3A, %scan3A_1 : i32
    %scan3A_3 = arith.constant 1 : i32
    scf.for %scan3A_256 = %scan3A to %scan3A_2 step %scan3A_3  : i32 {
      %mul3A_257 = arith.constant 1 : i32
      %mul3A_258 = arith.muli %scan3A_256, %mul3A_257 : i32
      %add3A_259 = arith.constant 0 : i32
      %add3A_260 = arith.addi %add3A_259, %mul3A_258 : i32
      %broadcast_in_dim3A = arith.constant 0.000000e+00 : f32
      %broadcast_in_dim3A_261 = vector.broadcast %broadcast_in_dim3A : f32 to vector<16xf32>
      %swap3A_262 = arith.constant 0 : i32
      %swap3A_263 = arith.index_cast %swap3A_262 : i32 to index
      %swap3A_264 = arith.index_cast %add3A_260 : i32 to index
      %swap3A_265 = arith.constant 0 : index
      %swap3A_266 = tpu.vector_load %arg8[%swap3A_263, %swap3A_264, %swap3A_265] {strides = array<i32>} : memref<2x128x128xf32, #tpu.memory_space<vmem>>, vector<16xf32>,
      tpu.vector_store %arg8[%swap3A_263, %swap3A_264, %swap3A_265], %broadcast_in_dim3A_261 {strides = array<i32>} : memref<2x128x128xf32, #tpu.memory_space<vmem>>, vector<16xf32>,
      %broadcast_in_dim3A_267 = arith.constant 0.000000e+00 : f32
      %broadcast_in_dim3A_268 = vector.broadcast %broadcast_in_dim3A_267 : f32 to vector<16xf32>
      %swap3A_269 = arith.constant 0 : i32
      %swap3A_270 = arith.index_cast %swap3A_269 : i32 to index
      %swap3A_271 = arith.index_cast %add3A_260 : i32 to index
      %swap3A_272 = arith.constant 16 : index
      %swap3A_273 = tpu.vector_load %arg8[%swap3A_270, %swap3A_271, %swap3A_272] {strides = array<i32>} : memref<2x128x128xf32, #tpu.memory_space<vmem>>, vector<16xf32>,
      tpu.vector_store %arg8[%swap3A_270, %swap3A_271, %swap3A_272], %broadcast_in_dim3A_268 {strides = array<i32>} : memref<2x128x128xf32, #tpu.memory_space<vmem>>, vector<16xf32>,
      %broadcast_in_dim3A_274 = arith.constant 0.000000e+00 : f32
      %broadcast_in_dim3A_275 = vector.broadcast %broadcast_in_dim3A_274 : f32 to vector<16xf32>
      %swap3A_276 = arith.constant 0 : i32
      %swap3A_277 = arith.index_cast %swap3A_276 : i32 to index
      %swap3A_278 = arith.index_cast %add3A_260 : i32 to index
      %swap3A_279 = arith.constant 32 : index
      %swap3A_280 = tpu.vector_load %arg8[%swap3A_277, %swap3A_278, %swap3A_279] {strides = array<i32>} : memref<2x128x128xf32, #tpu.memory_space<vmem>>, vector<16xf32>,
      tpu.vector_store %arg8[%swap3A_277, %swap3A_278, %swap3A_279], %broadcast_in_dim3A_275 {strides = array<i32>} : memref<2x128x128xf32, #tpu.memory_space<vmem>>, vector<16xf32>,
      %broadcast_in_dim3A_281 = arith.constant 0.000000e+00 : f32
      %broadcast_in_dim3A_282 = vector.broadcast %broadcast_in_dim3A_281 : f32 to vector<16xf32>
      %swap3A_283 = arith.constant 0 : i32
      %swap3A_284 = arith.index_cast %swap3A_283 : i32 to index
      %swap3A_285 = arith.index_cast %add3A_260 : i32 to index
      %swap3A_286 = arith.constant 48 : index
      %swap3A_287 = tpu.vector_load %arg8[%swap3A_284, %swap3A_285, %swap3A_286] {strides = array<i32>} : memref<2x128x128xf32, #tpu.memory_space<vmem>>, vector<16xf32>,
      tpu.vector_store %arg8[%swap3A_284, %swap3A_285, %swap3A_286], %broadcast_in_dim3A_282 {strides = array<i32>} : memref<2x128x128xf32, #tpu.memory_space<vmem>>, vector<16xf32>,
      %broadcast_in_dim3A_288 = arith.constant 0.000000e+00 : f32
      %broadcast_in_dim3A_289 = vector.broadcast %broadcast_in_dim3A_288 : f32 to vector<16xf32>
      %swap3A_290 = arith.constant 0 : i32
      %swap3A_291 = arith.index_cast %swap3A_290 : i32 to index
      %swap3A_292 = arith.index_cast %add3A_260 : i32 to index
      %swap3A_293 = arith.constant 64 : index
      %swap3A_294 = tpu.vector_load %arg8[%swap3A_291, %swap3A_292, %swap3A_293] {strides = array<i32>} : memref<2x128x128xf32, #tpu.memory_space<vmem>>, vector<16xf32>,
      tpu.vector_store %arg8[%swap3A_291, %swap3A_292, %swap3A_293], %broadcast_in_dim3A_289 {strides = array<i32>} : memref<2x128x128xf32, #tpu.memory_space<vmem>>, vector<16xf32>,
      %broadcast_in_dim3A_295 = arith.constant 0.000000e+00 : f32
      %broadcast_in_dim3A_296 = vector.broadcast %broadcast_in_dim3A_295 : f32 to vector<16xf32>
      %swap3A_297 = arith.constant 0 : i32
      %swap3A_298 = arith.index_cast %swap3A_297 : i32 to index
      %swap3A_299 = arith.index_cast %add3A_260 : i32 to index
      %swap3A_300 = arith.constant 80 : index
      %swap3A_301 = tpu.vector_load %arg8[%swap3A_298, %swap3A_299, %swap3A_300] {strides = array<i32>} : memref<2x128x128xf32, #tpu.memory_space<vmem>>, vector<16xf32>,
      tpu.vector_store %arg8[%swap3A_298, %swap3A_299, %swap3A_300], %broadcast_in_dim3A_296 {strides = array<i32>} : memref<2x128x128xf32, #tpu.memory_space<vmem>>, vector<16xf32>,
      %broadcast_in_dim3A_302 = arith.constant 0.000000e+00 : f32
      %broadcast_in_dim3A_303 = vector.broadcast %broadcast_in_dim3A_302 : f32 to vector<16xf32>
      %swap3A_304 = arith.constant 0 : i32
      %swap3A_305 = arith.index_cast %swap3A_304 : i32 to index
      %swap3A_306 = arith.index_cast %add3A_260 : i32 to index
      %swap3A_307 = arith.constant 96 : index
      %swap3A_308 = tpu.vector_load %arg8[%swap3A_305, %swap3A_306, %swap3A_307] {strides = array<i32>} : memref<2x128x128xf32, #tpu.memory_space<vmem>>, vector<16xf32>,
      tpu.vector_store %arg8[%swap3A_305, %swap3A_306, %swap3A_307], %broadcast_in_dim3A_303 {strides = array<i32>} : memref<2x128x128xf32, #tpu.memory_space<vmem>>, vector<16xf32>,
      %broadcast_in_dim3A_309 = arith.constant 0.000000e+00 : f32
      %broadcast_in_dim3A_310 = vector.broadcast %broadcast_in_dim3A_309 : f32 to vector<16xf32>
      %swap3A_311 = arith.constant 0 : i32
      %swap3A_312 = arith.index_cast %swap3A_311 : i32 to index
      %swap3A_313 = arith.index_cast %add3A_260 : i32 to index
      %swap3A_314 = arith.constant 112 : index
      %swap3A_315 = tpu.vector_load %arg8[%swap3A_312, %swap3A_313, %swap3A_314] {strides = array<i32>} : memref<2x128x128xf32, #tpu.memory_space<vmem>>, vector<16xf32>,
      tpu.vector_store %arg8[%swap3A_312, %swap3A_313, %swap3A_314], %broadcast_in_dim3A_310 {strides = array<i32>} : memref<2x128x128xf32, #tpu.memory_space<vmem>>, vector<16xf32>,
    }
    %scan3A_4 = arith.constant 128 : i32
    %mul3A_5 = arith.constant 640 : i32
    %mul3A_6 = arith.muli %arg1, %mul3A_5 : i32
    %add3A = arith.constant 0 : i32
    %add3A_7 = arith.addi %mul3A_6, %add3A : i32
    %run_scoped3A = arith.constant 0 : i32
    "tpu.region"() ({
      %run_scoped3A_256 = tpu.sem_alloc : memref<!tpu.dma_semaphore, #tpu.memory_space<semaphore_mem>>
      %dma_start3A_257 = arith.constant 0 : i32
      %dma_start3A_258 = arith.constant 0 : i32
      %dma_start3A_259 = tpu.memref_slice %arg8[%run_scoped3A, %dma_start3A_257, %dma_start3A_258] : memref<2x128x128xf32, #tpu.memory_space<vmem>> -> memref<1x128x128xf32, #tpu.memory_space<vmem>>
      %dma_start3A_260 = tpu.memref_squeeze %dma_start3A_259 : memref<1x128x128xf32, #tpu.memory_space<vmem>> -> memref<128x128xf32, #tpu.memory_space<vmem>>
      %dma_start3A_261 = arith.constant 0 : i32
      %dma_start3A_262 = tpu.memref_slice %arg9[%add3A_7, %dma_start3A_261] : memref<10240x128xf32, #tpu.memory_space<vmem_shared>> -> memref<128x128xf32, #tpu.memory_space<vmem_shared>>
      %dma_start3A_263 = arith.constant 0 : i32
      %dma_start3A_264 = tpu.memref_slice %arg9[%add3A_7, %dma_start3A_263] : memref<10240x128xf32, #tpu.memory_space<vmem_shared>> -> memref<128x128xf32, #tpu.memory_space<vmem_shared>>
      %dma_start3A_265 = arith.constant 0 : i32
      %dma_start3A_266 = arith.constant 0 : i32
      %dma_start3A_267 = tpu.memref_slice %arg8[%run_scoped3A, %dma_start3A_265, %dma_start3A_266] : memref<2x128x128xf32, #tpu.memory_space<vmem>> -> memref<1x128x128xf32, #tpu.memory_space<vmem>>
      %dma_start3A_268 = tpu.memref_squeeze %dma_start3A_267 : memref<1x128x128xf32, #tpu.memory_space<vmem>> -> memref<128x128xf32, #tpu.memory_space<vmem>>
      tpu.enqueue_dma source(%dma_start3A_268 : memref<128x128xf32, #tpu.memory_space<vmem>>) target(%dma_start3A_264 : memref<128x128xf32, #tpu.memory_space<vmem_shared>>) target_semaphore(%run_scoped3A_256 : memref<!tpu.dma_semaphore, #tpu.memory_space<semaphore_mem>>)
      %dma_wait3A_269 = arith.constant 0 : i32
      %dma_wait3A_270 = arith.constant 0 : i32
      %dma_wait3A_271 = tpu.memref_slice %arg8[%run_scoped3A, %dma_wait3A_269, %dma_wait3A_270] : memref<2x128x128xf32, #tpu.memory_space<vmem>> -> memref<1x128x128xf32, #tpu.memory_space<vmem>>
      %dma_wait3A_272 = tpu.memref_squeeze %dma_wait3A_271 : memref<1x128x128xf32, #tpu.memory_space<vmem>> -> memref<128x128xf32, #tpu.memory_space<vmem>>
      %dma_wait3A_273 = arith.constant 0 : i32
      %dma_wait3A_274 = tpu.memref_slice %arg9[%add3A_7, %dma_wait3A_273] : memref<10240x128xf32, #tpu.memory_space<vmem_shared>> -> memref<128x128xf32, #tpu.memory_space<vmem_shared>>
      %dma_wait3A_275 = arith.constant 0 : i32
      %dma_wait3A_276 = tpu.memref_slice %arg9[%add3A_7, %dma_wait3A_275] : memref<10240x128xf32, #tpu.memory_space<vmem_shared>> -> memref<128x128xf32, #tpu.memory_space<vmem_shared>>
      %dma_wait3A_277 = arith.constant 0 : i32
      %dma_wait3A_278 = arith.constant 0 : i32
      %dma_wait3A_279 = tpu.memref_slice %arg8[%run_scoped3A, %dma_wait3A_277, %dma_wait3A_278] : memref<2x128x128xf32, #tpu.memory_space<vmem>> -> memref<1x128x128xf32, #tpu.memory_space<vmem>>
      %dma_wait3A_280 = tpu.memref_squeeze %dma_wait3A_279 : memref<1x128x128xf32, #tpu.memory_space<vmem>> -> memref<128x128xf32, #tpu.memory_space<vmem>>
      tpu.wait_dma2 semaphore(%run_scoped3A_256 : memref<!tpu.dma_semaphore, #tpu.memory_space<semaphore_mem>>) src(%dma_wait3A_280 : memref<128x128xf32, #tpu.memory_space<vmem>>) dst(%dma_wait3A_276 : memref<128x128xf32, #tpu.memory_space<vmem_shared>>)
      tpu.yield
    }) : () -> ()
    %mul3A_8 = arith.constant 640 : i32
    %mul3A_9 = arith.muli %arg1, %mul3A_8 : i32
    %add3A_10 = arith.constant 128 : i32
    %add3A_11 = arith.addi %mul3A_9, %add3A_10 : i32
    %run_scoped3A_12 = arith.constant 0 : i32
    "tpu.region"() ({
      %run_scoped3A_256 = tpu.sem_alloc : memref<!tpu.dma_semaphore, #tpu.memory_space<semaphore_mem>>
      %dma_start3A_257 = arith.constant 0 : i32
      %dma_start3A_258 = arith.constant 0 : i32
      %dma_start3A_259 = tpu.memref_slice %arg8[%run_scoped3A_12, %dma_start3A_257, %dma_start3A_258] : memref<2x128x128xf32, #tpu.memory_space<vmem>> -> memref<1x128x128xf32, #tpu.memory_space<vmem>>
      %dma_start3A_260 = tpu.memref_squeeze %dma_start3A_259 : memref<1x128x128xf32, #tpu.memory_space<vmem>> -> memref<128x128xf32, #tpu.memory_space<vmem>>
      %dma_start3A_261 = arith.constant 0 : i32
      %dma_start3A_262 = tpu.memref_slice %arg9[%add3A_11, %dma_start3A_261] : memref<10240x128xf32, #tpu.memory_space<vmem_shared>> -> memref<128x128xf32, #tpu.memory_space<vmem_shared>>
      %dma_start3A_263 = arith.constant 0 : i32
      %dma_start3A_264 = tpu.memref_slice %arg9[%add3A_11, %dma_start3A_263] : memref<10240x128xf32, #tpu.memory_space<vmem_shared>> -> memref<128x128xf32, #tpu.memory_space<vmem_shared>>
      %dma_start3A_265 = arith.constant 0 : i32
      %dma_start3A_266 = arith.constant 0 : i32
      %dma_start3A_267 = tpu.memref_slice %arg8[%run_scoped3A_12, %dma_start3A_265, %dma_start3A_266] : memref<2x128x128xf32, #tpu.memory_space<vmem>> -> memref<1x128x128xf32, #tpu.memory_space<vmem>>
      %dma_start3A_268 = tpu.memref_squeeze %dma_start3A_267 : memref<1x128x128xf32, #tpu.memory_space<vmem>> -> memref<128x128xf32, #tpu.memory_space<vmem>>
      tpu.enqueue_dma source(%dma_start3A_268 : memref<128x128xf32, #tpu.memory_space<vmem>>) target(%dma_start3A_264 : memref<128x128xf32, #tpu.memory_space<vmem_shared>>) target_semaphore(%run_scoped3A_256 : memref<!tpu.dma_semaphore, #tpu.memory_space<semaphore_mem>>)
      %dma_wait3A_269 = arith.constant 0 : i32
      %dma_wait3A_270 = arith.constant 0 : i32
      %dma_wait3A_271 = tpu.memref_slice %arg8[%run_scoped3A_12, %dma_wait3A_269, %dma_wait3A_270] : memref<2x128x128xf32, #tpu.memory_space<vmem>> -> memref<1x128x128xf32, #tpu.memory_space<vmem>>
      %dma_wait3A_272 = tpu.memref_squeeze %dma_wait3A_271 : memref<1x128x128xf32, #tpu.memory_space<vmem>> -> memref<128x128xf32, #tpu.memory_space<vmem>>
      %dma_wait3A_273 = arith.constant 0 : i32
      %dma_wait3A_274 = tpu.memref_slice %arg9[%add3A_11, %dma_wait3A_273] : memref<10240x128xf32, #tpu.memory_space<vmem_shared>> -> memref<128x128xf32, #tpu.memory_space<vmem_shared>>
      %dma_wait3A_275 = arith.constant 0 : i32
      %dma_wait3A_276 = tpu.memref_slice %arg9[%add3A_11, %dma_wait3A_275] : memref<10240x128xf32, #tpu.memory_space<vmem_shared>> -> memref<128x128xf32, #tpu.memory_space<vmem_shared>>
      %dma_wait3A_277 = arith.constant 0 : i32
      %dma_wait3A_278 = arith.constant 0 : i32
      %dma_wait3A_279 = tpu.memref_slice %arg8[%run_scoped3A_12, %dma_wait3A_277, %dma_wait3A_278] : memref<2x128x128xf32, #tpu.memory_space<vmem>> -> memref<1x128x128xf32, #tpu.memory_space<vmem>>
      %dma_wait3A_280 = tpu.memref_squeeze %dma_wait3A_279 : memref<1x128x128xf32, #tpu.memory_space<vmem>> -> memref<128x128xf32, #tpu.memory_space<vmem>>
      tpu.wait_dma2 semaphore(%run_scoped3A_256 : memref<!tpu.dma_semaphore, #tpu.memory_space<semaphore_mem>>) src(%dma_wait3A_280 : memref<128x128xf32, #tpu.memory_space<vmem>>) dst(%dma_wait3A_276 : memref<128x128xf32, #tpu.memory_space<vmem_shared>>)
      tpu.yield
    }) : () -> ()
    %mul3A_13 = arith.constant 640 : i32
    %mul3A_14 = arith.muli %arg1, %mul3A_13 : i32
    %add3A_15 = arith.constant 256 : i32
    %add3A_16 = arith.addi %mul3A_14, %add3A_15 : i32
    %run_scoped3A_17 = arith.constant 0 : i32
    "tpu.region"() ({
      %run_scoped3A_256 = tpu.sem_alloc : memref<!tpu.dma_semaphore, #tpu.memory_space<semaphore_mem>>
      %dma_start3A_257 = arith.constant 0 : i32
      %dma_start3A_258 = arith.constant 0 : i32
      %dma_start3A_259 = tpu.memref_slice %arg8[%run_scoped3A_17, %dma_start3A_257, %dma_start3A_258] : memref<2x128x128xf32, #tpu.memory_space<vmem>> -> memref<1x128x128xf32, #tpu.memory_space<vmem>>
      %dma_start3A_260 = tpu.memref_squeeze %dma_start3A_259 : memref<1x128x128xf32, #tpu.memory_space<vmem>> -> memref<128x128xf32, #tpu.memory_space<vmem>>
      %dma_start3A_261 = arith.constant 0 : i32
      %dma_start3A_262 = tpu.memref_slice %arg9[%add3A_16, %dma_start3A_261] : memref<10240x128xf32, #tpu.memory_space<vmem_shared>> -> memref<128x128xf32, #tpu.memory_space<vmem_shared>>
      %dma_start3A_263 = arith.constant 0 : i32
      %dma_start3A_264 = tpu.memref_slice %arg9[%add3A_16, %dma_start3A_263] : memref<10240x128xf32, #tpu.memory_space<vmem_shared>> -> memref<128x128xf32, #tpu.memory_space<vmem_shared>>
      %dma_start3A_265 = arith.constant 0 : i32
      %dma_start3A_266 = arith.constant 0 : i32
      %dma_start3A_267 = tpu.memref_slice %arg8[%run_scoped3A_17, %dma_start3A_265, %dma_start3A_266] : memref<2x128x128xf32, #tpu.memory_space<vmem>> -> memref<1x128x128xf32, #tpu.memory_space<vmem>>
      %dma_start3A_268 = tpu.memref_squeeze %dma_start3A_267 : memref<1x128x128xf32, #tpu.memory_space<vmem>> -> memref<128x128xf32, #tpu.memory_space<vmem>>
      tpu.enqueue_dma source(%dma_start3A_268 : memref<128x128xf32, #tpu.memory_space<vmem>>) target(%dma_start3A_264 : memref<128x128xf32, #tpu.memory_space<vmem_shared>>) target_semaphore(%run_scoped3A_256 : memref<!tpu.dma_semaphore, #tpu.memory_space<semaphore_mem>>)
      %dma_wait3A_269 = arith.constant 0 : i32
      %dma_wait3A_270 = arith.constant 0 : i32
      %dma_wait3A_271 = tpu.memref_slice %arg8[%run_scoped3A_17, %dma_wait3A_269, %dma_wait3A_270] : memref<2x128x128xf32, #tpu.memory_space<vmem>> -> memref<1x128x128xf32, #tpu.memory_space<vmem>>
      %dma_wait3A_272 = tpu.memref_squeeze %dma_wait3A_271 : memref<1x128x128xf32, #tpu.memory_space<vmem>> -> memref<128x128xf32, #tpu.memory_space<vmem>>
      %dma_wait3A_273 = arith.constant 0 : i32
      %dma_wait3A_274 = tpu.memref_slice %arg9[%add3A_16, %dma_wait3A_273] : memref<10240x128xf32, #tpu.memory_space<vmem_shared>> -> memref<128x128xf32, #tpu.memory_space<vmem_shared>>
      %dma_wait3A_275 = arith.constant 0 : i32
      %dma_wait3A_276 = tpu.memref_slice %arg9[%add3A_16, %dma_wait3A_275] : memref<10240x128xf32, #tpu.memory_space<vmem_shared>> -> memref<128x128xf32, #tpu.memory_space<vmem_shared>>
      %dma_wait3A_277 = arith.constant 0 : i32
      %dma_wait3A_278 = arith.constant 0 : i32
      %dma_wait3A_279 = tpu.memref_slice %arg8[%run_scoped3A_17, %dma_wait3A_277, %dma_wait3A_278] : memref<2x128x128xf32, #tpu.memory_space<vmem>> -> memref<1x128x128xf32, #tpu.memory_space<vmem>>
      %dma_wait3A_280 = tpu.memref_squeeze %dma_wait3A_279 : memref<1x128x128xf32, #tpu.memory_space<vmem>> -> memref<128x128xf32, #tpu.memory_space<vmem>>
      tpu.wait_dma2 semaphore(%run_scoped3A_256 : memref<!tpu.dma_semaphore, #tpu.memory_space<semaphore_mem>>) src(%dma_wait3A_280 : memref<128x128xf32, #tpu.memory_space<vmem>>) dst(%dma_wait3A_276 : memref<128x128xf32, #tpu.memory_space<vmem_shared>>)
      tpu.yield
    }) : () -> ()
    %mul3A_18 = arith.constant 640 : i32
    %mul3A_19 = arith.muli %arg1, %mul3A_18 : i32
    %add3A_20 = arith.constant 384 : i32
    %add3A_21 = arith.addi %mul3A_19, %add3A_20 : i32
    %run_scoped3A_22 = arith.constant 0 : i32
    "tpu.region"() ({
      %run_scoped3A_256 = tpu.sem_alloc : memref<!tpu.dma_semaphore, #tpu.memory_space<semaphore_mem>>
      %dma_start3A_257 = arith.constant 0 : i32
      %dma_start3A_258 = arith.constant 0 : i32
      %dma_start3A_259 = tpu.memref_slice %arg8[%run_scoped3A_22, %dma_start3A_257, %dma_start3A_258] : memref<2x128x128xf32, #tpu.memory_space<vmem>> -> memref<1x128x128xf32, #tpu.memory_space<vmem>>
      %dma_start3A_260 = tpu.memref_squeeze %dma_start3A_259 : memref<1x128x128xf32, #tpu.memory_space<vmem>> -> memref<128x128xf32, #tpu.memory_space<vmem>>
      %dma_start3A_261 = arith.constant 0 : i32
      %dma_start3A_262 = tpu.memref_slice %arg9[%add3A_21, %dma_start3A_261] : memref<10240x128xf32, #tpu.memory_space<vmem_shared>> -> memref<128x128xf32, #tpu.memory_space<vmem_shared>>
      %dma_start3A_263 = arith.constant 0 : i32
      %dma_start3A_264 = tpu.memref_slice %arg9[%add3A_21, %dma_start3A_263] : memref<10240x128xf32, #tpu.memory_space<vmem_shared>> -> memref<128x128xf32, #tpu.memory_space<vmem_shared>>
      %dma_start3A_265 = arith.constant 0 : i32
      %dma_start3A_266 = arith.constant 0 : i32
      %dma_start3A_267 = tpu.memref_slice %arg8[%run_scoped3A_22, %dma_start3A_265, %dma_start3A_266] : memref<2x128x128xf32, #tpu.memory_space<vmem>> -> memref<1x128x128xf32, #tpu.memory_space<vmem>>
      %dma_start3A_268 = tpu.memref_squeeze %dma_start3A_267 : memref<1x128x128xf32, #tpu.memory_space<vmem>> -> memref<128x128xf32, #tpu.memory_space<vmem>>
      tpu.enqueue_dma source(%dma_start3A_268 : memref<128x128xf32, #tpu.memory_space<vmem>>) target(%dma_start3A_264 : memref<128x128xf32, #tpu.memory_space<vmem_shared>>) target_semaphore(%run_scoped3A_256 : memref<!tpu.dma_semaphore, #tpu.memory_space<semaphore_mem>>)
      %dma_wait3A_269 = arith.constant 0 : i32
      %dma_wait3A_270 = arith.constant 0 : i32
      %dma_wait3A_271 = tpu.memref_slice %arg8[%run_scoped3A_22, %dma_wait3A_269, %dma_wait3A_270] : memref<2x128x128xf32, #tpu.memory_space<vmem>> -> memref<1x128x128xf32, #tpu.memory_space<vmem>>
      %dma_wait3A_272 = tpu.memref_squeeze %dma_wait3A_271 : memref<1x128x128xf32, #tpu.memory_space<vmem>> -> memref<128x128xf32, #tpu.memory_space<vmem>>
      %dma_wait3A_273 = arith.constant 0 : i32
      %dma_wait3A_274 = tpu.memref_slice %arg9[%add3A_21, %dma_wait3A_273] : memref<10240x128xf32, #tpu.memory_space<vmem_shared>> -> memref<128x128xf32, #tpu.memory_space<vmem_shared>>
      %dma_wait3A_275 = arith.constant 0 : i32
      %dma_wait3A_276 = tpu.memref_slice %arg9[%add3A_21, %dma_wait3A_275] : memref<10240x128xf32, #tpu.memory_space<vmem_shared>> -> memref<128x128xf32, #tpu.memory_space<vmem_shared>>
      %dma_wait3A_277 = arith.constant 0 : i32
      %dma_wait3A_278 = arith.constant 0 : i32
      %dma_wait3A_279 = tpu.memref_slice %arg8[%run_scoped3A_22, %dma_wait3A_277, %dma_wait3A_278] : memref<2x128x128xf32, #tpu.memory_space<vmem>> -> memref<1x128x128xf32, #tpu.memory_space<vmem>>
      %dma_wait3A_280 = tpu.memref_squeeze %dma_wait3A_279 : memref<1x128x128xf32, #tpu.memory_space<vmem>> -> memref<128x128xf32, #tpu.memory_space<vmem>>
      tpu.wait_dma2 semaphore(%run_scoped3A_256 : memref<!tpu.dma_semaphore, #tpu.memory_space<semaphore_mem>>) src(%dma_wait3A_280 : memref<128x128xf32, #tpu.memory_space<vmem>>) dst(%dma_wait3A_276 : memref<128x128xf32, #tpu.memory_space<vmem_shared>>)
      tpu.yield
    }) : () -> ()
    %mul3A_23 = arith.constant 640 : i32
    %mul3A_24 = arith.muli %arg1, %mul3A_23 : i32
    %add3A_25 = arith.constant 512 : i32
    %add3A_26 = arith.addi %mul3A_24, %add3A_25 : i32
    %run_scoped3A_27 = arith.constant 0 : i32
    "tpu.region"() ({
      %run_scoped3A_256 = tpu.sem_alloc : memref<!tpu.dma_semaphore, #tpu.memory_space<semaphore_mem>>
      %dma_start3A_257 = arith.constant 0 : i32
      %dma_start3A_258 = arith.constant 0 : i32
      %dma_start3A_259 = tpu.memref_slice %arg8[%run_scoped3A_27, %dma_start3A_257, %dma_start3A_258] : memref<2x128x128xf32, #tpu.memory_space<vmem>> -> memref<1x128x128xf32, #tpu.memory_space<vmem>>
      %dma_start3A_260 = tpu.memref_squeeze %dma_start3A_259 : memref<1x128x128xf32, #tpu.memory_space<vmem>> -> memref<128x128xf32, #tpu.memory_space<vmem>>
      %dma_start3A_261 = arith.constant 0 : i32
      %dma_start3A_262 = tpu.memref_slice %arg9[%add3A_26, %dma_start3A_261] : memref<10240x128xf32, #tpu.memory_space<vmem_shared>> -> memref<128x128xf32, #tpu.memory_space<vmem_shared>>
      %dma_start3A_263 = arith.constant 0 : i32
      %dma_start3A_264 = tpu.memref_slice %arg9[%add3A_26, %dma_start3A_263] : memref<10240x128xf32, #tpu.memory_space<vmem_shared>> -> memref<128x128xf32, #tpu.memory_space<vmem_shared>>
      %dma_start3A_265 = arith.constant 0 : i32
      %dma_start3A_266 = arith.constant 0 : i32
      %dma_start3A_267 = tpu.memref_slice %arg8[%run_scoped3A_27, %dma_start3A_265, %dma_start3A_266] : memref<2x128x128xf32, #tpu.memory_space<vmem>> -> memref<1x128x128xf32, #tpu.memory_space<vmem>>
      %dma_start3A_268 = tpu.memref_squeeze %dma_start3A_267 : memref<1x128x128xf32, #tpu.memory_space<vmem>> -> memref<128x128xf32, #tpu.memory_space<vmem>>
      tpu.enqueue_dma source(%dma_start3A_268 : memref<128x128xf32, #tpu.memory_space<vmem>>) target(%dma_start3A_264 : memref<128x128xf32, #tpu.memory_space<vmem_shared>>) target_semaphore(%run_scoped3A_256 : memref<!tpu.dma_semaphore, #tpu.memory_space<semaphore_mem>>)
      %dma_wait3A_269 = arith.constant 0 : i32
      %dma_wait3A_270 = arith.constant 0 : i32
      %dma_wait3A_271 = tpu.memref_slice %arg8[%run_scoped3A_27, %dma_wait3A_269, %dma_wait3A_270] : memref<2x128x128xf32, #tpu.memory_space<vmem>> -> memref<1x128x128xf32, #tpu.memory_space<vmem>>
      %dma_wait3A_272 = tpu.memref_squeeze %dma_wait3A_271 : memref<1x128x128xf32, #tpu.memory_space<vmem>> -> memref<128x128xf32, #tpu.memory_space<vmem>>
      %dma_wait3A_273 = arith.constant 0 : i32
      %dma_wait3A_274 = tpu.memref_slice %arg9[%add3A_26, %dma_wait3A_273] : memref<10240x128xf32, #tpu.memory_space<vmem_shared>> -> memref<128x128xf32, #tpu.memory_space<vmem_shared>>
      %dma_wait3A_275 = arith.constant 0 : i32
      %dma_wait3A_276 = tpu.memref_slice %arg9[%add3A_26, %dma_wait3A_275] : memref<10240x128xf32, #tpu.memory_space<vmem_shared>> -> memref<128x128xf32, #tpu.memory_space<vmem_shared>>
      %dma_wait3A_277 = arith.constant 0 : i32
      %dma_wait3A_278 = arith.constant 0 : i32
      %dma_wait3A_279 = tpu.memref_slice %arg8[%run_scoped3A_27, %dma_wait3A_277, %dma_wait3A_278] : memref<2x128x128xf32, #tpu.memory_space<vmem>> -> memref<1x128x128xf32, #tpu.memory_space<vmem>>
      %dma_wait3A_280 = tpu.memref_squeeze %dma_wait3A_279 : memref<1x128x128xf32, #tpu.memory_space<vmem>> -> memref<128x128xf32, #tpu.memory_space<vmem>>
      tpu.wait_dma2 semaphore(%run_scoped3A_256 : memref<!tpu.dma_semaphore, #tpu.memory_space<semaphore_mem>>) src(%dma_wait3A_280 : memref<128x128xf32, #tpu.memory_space<vmem>>) dst(%dma_wait3A_276 : memref<128x128xf32, #tpu.memory_space<vmem_shared>>)
      tpu.yield
    }) : () -> ()
    %barrier3A = arith.constant 0 : index
    tpu.barrier barrier_id(%barrier3A)
    %mul3A_28 = arith.constant 10240 : i32
    %mul3A_29 = arith.muli %arg0, %mul3A_28 : i32
    %add3A_30 = arith.constant 0 : i32
    %add3A_31 = arith.addi %mul3A_0, %add3A_30 : i32
    %run_scoped3A_32 = arith.constant 0 : i32
    "tpu.region"() ({
      %run_scoped3A_256 = tpu.sem_alloc : memref<!tpu.dma_semaphore, #tpu.memory_space<semaphore_mem>>
      %dma_start3A_257 = arith.constant 0 : i32
      %dma_start3A_258 = tpu.memref_slice %arg6[%run_scoped3A_32, %dma_start3A_257] : memref<2x128xi32, #tpu.memory_space<vmem>> -> memref<1x128xi32, #tpu.memory_space<vmem>>
      %dma_start3A_259 = tpu.memref_squeeze %dma_start3A_258 : memref<1x128xi32, #tpu.memory_space<vmem>> -> memref<128xi32, #tpu.memory_space<vmem>>
      %dma_start3A_260 = tpu.memref_slice %arg3[%add3A_31] : memref<163840xi32, #tpu.memory_space<hbm>> -> memref<128xi32, #tpu.memory_space<hbm>>
      %dma_start3A_261 = arith.constant 0 : i32
      %dma_start3A_262 = tpu.memref_slice %arg6[%run_scoped3A_32, %dma_start3A_261] : memref<2x128xi32, #tpu.memory_space<vmem>> -> memref<1x128xi32, #tpu.memory_space<vmem>>
      %dma_start3A_263 = tpu.memref_squeeze %dma_start3A_262 : memref<1x128xi32, #tpu.memory_space<vmem>> -> memref<128xi32, #tpu.memory_space<vmem>>
      %dma_start3A_264 = tpu.memref_slice %arg3[%add3A_31] : memref<163840xi32, #tpu.memory_space<hbm>> -> memref<128xi32, #tpu.memory_space<hbm>>
      tpu.enqueue_dma source(%dma_start3A_264 : memref<128xi32, #tpu.memory_space<hbm>>) target(%dma_start3A_263 : memref<128xi32, #tpu.memory_space<vmem>>) target_semaphore(%run_scoped3A_256 : memref<!tpu.dma_semaphore, #tpu.memory_space<semaphore_mem>>)
      %dma_wait3A_265 = arith.constant 0 : i32
      %dma_wait3A_266 = tpu.memref_slice %arg6[%run_scoped3A_32, %dma_wait3A_265] : memref<2x128xi32, #tpu.memory_space<vmem>> -> memref<1x128xi32, #tpu.memory_space<vmem>>
      %dma_wait3A_267 = tpu.memref_squeeze %dma_wait3A_266 : memref<1x128xi32, #tpu.memory_space<vmem>> -> memref<128xi32, #tpu.memory_space<vmem>>
      %dma_wait3A_268 = tpu.memref_slice %arg3[%add3A_31] : memref<163840xi32, #tpu.memory_space<hbm>> -> memref<128xi32, #tpu.memory_space<hbm>>
      %dma_wait3A_269 = arith.constant 0 : i32
      %dma_wait3A_270 = tpu.memref_slice %arg6[%run_scoped3A_32, %dma_wait3A_269] : memref<2x128xi32, #tpu.memory_space<vmem>> -> memref<1x128xi32, #tpu.memory_space<vmem>>
      %dma_wait3A_271 = tpu.memref_squeeze %dma_wait3A_270 : memref<1x128xi32, #tpu.memory_space<vmem>> -> memref<128xi32, #tpu.memory_space<vmem>>
      %dma_wait3A_272 = tpu.memref_slice %arg3[%add3A_31] : memref<163840xi32, #tpu.memory_space<hbm>> -> memref<128xi32, #tpu.memory_space<hbm>>
      tpu.wait_dma2 semaphore(%run_scoped3A_256 : memref<!tpu.dma_semaphore, #tpu.memory_space<semaphore_mem>>) src(%dma_wait3A_272 : memref<128xi32, #tpu.memory_space<hbm>>) dst(%dma_wait3A_271 : memref<128xi32, #tpu.memory_space<vmem>>)
      tpu.yield
    }) : () -> ()
    %run_scoped3A_33 = arith.constant 0 : i32
    "tpu.region"() ({
      %run_scoped3A_256 = tpu.sem_alloc : memref<!tpu.dma_semaphore, #tpu.memory_space<semaphore_mem>>
      %dma_start3A_257 = arith.constant 0 : i32
      %dma_start3A_258 = tpu.memref_slice %arg7[%run_scoped3A_33, %dma_start3A_257] : memref<2x128xi32, #tpu.memory_space<vmem>> -> memref<1x128xi32, #tpu.memory_space<vmem>>
      %dma_start3A_259 = tpu.memref_squeeze %dma_start3A_258 : memref<1x128xi32, #tpu.memory_space<vmem>> -> memref<128xi32, #tpu.memory_space<vmem>>
      %dma_start3A_260 = tpu.memref_slice %arg4[%add3A_31] : memref<163840xi32, #tpu.memory_space<hbm>> -> memref<128xi32, #tpu.memory_space<hbm>>
      %dma_start3A_261 = arith.constant 0 : i32
      %dma_start3A_262 = tpu.memref_slice %arg7[%run_scoped3A_33, %dma_start3A_261] : memref<2x128xi32, #tpu.memory_space<vmem>> -> memref<1x128xi32, #tpu.memory_space<vmem>>
      %dma_start3A_263 = tpu.memref_squeeze %dma_start3A_262 : memref<1x128xi32, #tpu.memory_space<vmem>> -> memref<128xi32, #tpu.memory_space<vmem>>
      %dma_start3A_264 = tpu.memref_slice %arg4[%add3A_31] : memref<163840xi32, #tpu.memory_space<hbm>> -> memref<128xi32, #tpu.memory_space<hbm>>
      tpu.enqueue_dma source(%dma_start3A_264 : memref<128xi32, #tpu.memory_space<hbm>>) target(%dma_start3A_263 : memref<128xi32, #tpu.memory_space<vmem>>) target_semaphore(%run_scoped3A_256 : memref<!tpu.dma_semaphore, #tpu.memory_space<semaphore_mem>>)
      %dma_wait3A_265 = arith.constant 0 : i32
      %dma_wait3A_266 = tpu.memref_slice %arg7[%run_scoped3A_33, %dma_wait3A_265] : memref<2x128xi32, #tpu.memory_space<vmem>> -> memref<1x128xi32, #tpu.memory_space<vmem>>
      %dma_wait3A_267 = tpu.memref_squeeze %dma_wait3A_266 : memref<1x128xi32, #tpu.memory_space<vmem>> -> memref<128xi32, #tpu.memory_space<vmem>>
      %dma_wait3A_268 = tpu.memref_slice %arg4[%add3A_31] : memref<163840xi32, #tpu.memory_space<hbm>> -> memref<128xi32, #tpu.memory_space<hbm>>
      %dma_wait3A_269 = arith.constant 0 : i32
      %dma_wait3A_270 = tpu.memref_slice %arg7[%run_scoped3A_33, %dma_wait3A_269] : memref<2x128xi32, #tpu.memory_space<vmem>> -> memref<1x128xi32, #tpu.memory_space<vmem>>
      %dma_wait3A_271 = tpu.memref_squeeze %dma_wait3A_270 : memref<1x128xi32, #tpu.memory_space<vmem>> -> memref<128xi32, #tpu.memory_space<vmem>>
      %dma_wait3A_272 = tpu.memref_slice %arg4[%add3A_31] : memref<163840xi32, #tpu.memory_space<hbm>> -> memref<128xi32, #tpu.memory_space<hbm>>
      tpu.wait_dma2 semaphore(%run_scoped3A_256 : memref<!tpu.dma_semaphore, #tpu.memory_space<semaphore_mem>>) src(%dma_wait3A_272 : memref<128xi32, #tpu.memory_space<hbm>>) dst(%dma_wait3A_271 : memref<128xi32, #tpu.memory_space<vmem>>)
      tpu.yield
    }) : () -> ()
    %get3A = arith.constant 0 : i32
    %get3A_34 = arith.index_cast %get3A : i32 to index
    %get3A_35 = arith.constant 0 : index
    %get3A_36 = tpu.vector_load %arg6[%get3A_34, %get3A_35] {strides = array<i32>} : memref<2x128xi32, #tpu.memory_space<vmem>>, vector<16xi32>,
    %add3A_37 = vector.broadcast %mul3A_29 : i32 to vector<16xi32>
    %add3A_38 = arith.addi %get3A_36, %add3A_37 : vector<16xi32>
    %swap3A = arith.constant 0 : i32
    %swap3A_39 = arith.index_cast %swap3A : i32 to index
    %swap3A_40 = arith.constant 0 : index
    %swap3A_41 = tpu.vector_load %arg6[%swap3A_39, %swap3A_40] {strides = array<i32>} : memref<2x128xi32, #tpu.memory_space<vmem>>, vector<16xi32>,
    tpu.vector_store %arg6[%swap3A_39, %swap3A_40], %add3A_38 {strides = array<i32>} : memref<2x128xi32, #tpu.memory_space<vmem>>, vector<16xi32>,
    %get3A_42 = arith.constant 0 : i32
    %get3A_43 = arith.index_cast %get3A_42 : i32 to index
    %get3A_44 = arith.constant 16 : index
    %get3A_45 = tpu.vector_load %arg6[%get3A_43, %get3A_44] {strides = array<i32>} : memref<2x128xi32, #tpu.memory_space<vmem>>, vector<16xi32>,
    %add3A_46 = vector.broadcast %mul3A_29 : i32 to vector<16xi32>
    %add3A_47 = arith.addi %get3A_45, %add3A_46 : vector<16xi32>
    %swap3A_48 = arith.constant 0 : i32
    %swap3A_49 = arith.index_cast %swap3A_48 : i32 to index
    %swap3A_50 = arith.constant 16 : index
    %swap3A_51 = tpu.vector_load %arg6[%swap3A_49, %swap3A_50] {strides = array<i32>} : memref<2x128xi32, #tpu.memory_space<vmem>>, vector<16xi32>,
    tpu.vector_store %arg6[%swap3A_49, %swap3A_50], %add3A_47 {strides = array<i32>} : memref<2x128xi32, #tpu.memory_space<vmem>>, vector<16xi32>,
    %get3A_52 = arith.constant 0 : i32
    %get3A_53 = arith.index_cast %get3A_52 : i32 to index
    %get3A_54 = arith.constant 32 : index
    %get3A_55 = tpu.vector_load %arg6[%get3A_53, %get3A_54] {strides = array<i32>} : memref<2x128xi32, #tpu.memory_space<vmem>>, vector<16xi32>,
    %add3A_56 = vector.broadcast %mul3A_29 : i32 to vector<16xi32>
    %add3A_57 = arith.addi %get3A_55, %add3A_56 : vector<16xi32>
    %swap3A_58 = arith.constant 0 : i32
    %swap3A_59 = arith.index_cast %swap3A_58 : i32 to index
    %swap3A_60 = arith.constant 32 : index
    %swap3A_61 = tpu.vector_load %arg6[%swap3A_59, %swap3A_60] {strides = array<i32>} : memref<2x128xi32, #tpu.memory_space<vmem>>, vector<16xi32>,
    tpu.vector_store %arg6[%swap3A_59, %swap3A_60], %add3A_57 {strides = array<i32>} : memref<2x128xi32, #tpu.memory_space<vmem>>, vector<16xi32>,
    %get3A_62 = arith.constant 0 : i32
    %get3A_63 = arith.index_cast %get3A_62 : i32 to index
    %get3A_64 = arith.constant 48 : index
    %get3A_65 = tpu.vector_load %arg6[%get3A_63, %get3A_64] {strides = array<i32>} : memref<2x128xi32, #tpu.memory_space<vmem>>, vector<16xi32>,
    %add3A_66 = vector.broadcast %mul3A_29 : i32 to vector<16xi32>
    %add3A_67 = arith.addi %get3A_65, %add3A_66 : vector<16xi32>
    %swap3A_68 = arith.constant 0 : i32
    %swap3A_69 = arith.index_cast %swap3A_68 : i32 to index
    %swap3A_70 = arith.constant 48 : index
    %swap3A_71 = tpu.vector_load %arg6[%swap3A_69, %swap3A_70] {strides = array<i32>} : memref<2x128xi32, #tpu.memory_space<vmem>>, vector<16xi32>,
    tpu.vector_store %arg6[%swap3A_69, %swap3A_70], %add3A_67 {strides = array<i32>} : memref<2x128xi32, #tpu.memory_space<vmem>>, vector<16xi32>,
    %get3A_72 = arith.constant 0 : i32
    %get3A_73 = arith.index_cast %get3A_72 : i32 to index
    %get3A_74 = arith.constant 64 : index
    %get3A_75 = tpu.vector_load %arg6[%get3A_73, %get3A_74] {strides = array<i32>} : memref<2x128xi32, #tpu.memory_space<vmem>>, vector<16xi32>,
    %add3A_76 = vector.broadcast %mul3A_29 : i32 to vector<16xi32>
    %add3A_77 = arith.addi %get3A_75, %add3A_76 : vector<16xi32>
    %swap3A_78 = arith.constant 0 : i32
    %swap3A_79 = arith.index_cast %swap3A_78 : i32 to index
    %swap3A_80 = arith.constant 64 : index
    %swap3A_81 = tpu.vector_load %arg6[%swap3A_79, %swap3A_80] {strides = array<i32>} : memref<2x128xi32, #tpu.memory_space<vmem>>, vector<16xi32>,
    tpu.vector_store %arg6[%swap3A_79, %swap3A_80], %add3A_77 {strides = array<i32>} : memref<2x128xi32, #tpu.memory_space<vmem>>, vector<16xi32>,
    %get3A_82 = arith.constant 0 : i32
    %get3A_83 = arith.index_cast %get3A_82 : i32 to index
    %get3A_84 = arith.constant 80 : index
    %get3A_85 = tpu.vector_load %arg6[%get3A_83, %get3A_84] {strides = array<i32>} : memref<2x128xi32, #tpu.memory_space<vmem>>, vector<16xi32>,
    %add3A_86 = vector.broadcast %mul3A_29 : i32 to vector<16xi32>
    %add3A_87 = arith.addi %get3A_85, %add3A_86 : vector<16xi32>
    %swap3A_88 = arith.constant 0 : i32
    %swap3A_89 = arith.index_cast %swap3A_88 : i32 to index
    %swap3A_90 = arith.constant 80 : index
    %swap3A_91 = tpu.vector_load %arg6[%swap3A_89, %swap3A_90] {strides = array<i32>} : memref<2x128xi32, #tpu.memory_space<vmem>>, vector<16xi32>,
    tpu.vector_store %arg6[%swap3A_89, %swap3A_90], %add3A_87 {strides = array<i32>} : memref<2x128xi32, #tpu.memory_space<vmem>>, vector<16xi32>,
    %get3A_92 = arith.constant 0 : i32
    %get3A_93 = arith.index_cast %get3A_92 : i32 to index
    %get3A_94 = arith.constant 96 : index
    %get3A_95 = tpu.vector_load %arg6[%get3A_93, %get3A_94] {strides = array<i32>} : memref<2x128xi32, #tpu.memory_space<vmem>>, vector<16xi32>,
    %add3A_96 = vector.broadcast %mul3A_29 : i32 to vector<16xi32>
    %add3A_97 = arith.addi %get3A_95, %add3A_96 : vector<16xi32>
    %swap3A_98 = arith.constant 0 : i32
    %swap3A_99 = arith.index_cast %swap3A_98 : i32 to index
    %swap3A_100 = arith.constant 96 : index
    %swap3A_101 = tpu.vector_load %arg6[%swap3A_99, %swap3A_100] {strides = array<i32>} : memref<2x128xi32, #tpu.memory_space<vmem>>, vector<16xi32>,
    tpu.vector_store %arg6[%swap3A_99, %swap3A_100], %add3A_97 {strides = array<i32>} : memref<2x128xi32, #tpu.memory_space<vmem>>, vector<16xi32>,
    %get3A_102 = arith.constant 0 : i32
    %get3A_103 = arith.index_cast %get3A_102 : i32 to index
    %get3A_104 = arith.constant 112 : index
    %get3A_105 = tpu.vector_load %arg6[%get3A_103, %get3A_104] {strides = array<i32>} : memref<2x128xi32, #tpu.memory_space<vmem>>, vector<16xi32>,
    %add3A_106 = vector.broadcast %mul3A_29 : i32 to vector<16xi32>
    %add3A_107 = arith.addi %get3A_105, %add3A_106 : vector<16xi32>
    %swap3A_108 = arith.constant 0 : i32
    %swap3A_109 = arith.index_cast %swap3A_108 : i32 to index
    %swap3A_110 = arith.constant 112 : index
    %swap3A_111 = tpu.vector_load %arg6[%swap3A_109, %swap3A_110] {strides = array<i32>} : memref<2x128xi32, #tpu.memory_space<vmem>>, vector<16xi32>,
    tpu.vector_store %arg6[%swap3A_109, %swap3A_110], %add3A_107 {strides = array<i32>} : memref<2x128xi32, #tpu.memory_space<vmem>>, vector<16xi32>,
    %dma_start3A = arith.constant 0 : i32
    %dma_start3A_112 = arith.constant 0 : i32
    %dma_start3A_113 = arith.constant 0 : i32
    %dma_start3A_114 = arith.constant 0 : i32
    %dma_start3A_115 = tpu.memref_slice %arg8[%dma_start3A_112, %dma_start3A_113, %dma_start3A_114] : memref<2x128x128xf32, #tpu.memory_space<vmem>> -> memref<1x128x128xf32, #tpu.memory_space<vmem>>
    %dma_start3A_116 = tpu.memref_squeeze %dma_start3A_115 : memref<1x128x128xf32, #tpu.memory_space<vmem>> -> memref<128x128xf32, #tpu.memory_space<vmem>>
    %dma_start3A_117 = arith.constant 0 : i32
    %dma_start3A_118 = tpu.memref_slice %arg6[%dma_start3A, %dma_start3A_117] : memref<2x128xi32, #tpu.memory_space<vmem>> -> memref<1x128xi32, #tpu.memory_space<vmem>>
    %dma_start3A_119 = tpu.memref_squeeze %dma_start3A_118 : memref<1x128xi32, #tpu.memory_space<vmem>> -> memref<128xi32, #tpu.memory_space<vmem>>
    %dma_start3A_120 = arith.constant 0 : i32
    %dma_start3A_121 = arith.constant 0 : i32
    %dma_start3A_122 = tpu.memref_slice %arg2[%dma_start3A_120, %dma_start3A_121] : memref<20480x128xf32, #tpu.memory_space<hbm>> -> memref<20480x128xf32, #tpu.memory_space<hbm>>
    tpu.enqueue_indirect_dma source(%dma_start3A_122 : memref<20480x128xf32, #tpu.memory_space<hbm>>) target(%dma_start3A_116 : memref<128x128xf32, #tpu.memory_space<vmem>>) offsets(%dma_start3A_119 : memref<128xi32, #tpu.memory_space<vmem>>) semaphore(%arg10 : memref<!tpu.dma_semaphore, #tpu.memory_space<semaphore_mem>>)
    %scan3A_123 = arith.constant 0 : i32
    %scan3A_124 = arith.constant 39 : i32
    %scan3A_125 = arith.addi %scan3A_123, %scan3A_124 : i32
    %scan3A_126 = arith.constant 1 : i32
    scf.for %scan3A_256 = %scan3A_123 to %scan3A_125 step %scan3A_126  : i32 {
      %mul3A_257 = arith.constant 2 : i32
      %mul3A_258 = arith.muli %scan3A_256, %mul3A_257 : i32
      %add3A_259 = arith.constant 0 : i32
      %add3A_260 = arith.addi %add3A_259, %mul3A_258 : i32
      %add3A_261 = arith.constant 1 : i32
      %add3A_262 = arith.addi %add3A_260, %add3A_261 : i32
      %mul3A_263 = arith.constant 128 : i32
      %mul3A_264 = arith.muli %add3A_262, %mul3A_263 : i32
      %add3A_265 = arith.addi %mul3A_0, %mul3A_264 : i32
      %run_scoped3A_266 = arith.constant 1 : i32
      "tpu.region"() ({
        %run_scoped3A_489 = tpu.sem_alloc : memref<!tpu.dma_semaphore, #tpu.memory_space<semaphore_mem>>
        %dma_start3A_490 = arith.constant 0 : i32
        %dma_start3A_491 = tpu.memref_slice %arg6[%run_scoped3A_266, %dma_start3A_490] : memref<2x128xi32, #tpu.memory_space<vmem>> -> memref<1x128xi32, #tpu.memory_space<vmem>>
        %dma_start3A_492 = tpu.memref_squeeze %dma_start3A_491 : memref<1x128xi32, #tpu.memory_space<vmem>> -> memref<128xi32, #tpu.memory_space<vmem>>
        %dma_start3A_493 = tpu.memref_slice %arg3[%add3A_265] : memref<163840xi32, #tpu.memory_space<hbm>> -> memref<128xi32, #tpu.memory_space<hbm>>
        %dma_start3A_494 = arith.constant 0 : i32
        %dma_start3A_495 = tpu.memref_slice %arg6[%run_scoped3A_266, %dma_start3A_494] : memref<2x128xi32, #tpu.memory_space<vmem>> -> memref<1x128xi32, #tpu.memory_space<vmem>>
        %dma_start3A_496 = tpu.memref_squeeze %dma_start3A_495 : memref<1x128xi32, #tpu.memory_space<vmem>> -> memref<128xi32, #tpu.memory_space<vmem>>
        %dma_start3A_497 = tpu.memref_slice %arg3[%add3A_265] : memref<163840xi32, #tpu.memory_space<hbm>> -> memref<128xi32, #tpu.memory_space<hbm>>
        tpu.enqueue_dma source(%dma_start3A_497 : memref<128xi32, #tpu.memory_space<hbm>>) target(%dma_start3A_496 : memref<128xi32, #tpu.memory_space<vmem>>) target_semaphore(%run_scoped3A_489 : memref<!tpu.dma_semaphore, #tpu.memory_space<semaphore_mem>>)
        %dma_wait3A_498 = arith.constant 0 : i32
        %dma_wait3A_499 = tpu.memref_slice %arg6[%run_scoped3A_266, %dma_wait3A_498] : memref<2x128xi32, #tpu.memory_space<vmem>> -> memref<1x128xi32, #tpu.memory_space<vmem>>
        %dma_wait3A_500 = tpu.memref_squeeze %dma_wait3A_499 : memref<1x128xi32, #tpu.memory_space<vmem>> -> memref<128xi32, #tpu.memory_space<vmem>>
        %dma_wait3A_501 = tpu.memref_slice %arg3[%add3A_265] : memref<163840xi32, #tpu.memory_space<hbm>> -> memref<128xi32, #tpu.memory_space<hbm>>
        %dma_wait3A_502 = arith.constant 0 : i32
        %dma_wait3A_503 = tpu.memref_slice %arg6[%run_scoped3A_266, %dma_wait3A_502] : memref<2x128xi32, #tpu.memory_space<vmem>> -> memref<1x128xi32, #tpu.memory_space<vmem>>
        %dma_wait3A_504 = tpu.memref_squeeze %dma_wait3A_503 : memref<1x128xi32, #tpu.memory_space<vmem>> -> memref<128xi32, #tpu.memory_space<vmem>>
        %dma_wait3A_505 = tpu.memref_slice %arg3[%add3A_265] : memref<163840xi32, #tpu.memory_space<hbm>> -> memref<128xi32, #tpu.memory_space<hbm>>
        tpu.wait_dma2 semaphore(%run_scoped3A_489 : memref<!tpu.dma_semaphore, #tpu.memory_space<semaphore_mem>>) src(%dma_wait3A_505 : memref<128xi32, #tpu.memory_space<hbm>>) dst(%dma_wait3A_504 : memref<128xi32, #tpu.memory_space<vmem>>)
        tpu.yield
      }) : () -> ()
      %run_scoped3A_267 = arith.constant 1 : i32
      "tpu.region"() ({
        %run_scoped3A_489 = tpu.sem_alloc : memref<!tpu.dma_semaphore, #tpu.memory_space<semaphore_mem>>
        %dma_start3A_490 = arith.constant 0 : i32
        %dma_start3A_491 = tpu.memref_slice %arg7[%run_scoped3A_267, %dma_start3A_490] : memref<2x128xi32, #tpu.memory_space<vmem>> -> memref<1x128xi32, #tpu.memory_space<vmem>>
        %dma_start3A_492 = tpu.memref_squeeze %dma_start3A_491 : memref<1x128xi32, #tpu.memory_space<vmem>> -> memref<128xi32, #tpu.memory_space<vmem>>
        %dma_start3A_493 = tpu.memref_slice %arg4[%add3A_265] : memref<163840xi32, #tpu.memory_space<hbm>> -> memref<128xi32, #tpu.memory_space<hbm>>
        %dma_start3A_494 = arith.constant 0 : i32
        %dma_start3A_495 = tpu.memref_slice %arg7[%run_scoped3A_267, %dma_start3A_494] : memref<2x128xi32, #tpu.memory_space<vmem>> -> memref<1x128xi32, #tpu.memory_space<vmem>>
        %dma_start3A_496 = tpu.memref_squeeze %dma_start3A_495 : memref<1x128xi32, #tpu.memory_space<vmem>> -> memref<128xi32, #tpu.memory_space<vmem>>
        %dma_start3A_497 = tpu.memref_slice %arg4[%add3A_265] : memref<163840xi32, #tpu.memory_space<hbm>> -> memref<128xi32, #tpu.memory_space<hbm>>
        tpu.enqueue_dma source(%dma_start3A_497 : memref<128xi32, #tpu.memory_space<hbm>>) target(%dma_start3A_496 : memref<128xi32, #tpu.memory_space<vmem>>) target_semaphore(%run_scoped3A_489 : memref<!tpu.dma_semaphore, #tpu.memory_space<semaphore_mem>>)
        %dma_wait3A_498 = arith.constant 0 : i32
        %dma_wait3A_499 = tpu.memref_slice %arg7[%run_scoped3A_267, %dma_wait3A_498] : memref<2x128xi32, #tpu.memory_space<vmem>> -> memref<1x128xi32, #tpu.memory_space<vmem>>
        %dma_wait3A_500 = tpu.memref_squeeze %dma_wait3A_499 : memref<1x128xi32, #tpu.memory_space<vmem>> -> memref<128xi32, #tpu.memory_space<vmem>>
        %dma_wait3A_501 = tpu.memref_slice %arg4[%add3A_265] : memref<163840xi32, #tpu.memory_space<hbm>> -> memref<128xi32, #tpu.memory_space<hbm>>
        %dma_wait3A_502 = arith.constant 0 : i32
        %dma_wait3A_503 = tpu.memref_slice %arg7[%run_scoped3A_267, %dma_wait3A_502] : memref<2x128xi32, #tpu.memory_space<vmem>> -> memref<1x128xi32, #tpu.memory_space<vmem>>
        %dma_wait3A_504 = tpu.memref_squeeze %dma_wait3A_503 : memref<1x128xi32, #tpu.memory_space<vmem>> -> memref<128xi32, #tpu.memory_space<vmem>>
        %dma_wait3A_505 = tpu.memref_slice %arg4[%add3A_265] : memref<163840xi32, #tpu.memory_space<hbm>> -> memref<128xi32, #tpu.memory_space<hbm>>
        tpu.wait_dma2 semaphore(%run_scoped3A_489 : memref<!tpu.dma_semaphore, #tpu.memory_space<semaphore_mem>>) src(%dma_wait3A_505 : memref<128xi32, #tpu.memory_space<hbm>>) dst(%dma_wait3A_504 : memref<128xi32, #tpu.memory_space<vmem>>)
        tpu.yield
      }) : () -> ()
      %get3A_268 = arith.constant 1 : i32
      %get3A_269 = arith.index_cast %get3A_268 : i32 to index
      %get3A_270 = arith.constant 0 : index
      %get3A_271 = tpu.vector_load %arg6[%get3A_269, %get3A_270] {strides = array<i32>} : memref<2x128xi32, #tpu.memory_space<vmem>>, vector<16xi32>,
      %add3A_272 = vector.broadcast %mul3A_29 : i32 to vector<16xi32>
      %add3A_273 = arith.addi %get3A_271, %add3A_272 : vector<16xi32>
      %swap3A_274 = arith.constant 1 : i32
      %swap3A_275 = arith.index_cast %swap3A_274 : i32 to index
      %swap3A_276 = arith.constant 0 : index
      %swap3A_277 = tpu.vector_load %arg6[%swap3A_275, %swap3A_276] {strides = array<i32>} : memref<2x128xi32, #tpu.memory_space<vmem>>, vector<16xi32>,
      tpu.vector_store %arg6[%swap3A_275, %swap3A_276], %add3A_273 {strides = array<i32>} : memref<2x128xi32, #tpu.memory_space<vmem>>, vector<16xi32>,
      %get3A_278 = arith.constant 1 : i32
      %get3A_279 = arith.index_cast %get3A_278 : i32 to index
      %get3A_280 = arith.constant 16 : index
      %get3A_281 = tpu.vector_load %arg6[%get3A_279, %get3A_280] {strides = array<i32>} : memref<2x128xi32, #tpu.memory_space<vmem>>, vector<16xi32>,
      %add3A_282 = vector.broadcast %mul3A_29 : i32 to vector<16xi32>
      %add3A_283 = arith.addi %get3A_281, %add3A_282 : vector<16xi32>
      %swap3A_284 = arith.constant 1 : i32
      %swap3A_285 = arith.index_cast %swap3A_284 : i32 to index
      %swap3A_286 = arith.constant 16 : index
      %swap3A_287 = tpu.vector_load %arg6[%swap3A_285, %swap3A_286] {strides = array<i32>} : memref<2x128xi32, #tpu.memory_space<vmem>>, vector<16xi32>,
      tpu.vector_store %arg6[%swap3A_285, %swap3A_286], %add3A_283 {strides = array<i32>} : memref<2x128xi32, #tpu.memory_space<vmem>>, vector<16xi32>,
      %get3A_288 = arith.constant 1 : i32
      %get3A_289 = arith.index_cast %get3A_288 : i32 to index
      %get3A_290 = arith.constant 32 : index
      %get3A_291 = tpu.vector_load %arg6[%get3A_289, %get3A_290] {strides = array<i32>} : memref<2x128xi32, #tpu.memory_space<vmem>>, vector<16xi32>,
      %add3A_292 = vector.broadcast %mul3A_29 : i32 to vector<16xi32>
      %add3A_293 = arith.addi %get3A_291, %add3A_292 : vector<16xi32>
      %swap3A_294 = arith.constant 1 : i32
      %swap3A_295 = arith.index_cast %swap3A_294 : i32 to index
      %swap3A_296 = arith.constant 32 : index
      %swap3A_297 = tpu.vector_load %arg6[%swap3A_295, %swap3A_296] {strides = array<i32>} : memref<2x128xi32, #tpu.memory_space<vmem>>, vector<16xi32>,
      tpu.vector_store %arg6[%swap3A_295, %swap3A_296], %add3A_293 {strides = array<i32>} : memref<2x128xi32, #tpu.memory_space<vmem>>, vector<16xi32>,
      %get3A_298 = arith.constant 1 : i32
      %get3A_299 = arith.index_cast %get3A_298 : i32 to index
      %get3A_300 = arith.constant 48 : index
      %get3A_301 = tpu.vector_load %arg6[%get3A_299, %get3A_300] {strides = array<i32>} : memref<2x128xi32, #tpu.memory_space<vmem>>, vector<16xi32>,
      %add3A_302 = vector.broadcast %mul3A_29 : i32 to vector<16xi32>
      %add3A_303 = arith.addi %get3A_301, %add3A_302 : vector<16xi32>
      %swap3A_304 = arith.constant 1 : i32
      %swap3A_305 = arith.index_cast %swap3A_304 : i32 to index
      %swap3A_306 = arith.constant 48 : index
      %swap3A_307 = tpu.vector_load %arg6[%swap3A_305, %swap3A_306] {strides = array<i32>} : memref<2x128xi32, #tpu.memory_space<vmem>>, vector<16xi32>,
      tpu.vector_store %arg6[%swap3A_305, %swap3A_306], %add3A_303 {strides = array<i32>} : memref<2x128xi32, #tpu.memory_space<vmem>>, vector<16xi32>,
      %get3A_308 = arith.constant 1 : i32
      %get3A_309 = arith.index_cast %get3A_308 : i32 to index
      %get3A_310 = arith.constant 64 : index
      %get3A_311 = tpu.vector_load %arg6[%get3A_309, %get3A_310] {strides = array<i32>} : memref<2x128xi32, #tpu.memory_space<vmem>>, vector<16xi32>,
      %add3A_312 = vector.broadcast %mul3A_29 : i32 to vector<16xi32>
      %add3A_313 = arith.addi %get3A_311, %add3A_312 : vector<16xi32>
      %swap3A_314 = arith.constant 1 : i32
      %swap3A_315 = arith.index_cast %swap3A_314 : i32 to index
      %swap3A_316 = arith.constant 64 : index
      %swap3A_317 = tpu.vector_load %arg6[%swap3A_315, %swap3A_316] {strides = array<i32>} : memref<2x128xi32, #tpu.memory_space<vmem>>, vector<16xi32>,
      tpu.vector_store %arg6[%swap3A_315, %swap3A_316], %add3A_313 {strides = array<i32>} : memref<2x128xi32, #tpu.memory_space<vmem>>, vector<16xi32>,
      %get3A_318 = arith.constant 1 : i32
      %get3A_319 = arith.index_cast %get3A_318 : i32 to index
      %get3A_320 = arith.constant 80 : index
      %get3A_321 = tpu.vector_load %arg6[%get3A_319, %get3A_320] {strides = array<i32>} : memref<2x128xi32, #tpu.memory_space<vmem>>, vector<16xi32>,
      %add3A_322 = vector.broadcast %mul3A_29 : i32 to vector<16xi32>
      %add3A_323 = arith.addi %get3A_321, %add3A_322 : vector<16xi32>
      %swap3A_324 = arith.constant 1 : i32
      %swap3A_325 = arith.index_cast %swap3A_324 : i32 to index
      %swap3A_326 = arith.constant 80 : index
      %swap3A_327 = tpu.vector_load %arg6[%swap3A_325, %swap3A_326] {strides = array<i32>} : memref<2x128xi32, #tpu.memory_space<vmem>>, vector<16xi32>,
      tpu.vector_store %arg6[%swap3A_325, %swap3A_326], %add3A_323 {strides = array<i32>} : memref<2x128xi32, #tpu.memory_space<vmem>>, vector<16xi32>,
      %get3A_328 = arith.constant 1 : i32
      %get3A_329 = arith.index_cast %get3A_328 : i32 to index
      %get3A_330 = arith.constant 96 : index
      %get3A_331 = tpu.vector_load %arg6[%get3A_329, %get3A_330] {strides = array<i32>} : memref<2x128xi32, #tpu.memory_space<vmem>>, vector<16xi32>,
      %add3A_332 = vector.broadcast %mul3A_29 : i32 to vector<16xi32>
      %add3A_333 = arith.addi %get3A_331, %add3A_332 : vector<16xi32>
      %swap3A_334 = arith.constant 1 : i32
      %swap3A_335 = arith.index_cast %swap3A_334 : i32 to index
      %swap3A_336 = arith.constant 96 : index
      %swap3A_337 = tpu.vector_load %arg6[%swap3A_335, %swap3A_336] {strides = array<i32>} : memref<2x128xi32, #tpu.memory_space<vmem>>, vector<16xi32>,
      tpu.vector_store %arg6[%swap3A_335, %swap3A_336], %add3A_333 {strides = array<i32>} : memref<2x128xi32, #tpu.memory_space<vmem>>, vector<16xi32>,
      %get3A_338 = arith.constant 1 : i32
      %get3A_339 = arith.index_cast %get3A_338 : i32 to index
      %get3A_340 = arith.constant 112 : index
      %get3A_341 = tpu.vector_load %arg6[%get3A_339, %get3A_340] {strides = array<i32>} : memref<2x128xi32, #tpu.memory_space<vmem>>, vector<16xi32>,
      %add3A_342 = vector.broadcast %mul3A_29 : i32 to vector<16xi32>
      %add3A_343 = arith.addi %get3A_341, %add3A_342 : vector<16xi32>
      %swap3A_344 = arith.constant 1 : i32
      %swap3A_345 = arith.index_cast %swap3A_344 : i32 to index
      %swap3A_346 = arith.constant 112 : index
      %swap3A_347 = tpu.vector_load %arg6[%swap3A_345, %swap3A_346] {strides = array<i32>} : memref<2x128xi32, #tpu.memory_space<vmem>>, vector<16xi32>,
      tpu.vector_store %arg6[%swap3A_345, %swap3A_346], %add3A_343 {strides = array<i32>} : memref<2x128xi32, #tpu.memory_space<vmem>>, vector<16xi32>,
      %dma_start3A_348 = arith.constant 1 : i32
      %dma_start3A_349 = arith.constant 1 : i32
      %dma_start3A_350 = arith.constant 0 : i32
      %dma_start3A_351 = arith.constant 0 : i32
      %dma_start3A_352 = tpu.memref_slice %arg8[%dma_start3A_349, %dma_start3A_350, %dma_start3A_351] : memref<2x128x128xf32, #tpu.memory_space<vmem>> -> memref<1x128x128xf32, #tpu.memory_space<vmem>>
      %dma_start3A_353 = tpu.memref_squeeze %dma_start3A_352 : memref<1x128x128xf32, #tpu.memory_space<vmem>> -> memref<128x128xf32, #tpu.memory_space<vmem>>
      %dma_start3A_354 = arith.constant 0 : i32
      %dma_start3A_355 = tpu.memref_slice %arg6[%dma_start3A_348, %dma_start3A_354] : memref<2x128xi32, #tpu.memory_space<vmem>> -> memref<1x128xi32, #tpu.memory_space<vmem>>
      %dma_start3A_356 = tpu.memref_squeeze %dma_start3A_355 : memref<1x128xi32, #tpu.memory_space<vmem>> -> memref<128xi32, #tpu.memory_space<vmem>>
      %dma_start3A_357 = arith.constant 0 : i32
      %dma_start3A_358 = arith.constant 0 : i32
      %dma_start3A_359 = tpu.memref_slice %arg2[%dma_start3A_357, %dma_start3A_358] : memref<20480x128xf32, #tpu.memory_space<hbm>> -> memref<20480x128xf32, #tpu.memory_space<hbm>>
      tpu.enqueue_indirect_dma source(%dma_start3A_359 : memref<20480x128xf32, #tpu.memory_space<hbm>>) target(%dma_start3A_353 : memref<128x128xf32, #tpu.memory_space<vmem>>) offsets(%dma_start3A_356 : memref<128xi32, #tpu.memory_space<vmem>>) semaphore(%arg11 : memref<!tpu.dma_semaphore, #tpu.memory_space<semaphore_mem>>)
      %dma_wait3A_360 = arith.constant 0 : i32
      %dma_wait3A_361 = arith.constant 0 : i32
      %dma_wait3A_362 = arith.constant 0 : i32
      %dma_wait3A_363 = arith.constant 0 : i32
      %dma_wait3A_364 = tpu.memref_slice %arg8[%dma_wait3A_361, %dma_wait3A_362, %dma_wait3A_363] : memref<2x128x128xf32, #tpu.memory_space<vmem>> -> memref<1x128x128xf32, #tpu.memory_space<vmem>>
      %dma_wait3A_365 = tpu.memref_squeeze %dma_wait3A_364 : memref<1x128x128xf32, #tpu.memory_space<vmem>> -> memref<128x128xf32, #tpu.memory_space<vmem>>
      %dma_wait3A_366 = arith.constant 0 : i32
      %dma_wait3A_367 = tpu.memref_slice %arg6[%dma_wait3A_360, %dma_wait3A_366] : memref<2x128xi32, #tpu.memory_space<vmem>> -> memref<1x128xi32, #tpu.memory_space<vmem>>
      %dma_wait3A_368 = tpu.memref_squeeze %dma_wait3A_367 : memref<1x128xi32, #tpu.memory_space<vmem>> -> memref<128xi32, #tpu.memory_space<vmem>>
      %dma_wait3A_369 = arith.constant 0 : i32
      %dma_wait3A_370 = arith.constant 0 : i32
      %dma_wait3A_371 = tpu.memref_slice %arg2[%dma_wait3A_369, %dma_wait3A_370] : memref<20480x128xf32, #tpu.memory_space<hbm>> -> memref<20480x128xf32, #tpu.memory_space<hbm>>
      tpu.wait_indirect_dma semaphore(%arg10 : memref<!tpu.dma_semaphore, #tpu.memory_space<semaphore_mem>>) src(%dma_wait3A_371 : memref<20480x128xf32, #tpu.memory_space<hbm>>) dst(%dma_wait3A_365 : memref<128x128xf32, #tpu.memory_space<vmem>>)
      %run_scoped3A_372 = arith.constant 0 : i32
      %run_scoped3A_373 = arith.constant 0 : i32
      "tpu.region"() ({
        %run_scoped3A_489 = tpu.sem_alloc : memref<!tpu.dma_semaphore, #tpu.memory_space<semaphore_mem>>
        %dma_start3A_490 = arith.constant 0 : i32
        %dma_start3A_491 = arith.constant 0 : i32
        %dma_start3A_492 = tpu.memref_slice %arg8[%run_scoped3A_372, %dma_start3A_490, %dma_start3A_491] : memref<2x128x128xf32, #tpu.memory_space<vmem>> -> memref<1x128x128xf32, #tpu.memory_space<vmem>>
        %dma_start3A_493 = tpu.memref_squeeze %dma_start3A_492 : memref<1x128x128xf32, #tpu.memory_space<vmem>> -> memref<128x128xf32, #tpu.memory_space<vmem>>
        %dma_start3A_494 = arith.constant 0 : i32
        %dma_start3A_495 = tpu.memref_slice %arg7[%run_scoped3A_373, %dma_start3A_494] : memref<2x128xi32, #tpu.memory_space<vmem>> -> memref<1x128xi32, #tpu.memory_space<vmem>>
        %dma_start3A_496 = tpu.memref_squeeze %dma_start3A_495 : memref<1x128xi32, #tpu.memory_space<vmem>> -> memref<128xi32, #tpu.memory_space<vmem>>
        %dma_start3A_497 = arith.constant 0 : i32
        %dma_start3A_498 = arith.constant 0 : i32
        %dma_start3A_499 = tpu.memref_slice %arg9[%dma_start3A_497, %dma_start3A_498] : memref<10240x128xf32, #tpu.memory_space<vmem_shared>> -> memref<10240x128xf32, #tpu.memory_space<vmem_shared>>
        tpu.enqueue_indirect_dma source(%dma_start3A_493 : memref<128x128xf32, #tpu.memory_space<vmem>>) target(%dma_start3A_499 : memref<10240x128xf32, #tpu.memory_space<vmem_shared>>) offsets(%dma_start3A_496 : memref<128xi32, #tpu.memory_space<vmem>>) semaphore(%run_scoped3A_489 : memref<!tpu.dma_semaphore, #tpu.memory_space<semaphore_mem>>) {add = true}
        %dma_wait3A_500 = arith.constant 0 : i32
        %dma_wait3A_501 = arith.constant 0 : i32
        %dma_wait3A_502 = tpu.memref_slice %arg8[%run_scoped3A_372, %dma_wait3A_500, %dma_wait3A_501] : memref<2x128x128xf32, #tpu.memory_space<vmem>> -> memref<1x128x128xf32, #tpu.memory_space<vmem>>
        %dma_wait3A_503 = tpu.memref_squeeze %dma_wait3A_502 : memref<1x128x128xf32, #tpu.memory_space<vmem>> -> memref<128x128xf32, #tpu.memory_space<vmem>>
        %dma_wait3A_504 = arith.constant 0 : i32
        %dma_wait3A_505 = tpu.memref_slice %arg7[%run_scoped3A_373, %dma_wait3A_504] : memref<2x128xi32, #tpu.memory_space<vmem>> -> memref<1x128xi32, #tpu.memory_space<vmem>>
        %dma_wait3A_506 = tpu.memref_squeeze %dma_wait3A_505 : memref<1x128xi32, #tpu.memory_space<vmem>> -> memref<128xi32, #tpu.memory_space<vmem>>
        %dma_wait3A_507 = arith.constant 0 : i32
        %dma_wait3A_508 = arith.constant 0 : i32
        %dma_wait3A_509 = tpu.memref_slice %arg9[%dma_wait3A_507, %dma_wait3A_508] : memref<10240x128xf32, #tpu.memory_space<vmem_shared>> -> memref<10240x128xf32, #tpu.memory_space<vmem_shared>>
        tpu.wait_indirect_dma semaphore(%run_scoped3A_489 : memref<!tpu.dma_semaphore, #tpu.memory_space<semaphore_mem>>) src(%dma_wait3A_503 : memref<128x128xf32, #tpu.memory_space<vmem>>) dst(%dma_wait3A_509 : memref<10240x128xf32, #tpu.memory_space<vmem_shared>>)
        tpu.yield
      }) : () -> ()
      %add3A_374 = arith.constant 2 : i32
      %add3A_375 = arith.addi %add3A_260, %add3A_374 : i32
      %mul3A_376 = arith.constant 128 : i32
      %mul3A_377 = arith.muli %add3A_375, %mul3A_376 : i32
      %add3A_378 = arith.addi %mul3A_0, %mul3A_377 : i32
      %run_scoped3A_379 = arith.constant 0 : i32
      "tpu.region"() ({
        %run_scoped3A_489 = tpu.sem_alloc : memref<!tpu.dma_semaphore, #tpu.memory_space<semaphore_mem>>
        %dma_start3A_490 = arith.constant 0 : i32
        %dma_start3A_491 = tpu.memref_slice %arg6[%run_scoped3A_379, %dma_start3A_490] : memref<2x128xi32, #tpu.memory_space<vmem>> -> memref<1x128xi32, #tpu.memory_space<vmem>>
        %dma_start3A_492 = tpu.memref_squeeze %dma_start3A_491 : memref<1x128xi32, #tpu.memory_space<vmem>> -> memref<128xi32, #tpu.memory_space<vmem>>
        %dma_start3A_493 = tpu.memref_slice %arg3[%add3A_378] : memref<163840xi32, #tpu.memory_space<hbm>> -> memref<128xi32, #tpu.memory_space<hbm>>
        %dma_start3A_494 = arith.constant 0 : i32
        %dma_start3A_495 = tpu.memref_slice %arg6[%run_scoped3A_379, %dma_start3A_494] : memref<2x128xi32, #tpu.memory_space<vmem>> -> memref<1x128xi32, #tpu.memory_space<vmem>>
        %dma_start3A_496 = tpu.memref_squeeze %dma_start3A_495 : memref<1x128xi32, #tpu.memory_space<vmem>> -> memref<128xi32, #tpu.memory_space<vmem>>
        %dma_start3A_497 = tpu.memref_slice %arg3[%add3A_378] : memref<163840xi32, #tpu.memory_space<hbm>> -> memref<128xi32, #tpu.memory_space<hbm>>
        tpu.enqueue_dma source(%dma_start3A_497 : memref<128xi32, #tpu.memory_space<hbm>>) target(%dma_start3A_496 : memref<128xi32, #tpu.memory_space<vmem>>) target_semaphore(%run_scoped3A_489 : memref<!tpu.dma_semaphore, #tpu.memory_space<semaphore_mem>>)
        %dma_wait3A_498 = arith.constant 0 : i32
        %dma_wait3A_499 = tpu.memref_slice %arg6[%run_scoped3A_379, %dma_wait3A_498] : memref<2x128xi32, #tpu.memory_space<vmem>> -> memref<1x128xi32, #tpu.memory_space<vmem>>
        %dma_wait3A_500 = tpu.memref_squeeze %dma_wait3A_499 : memref<1x128xi32, #tpu.memory_space<vmem>> -> memref<128xi32, #tpu.memory_space<vmem>>
        %dma_wait3A_501 = tpu.memref_slice %arg3[%add3A_378] : memref<163840xi32, #tpu.memory_space<hbm>> -> memref<128xi32, #tpu.memory_space<hbm>>
        %dma_wait3A_502 = arith.constant 0 : i32
        %dma_wait3A_503 = tpu.memref_slice %arg6[%run_scoped3A_379, %dma_wait3A_502] : memref<2x128xi32, #tpu.memory_space<vmem>> -> memref<1x128xi32, #tpu.memory_space<vmem>>
        %dma_wait3A_504 = tpu.memref_squeeze %dma_wait3A_503 : memref<1x128xi32, #tpu.memory_space<vmem>> -> memref<128xi32, #tpu.memory_space<vmem>>
        %dma_wait3A_505 = tpu.memref_slice %arg3[%add3A_378] : memref<163840xi32, #tpu.memory_space<hbm>> -> memref<128xi32, #tpu.memory_space<hbm>>
        tpu.wait_dma2 semaphore(%run_scoped3A_489 : memref<!tpu.dma_semaphore, #tpu.memory_space<semaphore_mem>>) src(%dma_wait3A_505 : memref<128xi32, #tpu.memory_space<hbm>>) dst(%dma_wait3A_504 : memref<128xi32, #tpu.memory_space<vmem>>)
        tpu.yield
      }) : () -> ()
      %run_scoped3A_380 = arith.constant 0 : i32
      "tpu.region"() ({
        %run_scoped3A_489 = tpu.sem_alloc : memref<!tpu.dma_semaphore, #tpu.memory_space<semaphore_mem>>
        %dma_start3A_490 = arith.constant 0 : i32
        %dma_start3A_491 = tpu.memref_slice %arg7[%run_scoped3A_380, %dma_start3A_490] : memref<2x128xi32, #tpu.memory_space<vmem>> -> memref<1x128xi32, #tpu.memory_space<vmem>>
        %dma_start3A_492 = tpu.memref_squeeze %dma_start3A_491 : memref<1x128xi32, #tpu.memory_space<vmem>> -> memref<128xi32, #tpu.memory_space<vmem>>
        %dma_start3A_493 = tpu.memref_slice %arg4[%add3A_378] : memref<163840xi32, #tpu.memory_space<hbm>> -> memref<128xi32, #tpu.memory_space<hbm>>
        %dma_start3A_494 = arith.constant 0 : i32
        %dma_start3A_495 = tpu.memref_slice %arg7[%run_scoped3A_380, %dma_start3A_494] : memref<2x128xi32, #tpu.memory_space<vmem>> -> memref<1x128xi32, #tpu.memory_space<vmem>>
        %dma_start3A_496 = tpu.memref_squeeze %dma_start3A_495 : memref<1x128xi32, #tpu.memory_space<vmem>> -> memref<128xi32, #tpu.memory_space<vmem>>
        %dma_start3A_497 = tpu.memref_slice %arg4[%add3A_378] : memref<163840xi32, #tpu.memory_space<hbm>> -> memref<128xi32, #tpu.memory_space<hbm>>
        tpu.enqueue_dma source(%dma_start3A_497 : memref<128xi32, #tpu.memory_space<hbm>>) target(%dma_start3A_496 : memref<128xi32, #tpu.memory_space<vmem>>) target_semaphore(%run_scoped3A_489 : memref<!tpu.dma_semaphore, #tpu.memory_space<semaphore_mem>>)
        %dma_wait3A_498 = arith.constant 0 : i32
        %dma_wait3A_499 = tpu.memref_slice %arg7[%run_scoped3A_380, %dma_wait3A_498] : memref<2x128xi32, #tpu.memory_space<vmem>> -> memref<1x128xi32, #tpu.memory_space<vmem>>
        %dma_wait3A_500 = tpu.memref_squeeze %dma_wait3A_499 : memref<1x128xi32, #tpu.memory_space<vmem>> -> memref<128xi32, #tpu.memory_space<vmem>>
        %dma_wait3A_501 = tpu.memref_slice %arg4[%add3A_378] : memref<163840xi32, #tpu.memory_space<hbm>> -> memref<128xi32, #tpu.memory_space<hbm>>
        %dma_wait3A_502 = arith.constant 0 : i32
        %dma_wait3A_503 = tpu.memref_slice %arg7[%run_scoped3A_380, %dma_wait3A_502] : memref<2x128xi32, #tpu.memory_space<vmem>> -> memref<1x128xi32, #tpu.memory_space<vmem>>
        %dma_wait3A_504 = tpu.memref_squeeze %dma_wait3A_503 : memref<1x128xi32, #tpu.memory_space<vmem>> -> memref<128xi32, #tpu.memory_space<vmem>>
        %dma_wait3A_505 = tpu.memref_slice %arg4[%add3A_378] : memref<163840xi32, #tpu.memory_space<hbm>> -> memref<128xi32, #tpu.memory_space<hbm>>
        tpu.wait_dma2 semaphore(%run_scoped3A_489 : memref<!tpu.dma_semaphore, #tpu.memory_space<semaphore_mem>>) src(%dma_wait3A_505 : memref<128xi32, #tpu.memory_space<hbm>>) dst(%dma_wait3A_504 : memref<128xi32, #tpu.memory_space<vmem>>)
        tpu.yield
      }) : () -> ()
      %get3A_381 = arith.constant 0 : i32
      %get3A_382 = arith.index_cast %get3A_381 : i32 to index
      %get3A_383 = arith.constant 0 : index
      %get3A_384 = tpu.vector_load %arg6[%get3A_382, %get3A_383] {strides = array<i32>} : memref<2x128xi32, #tpu.memory_space<vmem>>, vector<16xi32>,
      %add3A_385 = vector.broadcast %mul3A_29 : i32 to vector<16xi32>
      %add3A_386 = arith.addi %get3A_384, %add3A_385 : vector<16xi32>
      %swap3A_387 = arith.constant 0 : i32
      %swap3A_388 = arith.index_cast %swap3A_387 : i32 to index
      %swap3A_389 = arith.constant 0 : index
      %swap3A_390 = tpu.vector_load %arg6[%swap3A_388, %swap3A_389] {strides = array<i32>} : memref<2x128xi32, #tpu.memory_space<vmem>>, vector<16xi32>,
      tpu.vector_store %arg6[%swap3A_388, %swap3A_389], %add3A_386 {strides = array<i32>} : memref<2x128xi32, #tpu.memory_space<vmem>>, vector<16xi32>,
      %get3A_391 = arith.constant 0 : i32
      %get3A_392 = arith.index_cast %get3A_391 : i32 to index
      %get3A_393 = arith.constant 16 : index
      %get3A_394 = tpu.vector_load %arg6[%get3A_392, %get3A_393] {strides = array<i32>} : memref<2x128xi32, #tpu.memory_space<vmem>>, vector<16xi32>,
      %add3A_395 = vector.broadcast %mul3A_29 : i32 to vector<16xi32>
      %add3A_396 = arith.addi %get3A_394, %add3A_395 : vector<16xi32>
      %swap3A_397 = arith.constant 0 : i32
      %swap3A_398 = arith.index_cast %swap3A_397 : i32 to index
      %swap3A_399 = arith.constant 16 : index
      %swap3A_400 = tpu.vector_load %arg6[%swap3A_398, %swap3A_399] {strides = array<i32>} : memref<2x128xi32, #tpu.memory_space<vmem>>, vector<16xi32>,
      tpu.vector_store %arg6[%swap3A_398, %swap3A_399], %add3A_396 {strides = array<i32>} : memref<2x128xi32, #tpu.memory_space<vmem>>, vector<16xi32>,
      %get3A_401 = arith.constant 0 : i32
      %get3A_402 = arith.index_cast %get3A_401 : i32 to index
      %get3A_403 = arith.constant 32 : index
      %get3A_404 = tpu.vector_load %arg6[%get3A_402, %get3A_403] {strides = array<i32>} : memref<2x128xi32, #tpu.memory_space<vmem>>, vector<16xi32>,
      %add3A_405 = vector.broadcast %mul3A_29 : i32 to vector<16xi32>
      %add3A_406 = arith.addi %get3A_404, %add3A_405 : vector<16xi32>
      %swap3A_407 = arith.constant 0 : i32
      %swap3A_408 = arith.index_cast %swap3A_407 : i32 to index
      %swap3A_409 = arith.constant 32 : index
      %swap3A_410 = tpu.vector_load %arg6[%swap3A_408, %swap3A_409] {strides = array<i32>} : memref<2x128xi32, #tpu.memory_space<vmem>>, vector<16xi32>,
      tpu.vector_store %arg6[%swap3A_408, %swap3A_409], %add3A_406 {strides = array<i32>} : memref<2x128xi32, #tpu.memory_space<vmem>>, vector<16xi32>,
      %get3A_411 = arith.constant 0 : i32
      %get3A_412 = arith.index_cast %get3A_411 : i32 to index
      %get3A_413 = arith.constant 48 : index
      %get3A_414 = tpu.vector_load %arg6[%get3A_412, %get3A_413] {strides = array<i32>} : memref<2x128xi32, #tpu.memory_space<vmem>>, vector<16xi32>,
      %add3A_415 = vector.broadcast %mul3A_29 : i32 to vector<16xi32>
      %add3A_416 = arith.addi %get3A_414, %add3A_415 : vector<16xi32>
      %swap3A_417 = arith.constant 0 : i32
      %swap3A_418 = arith.index_cast %swap3A_417 : i32 to index
      %swap3A_419 = arith.constant 48 : index
      %swap3A_420 = tpu.vector_load %arg6[%swap3A_418, %swap3A_419] {strides = array<i32>} : memref<2x128xi32, #tpu.memory_space<vmem>>, vector<16xi32>,
      tpu.vector_store %arg6[%swap3A_418, %swap3A_419], %add3A_416 {strides = array<i32>} : memref<2x128xi32, #tpu.memory_space<vmem>>, vector<16xi32>,
      %get3A_421 = arith.constant 0 : i32
      %get3A_422 = arith.index_cast %get3A_421 : i32 to index
      %get3A_423 = arith.constant 64 : index
      %get3A_424 = tpu.vector_load %arg6[%get3A_422, %get3A_423] {strides = array<i32>} : memref<2x128xi32, #tpu.memory_space<vmem>>, vector<16xi32>,
      %add3A_425 = vector.broadcast %mul3A_29 : i32 to vector<16xi32>
      %add3A_426 = arith.addi %get3A_424, %add3A_425 : vector<16xi32>
      %swap3A_427 = arith.constant 0 : i32
      %swap3A_428 = arith.index_cast %swap3A_427 : i32 to index
      %swap3A_429 = arith.constant 64 : index
      %swap3A_430 = tpu.vector_load %arg6[%swap3A_428, %swap3A_429] {strides = array<i32>} : memref<2x128xi32, #tpu.memory_space<vmem>>, vector<16xi32>,
      tpu.vector_store %arg6[%swap3A_428, %swap3A_429], %add3A_426 {strides = array<i32>} : memref<2x128xi32, #tpu.memory_space<vmem>>, vector<16xi32>,
      %get3A_431 = arith.constant 0 : i32
      %get3A_432 = arith.index_cast %get3A_431 : i32 to index
      %get3A_433 = arith.constant 80 : index
      %get3A_434 = tpu.vector_load %arg6[%get3A_432, %get3A_433] {strides = array<i32>} : memref<2x128xi32, #tpu.memory_space<vmem>>, vector<16xi32>,
      %add3A_435 = vector.broadcast %mul3A_29 : i32 to vector<16xi32>
      %add3A_436 = arith.addi %get3A_434, %add3A_435 : vector<16xi32>
      %swap3A_437 = arith.constant 0 : i32
      %swap3A_438 = arith.index_cast %swap3A_437 : i32 to index
      %swap3A_439 = arith.constant 80 : index
      %swap3A_440 = tpu.vector_load %arg6[%swap3A_438, %swap3A_439] {strides = array<i32>} : memref<2x128xi32, #tpu.memory_space<vmem>>, vector<16xi32>,
      tpu.vector_store %arg6[%swap3A_438, %swap3A_439], %add3A_436 {strides = array<i32>} : memref<2x128xi32, #tpu.memory_space<vmem>>, vector<16xi32>,
      %get3A_441 = arith.constant 0 : i32
      %get3A_442 = arith.index_cast %get3A_441 : i32 to index
      %get3A_443 = arith.constant 96 : index
      %get3A_444 = tpu.vector_load %arg6[%get3A_442, %get3A_443] {strides = array<i32>} : memref<2x128xi32, #tpu.memory_space<vmem>>, vector<16xi32>,
      %add3A_445 = vector.broadcast %mul3A_29 : i32 to vector<16xi32>
      %add3A_446 = arith.addi %get3A_444, %add3A_445 : vector<16xi32>
      %swap3A_447 = arith.constant 0 : i32
      %swap3A_448 = arith.index_cast %swap3A_447 : i32 to index
      %swap3A_449 = arith.constant 96 : index
      %swap3A_450 = tpu.vector_load %arg6[%swap3A_448, %swap3A_449] {strides = array<i32>} : memref<2x128xi32, #tpu.memory_space<vmem>>, vector<16xi32>,
      tpu.vector_store %arg6[%swap3A_448, %swap3A_449], %add3A_446 {strides = array<i32>} : memref<2x128xi32, #tpu.memory_space<vmem>>, vector<16xi32>,
      %get3A_451 = arith.constant 0 : i32
      %get3A_452 = arith.index_cast %get3A_451 : i32 to index
      %get3A_453 = arith.constant 112 : index
      %get3A_454 = tpu.vector_load %arg6[%get3A_452, %get3A_453] {strides = array<i32>} : memref<2x128xi32, #tpu.memory_space<vmem>>, vector<16xi32>,
      %add3A_455 = vector.broadcast %mul3A_29 : i32 to vector<16xi32>
      %add3A_456 = arith.addi %get3A_454, %add3A_455 : vector<16xi32>
      %swap3A_457 = arith.constant 0 : i32
      %swap3A_458 = arith.index_cast %swap3A_457 : i32 to index
      %swap3A_459 = arith.constant 112 : index
      %swap3A_460 = tpu.vector_load %arg6[%swap3A_458, %swap3A_459] {strides = array<i32>} : memref<2x128xi32, #tpu.memory_space<vmem>>, vector<16xi32>,
      tpu.vector_store %arg6[%swap3A_458, %swap3A_459], %add3A_456 {strides = array<i32>} : memref<2x128xi32, #tpu.memory_space<vmem>>, vector<16xi32>,
      %dma_start3A_461 = arith.constant 0 : i32
      %dma_start3A_462 = arith.constant 0 : i32
      %dma_start3A_463 = arith.constant 0 : i32
      %dma_start3A_464 = arith.constant 0 : i32
      %dma_start3A_465 = tpu.memref_slice %arg8[%dma_start3A_462, %dma_start3A_463, %dma_start3A_464] : memref<2x128x128xf32, #tpu.memory_space<vmem>> -> memref<1x128x128xf32, #tpu.memory_space<vmem>>
      %dma_start3A_466 = tpu.memref_squeeze %dma_start3A_465 : memref<1x128x128xf32, #tpu.memory_space<vmem>> -> memref<128x128xf32, #tpu.memory_space<vmem>>
      %dma_start3A_467 = arith.constant 0 : i32
      %dma_start3A_468 = tpu.memref_slice %arg6[%dma_start3A_461, %dma_start3A_467] : memref<2x128xi32, #tpu.memory_space<vmem>> -> memref<1x128xi32, #tpu.memory_space<vmem>>
      %dma_start3A_469 = tpu.memref_squeeze %dma_start3A_468 : memref<1x128xi32, #tpu.memory_space<vmem>> -> memref<128xi32, #tpu.memory_space<vmem>>
      %dma_start3A_470 = arith.constant 0 : i32
      %dma_start3A_471 = arith.constant 0 : i32
      %dma_start3A_472 = tpu.memref_slice %arg2[%dma_start3A_470, %dma_start3A_471] : memref<20480x128xf32, #tpu.memory_space<hbm>> -> memref<20480x128xf32, #tpu.memory_space<hbm>>
      tpu.enqueue_indirect_dma source(%dma_start3A_472 : memref<20480x128xf32, #tpu.memory_space<hbm>>) target(%dma_start3A_466 : memref<128x128xf32, #tpu.memory_space<vmem>>) offsets(%dma_start3A_469 : memref<128xi32, #tpu.memory_space<vmem>>) semaphore(%arg10 : memref<!tpu.dma_semaphore, #tpu.memory_space<semaphore_mem>>)
      %add3A_473 = arith.constant 1 : i32
      %add3A_474 = arith.addi %add3A_260, %add3A_473 : i32
      %dma_wait3A_475 = arith.constant 1 : i32
      %dma_wait3A_476 = arith.constant 1 : i32
      %dma_wait3A_477 = arith.constant 0 : i32
      %dma_wait3A_478 = arith.constant 0 : i32
      %dma_wait3A_479 = tpu.memref_slice %arg8[%dma_wait3A_476, %dma_wait3A_477, %dma_wait3A_478] : memref<2x128x128xf32, #tpu.memory_space<vmem>> -> memref<1x128x128xf32, #tpu.memory_space<vmem>>
      %dma_wait3A_480 = tpu.memref_squeeze %dma_wait3A_479 : memref<1x128x128xf32, #tpu.memory_space<vmem>> -> memref<128x128xf32, #tpu.memory_space<vmem>>
      %dma_wait3A_481 = arith.constant 0 : i32
      %dma_wait3A_482 = tpu.memref_slice %arg6[%dma_wait3A_475, %dma_wait3A_481] : memref<2x128xi32, #tpu.memory_space<vmem>> -> memref<1x128xi32, #tpu.memory_space<vmem>>
      %dma_wait3A_483 = tpu.memref_squeeze %dma_wait3A_482 : memref<1x128xi32, #tpu.memory_space<vmem>> -> memref<128xi32, #tpu.memory_space<vmem>>
      %dma_wait3A_484 = arith.constant 0 : i32
      %dma_wait3A_485 = arith.constant 0 : i32
      %dma_wait3A_486 = tpu.memref_slice %arg2[%dma_wait3A_484, %dma_wait3A_485] : memref<20480x128xf32, #tpu.memory_space<hbm>> -> memref<20480x128xf32, #tpu.memory_space<hbm>>
      tpu.wait_indirect_dma semaphore(%arg11 : memref<!tpu.dma_semaphore, #tpu.memory_space<semaphore_mem>>) src(%dma_wait3A_486 : memref<20480x128xf32, #tpu.memory_space<hbm>>) dst(%dma_wait3A_480 : memref<128x128xf32, #tpu.memory_space<vmem>>)
      %run_scoped3A_487 = arith.constant 1 : i32
      %run_scoped3A_488 = arith.constant 1 : i32
      "tpu.region"() ({
        %run_scoped3A_489 = tpu.sem_alloc : memref<!tpu.dma_semaphore, #tpu.memory_space<semaphore_mem>>
        %dma_start3A_490 = arith.constant 0 : i32
        %dma_start3A_491 = arith.constant 0 : i32
        %dma_start3A_492 = tpu.memref_slice %arg8[%run_scoped3A_487, %dma_start3A_490, %dma_start3A_491] : memref<2x128x128xf32, #tpu.memory_space<vmem>> -> memref<1x128x128xf32, #tpu.memory_space<vmem>>
        %dma_start3A_493 = tpu.memref_squeeze %dma_start3A_492 : memref<1x128x128xf32, #tpu.memory_space<vmem>> -> memref<128x128xf32, #tpu.memory_space<vmem>>
        %dma_start3A_494 = arith.constant 0 : i32
        %dma_start3A_495 = tpu.memref_slice %arg7[%run_scoped3A_488, %dma_start3A_494] : memref<2x128xi32, #tpu.memory_space<vmem>> -> memref<1x128xi32, #tpu.memory_space<vmem>>
        %dma_start3A_496 = tpu.memref_squeeze %dma_start3A_495 : memref<1x128xi32, #tpu.memory_space<vmem>> -> memref<128xi32, #tpu.memory_space<vmem>>
        %dma_start3A_497 = arith.constant 0 : i32
        %dma_start3A_498 = arith.constant 0 : i32
        %dma_start3A_499 = tpu.memref_slice %arg9[%dma_start3A_497, %dma_start3A_498] : memref<10240x128xf32, #tpu.memory_space<vmem_shared>> -> memref<10240x128xf32, #tpu.memory_space<vmem_shared>>
        tpu.enqueue_indirect_dma source(%dma_start3A_493 : memref<128x128xf32, #tpu.memory_space<vmem>>) target(%dma_start3A_499 : memref<10240x128xf32, #tpu.memory_space<vmem_shared>>) offsets(%dma_start3A_496 : memref<128xi32, #tpu.memory_space<vmem>>) semaphore(%run_scoped3A_489 : memref<!tpu.dma_semaphore, #tpu.memory_space<semaphore_mem>>) {add = true}
        %dma_wait3A_500 = arith.constant 0 : i32
        %dma_wait3A_501 = arith.constant 0 : i32
        %dma_wait3A_502 = tpu.memref_slice %arg8[%run_scoped3A_487, %dma_wait3A_500, %dma_wait3A_501] : memref<2x128x128xf32, #tpu.memory_space<vmem>> -> memref<1x128x128xf32, #tpu.memory_space<vmem>>
        %dma_wait3A_503 = tpu.memref_squeeze %dma_wait3A_502 : memref<1x128x128xf32, #tpu.memory_space<vmem>> -> memref<128x128xf32, #tpu.memory_space<vmem>>
        %dma_wait3A_504 = arith.constant 0 : i32
        %dma_wait3A_505 = tpu.memref_slice %arg7[%run_scoped3A_488, %dma_wait3A_504] : memref<2x128xi32, #tpu.memory_space<vmem>> -> memref<1x128xi32, #tpu.memory_space<vmem>>
        %dma_wait3A_506 = tpu.memref_squeeze %dma_wait3A_505 : memref<1x128xi32, #tpu.memory_space<vmem>> -> memref<128xi32, #tpu.memory_space<vmem>>
        %dma_wait3A_507 = arith.constant 0 : i32
        %dma_wait3A_508 = arith.constant 0 : i32
        %dma_wait3A_509 = tpu.memref_slice %arg9[%dma_wait3A_507, %dma_wait3A_508] : memref<10240x128xf32, #tpu.memory_space<vmem_shared>> -> memref<10240x128xf32, #tpu.memory_space<vmem_shared>>
        tpu.wait_indirect_dma semaphore(%run_scoped3A_489 : memref<!tpu.dma_semaphore, #tpu.memory_space<semaphore_mem>>) src(%dma_wait3A_503 : memref<128x128xf32, #tpu.memory_space<vmem>>) dst(%dma_wait3A_509 : memref<10240x128xf32, #tpu.memory_space<vmem_shared>>)
        tpu.yield
      }) : () -> ()
    }
    %scan3A_127 = arith.constant 39 : i32
    %add3A_128 = arith.constant 10112 : i32
    %add3A_129 = arith.addi %mul3A_0, %add3A_128 : i32
    %run_scoped3A_130 = arith.constant 1 : i32
    "tpu.region"() ({
      %run_scoped3A_256 = tpu.sem_alloc : memref<!tpu.dma_semaphore, #tpu.memory_space<semaphore_mem>>
      %dma_start3A_257 = arith.constant 0 : i32
      %dma_start3A_258 = tpu.memref_slice %arg6[%run_scoped3A_130, %dma_start3A_257] : memref<2x128xi32, #tpu.memory_space<vmem>> -> memref<1x128xi32, #tpu.memory_space<vmem>>
      %dma_start3A_259 = tpu.memref_squeeze %dma_start3A_258 : memref<1x128xi32, #tpu.memory_space<vmem>> -> memref<128xi32, #tpu.memory_space<vmem>>
      %dma_start3A_260 = tpu.memref_slice %arg3[%add3A_129] : memref<163840xi32, #tpu.memory_space<hbm>> -> memref<128xi32, #tpu.memory_space<hbm>>
      %dma_start3A_261 = arith.constant 0 : i32
      %dma_start3A_262 = tpu.memref_slice %arg6[%run_scoped3A_130, %dma_start3A_261] : memref<2x128xi32, #tpu.memory_space<vmem>> -> memref<1x128xi32, #tpu.memory_space<vmem>>
      %dma_start3A_263 = tpu.memref_squeeze %dma_start3A_262 : memref<1x128xi32, #tpu.memory_space<vmem>> -> memref<128xi32, #tpu.memory_space<vmem>>
      %dma_start3A_264 = tpu.memref_slice %arg3[%add3A_129] : memref<163840xi32, #tpu.memory_space<hbm>> -> memref<128xi32, #tpu.memory_space<hbm>>
      tpu.enqueue_dma source(%dma_start3A_264 : memref<128xi32, #tpu.memory_space<hbm>>) target(%dma_start3A_263 : memref<128xi32, #tpu.memory_space<vmem>>) target_semaphore(%run_scoped3A_256 : memref<!tpu.dma_semaphore, #tpu.memory_space<semaphore_mem>>)
      %dma_wait3A_265 = arith.constant 0 : i32
      %dma_wait3A_266 = tpu.memref_slice %arg6[%run_scoped3A_130, %dma_wait3A_265] : memref<2x128xi32, #tpu.memory_space<vmem>> -> memref<1x128xi32, #tpu.memory_space<vmem>>
      %dma_wait3A_267 = tpu.memref_squeeze %dma_wait3A_266 : memref<1x128xi32, #tpu.memory_space<vmem>> -> memref<128xi32, #tpu.memory_space<vmem>>
      %dma_wait3A_268 = tpu.memref_slice %arg3[%add3A_129] : memref<163840xi32, #tpu.memory_space<hbm>> -> memref<128xi32, #tpu.memory_space<hbm>>
      %dma_wait3A_269 = arith.constant 0 : i32
      %dma_wait3A_270 = tpu.memref_slice %arg6[%run_scoped3A_130, %dma_wait3A_269] : memref<2x128xi32, #tpu.memory_space<vmem>> -> memref<1x128xi32, #tpu.memory_space<vmem>>
      %dma_wait3A_271 = tpu.memref_squeeze %dma_wait3A_270 : memref<1x128xi32, #tpu.memory_space<vmem>> -> memref<128xi32, #tpu.memory_space<vmem>>
      %dma_wait3A_272 = tpu.memref_slice %arg3[%add3A_129] : memref<163840xi32, #tpu.memory_space<hbm>> -> memref<128xi32, #tpu.memory_space<hbm>>
      tpu.wait_dma2 semaphore(%run_scoped3A_256 : memref<!tpu.dma_semaphore, #tpu.memory_space<semaphore_mem>>) src(%dma_wait3A_272 : memref<128xi32, #tpu.memory_space<hbm>>) dst(%dma_wait3A_271 : memref<128xi32, #tpu.memory_space<vmem>>)
      tpu.yield
    }) : () -> ()
    %run_scoped3A_131 = arith.constant 1 : i32
    "tpu.region"() ({
      %run_scoped3A_256 = tpu.sem_alloc : memref<!tpu.dma_semaphore, #tpu.memory_space<semaphore_mem>>
      %dma_start3A_257 = arith.constant 0 : i32
      %dma_start3A_258 = tpu.memref_slice %arg7[%run_scoped3A_131, %dma_start3A_257] : memref<2x128xi32, #tpu.memory_space<vmem>> -> memref<1x128xi32, #tpu.memory_space<vmem>>
      %dma_start3A_259 = tpu.memref_squeeze %dma_start3A_258 : memref<1x128xi32, #tpu.memory_space<vmem>> -> memref<128xi32, #tpu.memory_space<vmem>>
      %dma_start3A_260 = tpu.memref_slice %arg4[%add3A_129] : memref<163840xi32, #tpu.memory_space<hbm>> -> memref<128xi32, #tpu.memory_space<hbm>>
      %dma_start3A_261 = arith.constant 0 : i32
      %dma_start3A_262 = tpu.memref_slice %arg7[%run_scoped3A_131, %dma_start3A_261] : memref<2x128xi32, #tpu.memory_space<vmem>> -> memref<1x128xi32, #tpu.memory_space<vmem>>
      %dma_start3A_263 = tpu.memref_squeeze %dma_start3A_262 : memref<1x128xi32, #tpu.memory_space<vmem>> -> memref<128xi32, #tpu.memory_space<vmem>>
      %dma_start3A_264 = tpu.memref_slice %arg4[%add3A_129] : memref<163840xi32, #tpu.memory_space<hbm>> -> memref<128xi32, #tpu.memory_space<hbm>>
      tpu.enqueue_dma source(%dma_start3A_264 : memref<128xi32, #tpu.memory_space<hbm>>) target(%dma_start3A_263 : memref<128xi32, #tpu.memory_space<vmem>>) target_semaphore(%run_scoped3A_256 : memref<!tpu.dma_semaphore, #tpu.memory_space<semaphore_mem>>)
      %dma_wait3A_265 = arith.constant 0 : i32
      %dma_wait3A_266 = tpu.memref_slice %arg7[%run_scoped3A_131, %dma_wait3A_265] : memref<2x128xi32, #tpu.memory_space<vmem>> -> memref<1x128xi32, #tpu.memory_space<vmem>>
      %dma_wait3A_267 = tpu.memref_squeeze %dma_wait3A_266 : memref<1x128xi32, #tpu.memory_space<vmem>> -> memref<128xi32, #tpu.memory_space<vmem>>
      %dma_wait3A_268 = tpu.memref_slice %arg4[%add3A_129] : memref<163840xi32, #tpu.memory_space<hbm>> -> memref<128xi32, #tpu.memory_space<hbm>>
      %dma_wait3A_269 = arith.constant 0 : i32
      %dma_wait3A_270 = tpu.memref_slice %arg7[%run_scoped3A_131, %dma_wait3A_269] : memref<2x128xi32, #tpu.memory_space<vmem>> -> memref<1x128xi32, #tpu.memory_space<vmem>>
      %dma_wait3A_271 = tpu.memref_squeeze %dma_wait3A_270 : memref<1x128xi32, #tpu.memory_space<vmem>> -> memref<128xi32, #tpu.memory_space<vmem>>
      %dma_wait3A_272 = tpu.memref_slice %arg4[%add3A_129] : memref<163840xi32, #tpu.memory_space<hbm>> -> memref<128xi32, #tpu.memory_space<hbm>>
      tpu.wait_dma2 semaphore(%run_scoped3A_256 : memref<!tpu.dma_semaphore, #tpu.memory_space<semaphore_mem>>) src(%dma_wait3A_272 : memref<128xi32, #tpu.memory_space<hbm>>) dst(%dma_wait3A_271 : memref<128xi32, #tpu.memory_space<vmem>>)
      tpu.yield
    }) : () -> ()
    %get3A_132 = arith.constant 1 : i32
    %get3A_133 = arith.index_cast %get3A_132 : i32 to index
    %get3A_134 = arith.constant 0 : index
    %get3A_135 = tpu.vector_load %arg6[%get3A_133, %get3A_134] {strides = array<i32>} : memref<2x128xi32, #tpu.memory_space<vmem>>, vector<16xi32>,
    %add3A_136 = vector.broadcast %mul3A_29 : i32 to vector<16xi32>
    %add3A_137 = arith.addi %get3A_135, %add3A_136 : vector<16xi32>
    %swap3A_138 = arith.constant 1 : i32
    %swap3A_139 = arith.index_cast %swap3A_138 : i32 to index
    %swap3A_140 = arith.constant 0 : index
    %swap3A_141 = tpu.vector_load %arg6[%swap3A_139, %swap3A_140] {strides = array<i32>} : memref<2x128xi32, #tpu.memory_space<vmem>>, vector<16xi32>,
    tpu.vector_store %arg6[%swap3A_139, %swap3A_140], %add3A_137 {strides = array<i32>} : memref<2x128xi32, #tpu.memory_space<vmem>>, vector<16xi32>,
    %get3A_142 = arith.constant 1 : i32
    %get3A_143 = arith.index_cast %get3A_142 : i32 to index
    %get3A_144 = arith.constant 16 : index
    %get3A_145 = tpu.vector_load %arg6[%get3A_143, %get3A_144] {strides = array<i32>} : memref<2x128xi32, #tpu.memory_space<vmem>>, vector<16xi32>,
    %add3A_146 = vector.broadcast %mul3A_29 : i32 to vector<16xi32>
    %add3A_147 = arith.addi %get3A_145, %add3A_146 : vector<16xi32>
    %swap3A_148 = arith.constant 1 : i32
    %swap3A_149 = arith.index_cast %swap3A_148 : i32 to index
    %swap3A_150 = arith.constant 16 : index
    %swap3A_151 = tpu.vector_load %arg6[%swap3A_149, %swap3A_150] {strides = array<i32>} : memref<2x128xi32, #tpu.memory_space<vmem>>, vector<16xi32>,
    tpu.vector_store %arg6[%swap3A_149, %swap3A_150], %add3A_147 {strides = array<i32>} : memref<2x128xi32, #tpu.memory_space<vmem>>, vector<16xi32>,
    %get3A_152 = arith.constant 1 : i32
    %get3A_153 = arith.index_cast %get3A_152 : i32 to index
    %get3A_154 = arith.constant 32 : index
    %get3A_155 = tpu.vector_load %arg6[%get3A_153, %get3A_154] {strides = array<i32>} : memref<2x128xi32, #tpu.memory_space<vmem>>, vector<16xi32>,
    %add3A_156 = vector.broadcast %mul3A_29 : i32 to vector<16xi32>
    %add3A_157 = arith.addi %get3A_155, %add3A_156 : vector<16xi32>
    %swap3A_158 = arith.constant 1 : i32
    %swap3A_159 = arith.index_cast %swap3A_158 : i32 to index
    %swap3A_160 = arith.constant 32 : index
    %swap3A_161 = tpu.vector_load %arg6[%swap3A_159, %swap3A_160] {strides = array<i32>} : memref<2x128xi32, #tpu.memory_space<vmem>>, vector<16xi32>,
    tpu.vector_store %arg6[%swap3A_159, %swap3A_160], %add3A_157 {strides = array<i32>} : memref<2x128xi32, #tpu.memory_space<vmem>>, vector<16xi32>,
    %get3A_162 = arith.constant 1 : i32
    %get3A_163 = arith.index_cast %get3A_162 : i32 to index
    %get3A_164 = arith.constant 48 : index
    %get3A_165 = tpu.vector_load %arg6[%get3A_163, %get3A_164] {strides = array<i32>} : memref<2x128xi32, #tpu.memory_space<vmem>>, vector<16xi32>,
    %add3A_166 = vector.broadcast %mul3A_29 : i32 to vector<16xi32>
    %add3A_167 = arith.addi %get3A_165, %add3A_166 : vector<16xi32>
    %swap3A_168 = arith.constant 1 : i32
    %swap3A_169 = arith.index_cast %swap3A_168 : i32 to index
    %swap3A_170 = arith.constant 48 : index
    %swap3A_171 = tpu.vector_load %arg6[%swap3A_169, %swap3A_170] {strides = array<i32>} : memref<2x128xi32, #tpu.memory_space<vmem>>, vector<16xi32>,
    tpu.vector_store %arg6[%swap3A_169, %swap3A_170], %add3A_167 {strides = array<i32>} : memref<2x128xi32, #tpu.memory_space<vmem>>, vector<16xi32>,
    %get3A_172 = arith.constant 1 : i32
    %get3A_173 = arith.index_cast %get3A_172 : i32 to index
    %get3A_174 = arith.constant 64 : index
    %get3A_175 = tpu.vector_load %arg6[%get3A_173, %get3A_174] {strides = array<i32>} : memref<2x128xi32, #tpu.memory_space<vmem>>, vector<16xi32>,
    %add3A_176 = vector.broadcast %mul3A_29 : i32 to vector<16xi32>
    %add3A_177 = arith.addi %get3A_175, %add3A_176 : vector<16xi32>
    %swap3A_178 = arith.constant 1 : i32
    %swap3A_179 = arith.index_cast %swap3A_178 : i32 to index
    %swap3A_180 = arith.constant 64 : index
    %swap3A_181 = tpu.vector_load %arg6[%swap3A_179, %swap3A_180] {strides = array<i32>} : memref<2x128xi32, #tpu.memory_space<vmem>>, vector<16xi32>,
    tpu.vector_store %arg6[%swap3A_179, %swap3A_180], %add3A_177 {strides = array<i32>} : memref<2x128xi32, #tpu.memory_space<vmem>>, vector<16xi32>,
    %get3A_182 = arith.constant 1 : i32
    %get3A_183 = arith.index_cast %get3A_182 : i32 to index
    %get3A_184 = arith.constant 80 : index
    %get3A_185 = tpu.vector_load %arg6[%get3A_183, %get3A_184] {strides = array<i32>} : memref<2x128xi32, #tpu.memory_space<vmem>>, vector<16xi32>,
    %add3A_186 = vector.broadcast %mul3A_29 : i32 to vector<16xi32>
    %add3A_187 = arith.addi %get3A_185, %add3A_186 : vector<16xi32>
    %swap3A_188 = arith.constant 1 : i32
    %swap3A_189 = arith.index_cast %swap3A_188 : i32 to index
    %swap3A_190 = arith.constant 80 : index
    %swap3A_191 = tpu.vector_load %arg6[%swap3A_189, %swap3A_190] {strides = array<i32>} : memref<2x128xi32, #tpu.memory_space<vmem>>, vector<16xi32>,
    tpu.vector_store %arg6[%swap3A_189, %swap3A_190], %add3A_187 {strides = array<i32>} : memref<2x128xi32, #tpu.memory_space<vmem>>, vector<16xi32>,
    %get3A_192 = arith.constant 1 : i32
    %get3A_193 = arith.index_cast %get3A_192 : i32 to index
    %get3A_194 = arith.constant 96 : index
    %get3A_195 = tpu.vector_load %arg6[%get3A_193, %get3A_194] {strides = array<i32>} : memref<2x128xi32, #tpu.memory_space<vmem>>, vector<16xi32>,
    %add3A_196 = vector.broadcast %mul3A_29 : i32 to vector<16xi32>
    %add3A_197 = arith.addi %get3A_195, %add3A_196 : vector<16xi32>
    %swap3A_198 = arith.constant 1 : i32
    %swap3A_199 = arith.index_cast %swap3A_198 : i32 to index
    %swap3A_200 = arith.constant 96 : index
    %swap3A_201 = tpu.vector_load %arg6[%swap3A_199, %swap3A_200] {strides = array<i32>} : memref<2x128xi32, #tpu.memory_space<vmem>>, vector<16xi32>,
    tpu.vector_store %arg6[%swap3A_199, %swap3A_200], %add3A_197 {strides = array<i32>} : memref<2x128xi32, #tpu.memory_space<vmem>>, vector<16xi32>,
    %get3A_202 = arith.constant 1 : i32
    %get3A_203 = arith.index_cast %get3A_202 : i32 to index
    %get3A_204 = arith.constant 112 : index
    %get3A_205 = tpu.vector_load %arg6[%get3A_203, %get3A_204] {strides = array<i32>} : memref<2x128xi32, #tpu.memory_space<vmem>>, vector<16xi32>,
    %add3A_206 = vector.broadcast %mul3A_29 : i32 to vector<16xi32>
    %add3A_207 = arith.addi %get3A_205, %add3A_206 : vector<16xi32>
    %swap3A_208 = arith.constant 1 : i32
    %swap3A_209 = arith.index_cast %swap3A_208 : i32 to index
    %swap3A_210 = arith.constant 112 : index
    %swap3A_211 = tpu.vector_load %arg6[%swap3A_209, %swap3A_210] {strides = array<i32>} : memref<2x128xi32, #tpu.memory_space<vmem>>, vector<16xi32>,
    tpu.vector_store %arg6[%swap3A_209, %swap3A_210], %add3A_207 {strides = array<i32>} : memref<2x128xi32, #tpu.memory_space<vmem>>, vector<16xi32>,
    %dma_start3A_212 = arith.constant 1 : i32
    %dma_start3A_213 = arith.constant 1 : i32
    %dma_start3A_214 = arith.constant 0 : i32
    %dma_start3A_215 = arith.constant 0 : i32
    %dma_start3A_216 = tpu.memref_slice %arg8[%dma_start3A_213, %dma_start3A_214, %dma_start3A_215] : memref<2x128x128xf32, #tpu.memory_space<vmem>> -> memref<1x128x128xf32, #tpu.memory_space<vmem>>
    %dma_start3A_217 = tpu.memref_squeeze %dma_start3A_216 : memref<1x128x128xf32, #tpu.memory_space<vmem>> -> memref<128x128xf32, #tpu.memory_space<vmem>>
    %dma_start3A_218 = arith.constant 0 : i32
    %dma_start3A_219 = tpu.memref_slice %arg6[%dma_start3A_212, %dma_start3A_218] : memref<2x128xi32, #tpu.memory_space<vmem>> -> memref<1x128xi32, #tpu.memory_space<vmem>>
    %dma_start3A_220 = tpu.memref_squeeze %dma_start3A_219 : memref<1x128xi32, #tpu.memory_space<vmem>> -> memref<128xi32, #tpu.memory_space<vmem>>
    %dma_start3A_221 = arith.constant 0 : i32
    %dma_start3A_222 = arith.constant 0 : i32
    %dma_start3A_223 = tpu.memref_slice %arg2[%dma_start3A_221, %dma_start3A_222] : memref<20480x128xf32, #tpu.memory_space<hbm>> -> memref<20480x128xf32, #tpu.memory_space<hbm>>
    tpu.enqueue_indirect_dma source(%dma_start3A_223 : memref<20480x128xf32, #tpu.memory_space<hbm>>) target(%dma_start3A_217 : memref<128x128xf32, #tpu.memory_space<vmem>>) offsets(%dma_start3A_220 : memref<128xi32, #tpu.memory_space<vmem>>) semaphore(%arg11 : memref<!tpu.dma_semaphore, #tpu.memory_space<semaphore_mem>>)
    %dma_wait3A = arith.constant 0 : i32
    %dma_wait3A_224 = arith.constant 0 : i32
    %dma_wait3A_225 = arith.constant 0 : i32
    %dma_wait3A_226 = arith.constant 0 : i32
    %dma_wait3A_227 = tpu.memref_slice %arg8[%dma_wait3A_224, %dma_wait3A_225, %dma_wait3A_226] : memref<2x128x128xf32, #tpu.memory_space<vmem>> -> memref<1x128x128xf32, #tpu.memory_space<vmem>>
    %dma_wait3A_228 = tpu.memref_squeeze %dma_wait3A_227 : memref<1x128x128xf32, #tpu.memory_space<vmem>> -> memref<128x128xf32, #tpu.memory_space<vmem>>
    %dma_wait3A_229 = arith.constant 0 : i32
    %dma_wait3A_230 = tpu.memref_slice %arg6[%dma_wait3A, %dma_wait3A_229] : memref<2x128xi32, #tpu.memory_space<vmem>> -> memref<1x128xi32, #tpu.memory_space<vmem>>
    %dma_wait3A_231 = tpu.memref_squeeze %dma_wait3A_230 : memref<1x128xi32, #tpu.memory_space<vmem>> -> memref<128xi32, #tpu.memory_space<vmem>>
    %dma_wait3A_232 = arith.constant 0 : i32
    %dma_wait3A_233 = arith.constant 0 : i32
    %dma_wait3A_234 = tpu.memref_slice %arg2[%dma_wait3A_232, %dma_wait3A_233] : memref<20480x128xf32, #tpu.memory_space<hbm>> -> memref<20480x128xf32, #tpu.memory_space<hbm>>
    tpu.wait_indirect_dma semaphore(%arg10 : memref<!tpu.dma_semaphore, #tpu.memory_space<semaphore_mem>>) src(%dma_wait3A_234 : memref<20480x128xf32, #tpu.memory_space<hbm>>) dst(%dma_wait3A_228 : memref<128x128xf32, #tpu.memory_space<vmem>>)
    %run_scoped3A_235 = arith.constant 0 : i32
    %run_scoped3A_236 = arith.constant 0 : i32
    "tpu.region"() ({
      %run_scoped3A_256 = tpu.sem_alloc : memref<!tpu.dma_semaphore, #tpu.memory_space<semaphore_mem>>
      %dma_start3A_257 = arith.constant 0 : i32
      %dma_start3A_258 = arith.constant 0 : i32
      %dma_start3A_259 = tpu.memref_slice %arg8[%run_scoped3A_235, %dma_start3A_257, %dma_start3A_258] : memref<2x128x128xf32, #tpu.memory_space<vmem>> -> memref<1x128x128xf32, #tpu.memory_space<vmem>>
      %dma_start3A_260 = tpu.memref_squeeze %dma_start3A_259 : memref<1x128x128xf32, #tpu.memory_space<vmem>> -> memref<128x128xf32, #tpu.memory_space<vmem>>
      %dma_start3A_261 = arith.constant 0 : i32
      %dma_start3A_262 = tpu.memref_slice %arg7[%run_scoped3A_236, %dma_start3A_261] : memref<2x128xi32, #tpu.memory_space<vmem>> -> memref<1x128xi32, #tpu.memory_space<vmem>>
      %dma_start3A_263 = tpu.memref_squeeze %dma_start3A_262 : memref<1x128xi32, #tpu.memory_space<vmem>> -> memref<128xi32, #tpu.memory_space<vmem>>
      %dma_start3A_264 = arith.constant 0 : i32
      %dma_start3A_265 = arith.constant 0 : i32
      %dma_start3A_266 = tpu.memref_slice %arg9[%dma_start3A_264, %dma_start3A_265] : memref<10240x128xf32, #tpu.memory_space<vmem_shared>> -> memref<10240x128xf32, #tpu.memory_space<vmem_shared>>
      tpu.enqueue_indirect_dma source(%dma_start3A_260 : memref<128x128xf32, #tpu.memory_space<vmem>>) target(%dma_start3A_266 : memref<10240x128xf32, #tpu.memory_space<vmem_shared>>) offsets(%dma_start3A_263 : memref<128xi32, #tpu.memory_space<vmem>>) semaphore(%run_scoped3A_256 : memref<!tpu.dma_semaphore, #tpu.memory_space<semaphore_mem>>) {add = true}
      %dma_wait3A_267 = arith.constant 0 : i32
      %dma_wait3A_268 = arith.constant 0 : i32
      %dma_wait3A_269 = tpu.memref_slice %arg8[%run_scoped3A_235, %dma_wait3A_267, %dma_wait3A_268] : memref<2x128x128xf32, #tpu.memory_space<vmem>> -> memref<1x128x128xf32, #tpu.memory_space<vmem>>
      %dma_wait3A_270 = tpu.memref_squeeze %dma_wait3A_269 : memref<1x128x128xf32, #tpu.memory_space<vmem>> -> memref<128x128xf32, #tpu.memory_space<vmem>>
      %dma_wait3A_271 = arith.constant 0 : i32
      %dma_wait3A_272 = tpu.memref_slice %arg7[%run_scoped3A_236, %dma_wait3A_271] : memref<2x128xi32, #tpu.memory_space<vmem>> -> memref<1x128xi32, #tpu.memory_space<vmem>>
      %dma_wait3A_273 = tpu.memref_squeeze %dma_wait3A_272 : memref<1x128xi32, #tpu.memory_space<vmem>> -> memref<128xi32, #tpu.memory_space<vmem>>
      %dma_wait3A_274 = arith.constant 0 : i32
      %dma_wait3A_275 = arith.constant 0 : i32
      %dma_wait3A_276 = tpu.memref_slice %arg9[%dma_wait3A_274, %dma_wait3A_275] : memref<10240x128xf32, #tpu.memory_space<vmem_shared>> -> memref<10240x128xf32, #tpu.memory_space<vmem_shared>>
      tpu.wait_indirect_dma semaphore(%run_scoped3A_256 : memref<!tpu.dma_semaphore, #tpu.memory_space<semaphore_mem>>) src(%dma_wait3A_270 : memref<128x128xf32, #tpu.memory_space<vmem>>) dst(%dma_wait3A_276 : memref<10240x128xf32, #tpu.memory_space<vmem_shared>>)
      tpu.yield
    }) : () -> ()
    %dma_wait3A_237 = arith.constant 1 : i32
    %dma_wait3A_238 = arith.constant 1 : i32
    %dma_wait3A_239 = arith.constant 0 : i32
    %dma_wait3A_240 = arith.constant 0 : i32
    %dma_wait3A_241 = tpu.memref_slice %arg8[%dma_wait3A_238, %dma_wait3A_239, %dma_wait3A_240] : memref<2x128x128xf32, #tpu.memory_space<vmem>> -> memref<1x128x128xf32, #tpu.memory_space<vmem>>
    %dma_wait3A_242 = tpu.memref_squeeze %dma_wait3A_241 : memref<1x128x128xf32, #tpu.memory_space<vmem>> -> memref<128x128xf32, #tpu.memory_space<vmem>>
    %dma_wait3A_243 = arith.constant 0 : i32
    %dma_wait3A_244 = tpu.memref_slice %arg6[%dma_wait3A_237, %dma_wait3A_243] : memref<2x128xi32, #tpu.memory_space<vmem>> -> memref<1x128xi32, #tpu.memory_space<vmem>>
    %dma_wait3A_245 = tpu.memref_squeeze %dma_wait3A_244 : memref<1x128xi32, #tpu.memory_space<vmem>> -> memref<128xi32, #tpu.memory_space<vmem>>
    %dma_wait3A_246 = arith.constant 0 : i32
    %dma_wait3A_247 = arith.constant 0 : i32
    %dma_wait3A_248 = tpu.memref_slice %arg2[%dma_wait3A_246, %dma_wait3A_247] : memref<20480x128xf32, #tpu.memory_space<hbm>> -> memref<20480x128xf32, #tpu.memory_space<hbm>>
    tpu.wait_indirect_dma semaphore(%arg11 : memref<!tpu.dma_semaphore, #tpu.memory_space<semaphore_mem>>) src(%dma_wait3A_248 : memref<20480x128xf32, #tpu.memory_space<hbm>>) dst(%dma_wait3A_242 : memref<128x128xf32, #tpu.memory_space<vmem>>)
    %run_scoped3A_249 = arith.constant 1 : i32
    %run_scoped3A_250 = arith.constant 1 : i32
    "tpu.region"() ({
      %run_scoped3A_256 = tpu.sem_alloc : memref<!tpu.dma_semaphore, #tpu.memory_space<semaphore_mem>>
      %dma_start3A_257 = arith.constant 0 : i32
      %dma_start3A_258 = arith.constant 0 : i32
      %dma_start3A_259 = tpu.memref_slice %arg8[%run_scoped3A_249, %dma_start3A_257, %dma_start3A_258] : memref<2x128x128xf32, #tpu.memory_space<vmem>> -> memref<1x128x128xf32, #tpu.memory_space<vmem>>
      %dma_start3A_260 = tpu.memref_squeeze %dma_start3A_259 : memref<1x128x128xf32, #tpu.memory_space<vmem>> -> memref<128x128xf32, #tpu.memory_space<vmem>>
      %dma_start3A_261 = arith.constant 0 : i32
      %dma_start3A_262 = tpu.memref_slice %arg7[%run_scoped3A_250, %dma_start3A_261] : memref<2x128xi32, #tpu.memory_space<vmem>> -> memref<1x128xi32, #tpu.memory_space<vmem>>
      %dma_start3A_263 = tpu.memref_squeeze %dma_start3A_262 : memref<1x128xi32, #tpu.memory_space<vmem>> -> memref<128xi32, #tpu.memory_space<vmem>>
      %dma_start3A_264 = arith.constant 0 : i32
      %dma_start3A_265 = arith.constant 0 : i32
      %dma_start3A_266 = tpu.memref_slice %arg9[%dma_start3A_264, %dma_start3A_265] : memref<10240x128xf32, #tpu.memory_space<vmem_shared>> -> memref<10240x128xf32, #tpu.memory_space<vmem_shared>>
      tpu.enqueue_indirect_dma source(%dma_start3A_260 : memref<128x128xf32, #tpu.memory_space<vmem>>) target(%dma_start3A_266 : memref<10240x128xf32, #tpu.memory_space<vmem_shared>>) offsets(%dma_start3A_263 : memref<128xi32, #tpu.memory_space<vmem>>) semaphore(%run_scoped3A_256 : memref<!tpu.dma_semaphore, #tpu.memory_space<semaphore_mem>>) {add = true}
      %dma_wait3A_267 = arith.constant 0 : i32
      %dma_wait3A_268 = arith.constant 0 : i32
      %dma_wait3A_269 = tpu.memref_slice %arg8[%run_scoped3A_249, %dma_wait3A_267, %dma_wait3A_268] : memref<2x128x128xf32, #tpu.memory_space<vmem>> -> memref<1x128x128xf32, #tpu.memory_space<vmem>>
      %dma_wait3A_270 = tpu.memref_squeeze %dma_wait3A_269 : memref<1x128x128xf32, #tpu.memory_space<vmem>> -> memref<128x128xf32, #tpu.memory_space<vmem>>
      %dma_wait3A_271 = arith.constant 0 : i32
      %dma_wait3A_272 = tpu.memref_slice %arg7[%run_scoped3A_250, %dma_wait3A_271] : memref<2x128xi32, #tpu.memory_space<vmem>> -> memref<1x128xi32, #tpu.memory_space<vmem>>
      %dma_wait3A_273 = tpu.memref_squeeze %dma_wait3A_272 : memref<1x128xi32, #tpu.memory_space<vmem>> -> memref<128xi32, #tpu.memory_space<vmem>>
      %dma_wait3A_274 = arith.constant 0 : i32
      %dma_wait3A_275 = arith.constant 0 : i32
      %dma_wait3A_276 = tpu.memref_slice %arg9[%dma_wait3A_274, %dma_wait3A_275] : memref<10240x128xf32, #tpu.memory_space<vmem_shared>> -> memref<10240x128xf32, #tpu.memory_space<vmem_shared>>
      tpu.wait_indirect_dma semaphore(%run_scoped3A_256 : memref<!tpu.dma_semaphore, #tpu.memory_space<semaphore_mem>>) src(%dma_wait3A_270 : memref<128x128xf32, #tpu.memory_space<vmem>>) dst(%dma_wait3A_276 : memref<10240x128xf32, #tpu.memory_space<vmem_shared>>)
      tpu.yield
    }) : () -> ()
    %barrier3A_251 = arith.constant 0 : index
    tpu.barrier barrier_id(%barrier3A_251)
    %mul3A_252 = arith.constant 640 : i32
    %mul3A_253 = arith.muli %arg1, %mul3A_252 : i32
    %mul3A_254 = arith.constant 640 : i32
    %mul3A_255 = arith.muli %arg1, %mul3A_254 : i32
    "tpu.region"() ({
      %run_scoped3A_256 = tpu.sem_alloc : memref<!tpu.dma_semaphore, #tpu.memory_space<semaphore_mem>>
      %dma_start3A_257 = arith.constant 0 : i32
      %dma_start3A_258 = tpu.memref_slice %arg5[%arg0, %mul3A_255, %dma_start3A_257] : memref<2x10240x128xf32, #tpu.memory_space<hbm>> -> memref<1x640x128xf32, #tpu.memory_space<hbm>>
      %dma_start3A_259 = tpu.memref_squeeze %dma_start3A_258 : memref<1x640x128xf32, #tpu.memory_space<hbm>> -> memref<640x128xf32, #tpu.memory_space<hbm>>
      %dma_start3A_260 = arith.constant 0 : i32
      %dma_start3A_261 = tpu.memref_slice %arg9[%mul3A_253, %dma_start3A_260] : memref<10240x128xf32, #tpu.memory_space<vmem_shared>> -> memref<640x128xf32, #tpu.memory_space<vmem_shared>>
      tpu.enqueue_dma source(%dma_start3A_261 : memref<640x128xf32, #tpu.memory_space<vmem_shared>>) target(%dma_start3A_259 : memref<640x128xf32, #tpu.memory_space<hbm>>) target_semaphore(%run_scoped3A_256 : memref<!tpu.dma_semaphore, #tpu.memory_space<semaphore_mem>>)
      %dma_wait3A_262 = arith.constant 0 : i32
      %dma_wait3A_263 = tpu.memref_slice %arg5[%arg0, %mul3A_255, %dma_wait3A_262] : memref<2x10240x128xf32, #tpu.memory_space<hbm>> -> memref<1x640x128xf32, #tpu.memory_space<hbm>>
      %dma_wait3A_264 = tpu.memref_squeeze %dma_wait3A_263 : memref<1x640x128xf32, #tpu.memory_space<hbm>> -> memref<640x128xf32, #tpu.memory_space<hbm>>
      %dma_wait3A_265 = arith.constant 0 : i32
      %dma_wait3A_266 = tpu.memref_slice %arg9[%mul3A_253, %dma_wait3A_265] : memref<10240x128xf32, #tpu.memory_space<vmem_shared>> -> memref<640x128xf32, #tpu.memory_space<vmem_shared>>
      tpu.wait_dma2 semaphore(%run_scoped3A_256 : memref<!tpu.dma_semaphore, #tpu.memory_space<semaphore_mem>>) src(%dma_wait3A_266 : memref<640x128xf32, #tpu.memory_space<vmem_shared>>) dst(%dma_wait3A_264 : memref<640x128xf32, #tpu.memory_space<hbm>>)
      tpu.yield
    }) : () -> ()
    return
  }
}

#map = affine_map<(d0, d1) -> (0, 0)>
#map1 = affine_map<(d0, d1) -> (0)>
#map2 = affine_map<(d0, d1) -> (0, 0, 0)>
module attributes {stable_mosaic.version = 14 : i64} {
  func.func @_sc_agg(%arg0: i32, %arg1: i32, %arg2: memref<20480x128xf32, #tpu.memory_space<hbm>>, %arg3: memref<163840xi32, #tpu.memory_space<hbm>>, %arg4: memref<163840xi32, #tpu.memory_space<hbm>>, %arg5: memref<2x10240x128xf32, #tpu.memory_space<hbm>>, %arg6: memref<2x128xi32, #tpu.memory_space<vmem>>, %arg7: memref<2x128xi32, #tpu.memory_space<vmem>>, %arg8: memref<2x128x128xf32, #tpu.memory_space<vmem>>, %arg9: memref<10240x128xf32, #tpu.memory_space<vmem_shared>>, %arg10: memref<!tpu.dma_semaphore, #tpu.memory_space<semaphore_mem>>, %arg11: memref<!tpu.dma_semaphore, #tpu.memory_space<semaphore_mem>>) attributes {dimension_semantics = [#tpu.dimension_semantics<core_parallel>, #tpu.dimension_semantics<subcore_parallel>], iteration_bounds = array<i64: 2, 16>, scalar_prefetch = 0 : i64, scratch_operands = 6 : i64, tpu.core_type = #tpu.core_type<sc_vector_subcore>, window_params = [{transform_indices = #map}, {transform_indices = #map1}, {transform_indices = #map1}, {transform_indices = #map2}]} {
    %mul3A = arith.constant 10240 : i32
    %mul3A_0 = arith.muli %arg1, %mul3A : i32
    %scan3A = arith.constant 0 : i32
    %scan3A_1 = arith.constant 128 : i32
    %scan3A_2 = arith.addi %scan3A, %scan3A_1 : i32
    %scan3A_3 = arith.constant 1 : i32
    scf.for %scan3A_256 = %scan3A to %scan3A_2 step %scan3A_3  : i32 {
      %mul3A_257 = arith.constant 1 : i32
      %mul3A_258 = arith.muli %scan3A_256, %mul3A_257 : i32
      %add3A_259 = arith.constant 0 : i32
      %add3A_260 = arith.addi %add3A_259, %mul3A_258 : i32
      %broadcast_in_dim3A = arith.constant 0.000000e+00 : f32
      %broadcast_in_dim3A_261 = vector.broadcast %broadcast_in_dim3A : f32 to vector<16xf32>
      %swap3A_262 = arith.constant 0 : i32
      %swap3A_263 = arith.index_cast %swap3A_262 : i32 to index
      %swap3A_264 = arith.index_cast %add3A_260 : i32 to index
      %swap3A_265 = arith.constant 0 : index
      %swap3A_266 = tpu.vector_load %arg8[%swap3A_263, %swap3A_264, %swap3A_265] {strides = array<i32>} : memref<2x128x128xf32, #tpu.memory_space<vmem>>, vector<16xf32>,
      tpu.vector_store %arg8[%swap3A_263, %swap3A_264, %swap3A_265], %broadcast_in_dim3A_261 {strides = array<i32>} : memref<2x128x128xf32, #tpu.memory_space<vmem>>, vector<16xf32>,
      %broadcast_in_dim3A_267 = arith.constant 0.000000e+00 : f32
      %broadcast_in_dim3A_268 = vector.broadcast %broadcast_in_dim3A_267 : f32 to vector<16xf32>
      %swap3A_269 = arith.constant 0 : i32
      %swap3A_270 = arith.index_cast %swap3A_269 : i32 to index
      %swap3A_271 = arith.index_cast %add3A_260 : i32 to index
      %swap3A_272 = arith.constant 16 : index
      %swap3A_273 = tpu.vector_load %arg8[%swap3A_270, %swap3A_271, %swap3A_272] {strides = array<i32>} : memref<2x128x128xf32, #tpu.memory_space<vmem>>, vector<16xf32>,
      tpu.vector_store %arg8[%swap3A_270, %swap3A_271, %swap3A_272], %broadcast_in_dim3A_268 {strides = array<i32>} : memref<2x128x128xf32, #tpu.memory_space<vmem>>, vector<16xf32>,
      %broadcast_in_dim3A_274 = arith.constant 0.000000e+00 : f32
      %broadcast_in_dim3A_275 = vector.broadcast %broadcast_in_dim3A_274 : f32 to vector<16xf32>
      %swap3A_276 = arith.constant 0 : i32
      %swap3A_277 = arith.index_cast %swap3A_276 : i32 to index
      %swap3A_278 = arith.index_cast %add3A_260 : i32 to index
      %swap3A_279 = arith.constant 32 : index
      %swap3A_280 = tpu.vector_load %arg8[%swap3A_277, %swap3A_278, %swap3A_279] {strides = array<i32>} : memref<2x128x128xf32, #tpu.memory_space<vmem>>, vector<16xf32>,
      tpu.vector_store %arg8[%swap3A_277, %swap3A_278, %swap3A_279], %broadcast_in_dim3A_275 {strides = array<i32>} : memref<2x128x128xf32, #tpu.memory_space<vmem>>, vector<16xf32>,
      %broadcast_in_dim3A_281 = arith.constant 0.000000e+00 : f32
      %broadcast_in_dim3A_282 = vector.broadcast %broadcast_in_dim3A_281 : f32 to vector<16xf32>
      %swap3A_283 = arith.constant 0 : i32
      %swap3A_284 = arith.index_cast %swap3A_283 : i32 to index
      %swap3A_285 = arith.index_cast %add3A_260 : i32 to index
      %swap3A_286 = arith.constant 48 : index
      %swap3A_287 = tpu.vector_load %arg8[%swap3A_284, %swap3A_285, %swap3A_286] {strides = array<i32>} : memref<2x128x128xf32, #tpu.memory_space<vmem>>, vector<16xf32>,
      tpu.vector_store %arg8[%swap3A_284, %swap3A_285, %swap3A_286], %broadcast_in_dim3A_282 {strides = array<i32>} : memref<2x128x128xf32, #tpu.memory_space<vmem>>, vector<16xf32>,
      %broadcast_in_dim3A_288 = arith.constant 0.000000e+00 : f32
      %broadcast_in_dim3A_289 = vector.broadcast %broadcast_in_dim3A_288 : f32 to vector<16xf32>
      %swap3A_290 = arith.constant 0 : i32
      %swap3A_291 = arith.index_cast %swap3A_290 : i32 to index
      %swap3A_292 = arith.index_cast %add3A_260 : i32 to index
      %swap3A_293 = arith.constant 64 : index
      %swap3A_294 = tpu.vector_load %arg8[%swap3A_291, %swap3A_292, %swap3A_293] {strides = array<i32>} : memref<2x128x128xf32, #tpu.memory_space<vmem>>, vector<16xf32>,
      tpu.vector_store %arg8[%swap3A_291, %swap3A_292, %swap3A_293], %broadcast_in_dim3A_289 {strides = array<i32>} : memref<2x128x128xf32, #tpu.memory_space<vmem>>, vector<16xf32>,
      %broadcast_in_dim3A_295 = arith.constant 0.000000e+00 : f32
      %broadcast_in_dim3A_296 = vector.broadcast %broadcast_in_dim3A_295 : f32 to vector<16xf32>
      %swap3A_297 = arith.constant 0 : i32
      %swap3A_298 = arith.index_cast %swap3A_297 : i32 to index
      %swap3A_299 = arith.index_cast %add3A_260 : i32 to index
      %swap3A_300 = arith.constant 80 : index
      %swap3A_301 = tpu.vector_load %arg8[%swap3A_298, %swap3A_299, %swap3A_300] {strides = array<i32>} : memref<2x128x128xf32, #tpu.memory_space<vmem>>, vector<16xf32>,
      tpu.vector_store %arg8[%swap3A_298, %swap3A_299, %swap3A_300], %broadcast_in_dim3A_296 {strides = array<i32>} : memref<2x128x128xf32, #tpu.memory_space<vmem>>, vector<16xf32>,
      %broadcast_in_dim3A_302 = arith.constant 0.000000e+00 : f32
      %broadcast_in_dim3A_303 = vector.broadcast %broadcast_in_dim3A_302 : f32 to vector<16xf32>
      %swap3A_304 = arith.constant 0 : i32
      %swap3A_305 = arith.index_cast %swap3A_304 : i32 to index
      %swap3A_306 = arith.index_cast %add3A_260 : i32 to index
      %swap3A_307 = arith.constant 96 : index
      %swap3A_308 = tpu.vector_load %arg8[%swap3A_305, %swap3A_306, %swap3A_307] {strides = array<i32>} : memref<2x128x128xf32, #tpu.memory_space<vmem>>, vector<16xf32>,
      tpu.vector_store %arg8[%swap3A_305, %swap3A_306, %swap3A_307], %broadcast_in_dim3A_303 {strides = array<i32>} : memref<2x128x128xf32, #tpu.memory_space<vmem>>, vector<16xf32>,
      %broadcast_in_dim3A_309 = arith.constant 0.000000e+00 : f32
      %broadcast_in_dim3A_310 = vector.broadcast %broadcast_in_dim3A_309 : f32 to vector<16xf32>
      %swap3A_311 = arith.constant 0 : i32
      %swap3A_312 = arith.index_cast %swap3A_311 : i32 to index
      %swap3A_313 = arith.index_cast %add3A_260 : i32 to index
      %swap3A_314 = arith.constant 112 : index
      %swap3A_315 = tpu.vector_load %arg8[%swap3A_312, %swap3A_313, %swap3A_314] {strides = array<i32>} : memref<2x128x128xf32, #tpu.memory_space<vmem>>, vector<16xf32>,
      tpu.vector_store %arg8[%swap3A_312, %swap3A_313, %swap3A_314], %broadcast_in_dim3A_310 {strides = array<i32>} : memref<2x128x128xf32, #tpu.memory_space<vmem>>, vector<16xf32>,
    }
    %scan3A_4 = arith.constant 128 : i32
    %mul3A_5 = arith.constant 640 : i32
    %mul3A_6 = arith.muli %arg1, %mul3A_5 : i32
    %add3A = arith.constant 0 : i32
    %add3A_7 = arith.addi %mul3A_6, %add3A : i32
    %run_scoped3A = arith.constant 0 : i32
    "tpu.region"() ({
      %run_scoped3A_256 = tpu.sem_alloc : memref<!tpu.dma_semaphore, #tpu.memory_space<semaphore_mem>>
      %dma_start3A_257 = arith.constant 0 : i32
      %dma_start3A_258 = arith.constant 0 : i32
      %dma_start3A_259 = tpu.memref_slice %arg8[%run_scoped3A, %dma_start3A_257, %dma_start3A_258] : memref<2x128x128xf32, #tpu.memory_space<vmem>> -> memref<1x128x128xf32, #tpu.memory_space<vmem>>
      %dma_start3A_260 = tpu.memref_squeeze %dma_start3A_259 : memref<1x128x128xf32, #tpu.memory_space<vmem>> -> memref<128x128xf32, #tpu.memory_space<vmem>>
      %dma_start3A_261 = arith.constant 0 : i32
      %dma_start3A_262 = tpu.memref_slice %arg9[%add3A_7, %dma_start3A_261] : memref<10240x128xf32, #tpu.memory_space<vmem_shared>> -> memref<128x128xf32, #tpu.memory_space<vmem_shared>>
      %dma_start3A_263 = arith.constant 0 : i32
      %dma_start3A_264 = tpu.memref_slice %arg9[%add3A_7, %dma_start3A_263] : memref<10240x128xf32, #tpu.memory_space<vmem_shared>> -> memref<128x128xf32, #tpu.memory_space<vmem_shared>>
      %dma_start3A_265 = arith.constant 0 : i32
      %dma_start3A_266 = arith.constant 0 : i32
      %dma_start3A_267 = tpu.memref_slice %arg8[%run_scoped3A, %dma_start3A_265, %dma_start3A_266] : memref<2x128x128xf32, #tpu.memory_space<vmem>> -> memref<1x128x128xf32, #tpu.memory_space<vmem>>
      %dma_start3A_268 = tpu.memref_squeeze %dma_start3A_267 : memref<1x128x128xf32, #tpu.memory_space<vmem>> -> memref<128x128xf32, #tpu.memory_space<vmem>>
      tpu.enqueue_dma source(%dma_start3A_268 : memref<128x128xf32, #tpu.memory_space<vmem>>) target(%dma_start3A_264 : memref<128x128xf32, #tpu.memory_space<vmem_shared>>) target_semaphore(%run_scoped3A_256 : memref<!tpu.dma_semaphore, #tpu.memory_space<semaphore_mem>>)
      %dma_wait3A_269 = arith.constant 0 : i32
      %dma_wait3A_270 = arith.constant 0 : i32
      %dma_wait3A_271 = tpu.memref_slice %arg8[%run_scoped3A, %dma_wait3A_269, %dma_wait3A_270] : memref<2x128x128xf32, #tpu.memory_space<vmem>> -> memref<1x128x128xf32, #tpu.memory_space<vmem>>
      %dma_wait3A_272 = tpu.memref_squeeze %dma_wait3A_271 : memref<1x128x128xf32, #tpu.memory_space<vmem>> -> memref<128x128xf32, #tpu.memory_space<vmem>>
      %dma_wait3A_273 = arith.constant 0 : i32
      %dma_wait3A_274 = tpu.memref_slice %arg9[%add3A_7, %dma_wait3A_273] : memref<10240x128xf32, #tpu.memory_space<vmem_shared>> -> memref<128x128xf32, #tpu.memory_space<vmem_shared>>
      %dma_wait3A_275 = arith.constant 0 : i32
      %dma_wait3A_276 = tpu.memref_slice %arg9[%add3A_7, %dma_wait3A_275] : memref<10240x128xf32, #tpu.memory_space<vmem_shared>> -> memref<128x128xf32, #tpu.memory_space<vmem_shared>>
      %dma_wait3A_277 = arith.constant 0 : i32
      %dma_wait3A_278 = arith.constant 0 : i32
      %dma_wait3A_279 = tpu.memref_slice %arg8[%run_scoped3A, %dma_wait3A_277, %dma_wait3A_278] : memref<2x128x128xf32, #tpu.memory_space<vmem>> -> memref<1x128x128xf32, #tpu.memory_space<vmem>>
      %dma_wait3A_280 = tpu.memref_squeeze %dma_wait3A_279 : memref<1x128x128xf32, #tpu.memory_space<vmem>> -> memref<128x128xf32, #tpu.memory_space<vmem>>
      tpu.wait_dma2 semaphore(%run_scoped3A_256 : memref<!tpu.dma_semaphore, #tpu.memory_space<semaphore_mem>>) src(%dma_wait3A_280 : memref<128x128xf32, #tpu.memory_space<vmem>>) dst(%dma_wait3A_276 : memref<128x128xf32, #tpu.memory_space<vmem_shared>>)
      tpu.yield
    }) : () -> ()
    %mul3A_8 = arith.constant 640 : i32
    %mul3A_9 = arith.muli %arg1, %mul3A_8 : i32
    %add3A_10 = arith.constant 128 : i32
    %add3A_11 = arith.addi %mul3A_9, %add3A_10 : i32
    %run_scoped3A_12 = arith.constant 0 : i32
    "tpu.region"() ({
      %run_scoped3A_256 = tpu.sem_alloc : memref<!tpu.dma_semaphore, #tpu.memory_space<semaphore_mem>>
      %dma_start3A_257 = arith.constant 0 : i32
      %dma_start3A_258 = arith.constant 0 : i32
      %dma_start3A_259 = tpu.memref_slice %arg8[%run_scoped3A_12, %dma_start3A_257, %dma_start3A_258] : memref<2x128x128xf32, #tpu.memory_space<vmem>> -> memref<1x128x128xf32, #tpu.memory_space<vmem>>
      %dma_start3A_260 = tpu.memref_squeeze %dma_start3A_259 : memref<1x128x128xf32, #tpu.memory_space<vmem>> -> memref<128x128xf32, #tpu.memory_space<vmem>>
      %dma_start3A_261 = arith.constant 0 : i32
      %dma_start3A_262 = tpu.memref_slice %arg9[%add3A_11, %dma_start3A_261] : memref<10240x128xf32, #tpu.memory_space<vmem_shared>> -> memref<128x128xf32, #tpu.memory_space<vmem_shared>>
      %dma_start3A_263 = arith.constant 0 : i32
      %dma_start3A_264 = tpu.memref_slice %arg9[%add3A_11, %dma_start3A_263] : memref<10240x128xf32, #tpu.memory_space<vmem_shared>> -> memref<128x128xf32, #tpu.memory_space<vmem_shared>>
      %dma_start3A_265 = arith.constant 0 : i32
      %dma_start3A_266 = arith.constant 0 : i32
      %dma_start3A_267 = tpu.memref_slice %arg8[%run_scoped3A_12, %dma_start3A_265, %dma_start3A_266] : memref<2x128x128xf32, #tpu.memory_space<vmem>> -> memref<1x128x128xf32, #tpu.memory_space<vmem>>
      %dma_start3A_268 = tpu.memref_squeeze %dma_start3A_267 : memref<1x128x128xf32, #tpu.memory_space<vmem>> -> memref<128x128xf32, #tpu.memory_space<vmem>>
      tpu.enqueue_dma source(%dma_start3A_268 : memref<128x128xf32, #tpu.memory_space<vmem>>) target(%dma_start3A_264 : memref<128x128xf32, #tpu.memory_space<vmem_shared>>) target_semaphore(%run_scoped3A_256 : memref<!tpu.dma_semaphore, #tpu.memory_space<semaphore_mem>>)
      %dma_wait3A_269 = arith.constant 0 : i32
      %dma_wait3A_270 = arith.constant 0 : i32
      %dma_wait3A_271 = tpu.memref_slice %arg8[%run_scoped3A_12, %dma_wait3A_269, %dma_wait3A_270] : memref<2x128x128xf32, #tpu.memory_space<vmem>> -> memref<1x128x128xf32, #tpu.memory_space<vmem>>
      %dma_wait3A_272 = tpu.memref_squeeze %dma_wait3A_271 : memref<1x128x128xf32, #tpu.memory_space<vmem>> -> memref<128x128xf32, #tpu.memory_space<vmem>>
      %dma_wait3A_273 = arith.constant 0 : i32
      %dma_wait3A_274 = tpu.memref_slice %arg9[%add3A_11, %dma_wait3A_273] : memref<10240x128xf32, #tpu.memory_space<vmem_shared>> -> memref<128x128xf32, #tpu.memory_space<vmem_shared>>
      %dma_wait3A_275 = arith.constant 0 : i32
      %dma_wait3A_276 = tpu.memref_slice %arg9[%add3A_11, %dma_wait3A_275] : memref<10240x128xf32, #tpu.memory_space<vmem_shared>> -> memref<128x128xf32, #tpu.memory_space<vmem_shared>>
      %dma_wait3A_277 = arith.constant 0 : i32
      %dma_wait3A_278 = arith.constant 0 : i32
      %dma_wait3A_279 = tpu.memref_slice %arg8[%run_scoped3A_12, %dma_wait3A_277, %dma_wait3A_278] : memref<2x128x128xf32, #tpu.memory_space<vmem>> -> memref<1x128x128xf32, #tpu.memory_space<vmem>>
      %dma_wait3A_280 = tpu.memref_squeeze %dma_wait3A_279 : memref<1x128x128xf32, #tpu.memory_space<vmem>> -> memref<128x128xf32, #tpu.memory_space<vmem>>
      tpu.wait_dma2 semaphore(%run_scoped3A_256 : memref<!tpu.dma_semaphore, #tpu.memory_space<semaphore_mem>>) src(%dma_wait3A_280 : memref<128x128xf32, #tpu.memory_space<vmem>>) dst(%dma_wait3A_276 : memref<128x128xf32, #tpu.memory_space<vmem_shared>>)
      tpu.yield
    }) : () -> ()
    %mul3A_13 = arith.constant 640 : i32
    %mul3A_14 = arith.muli %arg1, %mul3A_13 : i32
    %add3A_15 = arith.constant 256 : i32
    %add3A_16 = arith.addi %mul3A_14, %add3A_15 : i32
    %run_scoped3A_17 = arith.constant 0 : i32
    "tpu.region"() ({
      %run_scoped3A_256 = tpu.sem_alloc : memref<!tpu.dma_semaphore, #tpu.memory_space<semaphore_mem>>
      %dma_start3A_257 = arith.constant 0 : i32
      %dma_start3A_258 = arith.constant 0 : i32
      %dma_start3A_259 = tpu.memref_slice %arg8[%run_scoped3A_17, %dma_start3A_257, %dma_start3A_258] : memref<2x128x128xf32, #tpu.memory_space<vmem>> -> memref<1x128x128xf32, #tpu.memory_space<vmem>>
      %dma_start3A_260 = tpu.memref_squeeze %dma_start3A_259 : memref<1x128x128xf32, #tpu.memory_space<vmem>> -> memref<128x128xf32, #tpu.memory_space<vmem>>
      %dma_start3A_261 = arith.constant 0 : i32
      %dma_start3A_262 = tpu.memref_slice %arg9[%add3A_16, %dma_start3A_261] : memref<10240x128xf32, #tpu.memory_space<vmem_shared>> -> memref<128x128xf32, #tpu.memory_space<vmem_shared>>
      %dma_start3A_263 = arith.constant 0 : i32
      %dma_start3A_264 = tpu.memref_slice %arg9[%add3A_16, %dma_start3A_263] : memref<10240x128xf32, #tpu.memory_space<vmem_shared>> -> memref<128x128xf32, #tpu.memory_space<vmem_shared>>
      %dma_start3A_265 = arith.constant 0 : i32
      %dma_start3A_266 = arith.constant 0 : i32
      %dma_start3A_267 = tpu.memref_slice %arg8[%run_scoped3A_17, %dma_start3A_265, %dma_start3A_266] : memref<2x128x128xf32, #tpu.memory_space<vmem>> -> memref<1x128x128xf32, #tpu.memory_space<vmem>>
      %dma_start3A_268 = tpu.memref_squeeze %dma_start3A_267 : memref<1x128x128xf32, #tpu.memory_space<vmem>> -> memref<128x128xf32, #tpu.memory_space<vmem>>
      tpu.enqueue_dma source(%dma_start3A_268 : memref<128x128xf32, #tpu.memory_space<vmem>>) target(%dma_start3A_264 : memref<128x128xf32, #tpu.memory_space<vmem_shared>>) target_semaphore(%run_scoped3A_256 : memref<!tpu.dma_semaphore, #tpu.memory_space<semaphore_mem>>)
      %dma_wait3A_269 = arith.constant 0 : i32
      %dma_wait3A_270 = arith.constant 0 : i32
      %dma_wait3A_271 = tpu.memref_slice %arg8[%run_scoped3A_17, %dma_wait3A_269, %dma_wait3A_270] : memref<2x128x128xf32, #tpu.memory_space<vmem>> -> memref<1x128x128xf32, #tpu.memory_space<vmem>>
      %dma_wait3A_272 = tpu.memref_squeeze %dma_wait3A_271 : memref<1x128x128xf32, #tpu.memory_space<vmem>> -> memref<128x128xf32, #tpu.memory_space<vmem>>
      %dma_wait3A_273 = arith.constant 0 : i32
      %dma_wait3A_274 = tpu.memref_slice %arg9[%add3A_16, %dma_wait3A_273] : memref<10240x128xf32, #tpu.memory_space<vmem_shared>> -> memref<128x128xf32, #tpu.memory_space<vmem_shared>>
      %dma_wait3A_275 = arith.constant 0 : i32
      %dma_wait3A_276 = tpu.memref_slice %arg9[%add3A_16, %dma_wait3A_275] : memref<10240x128xf32, #tpu.memory_space<vmem_shared>> -> memref<128x128xf32, #tpu.memory_space<vmem_shared>>
      %dma_wait3A_277 = arith.constant 0 : i32
      %dma_wait3A_278 = arith.constant 0 : i32
      %dma_wait3A_279 = tpu.memref_slice %arg8[%run_scoped3A_17, %dma_wait3A_277, %dma_wait3A_278] : memref<2x128x128xf32, #tpu.memory_space<vmem>> -> memref<1x128x128xf32, #tpu.memory_space<vmem>>
      %dma_wait3A_280 = tpu.memref_squeeze %dma_wait3A_279 : memref<1x128x128xf32, #tpu.memory_space<vmem>> -> memref<128x128xf32, #tpu.memory_space<vmem>>
      tpu.wait_dma2 semaphore(%run_scoped3A_256 : memref<!tpu.dma_semaphore, #tpu.memory_space<semaphore_mem>>) src(%dma_wait3A_280 : memref<128x128xf32, #tpu.memory_space<vmem>>) dst(%dma_wait3A_276 : memref<128x128xf32, #tpu.memory_space<vmem_shared>>)
      tpu.yield
    }) : () -> ()
    %mul3A_18 = arith.constant 640 : i32
    %mul3A_19 = arith.muli %arg1, %mul3A_18 : i32
    %add3A_20 = arith.constant 384 : i32
    %add3A_21 = arith.addi %mul3A_19, %add3A_20 : i32
    %run_scoped3A_22 = arith.constant 0 : i32
    "tpu.region"() ({
      %run_scoped3A_256 = tpu.sem_alloc : memref<!tpu.dma_semaphore, #tpu.memory_space<semaphore_mem>>
      %dma_start3A_257 = arith.constant 0 : i32
      %dma_start3A_258 = arith.constant 0 : i32
      %dma_start3A_259 = tpu.memref_slice %arg8[%run_scoped3A_22, %dma_start3A_257, %dma_start3A_258] : memref<2x128x128xf32, #tpu.memory_space<vmem>> -> memref<1x128x128xf32, #tpu.memory_space<vmem>>
      %dma_start3A_260 = tpu.memref_squeeze %dma_start3A_259 : memref<1x128x128xf32, #tpu.memory_space<vmem>> -> memref<128x128xf32, #tpu.memory_space<vmem>>
      %dma_start3A_261 = arith.constant 0 : i32
      %dma_start3A_262 = tpu.memref_slice %arg9[%add3A_21, %dma_start3A_261] : memref<10240x128xf32, #tpu.memory_space<vmem_shared>> -> memref<128x128xf32, #tpu.memory_space<vmem_shared>>
      %dma_start3A_263 = arith.constant 0 : i32
      %dma_start3A_264 = tpu.memref_slice %arg9[%add3A_21, %dma_start3A_263] : memref<10240x128xf32, #tpu.memory_space<vmem_shared>> -> memref<128x128xf32, #tpu.memory_space<vmem_shared>>
      %dma_start3A_265 = arith.constant 0 : i32
      %dma_start3A_266 = arith.constant 0 : i32
      %dma_start3A_267 = tpu.memref_slice %arg8[%run_scoped3A_22, %dma_start3A_265, %dma_start3A_266] : memref<2x128x128xf32, #tpu.memory_space<vmem>> -> memref<1x128x128xf32, #tpu.memory_space<vmem>>
      %dma_start3A_268 = tpu.memref_squeeze %dma_start3A_267 : memref<1x128x128xf32, #tpu.memory_space<vmem>> -> memref<128x128xf32, #tpu.memory_space<vmem>>
      tpu.enqueue_dma source(%dma_start3A_268 : memref<128x128xf32, #tpu.memory_space<vmem>>) target(%dma_start3A_264 : memref<128x128xf32, #tpu.memory_space<vmem_shared>>) target_semaphore(%run_scoped3A_256 : memref<!tpu.dma_semaphore, #tpu.memory_space<semaphore_mem>>)
      %dma_wait3A_269 = arith.constant 0 : i32
      %dma_wait3A_270 = arith.constant 0 : i32
      %dma_wait3A_271 = tpu.memref_slice %arg8[%run_scoped3A_22, %dma_wait3A_269, %dma_wait3A_270] : memref<2x128x128xf32, #tpu.memory_space<vmem>> -> memref<1x128x128xf32, #tpu.memory_space<vmem>>
      %dma_wait3A_272 = tpu.memref_squeeze %dma_wait3A_271 : memref<1x128x128xf32, #tpu.memory_space<vmem>> -> memref<128x128xf32, #tpu.memory_space<vmem>>
      %dma_wait3A_273 = arith.constant 0 : i32
      %dma_wait3A_274 = tpu.memref_slice %arg9[%add3A_21, %dma_wait3A_273] : memref<10240x128xf32, #tpu.memory_space<vmem_shared>> -> memref<128x128xf32, #tpu.memory_space<vmem_shared>>
      %dma_wait3A_275 = arith.constant 0 : i32
      %dma_wait3A_276 = tpu.memref_slice %arg9[%add3A_21, %dma_wait3A_275] : memref<10240x128xf32, #tpu.memory_space<vmem_shared>> -> memref<128x128xf32, #tpu.memory_space<vmem_shared>>
      %dma_wait3A_277 = arith.constant 0 : i32
      %dma_wait3A_278 = arith.constant 0 : i32
      %dma_wait3A_279 = tpu.memref_slice %arg8[%run_scoped3A_22, %dma_wait3A_277, %dma_wait3A_278] : memref<2x128x128xf32, #tpu.memory_space<vmem>> -> memref<1x128x128xf32, #tpu.memory_space<vmem>>
      %dma_wait3A_280 = tpu.memref_squeeze %dma_wait3A_279 : memref<1x128x128xf32, #tpu.memory_space<vmem>> -> memref<128x128xf32, #tpu.memory_space<vmem>>
      tpu.wait_dma2 semaphore(%run_scoped3A_256 : memref<!tpu.dma_semaphore, #tpu.memory_space<semaphore_mem>>) src(%dma_wait3A_280 : memref<128x128xf32, #tpu.memory_space<vmem>>) dst(%dma_wait3A_276 : memref<128x128xf32, #tpu.memory_space<vmem_shared>>)
      tpu.yield
    }) : () -> ()
    %mul3A_23 = arith.constant 640 : i32
    %mul3A_24 = arith.muli %arg1, %mul3A_23 : i32
    %add3A_25 = arith.constant 512 : i32
    %add3A_26 = arith.addi %mul3A_24, %add3A_25 : i32
    %run_scoped3A_27 = arith.constant 0 : i32
    "tpu.region"() ({
      %run_scoped3A_256 = tpu.sem_alloc : memref<!tpu.dma_semaphore, #tpu.memory_space<semaphore_mem>>
      %dma_start3A_257 = arith.constant 0 : i32
      %dma_start3A_258 = arith.constant 0 : i32
      %dma_start3A_259 = tpu.memref_slice %arg8[%run_scoped3A_27, %dma_start3A_257, %dma_start3A_258] : memref<2x128x128xf32, #tpu.memory_space<vmem>> -> memref<1x128x128xf32, #tpu.memory_space<vmem>>
      %dma_start3A_260 = tpu.memref_squeeze %dma_start3A_259 : memref<1x128x128xf32, #tpu.memory_space<vmem>> -> memref<128x128xf32, #tpu.memory_space<vmem>>
      %dma_start3A_261 = arith.constant 0 : i32
      %dma_start3A_262 = tpu.memref_slice %arg9[%add3A_26, %dma_start3A_261] : memref<10240x128xf32, #tpu.memory_space<vmem_shared>> -> memref<128x128xf32, #tpu.memory_space<vmem_shared>>
      %dma_start3A_263 = arith.constant 0 : i32
      %dma_start3A_264 = tpu.memref_slice %arg9[%add3A_26, %dma_start3A_263] : memref<10240x128xf32, #tpu.memory_space<vmem_shared>> -> memref<128x128xf32, #tpu.memory_space<vmem_shared>>
      %dma_start3A_265 = arith.constant 0 : i32
      %dma_start3A_266 = arith.constant 0 : i32
      %dma_start3A_267 = tpu.memref_slice %arg8[%run_scoped3A_27, %dma_start3A_265, %dma_start3A_266] : memref<2x128x128xf32, #tpu.memory_space<vmem>> -> memref<1x128x128xf32, #tpu.memory_space<vmem>>
      %dma_start3A_268 = tpu.memref_squeeze %dma_start3A_267 : memref<1x128x128xf32, #tpu.memory_space<vmem>> -> memref<128x128xf32, #tpu.memory_space<vmem>>
      tpu.enqueue_dma source(%dma_start3A_268 : memref<128x128xf32, #tpu.memory_space<vmem>>) target(%dma_start3A_264 : memref<128x128xf32, #tpu.memory_space<vmem_shared>>) target_semaphore(%run_scoped3A_256 : memref<!tpu.dma_semaphore, #tpu.memory_space<semaphore_mem>>)
      %dma_wait3A_269 = arith.constant 0 : i32
      %dma_wait3A_270 = arith.constant 0 : i32
      %dma_wait3A_271 = tpu.memref_slice %arg8[%run_scoped3A_27, %dma_wait3A_269, %dma_wait3A_270] : memref<2x128x128xf32, #tpu.memory_space<vmem>> -> memref<1x128x128xf32, #tpu.memory_space<vmem>>
      %dma_wait3A_272 = tpu.memref_squeeze %dma_wait3A_271 : memref<1x128x128xf32, #tpu.memory_space<vmem>> -> memref<128x128xf32, #tpu.memory_space<vmem>>
      %dma_wait3A_273 = arith.constant 0 : i32
      %dma_wait3A_274 = tpu.memref_slice %arg9[%add3A_26, %dma_wait3A_273] : memref<10240x128xf32, #tpu.memory_space<vmem_shared>> -> memref<128x128xf32, #tpu.memory_space<vmem_shared>>
      %dma_wait3A_275 = arith.constant 0 : i32
      %dma_wait3A_276 = tpu.memref_slice %arg9[%add3A_26, %dma_wait3A_275] : memref<10240x128xf32, #tpu.memory_space<vmem_shared>> -> memref<128x128xf32, #tpu.memory_space<vmem_shared>>
      %dma_wait3A_277 = arith.constant 0 : i32
      %dma_wait3A_278 = arith.constant 0 : i32
      %dma_wait3A_279 = tpu.memref_slice %arg8[%run_scoped3A_27, %dma_wait3A_277, %dma_wait3A_278] : memref<2x128x128xf32, #tpu.memory_space<vmem>> -> memref<1x128x128xf32, #tpu.memory_space<vmem>>
      %dma_wait3A_280 = tpu.memref_squeeze %dma_wait3A_279 : memref<1x128x128xf32, #tpu.memory_space<vmem>> -> memref<128x128xf32, #tpu.memory_space<vmem>>
      tpu.wait_dma2 semaphore(%run_scoped3A_256 : memref<!tpu.dma_semaphore, #tpu.memory_space<semaphore_mem>>) src(%dma_wait3A_280 : memref<128x128xf32, #tpu.memory_space<vmem>>) dst(%dma_wait3A_276 : memref<128x128xf32, #tpu.memory_space<vmem_shared>>)
      tpu.yield
    }) : () -> ()
    %barrier3A = arith.constant 0 : index
    tpu.barrier barrier_id(%barrier3A)
    %mul3A_28 = arith.constant 10240 : i32
    %mul3A_29 = arith.muli %arg0, %mul3A_28 : i32
    %add3A_30 = arith.constant 0 : i32
    %add3A_31 = arith.addi %mul3A_0, %add3A_30 : i32
    %run_scoped3A_32 = arith.constant 0 : i32
    "tpu.region"() ({
      %run_scoped3A_256 = tpu.sem_alloc : memref<!tpu.dma_semaphore, #tpu.memory_space<semaphore_mem>>
      %dma_start3A_257 = arith.constant 0 : i32
      %dma_start3A_258 = tpu.memref_slice %arg6[%run_scoped3A_32, %dma_start3A_257] : memref<2x128xi32, #tpu.memory_space<vmem>> -> memref<1x128xi32, #tpu.memory_space<vmem>>
      %dma_start3A_259 = tpu.memref_squeeze %dma_start3A_258 : memref<1x128xi32, #tpu.memory_space<vmem>> -> memref<128xi32, #tpu.memory_space<vmem>>
      %dma_start3A_260 = tpu.memref_slice %arg3[%add3A_31] : memref<163840xi32, #tpu.memory_space<hbm>> -> memref<128xi32, #tpu.memory_space<hbm>>
      %dma_start3A_261 = arith.constant 0 : i32
      %dma_start3A_262 = tpu.memref_slice %arg6[%run_scoped3A_32, %dma_start3A_261] : memref<2x128xi32, #tpu.memory_space<vmem>> -> memref<1x128xi32, #tpu.memory_space<vmem>>
      %dma_start3A_263 = tpu.memref_squeeze %dma_start3A_262 : memref<1x128xi32, #tpu.memory_space<vmem>> -> memref<128xi32, #tpu.memory_space<vmem>>
      %dma_start3A_264 = tpu.memref_slice %arg3[%add3A_31] : memref<163840xi32, #tpu.memory_space<hbm>> -> memref<128xi32, #tpu.memory_space<hbm>>
      tpu.enqueue_dma source(%dma_start3A_264 : memref<128xi32, #tpu.memory_space<hbm>>) target(%dma_start3A_263 : memref<128xi32, #tpu.memory_space<vmem>>) target_semaphore(%run_scoped3A_256 : memref<!tpu.dma_semaphore, #tpu.memory_space<semaphore_mem>>)
      %dma_wait3A_265 = arith.constant 0 : i32
      %dma_wait3A_266 = tpu.memref_slice %arg6[%run_scoped3A_32, %dma_wait3A_265] : memref<2x128xi32, #tpu.memory_space<vmem>> -> memref<1x128xi32, #tpu.memory_space<vmem>>
      %dma_wait3A_267 = tpu.memref_squeeze %dma_wait3A_266 : memref<1x128xi32, #tpu.memory_space<vmem>> -> memref<128xi32, #tpu.memory_space<vmem>>
      %dma_wait3A_268 = tpu.memref_slice %arg3[%add3A_31] : memref<163840xi32, #tpu.memory_space<hbm>> -> memref<128xi32, #tpu.memory_space<hbm>>
      %dma_wait3A_269 = arith.constant 0 : i32
      %dma_wait3A_270 = tpu.memref_slice %arg6[%run_scoped3A_32, %dma_wait3A_269] : memref<2x128xi32, #tpu.memory_space<vmem>> -> memref<1x128xi32, #tpu.memory_space<vmem>>
      %dma_wait3A_271 = tpu.memref_squeeze %dma_wait3A_270 : memref<1x128xi32, #tpu.memory_space<vmem>> -> memref<128xi32, #tpu.memory_space<vmem>>
      %dma_wait3A_272 = tpu.memref_slice %arg3[%add3A_31] : memref<163840xi32, #tpu.memory_space<hbm>> -> memref<128xi32, #tpu.memory_space<hbm>>
      tpu.wait_dma2 semaphore(%run_scoped3A_256 : memref<!tpu.dma_semaphore, #tpu.memory_space<semaphore_mem>>) src(%dma_wait3A_272 : memref<128xi32, #tpu.memory_space<hbm>>) dst(%dma_wait3A_271 : memref<128xi32, #tpu.memory_space<vmem>>)
      tpu.yield
    }) : () -> ()
    %run_scoped3A_33 = arith.constant 0 : i32
    "tpu.region"() ({
      %run_scoped3A_256 = tpu.sem_alloc : memref<!tpu.dma_semaphore, #tpu.memory_space<semaphore_mem>>
      %dma_start3A_257 = arith.constant 0 : i32
      %dma_start3A_258 = tpu.memref_slice %arg7[%run_scoped3A_33, %dma_start3A_257] : memref<2x128xi32, #tpu.memory_space<vmem>> -> memref<1x128xi32, #tpu.memory_space<vmem>>
      %dma_start3A_259 = tpu.memref_squeeze %dma_start3A_258 : memref<1x128xi32, #tpu.memory_space<vmem>> -> memref<128xi32, #tpu.memory_space<vmem>>
      %dma_start3A_260 = tpu.memref_slice %arg4[%add3A_31] : memref<163840xi32, #tpu.memory_space<hbm>> -> memref<128xi32, #tpu.memory_space<hbm>>
      %dma_start3A_261 = arith.constant 0 : i32
      %dma_start3A_262 = tpu.memref_slice %arg7[%run_scoped3A_33, %dma_start3A_261] : memref<2x128xi32, #tpu.memory_space<vmem>> -> memref<1x128xi32, #tpu.memory_space<vmem>>
      %dma_start3A_263 = tpu.memref_squeeze %dma_start3A_262 : memref<1x128xi32, #tpu.memory_space<vmem>> -> memref<128xi32, #tpu.memory_space<vmem>>
      %dma_start3A_264 = tpu.memref_slice %arg4[%add3A_31] : memref<163840xi32, #tpu.memory_space<hbm>> -> memref<128xi32, #tpu.memory_space<hbm>>
      tpu.enqueue_dma source(%dma_start3A_264 : memref<128xi32, #tpu.memory_space<hbm>>) target(%dma_start3A_263 : memref<128xi32, #tpu.memory_space<vmem>>) target_semaphore(%run_scoped3A_256 : memref<!tpu.dma_semaphore, #tpu.memory_space<semaphore_mem>>)
      %dma_wait3A_265 = arith.constant 0 : i32
      %dma_wait3A_266 = tpu.memref_slice %arg7[%run_scoped3A_33, %dma_wait3A_265] : memref<2x128xi32, #tpu.memory_space<vmem>> -> memref<1x128xi32, #tpu.memory_space<vmem>>
      %dma_wait3A_267 = tpu.memref_squeeze %dma_wait3A_266 : memref<1x128xi32, #tpu.memory_space<vmem>> -> memref<128xi32, #tpu.memory_space<vmem>>
      %dma_wait3A_268 = tpu.memref_slice %arg4[%add3A_31] : memref<163840xi32, #tpu.memory_space<hbm>> -> memref<128xi32, #tpu.memory_space<hbm>>
      %dma_wait3A_269 = arith.constant 0 : i32
      %dma_wait3A_270 = tpu.memref_slice %arg7[%run_scoped3A_33, %dma_wait3A_269] : memref<2x128xi32, #tpu.memory_space<vmem>> -> memref<1x128xi32, #tpu.memory_space<vmem>>
      %dma_wait3A_271 = tpu.memref_squeeze %dma_wait3A_270 : memref<1x128xi32, #tpu.memory_space<vmem>> -> memref<128xi32, #tpu.memory_space<vmem>>
      %dma_wait3A_272 = tpu.memref_slice %arg4[%add3A_31] : memref<163840xi32, #tpu.memory_space<hbm>> -> memref<128xi32, #tpu.memory_space<hbm>>
      tpu.wait_dma2 semaphore(%run_scoped3A_256 : memref<!tpu.dma_semaphore, #tpu.memory_space<semaphore_mem>>) src(%dma_wait3A_272 : memref<128xi32, #tpu.memory_space<hbm>>) dst(%dma_wait3A_271 : memref<128xi32, #tpu.memory_space<vmem>>)
      tpu.yield
    }) : () -> ()
    %get3A = arith.constant 0 : i32
    %get3A_34 = arith.index_cast %get3A : i32 to index
    %get3A_35 = arith.constant 0 : index
    %get3A_36 = tpu.vector_load %arg6[%get3A_34, %get3A_35] {strides = array<i32>} : memref<2x128xi32, #tpu.memory_space<vmem>>, vector<16xi32>,
    %add3A_37 = vector.broadcast %mul3A_29 : i32 to vector<16xi32>
    %add3A_38 = arith.addi %get3A_36, %add3A_37 : vector<16xi32>
    %swap3A = arith.constant 0 : i32
    %swap3A_39 = arith.index_cast %swap3A : i32 to index
    %swap3A_40 = arith.constant 0 : index
    %swap3A_41 = tpu.vector_load %arg6[%swap3A_39, %swap3A_40] {strides = array<i32>} : memref<2x128xi32, #tpu.memory_space<vmem>>, vector<16xi32>,
    tpu.vector_store %arg6[%swap3A_39, %swap3A_40], %add3A_38 {strides = array<i32>} : memref<2x128xi32, #tpu.memory_space<vmem>>, vector<16xi32>,
    %get3A_42 = arith.constant 0 : i32
    %get3A_43 = arith.index_cast %get3A_42 : i32 to index
    %get3A_44 = arith.constant 16 : index
    %get3A_45 = tpu.vector_load %arg6[%get3A_43, %get3A_44] {strides = array<i32>} : memref<2x128xi32, #tpu.memory_space<vmem>>, vector<16xi32>,
    %add3A_46 = vector.broadcast %mul3A_29 : i32 to vector<16xi32>
    %add3A_47 = arith.addi %get3A_45, %add3A_46 : vector<16xi32>
    %swap3A_48 = arith.constant 0 : i32
    %swap3A_49 = arith.index_cast %swap3A_48 : i32 to index
    %swap3A_50 = arith.constant 16 : index
    %swap3A_51 = tpu.vector_load %arg6[%swap3A_49, %swap3A_50] {strides = array<i32>} : memref<2x128xi32, #tpu.memory_space<vmem>>, vector<16xi32>,
    tpu.vector_store %arg6[%swap3A_49, %swap3A_50], %add3A_47 {strides = array<i32>} : memref<2x128xi32, #tpu.memory_space<vmem>>, vector<16xi32>,
    %get3A_52 = arith.constant 0 : i32
    %get3A_53 = arith.index_cast %get3A_52 : i32 to index
    %get3A_54 = arith.constant 32 : index
    %get3A_55 = tpu.vector_load %arg6[%get3A_53, %get3A_54] {strides = array<i32>} : memref<2x128xi32, #tpu.memory_space<vmem>>, vector<16xi32>,
    %add3A_56 = vector.broadcast %mul3A_29 : i32 to vector<16xi32>
    %add3A_57 = arith.addi %get3A_55, %add3A_56 : vector<16xi32>
    %swap3A_58 = arith.constant 0 : i32
    %swap3A_59 = arith.index_cast %swap3A_58 : i32 to index
    %swap3A_60 = arith.constant 32 : index
    %swap3A_61 = tpu.vector_load %arg6[%swap3A_59, %swap3A_60] {strides = array<i32>} : memref<2x128xi32, #tpu.memory_space<vmem>>, vector<16xi32>,
    tpu.vector_store %arg6[%swap3A_59, %swap3A_60], %add3A_57 {strides = array<i32>} : memref<2x128xi32, #tpu.memory_space<vmem>>, vector<16xi32>,
    %get3A_62 = arith.constant 0 : i32
    %get3A_63 = arith.index_cast %get3A_62 : i32 to index
    %get3A_64 = arith.constant 48 : index
    %get3A_65 = tpu.vector_load %arg6[%get3A_63, %get3A_64] {strides = array<i32>} : memref<2x128xi32, #tpu.memory_space<vmem>>, vector<16xi32>,
    %add3A_66 = vector.broadcast %mul3A_29 : i32 to vector<16xi32>
    %add3A_67 = arith.addi %get3A_65, %add3A_66 : vector<16xi32>
    %swap3A_68 = arith.constant 0 : i32
    %swap3A_69 = arith.index_cast %swap3A_68 : i32 to index
    %swap3A_70 = arith.constant 48 : index
    %swap3A_71 = tpu.vector_load %arg6[%swap3A_69, %swap3A_70] {strides = array<i32>} : memref<2x128xi32, #tpu.memory_space<vmem>>, vector<16xi32>,
    tpu.vector_store %arg6[%swap3A_69, %swap3A_70], %add3A_67 {strides = array<i32>} : memref<2x128xi32, #tpu.memory_space<vmem>>, vector<16xi32>,
    %get3A_72 = arith.constant 0 : i32
    %get3A_73 = arith.index_cast %get3A_72 : i32 to index
    %get3A_74 = arith.constant 64 : index
    %get3A_75 = tpu.vector_load %arg6[%get3A_73, %get3A_74] {strides = array<i32>} : memref<2x128xi32, #tpu.memory_space<vmem>>, vector<16xi32>,
    %add3A_76 = vector.broadcast %mul3A_29 : i32 to vector<16xi32>
    %add3A_77 = arith.addi %get3A_75, %add3A_76 : vector<16xi32>
    %swap3A_78 = arith.constant 0 : i32
    %swap3A_79 = arith.index_cast %swap3A_78 : i32 to index
    %swap3A_80 = arith.constant 64 : index
    %swap3A_81 = tpu.vector_load %arg6[%swap3A_79, %swap3A_80] {strides = array<i32>} : memref<2x128xi32, #tpu.memory_space<vmem>>, vector<16xi32>,
    tpu.vector_store %arg6[%swap3A_79, %swap3A_80], %add3A_77 {strides = array<i32>} : memref<2x128xi32, #tpu.memory_space<vmem>>, vector<16xi32>,
    %get3A_82 = arith.constant 0 : i32
    %get3A_83 = arith.index_cast %get3A_82 : i32 to index
    %get3A_84 = arith.constant 80 : index
    %get3A_85 = tpu.vector_load %arg6[%get3A_83, %get3A_84] {strides = array<i32>} : memref<2x128xi32, #tpu.memory_space<vmem>>, vector<16xi32>,
    %add3A_86 = vector.broadcast %mul3A_29 : i32 to vector<16xi32>
    %add3A_87 = arith.addi %get3A_85, %add3A_86 : vector<16xi32>
    %swap3A_88 = arith.constant 0 : i32
    %swap3A_89 = arith.index_cast %swap3A_88 : i32 to index
    %swap3A_90 = arith.constant 80 : index
    %swap3A_91 = tpu.vector_load %arg6[%swap3A_89, %swap3A_90] {strides = array<i32>} : memref<2x128xi32, #tpu.memory_space<vmem>>, vector<16xi32>,
    tpu.vector_store %arg6[%swap3A_89, %swap3A_90], %add3A_87 {strides = array<i32>} : memref<2x128xi32, #tpu.memory_space<vmem>>, vector<16xi32>,
    %get3A_92 = arith.constant 0 : i32
    %get3A_93 = arith.index_cast %get3A_92 : i32 to index
    %get3A_94 = arith.constant 96 : index
    %get3A_95 = tpu.vector_load %arg6[%get3A_93, %get3A_94] {strides = array<i32>} : memref<2x128xi32, #tpu.memory_space<vmem>>, vector<16xi32>,
    %add3A_96 = vector.broadcast %mul3A_29 : i32 to vector<16xi32>
    %add3A_97 = arith.addi %get3A_95, %add3A_96 : vector<16xi32>
    %swap3A_98 = arith.constant 0 : i32
    %swap3A_99 = arith.index_cast %swap3A_98 : i32 to index
    %swap3A_100 = arith.constant 96 : index
    %swap3A_101 = tpu.vector_load %arg6[%swap3A_99, %swap3A_100] {strides = array<i32>} : memref<2x128xi32, #tpu.memory_space<vmem>>, vector<16xi32>,
    tpu.vector_store %arg6[%swap3A_99, %swap3A_100], %add3A_97 {strides = array<i32>} : memref<2x128xi32, #tpu.memory_space<vmem>>, vector<16xi32>,
    %get3A_102 = arith.constant 0 : i32
    %get3A_103 = arith.index_cast %get3A_102 : i32 to index
    %get3A_104 = arith.constant 112 : index
    %get3A_105 = tpu.vector_load %arg6[%get3A_103, %get3A_104] {strides = array<i32>} : memref<2x128xi32, #tpu.memory_space<vmem>>, vector<16xi32>,
    %add3A_106 = vector.broadcast %mul3A_29 : i32 to vector<16xi32>
    %add3A_107 = arith.addi %get3A_105, %add3A_106 : vector<16xi32>
    %swap3A_108 = arith.constant 0 : i32
    %swap3A_109 = arith.index_cast %swap3A_108 : i32 to index
    %swap3A_110 = arith.constant 112 : index
    %swap3A_111 = tpu.vector_load %arg6[%swap3A_109, %swap3A_110] {strides = array<i32>} : memref<2x128xi32, #tpu.memory_space<vmem>>, vector<16xi32>,
    tpu.vector_store %arg6[%swap3A_109, %swap3A_110], %add3A_107 {strides = array<i32>} : memref<2x128xi32, #tpu.memory_space<vmem>>, vector<16xi32>,
    %dma_start3A = arith.constant 0 : i32
    %dma_start3A_112 = arith.constant 0 : i32
    %dma_start3A_113 = arith.constant 0 : i32
    %dma_start3A_114 = arith.constant 0 : i32
    %dma_start3A_115 = tpu.memref_slice %arg8[%dma_start3A_112, %dma_start3A_113, %dma_start3A_114] : memref<2x128x128xf32, #tpu.memory_space<vmem>> -> memref<1x128x128xf32, #tpu.memory_space<vmem>>
    %dma_start3A_116 = tpu.memref_squeeze %dma_start3A_115 : memref<1x128x128xf32, #tpu.memory_space<vmem>> -> memref<128x128xf32, #tpu.memory_space<vmem>>
    %dma_start3A_117 = arith.constant 0 : i32
    %dma_start3A_118 = tpu.memref_slice %arg6[%dma_start3A, %dma_start3A_117] : memref<2x128xi32, #tpu.memory_space<vmem>> -> memref<1x128xi32, #tpu.memory_space<vmem>>
    %dma_start3A_119 = tpu.memref_squeeze %dma_start3A_118 : memref<1x128xi32, #tpu.memory_space<vmem>> -> memref<128xi32, #tpu.memory_space<vmem>>
    %dma_start3A_120 = arith.constant 0 : i32
    %dma_start3A_121 = arith.constant 0 : i32
    %dma_start3A_122 = tpu.memref_slice %arg2[%dma_start3A_120, %dma_start3A_121] : memref<20480x128xf32, #tpu.memory_space<hbm>> -> memref<20480x128xf32, #tpu.memory_space<hbm>>
    tpu.enqueue_indirect_dma source(%dma_start3A_122 : memref<20480x128xf32, #tpu.memory_space<hbm>>) target(%dma_start3A_116 : memref<128x128xf32, #tpu.memory_space<vmem>>) offsets(%dma_start3A_119 : memref<128xi32, #tpu.memory_space<vmem>>) semaphore(%arg10 : memref<!tpu.dma_semaphore, #tpu.memory_space<semaphore_mem>>)
    %scan3A_123 = arith.constant 0 : i32
    %scan3A_124 = arith.constant 39 : i32
    %scan3A_125 = arith.addi %scan3A_123, %scan3A_124 : i32
    %scan3A_126 = arith.constant 1 : i32
    scf.for %scan3A_256 = %scan3A_123 to %scan3A_125 step %scan3A_126  : i32 {
      %mul3A_257 = arith.constant 2 : i32
      %mul3A_258 = arith.muli %scan3A_256, %mul3A_257 : i32
      %add3A_259 = arith.constant 0 : i32
      %add3A_260 = arith.addi %add3A_259, %mul3A_258 : i32
      %add3A_261 = arith.constant 1 : i32
      %add3A_262 = arith.addi %add3A_260, %add3A_261 : i32
      %mul3A_263 = arith.constant 128 : i32
      %mul3A_264 = arith.muli %add3A_262, %mul3A_263 : i32
      %add3A_265 = arith.addi %mul3A_0, %mul3A_264 : i32
      %run_scoped3A_266 = arith.constant 1 : i32
      "tpu.region"() ({
        %run_scoped3A_489 = tpu.sem_alloc : memref<!tpu.dma_semaphore, #tpu.memory_space<semaphore_mem>>
        %dma_start3A_490 = arith.constant 0 : i32
        %dma_start3A_491 = tpu.memref_slice %arg6[%run_scoped3A_266, %dma_start3A_490] : memref<2x128xi32, #tpu.memory_space<vmem>> -> memref<1x128xi32, #tpu.memory_space<vmem>>
        %dma_start3A_492 = tpu.memref_squeeze %dma_start3A_491 : memref<1x128xi32, #tpu.memory_space<vmem>> -> memref<128xi32, #tpu.memory_space<vmem>>
        %dma_start3A_493 = tpu.memref_slice %arg3[%add3A_265] : memref<163840xi32, #tpu.memory_space<hbm>> -> memref<128xi32, #tpu.memory_space<hbm>>
        %dma_start3A_494 = arith.constant 0 : i32
        %dma_start3A_495 = tpu.memref_slice %arg6[%run_scoped3A_266, %dma_start3A_494] : memref<2x128xi32, #tpu.memory_space<vmem>> -> memref<1x128xi32, #tpu.memory_space<vmem>>
        %dma_start3A_496 = tpu.memref_squeeze %dma_start3A_495 : memref<1x128xi32, #tpu.memory_space<vmem>> -> memref<128xi32, #tpu.memory_space<vmem>>
        %dma_start3A_497 = tpu.memref_slice %arg3[%add3A_265] : memref<163840xi32, #tpu.memory_space<hbm>> -> memref<128xi32, #tpu.memory_space<hbm>>
        tpu.enqueue_dma source(%dma_start3A_497 : memref<128xi32, #tpu.memory_space<hbm>>) target(%dma_start3A_496 : memref<128xi32, #tpu.memory_space<vmem>>) target_semaphore(%run_scoped3A_489 : memref<!tpu.dma_semaphore, #tpu.memory_space<semaphore_mem>>)
        %dma_wait3A_498 = arith.constant 0 : i32
        %dma_wait3A_499 = tpu.memref_slice %arg6[%run_scoped3A_266, %dma_wait3A_498] : memref<2x128xi32, #tpu.memory_space<vmem>> -> memref<1x128xi32, #tpu.memory_space<vmem>>
        %dma_wait3A_500 = tpu.memref_squeeze %dma_wait3A_499 : memref<1x128xi32, #tpu.memory_space<vmem>> -> memref<128xi32, #tpu.memory_space<vmem>>
        %dma_wait3A_501 = tpu.memref_slice %arg3[%add3A_265] : memref<163840xi32, #tpu.memory_space<hbm>> -> memref<128xi32, #tpu.memory_space<hbm>>
        %dma_wait3A_502 = arith.constant 0 : i32
        %dma_wait3A_503 = tpu.memref_slice %arg6[%run_scoped3A_266, %dma_wait3A_502] : memref<2x128xi32, #tpu.memory_space<vmem>> -> memref<1x128xi32, #tpu.memory_space<vmem>>
        %dma_wait3A_504 = tpu.memref_squeeze %dma_wait3A_503 : memref<1x128xi32, #tpu.memory_space<vmem>> -> memref<128xi32, #tpu.memory_space<vmem>>
        %dma_wait3A_505 = tpu.memref_slice %arg3[%add3A_265] : memref<163840xi32, #tpu.memory_space<hbm>> -> memref<128xi32, #tpu.memory_space<hbm>>
        tpu.wait_dma2 semaphore(%run_scoped3A_489 : memref<!tpu.dma_semaphore, #tpu.memory_space<semaphore_mem>>) src(%dma_wait3A_505 : memref<128xi32, #tpu.memory_space<hbm>>) dst(%dma_wait3A_504 : memref<128xi32, #tpu.memory_space<vmem>>)
        tpu.yield
      }) : () -> ()
      %run_scoped3A_267 = arith.constant 1 : i32
      "tpu.region"() ({
        %run_scoped3A_489 = tpu.sem_alloc : memref<!tpu.dma_semaphore, #tpu.memory_space<semaphore_mem>>
        %dma_start3A_490 = arith.constant 0 : i32
        %dma_start3A_491 = tpu.memref_slice %arg7[%run_scoped3A_267, %dma_start3A_490] : memref<2x128xi32, #tpu.memory_space<vmem>> -> memref<1x128xi32, #tpu.memory_space<vmem>>
        %dma_start3A_492 = tpu.memref_squeeze %dma_start3A_491 : memref<1x128xi32, #tpu.memory_space<vmem>> -> memref<128xi32, #tpu.memory_space<vmem>>
        %dma_start3A_493 = tpu.memref_slice %arg4[%add3A_265] : memref<163840xi32, #tpu.memory_space<hbm>> -> memref<128xi32, #tpu.memory_space<hbm>>
        %dma_start3A_494 = arith.constant 0 : i32
        %dma_start3A_495 = tpu.memref_slice %arg7[%run_scoped3A_267, %dma_start3A_494] : memref<2x128xi32, #tpu.memory_space<vmem>> -> memref<1x128xi32, #tpu.memory_space<vmem>>
        %dma_start3A_496 = tpu.memref_squeeze %dma_start3A_495 : memref<1x128xi32, #tpu.memory_space<vmem>> -> memref<128xi32, #tpu.memory_space<vmem>>
        %dma_start3A_497 = tpu.memref_slice %arg4[%add3A_265] : memref<163840xi32, #tpu.memory_space<hbm>> -> memref<128xi32, #tpu.memory_space<hbm>>
        tpu.enqueue_dma source(%dma_start3A_497 : memref<128xi32, #tpu.memory_space<hbm>>) target(%dma_start3A_496 : memref<128xi32, #tpu.memory_space<vmem>>) target_semaphore(%run_scoped3A_489 : memref<!tpu.dma_semaphore, #tpu.memory_space<semaphore_mem>>)
        %dma_wait3A_498 = arith.constant 0 : i32
        %dma_wait3A_499 = tpu.memref_slice %arg7[%run_scoped3A_267, %dma_wait3A_498] : memref<2x128xi32, #tpu.memory_space<vmem>> -> memref<1x128xi32, #tpu.memory_space<vmem>>
        %dma_wait3A_500 = tpu.memref_squeeze %dma_wait3A_499 : memref<1x128xi32, #tpu.memory_space<vmem>> -> memref<128xi32, #tpu.memory_space<vmem>>
        %dma_wait3A_501 = tpu.memref_slice %arg4[%add3A_265] : memref<163840xi32, #tpu.memory_space<hbm>> -> memref<128xi32, #tpu.memory_space<hbm>>
        %dma_wait3A_502 = arith.constant 0 : i32
        %dma_wait3A_503 = tpu.memref_slice %arg7[%run_scoped3A_267, %dma_wait3A_502] : memref<2x128xi32, #tpu.memory_space<vmem>> -> memref<1x128xi32, #tpu.memory_space<vmem>>
        %dma_wait3A_504 = tpu.memref_squeeze %dma_wait3A_503 : memref<1x128xi32, #tpu.memory_space<vmem>> -> memref<128xi32, #tpu.memory_space<vmem>>
        %dma_wait3A_505 = tpu.memref_slice %arg4[%add3A_265] : memref<163840xi32, #tpu.memory_space<hbm>> -> memref<128xi32, #tpu.memory_space<hbm>>
        tpu.wait_dma2 semaphore(%run_scoped3A_489 : memref<!tpu.dma_semaphore, #tpu.memory_space<semaphore_mem>>) src(%dma_wait3A_505 : memref<128xi32, #tpu.memory_space<hbm>>) dst(%dma_wait3A_504 : memref<128xi32, #tpu.memory_space<vmem>>)
        tpu.yield
      }) : () -> ()
      %get3A_268 = arith.constant 1 : i32
      %get3A_269 = arith.index_cast %get3A_268 : i32 to index
      %get3A_270 = arith.constant 0 : index
      %get3A_271 = tpu.vector_load %arg6[%get3A_269, %get3A_270] {strides = array<i32>} : memref<2x128xi32, #tpu.memory_space<vmem>>, vector<16xi32>,
      %add3A_272 = vector.broadcast %mul3A_29 : i32 to vector<16xi32>
      %add3A_273 = arith.addi %get3A_271, %add3A_272 : vector<16xi32>
      %swap3A_274 = arith.constant 1 : i32
      %swap3A_275 = arith.index_cast %swap3A_274 : i32 to index
      %swap3A_276 = arith.constant 0 : index
      %swap3A_277 = tpu.vector_load %arg6[%swap3A_275, %swap3A_276] {strides = array<i32>} : memref<2x128xi32, #tpu.memory_space<vmem>>, vector<16xi32>,
      tpu.vector_store %arg6[%swap3A_275, %swap3A_276], %add3A_273 {strides = array<i32>} : memref<2x128xi32, #tpu.memory_space<vmem>>, vector<16xi32>,
      %get3A_278 = arith.constant 1 : i32
      %get3A_279 = arith.index_cast %get3A_278 : i32 to index
      %get3A_280 = arith.constant 16 : index
      %get3A_281 = tpu.vector_load %arg6[%get3A_279, %get3A_280] {strides = array<i32>} : memref<2x128xi32, #tpu.memory_space<vmem>>, vector<16xi32>,
      %add3A_282 = vector.broadcast %mul3A_29 : i32 to vector<16xi32>
      %add3A_283 = arith.addi %get3A_281, %add3A_282 : vector<16xi32>
      %swap3A_284 = arith.constant 1 : i32
      %swap3A_285 = arith.index_cast %swap3A_284 : i32 to index
      %swap3A_286 = arith.constant 16 : index
      %swap3A_287 = tpu.vector_load %arg6[%swap3A_285, %swap3A_286] {strides = array<i32>} : memref<2x128xi32, #tpu.memory_space<vmem>>, vector<16xi32>,
      tpu.vector_store %arg6[%swap3A_285, %swap3A_286], %add3A_283 {strides = array<i32>} : memref<2x128xi32, #tpu.memory_space<vmem>>, vector<16xi32>,
      %get3A_288 = arith.constant 1 : i32
      %get3A_289 = arith.index_cast %get3A_288 : i32 to index
      %get3A_290 = arith.constant 32 : index
      %get3A_291 = tpu.vector_load %arg6[%get3A_289, %get3A_290] {strides = array<i32>} : memref<2x128xi32, #tpu.memory_space<vmem>>, vector<16xi32>,
      %add3A_292 = vector.broadcast %mul3A_29 : i32 to vector<16xi32>
      %add3A_293 = arith.addi %get3A_291, %add3A_292 : vector<16xi32>
      %swap3A_294 = arith.constant 1 : i32
      %swap3A_295 = arith.index_cast %swap3A_294 : i32 to index
      %swap3A_296 = arith.constant 32 : index
      %swap3A_297 = tpu.vector_load %arg6[%swap3A_295, %swap3A_296] {strides = array<i32>} : memref<2x128xi32, #tpu.memory_space<vmem>>, vector<16xi32>,
      tpu.vector_store %arg6[%swap3A_295, %swap3A_296], %add3A_293 {strides = array<i32>} : memref<2x128xi32, #tpu.memory_space<vmem>>, vector<16xi32>,
      %get3A_298 = arith.constant 1 : i32
      %get3A_299 = arith.index_cast %get3A_298 : i32 to index
      %get3A_300 = arith.constant 48 : index
      %get3A_301 = tpu.vector_load %arg6[%get3A_299, %get3A_300] {strides = array<i32>} : memref<2x128xi32, #tpu.memory_space<vmem>>, vector<16xi32>,
      %add3A_302 = vector.broadcast %mul3A_29 : i32 to vector<16xi32>
      %add3A_303 = arith.addi %get3A_301, %add3A_302 : vector<16xi32>
      %swap3A_304 = arith.constant 1 : i32
      %swap3A_305 = arith.index_cast %swap3A_304 : i32 to index
      %swap3A_306 = arith.constant 48 : index
      %swap3A_307 = tpu.vector_load %arg6[%swap3A_305, %swap3A_306] {strides = array<i32>} : memref<2x128xi32, #tpu.memory_space<vmem>>, vector<16xi32>,
      tpu.vector_store %arg6[%swap3A_305, %swap3A_306], %add3A_303 {strides = array<i32>} : memref<2x128xi32, #tpu.memory_space<vmem>>, vector<16xi32>,
      %get3A_308 = arith.constant 1 : i32
      %get3A_309 = arith.index_cast %get3A_308 : i32 to index
      %get3A_310 = arith.constant 64 : index
      %get3A_311 = tpu.vector_load %arg6[%get3A_309, %get3A_310] {strides = array<i32>} : memref<2x128xi32, #tpu.memory_space<vmem>>, vector<16xi32>,
      %add3A_312 = vector.broadcast %mul3A_29 : i32 to vector<16xi32>
      %add3A_313 = arith.addi %get3A_311, %add3A_312 : vector<16xi32>
      %swap3A_314 = arith.constant 1 : i32
      %swap3A_315 = arith.index_cast %swap3A_314 : i32 to index
      %swap3A_316 = arith.constant 64 : index
      %swap3A_317 = tpu.vector_load %arg6[%swap3A_315, %swap3A_316] {strides = array<i32>} : memref<2x128xi32, #tpu.memory_space<vmem>>, vector<16xi32>,
      tpu.vector_store %arg6[%swap3A_315, %swap3A_316], %add3A_313 {strides = array<i32>} : memref<2x128xi32, #tpu.memory_space<vmem>>, vector<16xi32>,
      %get3A_318 = arith.constant 1 : i32
      %get3A_319 = arith.index_cast %get3A_318 : i32 to index
      %get3A_320 = arith.constant 80 : index
      %get3A_321 = tpu.vector_load %arg6[%get3A_319, %get3A_320] {strides = array<i32>} : memref<2x128xi32, #tpu.memory_space<vmem>>, vector<16xi32>,
      %add3A_322 = vector.broadcast %mul3A_29 : i32 to vector<16xi32>
      %add3A_323 = arith.addi %get3A_321, %add3A_322 : vector<16xi32>
      %swap3A_324 = arith.constant 1 : i32
      %swap3A_325 = arith.index_cast %swap3A_324 : i32 to index
      %swap3A_326 = arith.constant 80 : index
      %swap3A_327 = tpu.vector_load %arg6[%swap3A_325, %swap3A_326] {strides = array<i32>} : memref<2x128xi32, #tpu.memory_space<vmem>>, vector<16xi32>,
      tpu.vector_store %arg6[%swap3A_325, %swap3A_326], %add3A_323 {strides = array<i32>} : memref<2x128xi32, #tpu.memory_space<vmem>>, vector<16xi32>,
      %get3A_328 = arith.constant 1 : i32
      %get3A_329 = arith.index_cast %get3A_328 : i32 to index
      %get3A_330 = arith.constant 96 : index
      %get3A_331 = tpu.vector_load %arg6[%get3A_329, %get3A_330] {strides = array<i32>} : memref<2x128xi32, #tpu.memory_space<vmem>>, vector<16xi32>,
      %add3A_332 = vector.broadcast %mul3A_29 : i32 to vector<16xi32>
      %add3A_333 = arith.addi %get3A_331, %add3A_332 : vector<16xi32>
      %swap3A_334 = arith.constant 1 : i32
      %swap3A_335 = arith.index_cast %swap3A_334 : i32 to index
      %swap3A_336 = arith.constant 96 : index
      %swap3A_337 = tpu.vector_load %arg6[%swap3A_335, %swap3A_336] {strides = array<i32>} : memref<2x128xi32, #tpu.memory_space<vmem>>, vector<16xi32>,
      tpu.vector_store %arg6[%swap3A_335, %swap3A_336], %add3A_333 {strides = array<i32>} : memref<2x128xi32, #tpu.memory_space<vmem>>, vector<16xi32>,
      %get3A_338 = arith.constant 1 : i32
      %get3A_339 = arith.index_cast %get3A_338 : i32 to index
      %get3A_340 = arith.constant 112 : index
      %get3A_341 = tpu.vector_load %arg6[%get3A_339, %get3A_340] {strides = array<i32>} : memref<2x128xi32, #tpu.memory_space<vmem>>, vector<16xi32>,
      %add3A_342 = vector.broadcast %mul3A_29 : i32 to vector<16xi32>
      %add3A_343 = arith.addi %get3A_341, %add3A_342 : vector<16xi32>
      %swap3A_344 = arith.constant 1 : i32
      %swap3A_345 = arith.index_cast %swap3A_344 : i32 to index
      %swap3A_346 = arith.constant 112 : index
      %swap3A_347 = tpu.vector_load %arg6[%swap3A_345, %swap3A_346] {strides = array<i32>} : memref<2x128xi32, #tpu.memory_space<vmem>>, vector<16xi32>,
      tpu.vector_store %arg6[%swap3A_345, %swap3A_346], %add3A_343 {strides = array<i32>} : memref<2x128xi32, #tpu.memory_space<vmem>>, vector<16xi32>,
      %dma_start3A_348 = arith.constant 1 : i32
      %dma_start3A_349 = arith.constant 1 : i32
      %dma_start3A_350 = arith.constant 0 : i32
      %dma_start3A_351 = arith.constant 0 : i32
      %dma_start3A_352 = tpu.memref_slice %arg8[%dma_start3A_349, %dma_start3A_350, %dma_start3A_351] : memref<2x128x128xf32, #tpu.memory_space<vmem>> -> memref<1x128x128xf32, #tpu.memory_space<vmem>>
      %dma_start3A_353 = tpu.memref_squeeze %dma_start3A_352 : memref<1x128x128xf32, #tpu.memory_space<vmem>> -> memref<128x128xf32, #tpu.memory_space<vmem>>
      %dma_start3A_354 = arith.constant 0 : i32
      %dma_start3A_355 = tpu.memref_slice %arg6[%dma_start3A_348, %dma_start3A_354] : memref<2x128xi32, #tpu.memory_space<vmem>> -> memref<1x128xi32, #tpu.memory_space<vmem>>
      %dma_start3A_356 = tpu.memref_squeeze %dma_start3A_355 : memref<1x128xi32, #tpu.memory_space<vmem>> -> memref<128xi32, #tpu.memory_space<vmem>>
      %dma_start3A_357 = arith.constant 0 : i32
      %dma_start3A_358 = arith.constant 0 : i32
      %dma_start3A_359 = tpu.memref_slice %arg2[%dma_start3A_357, %dma_start3A_358] : memref<20480x128xf32, #tpu.memory_space<hbm>> -> memref<20480x128xf32, #tpu.memory_space<hbm>>
      tpu.enqueue_indirect_dma source(%dma_start3A_359 : memref<20480x128xf32, #tpu.memory_space<hbm>>) target(%dma_start3A_353 : memref<128x128xf32, #tpu.memory_space<vmem>>) offsets(%dma_start3A_356 : memref<128xi32, #tpu.memory_space<vmem>>) semaphore(%arg11 : memref<!tpu.dma_semaphore, #tpu.memory_space<semaphore_mem>>)
      %dma_wait3A_360 = arith.constant 0 : i32
      %dma_wait3A_361 = arith.constant 0 : i32
      %dma_wait3A_362 = arith.constant 0 : i32
      %dma_wait3A_363 = arith.constant 0 : i32
      %dma_wait3A_364 = tpu.memref_slice %arg8[%dma_wait3A_361, %dma_wait3A_362, %dma_wait3A_363] : memref<2x128x128xf32, #tpu.memory_space<vmem>> -> memref<1x128x128xf32, #tpu.memory_space<vmem>>
      %dma_wait3A_365 = tpu.memref_squeeze %dma_wait3A_364 : memref<1x128x128xf32, #tpu.memory_space<vmem>> -> memref<128x128xf32, #tpu.memory_space<vmem>>
      %dma_wait3A_366 = arith.constant 0 : i32
      %dma_wait3A_367 = tpu.memref_slice %arg6[%dma_wait3A_360, %dma_wait3A_366] : memref<2x128xi32, #tpu.memory_space<vmem>> -> memref<1x128xi32, #tpu.memory_space<vmem>>
      %dma_wait3A_368 = tpu.memref_squeeze %dma_wait3A_367 : memref<1x128xi32, #tpu.memory_space<vmem>> -> memref<128xi32, #tpu.memory_space<vmem>>
      %dma_wait3A_369 = arith.constant 0 : i32
      %dma_wait3A_370 = arith.constant 0 : i32
      %dma_wait3A_371 = tpu.memref_slice %arg2[%dma_wait3A_369, %dma_wait3A_370] : memref<20480x128xf32, #tpu.memory_space<hbm>> -> memref<20480x128xf32, #tpu.memory_space<hbm>>
      tpu.wait_indirect_dma semaphore(%arg10 : memref<!tpu.dma_semaphore, #tpu.memory_space<semaphore_mem>>) src(%dma_wait3A_371 : memref<20480x128xf32, #tpu.memory_space<hbm>>) dst(%dma_wait3A_365 : memref<128x128xf32, #tpu.memory_space<vmem>>)
      %run_scoped3A_372 = arith.constant 0 : i32
      %run_scoped3A_373 = arith.constant 0 : i32
      "tpu.region"() ({
        %run_scoped3A_489 = tpu.sem_alloc : memref<!tpu.dma_semaphore, #tpu.memory_space<semaphore_mem>>
        %dma_start3A_490 = arith.constant 0 : i32
        %dma_start3A_491 = arith.constant 0 : i32
        %dma_start3A_492 = tpu.memref_slice %arg8[%run_scoped3A_372, %dma_start3A_490, %dma_start3A_491] : memref<2x128x128xf32, #tpu.memory_space<vmem>> -> memref<1x128x128xf32, #tpu.memory_space<vmem>>
        %dma_start3A_493 = tpu.memref_squeeze %dma_start3A_492 : memref<1x128x128xf32, #tpu.memory_space<vmem>> -> memref<128x128xf32, #tpu.memory_space<vmem>>
        %dma_start3A_494 = arith.constant 0 : i32
        %dma_start3A_495 = tpu.memref_slice %arg7[%run_scoped3A_373, %dma_start3A_494] : memref<2x128xi32, #tpu.memory_space<vmem>> -> memref<1x128xi32, #tpu.memory_space<vmem>>
        %dma_start3A_496 = tpu.memref_squeeze %dma_start3A_495 : memref<1x128xi32, #tpu.memory_space<vmem>> -> memref<128xi32, #tpu.memory_space<vmem>>
        %dma_start3A_497 = arith.constant 0 : i32
        %dma_start3A_498 = arith.constant 0 : i32
        %dma_start3A_499 = tpu.memref_slice %arg9[%dma_start3A_497, %dma_start3A_498] : memref<10240x128xf32, #tpu.memory_space<vmem_shared>> -> memref<10240x128xf32, #tpu.memory_space<vmem_shared>>
        tpu.enqueue_indirect_dma source(%dma_start3A_493 : memref<128x128xf32, #tpu.memory_space<vmem>>) target(%dma_start3A_499 : memref<10240x128xf32, #tpu.memory_space<vmem_shared>>) offsets(%dma_start3A_496 : memref<128xi32, #tpu.memory_space<vmem>>) semaphore(%run_scoped3A_489 : memref<!tpu.dma_semaphore, #tpu.memory_space<semaphore_mem>>) {add = true}
        %dma_wait3A_500 = arith.constant 0 : i32
        %dma_wait3A_501 = arith.constant 0 : i32
        %dma_wait3A_502 = tpu.memref_slice %arg8[%run_scoped3A_372, %dma_wait3A_500, %dma_wait3A_501] : memref<2x128x128xf32, #tpu.memory_space<vmem>> -> memref<1x128x128xf32, #tpu.memory_space<vmem>>
        %dma_wait3A_503 = tpu.memref_squeeze %dma_wait3A_502 : memref<1x128x128xf32, #tpu.memory_space<vmem>> -> memref<128x128xf32, #tpu.memory_space<vmem>>
        %dma_wait3A_504 = arith.constant 0 : i32
        %dma_wait3A_505 = tpu.memref_slice %arg7[%run_scoped3A_373, %dma_wait3A_504] : memref<2x128xi32, #tpu.memory_space<vmem>> -> memref<1x128xi32, #tpu.memory_space<vmem>>
        %dma_wait3A_506 = tpu.memref_squeeze %dma_wait3A_505 : memref<1x128xi32, #tpu.memory_space<vmem>> -> memref<128xi32, #tpu.memory_space<vmem>>
        %dma_wait3A_507 = arith.constant 0 : i32
        %dma_wait3A_508 = arith.constant 0 : i32
        %dma_wait3A_509 = tpu.memref_slice %arg9[%dma_wait3A_507, %dma_wait3A_508] : memref<10240x128xf32, #tpu.memory_space<vmem_shared>> -> memref<10240x128xf32, #tpu.memory_space<vmem_shared>>
        tpu.wait_indirect_dma semaphore(%run_scoped3A_489 : memref<!tpu.dma_semaphore, #tpu.memory_space<semaphore_mem>>) src(%dma_wait3A_503 : memref<128x128xf32, #tpu.memory_space<vmem>>) dst(%dma_wait3A_509 : memref<10240x128xf32, #tpu.memory_space<vmem_shared>>)
        tpu.yield
      }) : () -> ()
      %add3A_374 = arith.constant 2 : i32
      %add3A_375 = arith.addi %add3A_260, %add3A_374 : i32
      %mul3A_376 = arith.constant 128 : i32
      %mul3A_377 = arith.muli %add3A_375, %mul3A_376 : i32
      %add3A_378 = arith.addi %mul3A_0, %mul3A_377 : i32
      %run_scoped3A_379 = arith.constant 0 : i32
      "tpu.region"() ({
        %run_scoped3A_489 = tpu.sem_alloc : memref<!tpu.dma_semaphore, #tpu.memory_space<semaphore_mem>>
        %dma_start3A_490 = arith.constant 0 : i32
        %dma_start3A_491 = tpu.memref_slice %arg6[%run_scoped3A_379, %dma_start3A_490] : memref<2x128xi32, #tpu.memory_space<vmem>> -> memref<1x128xi32, #tpu.memory_space<vmem>>
        %dma_start3A_492 = tpu.memref_squeeze %dma_start3A_491 : memref<1x128xi32, #tpu.memory_space<vmem>> -> memref<128xi32, #tpu.memory_space<vmem>>
        %dma_start3A_493 = tpu.memref_slice %arg3[%add3A_378] : memref<163840xi32, #tpu.memory_space<hbm>> -> memref<128xi32, #tpu.memory_space<hbm>>
        %dma_start3A_494 = arith.constant 0 : i32
        %dma_start3A_495 = tpu.memref_slice %arg6[%run_scoped3A_379, %dma_start3A_494] : memref<2x128xi32, #tpu.memory_space<vmem>> -> memref<1x128xi32, #tpu.memory_space<vmem>>
        %dma_start3A_496 = tpu.memref_squeeze %dma_start3A_495 : memref<1x128xi32, #tpu.memory_space<vmem>> -> memref<128xi32, #tpu.memory_space<vmem>>
        %dma_start3A_497 = tpu.memref_slice %arg3[%add3A_378] : memref<163840xi32, #tpu.memory_space<hbm>> -> memref<128xi32, #tpu.memory_space<hbm>>
        tpu.enqueue_dma source(%dma_start3A_497 : memref<128xi32, #tpu.memory_space<hbm>>) target(%dma_start3A_496 : memref<128xi32, #tpu.memory_space<vmem>>) target_semaphore(%run_scoped3A_489 : memref<!tpu.dma_semaphore, #tpu.memory_space<semaphore_mem>>)
        %dma_wait3A_498 = arith.constant 0 : i32
        %dma_wait3A_499 = tpu.memref_slice %arg6[%run_scoped3A_379, %dma_wait3A_498] : memref<2x128xi32, #tpu.memory_space<vmem>> -> memref<1x128xi32, #tpu.memory_space<vmem>>
        %dma_wait3A_500 = tpu.memref_squeeze %dma_wait3A_499 : memref<1x128xi32, #tpu.memory_space<vmem>> -> memref<128xi32, #tpu.memory_space<vmem>>
        %dma_wait3A_501 = tpu.memref_slice %arg3[%add3A_378] : memref<163840xi32, #tpu.memory_space<hbm>> -> memref<128xi32, #tpu.memory_space<hbm>>
        %dma_wait3A_502 = arith.constant 0 : i32
        %dma_wait3A_503 = tpu.memref_slice %arg6[%run_scoped3A_379, %dma_wait3A_502] : memref<2x128xi32, #tpu.memory_space<vmem>> -> memref<1x128xi32, #tpu.memory_space<vmem>>
        %dma_wait3A_504 = tpu.memref_squeeze %dma_wait3A_503 : memref<1x128xi32, #tpu.memory_space<vmem>> -> memref<128xi32, #tpu.memory_space<vmem>>
        %dma_wait3A_505 = tpu.memref_slice %arg3[%add3A_378] : memref<163840xi32, #tpu.memory_space<hbm>> -> memref<128xi32, #tpu.memory_space<hbm>>
        tpu.wait_dma2 semaphore(%run_scoped3A_489 : memref<!tpu.dma_semaphore, #tpu.memory_space<semaphore_mem>>) src(%dma_wait3A_505 : memref<128xi32, #tpu.memory_space<hbm>>) dst(%dma_wait3A_504 : memref<128xi32, #tpu.memory_space<vmem>>)
        tpu.yield
      }) : () -> ()
      %run_scoped3A_380 = arith.constant 0 : i32
      "tpu.region"() ({
        %run_scoped3A_489 = tpu.sem_alloc : memref<!tpu.dma_semaphore, #tpu.memory_space<semaphore_mem>>
        %dma_start3A_490 = arith.constant 0 : i32
        %dma_start3A_491 = tpu.memref_slice %arg7[%run_scoped3A_380, %dma_start3A_490] : memref<2x128xi32, #tpu.memory_space<vmem>> -> memref<1x128xi32, #tpu.memory_space<vmem>>
        %dma_start3A_492 = tpu.memref_squeeze %dma_start3A_491 : memref<1x128xi32, #tpu.memory_space<vmem>> -> memref<128xi32, #tpu.memory_space<vmem>>
        %dma_start3A_493 = tpu.memref_slice %arg4[%add3A_378] : memref<163840xi32, #tpu.memory_space<hbm>> -> memref<128xi32, #tpu.memory_space<hbm>>
        %dma_start3A_494 = arith.constant 0 : i32
        %dma_start3A_495 = tpu.memref_slice %arg7[%run_scoped3A_380, %dma_start3A_494] : memref<2x128xi32, #tpu.memory_space<vmem>> -> memref<1x128xi32, #tpu.memory_space<vmem>>
        %dma_start3A_496 = tpu.memref_squeeze %dma_start3A_495 : memref<1x128xi32, #tpu.memory_space<vmem>> -> memref<128xi32, #tpu.memory_space<vmem>>
        %dma_start3A_497 = tpu.memref_slice %arg4[%add3A_378] : memref<163840xi32, #tpu.memory_space<hbm>> -> memref<128xi32, #tpu.memory_space<hbm>>
        tpu.enqueue_dma source(%dma_start3A_497 : memref<128xi32, #tpu.memory_space<hbm>>) target(%dma_start3A_496 : memref<128xi32, #tpu.memory_space<vmem>>) target_semaphore(%run_scoped3A_489 : memref<!tpu.dma_semaphore, #tpu.memory_space<semaphore_mem>>)
        %dma_wait3A_498 = arith.constant 0 : i32
        %dma_wait3A_499 = tpu.memref_slice %arg7[%run_scoped3A_380, %dma_wait3A_498] : memref<2x128xi32, #tpu.memory_space<vmem>> -> memref<1x128xi32, #tpu.memory_space<vmem>>
        %dma_wait3A_500 = tpu.memref_squeeze %dma_wait3A_499 : memref<1x128xi32, #tpu.memory_space<vmem>> -> memref<128xi32, #tpu.memory_space<vmem>>
        %dma_wait3A_501 = tpu.memref_slice %arg4[%add3A_378] : memref<163840xi32, #tpu.memory_space<hbm>> -> memref<128xi32, #tpu.memory_space<hbm>>
        %dma_wait3A_502 = arith.constant 0 : i32
        %dma_wait3A_503 = tpu.memref_slice %arg7[%run_scoped3A_380, %dma_wait3A_502] : memref<2x128xi32, #tpu.memory_space<vmem>> -> memref<1x128xi32, #tpu.memory_space<vmem>>
        %dma_wait3A_504 = tpu.memref_squeeze %dma_wait3A_503 : memref<1x128xi32, #tpu.memory_space<vmem>> -> memref<128xi32, #tpu.memory_space<vmem>>
        %dma_wait3A_505 = tpu.memref_slice %arg4[%add3A_378] : memref<163840xi32, #tpu.memory_space<hbm>> -> memref<128xi32, #tpu.memory_space<hbm>>
        tpu.wait_dma2 semaphore(%run_scoped3A_489 : memref<!tpu.dma_semaphore, #tpu.memory_space<semaphore_mem>>) src(%dma_wait3A_505 : memref<128xi32, #tpu.memory_space<hbm>>) dst(%dma_wait3A_504 : memref<128xi32, #tpu.memory_space<vmem>>)
        tpu.yield
      }) : () -> ()
      %get3A_381 = arith.constant 0 : i32
      %get3A_382 = arith.index_cast %get3A_381 : i32 to index
      %get3A_383 = arith.constant 0 : index
      %get3A_384 = tpu.vector_load %arg6[%get3A_382, %get3A_383] {strides = array<i32>} : memref<2x128xi32, #tpu.memory_space<vmem>>, vector<16xi32>,
      %add3A_385 = vector.broadcast %mul3A_29 : i32 to vector<16xi32>
      %add3A_386 = arith.addi %get3A_384, %add3A_385 : vector<16xi32>
      %swap3A_387 = arith.constant 0 : i32
      %swap3A_388 = arith.index_cast %swap3A_387 : i32 to index
      %swap3A_389 = arith.constant 0 : index
      %swap3A_390 = tpu.vector_load %arg6[%swap3A_388, %swap3A_389] {strides = array<i32>} : memref<2x128xi32, #tpu.memory_space<vmem>>, vector<16xi32>,
      tpu.vector_store %arg6[%swap3A_388, %swap3A_389], %add3A_386 {strides = array<i32>} : memref<2x128xi32, #tpu.memory_space<vmem>>, vector<16xi32>,
      %get3A_391 = arith.constant 0 : i32
      %get3A_392 = arith.index_cast %get3A_391 : i32 to index
      %get3A_393 = arith.constant 16 : index
      %get3A_394 = tpu.vector_load %arg6[%get3A_392, %get3A_393] {strides = array<i32>} : memref<2x128xi32, #tpu.memory_space<vmem>>, vector<16xi32>,
      %add3A_395 = vector.broadcast %mul3A_29 : i32 to vector<16xi32>
      %add3A_396 = arith.addi %get3A_394, %add3A_395 : vector<16xi32>
      %swap3A_397 = arith.constant 0 : i32
      %swap3A_398 = arith.index_cast %swap3A_397 : i32 to index
      %swap3A_399 = arith.constant 16 : index
      %swap3A_400 = tpu.vector_load %arg6[%swap3A_398, %swap3A_399] {strides = array<i32>} : memref<2x128xi32, #tpu.memory_space<vmem>>, vector<16xi32>,
      tpu.vector_store %arg6[%swap3A_398, %swap3A_399], %add3A_396 {strides = array<i32>} : memref<2x128xi32, #tpu.memory_space<vmem>>, vector<16xi32>,
      %get3A_401 = arith.constant 0 : i32
      %get3A_402 = arith.index_cast %get3A_401 : i32 to index
      %get3A_403 = arith.constant 32 : index
      %get3A_404 = tpu.vector_load %arg6[%get3A_402, %get3A_403] {strides = array<i32>} : memref<2x128xi32, #tpu.memory_space<vmem>>, vector<16xi32>,
      %add3A_405 = vector.broadcast %mul3A_29 : i32 to vector<16xi32>
      %add3A_406 = arith.addi %get3A_404, %add3A_405 : vector<16xi32>
      %swap3A_407 = arith.constant 0 : i32
      %swap3A_408 = arith.index_cast %swap3A_407 : i32 to index
      %swap3A_409 = arith.constant 32 : index
      %swap3A_410 = tpu.vector_load %arg6[%swap3A_408, %swap3A_409] {strides = array<i32>} : memref<2x128xi32, #tpu.memory_space<vmem>>, vector<16xi32>,
      tpu.vector_store %arg6[%swap3A_408, %swap3A_409], %add3A_406 {strides = array<i32>} : memref<2x128xi32, #tpu.memory_space<vmem>>, vector<16xi32>,
      %get3A_411 = arith.constant 0 : i32
      %get3A_412 = arith.index_cast %get3A_411 : i32 to index
      %get3A_413 = arith.constant 48 : index
      %get3A_414 = tpu.vector_load %arg6[%get3A_412, %get3A_413] {strides = array<i32>} : memref<2x128xi32, #tpu.memory_space<vmem>>, vector<16xi32>,
      %add3A_415 = vector.broadcast %mul3A_29 : i32 to vector<16xi32>
      %add3A_416 = arith.addi %get3A_414, %add3A_415 : vector<16xi32>
      %swap3A_417 = arith.constant 0 : i32
      %swap3A_418 = arith.index_cast %swap3A_417 : i32 to index
      %swap3A_419 = arith.constant 48 : index
      %swap3A_420 = tpu.vector_load %arg6[%swap3A_418, %swap3A_419] {strides = array<i32>} : memref<2x128xi32, #tpu.memory_space<vmem>>, vector<16xi32>,
      tpu.vector_store %arg6[%swap3A_418, %swap3A_419], %add3A_416 {strides = array<i32>} : memref<2x128xi32, #tpu.memory_space<vmem>>, vector<16xi32>,
      %get3A_421 = arith.constant 0 : i32
      %get3A_422 = arith.index_cast %get3A_421 : i32 to index
      %get3A_423 = arith.constant 64 : index
      %get3A_424 = tpu.vector_load %arg6[%get3A_422, %get3A_423] {strides = array<i32>} : memref<2x128xi32, #tpu.memory_space<vmem>>, vector<16xi32>,
      %add3A_425 = vector.broadcast %mul3A_29 : i32 to vector<16xi32>
      %add3A_426 = arith.addi %get3A_424, %add3A_425 : vector<16xi32>
      %swap3A_427 = arith.constant 0 : i32
      %swap3A_428 = arith.index_cast %swap3A_427 : i32 to index
      %swap3A_429 = arith.constant 64 : index
      %swap3A_430 = tpu.vector_load %arg6[%swap3A_428, %swap3A_429] {strides = array<i32>} : memref<2x128xi32, #tpu.memory_space<vmem>>, vector<16xi32>,
      tpu.vector_store %arg6[%swap3A_428, %swap3A_429], %add3A_426 {strides = array<i32>} : memref<2x128xi32, #tpu.memory_space<vmem>>, vector<16xi32>,
      %get3A_431 = arith.constant 0 : i32
      %get3A_432 = arith.index_cast %get3A_431 : i32 to index
      %get3A_433 = arith.constant 80 : index
      %get3A_434 = tpu.vector_load %arg6[%get3A_432, %get3A_433] {strides = array<i32>} : memref<2x128xi32, #tpu.memory_space<vmem>>, vector<16xi32>,
      %add3A_435 = vector.broadcast %mul3A_29 : i32 to vector<16xi32>
      %add3A_436 = arith.addi %get3A_434, %add3A_435 : vector<16xi32>
      %swap3A_437 = arith.constant 0 : i32
      %swap3A_438 = arith.index_cast %swap3A_437 : i32 to index
      %swap3A_439 = arith.constant 80 : index
      %swap3A_440 = tpu.vector_load %arg6[%swap3A_438, %swap3A_439] {strides = array<i32>} : memref<2x128xi32, #tpu.memory_space<vmem>>, vector<16xi32>,
      tpu.vector_store %arg6[%swap3A_438, %swap3A_439], %add3A_436 {strides = array<i32>} : memref<2x128xi32, #tpu.memory_space<vmem>>, vector<16xi32>,
      %get3A_441 = arith.constant 0 : i32
      %get3A_442 = arith.index_cast %get3A_441 : i32 to index
      %get3A_443 = arith.constant 96 : index
      %get3A_444 = tpu.vector_load %arg6[%get3A_442, %get3A_443] {strides = array<i32>} : memref<2x128xi32, #tpu.memory_space<vmem>>, vector<16xi32>,
      %add3A_445 = vector.broadcast %mul3A_29 : i32 to vector<16xi32>
      %add3A_446 = arith.addi %get3A_444, %add3A_445 : vector<16xi32>
      %swap3A_447 = arith.constant 0 : i32
      %swap3A_448 = arith.index_cast %swap3A_447 : i32 to index
      %swap3A_449 = arith.constant 96 : index
      %swap3A_450 = tpu.vector_load %arg6[%swap3A_448, %swap3A_449] {strides = array<i32>} : memref<2x128xi32, #tpu.memory_space<vmem>>, vector<16xi32>,
      tpu.vector_store %arg6[%swap3A_448, %swap3A_449], %add3A_446 {strides = array<i32>} : memref<2x128xi32, #tpu.memory_space<vmem>>, vector<16xi32>,
      %get3A_451 = arith.constant 0 : i32
      %get3A_452 = arith.index_cast %get3A_451 : i32 to index
      %get3A_453 = arith.constant 112 : index
      %get3A_454 = tpu.vector_load %arg6[%get3A_452, %get3A_453] {strides = array<i32>} : memref<2x128xi32, #tpu.memory_space<vmem>>, vector<16xi32>,
      %add3A_455 = vector.broadcast %mul3A_29 : i32 to vector<16xi32>
      %add3A_456 = arith.addi %get3A_454, %add3A_455 : vector<16xi32>
      %swap3A_457 = arith.constant 0 : i32
      %swap3A_458 = arith.index_cast %swap3A_457 : i32 to index
      %swap3A_459 = arith.constant 112 : index
      %swap3A_460 = tpu.vector_load %arg6[%swap3A_458, %swap3A_459] {strides = array<i32>} : memref<2x128xi32, #tpu.memory_space<vmem>>, vector<16xi32>,
      tpu.vector_store %arg6[%swap3A_458, %swap3A_459], %add3A_456 {strides = array<i32>} : memref<2x128xi32, #tpu.memory_space<vmem>>, vector<16xi32>,
      %dma_start3A_461 = arith.constant 0 : i32
      %dma_start3A_462 = arith.constant 0 : i32
      %dma_start3A_463 = arith.constant 0 : i32
      %dma_start3A_464 = arith.constant 0 : i32
      %dma_start3A_465 = tpu.memref_slice %arg8[%dma_start3A_462, %dma_start3A_463, %dma_start3A_464] : memref<2x128x128xf32, #tpu.memory_space<vmem>> -> memref<1x128x128xf32, #tpu.memory_space<vmem>>
      %dma_start3A_466 = tpu.memref_squeeze %dma_start3A_465 : memref<1x128x128xf32, #tpu.memory_space<vmem>> -> memref<128x128xf32, #tpu.memory_space<vmem>>
      %dma_start3A_467 = arith.constant 0 : i32
      %dma_start3A_468 = tpu.memref_slice %arg6[%dma_start3A_461, %dma_start3A_467] : memref<2x128xi32, #tpu.memory_space<vmem>> -> memref<1x128xi32, #tpu.memory_space<vmem>>
      %dma_start3A_469 = tpu.memref_squeeze %dma_start3A_468 : memref<1x128xi32, #tpu.memory_space<vmem>> -> memref<128xi32, #tpu.memory_space<vmem>>
      %dma_start3A_470 = arith.constant 0 : i32
      %dma_start3A_471 = arith.constant 0 : i32
      %dma_start3A_472 = tpu.memref_slice %arg2[%dma_start3A_470, %dma_start3A_471] : memref<20480x128xf32, #tpu.memory_space<hbm>> -> memref<20480x128xf32, #tpu.memory_space<hbm>>
      tpu.enqueue_indirect_dma source(%dma_start3A_472 : memref<20480x128xf32, #tpu.memory_space<hbm>>) target(%dma_start3A_466 : memref<128x128xf32, #tpu.memory_space<vmem>>) offsets(%dma_start3A_469 : memref<128xi32, #tpu.memory_space<vmem>>) semaphore(%arg10 : memref<!tpu.dma_semaphore, #tpu.memory_space<semaphore_mem>>)
      %add3A_473 = arith.constant 1 : i32
      %add3A_474 = arith.addi %add3A_260, %add3A_473 : i32
      %dma_wait3A_475 = arith.constant 1 : i32
      %dma_wait3A_476 = arith.constant 1 : i32
      %dma_wait3A_477 = arith.constant 0 : i32
      %dma_wait3A_478 = arith.constant 0 : i32
      %dma_wait3A_479 = tpu.memref_slice %arg8[%dma_wait3A_476, %dma_wait3A_477, %dma_wait3A_478] : memref<2x128x128xf32, #tpu.memory_space<vmem>> -> memref<1x128x128xf32, #tpu.memory_space<vmem>>
      %dma_wait3A_480 = tpu.memref_squeeze %dma_wait3A_479 : memref<1x128x128xf32, #tpu.memory_space<vmem>> -> memref<128x128xf32, #tpu.memory_space<vmem>>
      %dma_wait3A_481 = arith.constant 0 : i32
      %dma_wait3A_482 = tpu.memref_slice %arg6[%dma_wait3A_475, %dma_wait3A_481] : memref<2x128xi32, #tpu.memory_space<vmem>> -> memref<1x128xi32, #tpu.memory_space<vmem>>
      %dma_wait3A_483 = tpu.memref_squeeze %dma_wait3A_482 : memref<1x128xi32, #tpu.memory_space<vmem>> -> memref<128xi32, #tpu.memory_space<vmem>>
      %dma_wait3A_484 = arith.constant 0 : i32
      %dma_wait3A_485 = arith.constant 0 : i32
      %dma_wait3A_486 = tpu.memref_slice %arg2[%dma_wait3A_484, %dma_wait3A_485] : memref<20480x128xf32, #tpu.memory_space<hbm>> -> memref<20480x128xf32, #tpu.memory_space<hbm>>
      tpu.wait_indirect_dma semaphore(%arg11 : memref<!tpu.dma_semaphore, #tpu.memory_space<semaphore_mem>>) src(%dma_wait3A_486 : memref<20480x128xf32, #tpu.memory_space<hbm>>) dst(%dma_wait3A_480 : memref<128x128xf32, #tpu.memory_space<vmem>>)
      %run_scoped3A_487 = arith.constant 1 : i32
      %run_scoped3A_488 = arith.constant 1 : i32
      "tpu.region"() ({
        %run_scoped3A_489 = tpu.sem_alloc : memref<!tpu.dma_semaphore, #tpu.memory_space<semaphore_mem>>
        %dma_start3A_490 = arith.constant 0 : i32
        %dma_start3A_491 = arith.constant 0 : i32
        %dma_start3A_492 = tpu.memref_slice %arg8[%run_scoped3A_487, %dma_start3A_490, %dma_start3A_491] : memref<2x128x128xf32, #tpu.memory_space<vmem>> -> memref<1x128x128xf32, #tpu.memory_space<vmem>>
        %dma_start3A_493 = tpu.memref_squeeze %dma_start3A_492 : memref<1x128x128xf32, #tpu.memory_space<vmem>> -> memref<128x128xf32, #tpu.memory_space<vmem>>
        %dma_start3A_494 = arith.constant 0 : i32
        %dma_start3A_495 = tpu.memref_slice %arg7[%run_scoped3A_488, %dma_start3A_494] : memref<2x128xi32, #tpu.memory_space<vmem>> -> memref<1x128xi32, #tpu.memory_space<vmem>>
        %dma_start3A_496 = tpu.memref_squeeze %dma_start3A_495 : memref<1x128xi32, #tpu.memory_space<vmem>> -> memref<128xi32, #tpu.memory_space<vmem>>
        %dma_start3A_497 = arith.constant 0 : i32
        %dma_start3A_498 = arith.constant 0 : i32
        %dma_start3A_499 = tpu.memref_slice %arg9[%dma_start3A_497, %dma_start3A_498] : memref<10240x128xf32, #tpu.memory_space<vmem_shared>> -> memref<10240x128xf32, #tpu.memory_space<vmem_shared>>
        tpu.enqueue_indirect_dma source(%dma_start3A_493 : memref<128x128xf32, #tpu.memory_space<vmem>>) target(%dma_start3A_499 : memref<10240x128xf32, #tpu.memory_space<vmem_shared>>) offsets(%dma_start3A_496 : memref<128xi32, #tpu.memory_space<vmem>>) semaphore(%run_scoped3A_489 : memref<!tpu.dma_semaphore, #tpu.memory_space<semaphore_mem>>) {add = true}
        %dma_wait3A_500 = arith.constant 0 : i32
        %dma_wait3A_501 = arith.constant 0 : i32
        %dma_wait3A_502 = tpu.memref_slice %arg8[%run_scoped3A_487, %dma_wait3A_500, %dma_wait3A_501] : memref<2x128x128xf32, #tpu.memory_space<vmem>> -> memref<1x128x128xf32, #tpu.memory_space<vmem>>
        %dma_wait3A_503 = tpu.memref_squeeze %dma_wait3A_502 : memref<1x128x128xf32, #tpu.memory_space<vmem>> -> memref<128x128xf32, #tpu.memory_space<vmem>>
        %dma_wait3A_504 = arith.constant 0 : i32
        %dma_wait3A_505 = tpu.memref_slice %arg7[%run_scoped3A_488, %dma_wait3A_504] : memref<2x128xi32, #tpu.memory_space<vmem>> -> memref<1x128xi32, #tpu.memory_space<vmem>>
        %dma_wait3A_506 = tpu.memref_squeeze %dma_wait3A_505 : memref<1x128xi32, #tpu.memory_space<vmem>> -> memref<128xi32, #tpu.memory_space<vmem>>
        %dma_wait3A_507 = arith.constant 0 : i32
        %dma_wait3A_508 = arith.constant 0 : i32
        %dma_wait3A_509 = tpu.memref_slice %arg9[%dma_wait3A_507, %dma_wait3A_508] : memref<10240x128xf32, #tpu.memory_space<vmem_shared>> -> memref<10240x128xf32, #tpu.memory_space<vmem_shared>>
        tpu.wait_indirect_dma semaphore(%run_scoped3A_489 : memref<!tpu.dma_semaphore, #tpu.memory_space<semaphore_mem>>) src(%dma_wait3A_503 : memref<128x128xf32, #tpu.memory_space<vmem>>) dst(%dma_wait3A_509 : memref<10240x128xf32, #tpu.memory_space<vmem_shared>>)
        tpu.yield
      }) : () -> ()
    }
    %scan3A_127 = arith.constant 39 : i32
    %add3A_128 = arith.constant 10112 : i32
    %add3A_129 = arith.addi %mul3A_0, %add3A_128 : i32
    %run_scoped3A_130 = arith.constant 1 : i32
    "tpu.region"() ({
      %run_scoped3A_256 = tpu.sem_alloc : memref<!tpu.dma_semaphore, #tpu.memory_space<semaphore_mem>>
      %dma_start3A_257 = arith.constant 0 : i32
      %dma_start3A_258 = tpu.memref_slice %arg6[%run_scoped3A_130, %dma_start3A_257] : memref<2x128xi32, #tpu.memory_space<vmem>> -> memref<1x128xi32, #tpu.memory_space<vmem>>
      %dma_start3A_259 = tpu.memref_squeeze %dma_start3A_258 : memref<1x128xi32, #tpu.memory_space<vmem>> -> memref<128xi32, #tpu.memory_space<vmem>>
      %dma_start3A_260 = tpu.memref_slice %arg3[%add3A_129] : memref<163840xi32, #tpu.memory_space<hbm>> -> memref<128xi32, #tpu.memory_space<hbm>>
      %dma_start3A_261 = arith.constant 0 : i32
      %dma_start3A_262 = tpu.memref_slice %arg6[%run_scoped3A_130, %dma_start3A_261] : memref<2x128xi32, #tpu.memory_space<vmem>> -> memref<1x128xi32, #tpu.memory_space<vmem>>
      %dma_start3A_263 = tpu.memref_squeeze %dma_start3A_262 : memref<1x128xi32, #tpu.memory_space<vmem>> -> memref<128xi32, #tpu.memory_space<vmem>>
      %dma_start3A_264 = tpu.memref_slice %arg3[%add3A_129] : memref<163840xi32, #tpu.memory_space<hbm>> -> memref<128xi32, #tpu.memory_space<hbm>>
      tpu.enqueue_dma source(%dma_start3A_264 : memref<128xi32, #tpu.memory_space<hbm>>) target(%dma_start3A_263 : memref<128xi32, #tpu.memory_space<vmem>>) target_semaphore(%run_scoped3A_256 : memref<!tpu.dma_semaphore, #tpu.memory_space<semaphore_mem>>)
      %dma_wait3A_265 = arith.constant 0 : i32
      %dma_wait3A_266 = tpu.memref_slice %arg6[%run_scoped3A_130, %dma_wait3A_265] : memref<2x128xi32, #tpu.memory_space<vmem>> -> memref<1x128xi32, #tpu.memory_space<vmem>>
      %dma_wait3A_267 = tpu.memref_squeeze %dma_wait3A_266 : memref<1x128xi32, #tpu.memory_space<vmem>> -> memref<128xi32, #tpu.memory_space<vmem>>
      %dma_wait3A_268 = tpu.memref_slice %arg3[%add3A_129] : memref<163840xi32, #tpu.memory_space<hbm>> -> memref<128xi32, #tpu.memory_space<hbm>>
      %dma_wait3A_269 = arith.constant 0 : i32
      %dma_wait3A_270 = tpu.memref_slice %arg6[%run_scoped3A_130, %dma_wait3A_269] : memref<2x128xi32, #tpu.memory_space<vmem>> -> memref<1x128xi32, #tpu.memory_space<vmem>>
      %dma_wait3A_271 = tpu.memref_squeeze %dma_wait3A_270 : memref<1x128xi32, #tpu.memory_space<vmem>> -> memref<128xi32, #tpu.memory_space<vmem>>
      %dma_wait3A_272 = tpu.memref_slice %arg3[%add3A_129] : memref<163840xi32, #tpu.memory_space<hbm>> -> memref<128xi32, #tpu.memory_space<hbm>>
      tpu.wait_dma2 semaphore(%run_scoped3A_256 : memref<!tpu.dma_semaphore, #tpu.memory_space<semaphore_mem>>) src(%dma_wait3A_272 : memref<128xi32, #tpu.memory_space<hbm>>) dst(%dma_wait3A_271 : memref<128xi32, #tpu.memory_space<vmem>>)
      tpu.yield
    }) : () -> ()
    %run_scoped3A_131 = arith.constant 1 : i32
    "tpu.region"() ({
      %run_scoped3A_256 = tpu.sem_alloc : memref<!tpu.dma_semaphore, #tpu.memory_space<semaphore_mem>>
      %dma_start3A_257 = arith.constant 0 : i32
      %dma_start3A_258 = tpu.memref_slice %arg7[%run_scoped3A_131, %dma_start3A_257] : memref<2x128xi32, #tpu.memory_space<vmem>> -> memref<1x128xi32, #tpu.memory_space<vmem>>
      %dma_start3A_259 = tpu.memref_squeeze %dma_start3A_258 : memref<1x128xi32, #tpu.memory_space<vmem>> -> memref<128xi32, #tpu.memory_space<vmem>>
      %dma_start3A_260 = tpu.memref_slice %arg4[%add3A_129] : memref<163840xi32, #tpu.memory_space<hbm>> -> memref<128xi32, #tpu.memory_space<hbm>>
      %dma_start3A_261 = arith.constant 0 : i32
      %dma_start3A_262 = tpu.memref_slice %arg7[%run_scoped3A_131, %dma_start3A_261] : memref<2x128xi32, #tpu.memory_space<vmem>> -> memref<1x128xi32, #tpu.memory_space<vmem>>
      %dma_start3A_263 = tpu.memref_squeeze %dma_start3A_262 : memref<1x128xi32, #tpu.memory_space<vmem>> -> memref<128xi32, #tpu.memory_space<vmem>>
      %dma_start3A_264 = tpu.memref_slice %arg4[%add3A_129] : memref<163840xi32, #tpu.memory_space<hbm>> -> memref<128xi32, #tpu.memory_space<hbm>>
      tpu.enqueue_dma source(%dma_start3A_264 : memref<128xi32, #tpu.memory_space<hbm>>) target(%dma_start3A_263 : memref<128xi32, #tpu.memory_space<vmem>>) target_semaphore(%run_scoped3A_256 : memref<!tpu.dma_semaphore, #tpu.memory_space<semaphore_mem>>)
      %dma_wait3A_265 = arith.constant 0 : i32
      %dma_wait3A_266 = tpu.memref_slice %arg7[%run_scoped3A_131, %dma_wait3A_265] : memref<2x128xi32, #tpu.memory_space<vmem>> -> memref<1x128xi32, #tpu.memory_space<vmem>>
      %dma_wait3A_267 = tpu.memref_squeeze %dma_wait3A_266 : memref<1x128xi32, #tpu.memory_space<vmem>> -> memref<128xi32, #tpu.memory_space<vmem>>
      %dma_wait3A_268 = tpu.memref_slice %arg4[%add3A_129] : memref<163840xi32, #tpu.memory_space<hbm>> -> memref<128xi32, #tpu.memory_space<hbm>>
      %dma_wait3A_269 = arith.constant 0 : i32
      %dma_wait3A_270 = tpu.memref_slice %arg7[%run_scoped3A_131, %dma_wait3A_269] : memref<2x128xi32, #tpu.memory_space<vmem>> -> memref<1x128xi32, #tpu.memory_space<vmem>>
      %dma_wait3A_271 = tpu.memref_squeeze %dma_wait3A_270 : memref<1x128xi32, #tpu.memory_space<vmem>> -> memref<128xi32, #tpu.memory_space<vmem>>
      %dma_wait3A_272 = tpu.memref_slice %arg4[%add3A_129] : memref<163840xi32, #tpu.memory_space<hbm>> -> memref<128xi32, #tpu.memory_space<hbm>>
      tpu.wait_dma2 semaphore(%run_scoped3A_256 : memref<!tpu.dma_semaphore, #tpu.memory_space<semaphore_mem>>) src(%dma_wait3A_272 : memref<128xi32, #tpu.memory_space<hbm>>) dst(%dma_wait3A_271 : memref<128xi32, #tpu.memory_space<vmem>>)
      tpu.yield
    }) : () -> ()
    %get3A_132 = arith.constant 1 : i32
    %get3A_133 = arith.index_cast %get3A_132 : i32 to index
    %get3A_134 = arith.constant 0 : index
    %get3A_135 = tpu.vector_load %arg6[%get3A_133, %get3A_134] {strides = array<i32>} : memref<2x128xi32, #tpu.memory_space<vmem>>, vector<16xi32>,
    %add3A_136 = vector.broadcast %mul3A_29 : i32 to vector<16xi32>
    %add3A_137 = arith.addi %get3A_135, %add3A_136 : vector<16xi32>
    %swap3A_138 = arith.constant 1 : i32
    %swap3A_139 = arith.index_cast %swap3A_138 : i32 to index
    %swap3A_140 = arith.constant 0 : index
    %swap3A_141 = tpu.vector_load %arg6[%swap3A_139, %swap3A_140] {strides = array<i32>} : memref<2x128xi32, #tpu.memory_space<vmem>>, vector<16xi32>,
    tpu.vector_store %arg6[%swap3A_139, %swap3A_140], %add3A_137 {strides = array<i32>} : memref<2x128xi32, #tpu.memory_space<vmem>>, vector<16xi32>,
    %get3A_142 = arith.constant 1 : i32
    %get3A_143 = arith.index_cast %get3A_142 : i32 to index
    %get3A_144 = arith.constant 16 : index
    %get3A_145 = tpu.vector_load %arg6[%get3A_143, %get3A_144] {strides = array<i32>} : memref<2x128xi32, #tpu.memory_space<vmem>>, vector<16xi32>,
    %add3A_146 = vector.broadcast %mul3A_29 : i32 to vector<16xi32>
    %add3A_147 = arith.addi %get3A_145, %add3A_146 : vector<16xi32>
    %swap3A_148 = arith.constant 1 : i32
    %swap3A_149 = arith.index_cast %swap3A_148 : i32 to index
    %swap3A_150 = arith.constant 16 : index
    %swap3A_151 = tpu.vector_load %arg6[%swap3A_149, %swap3A_150] {strides = array<i32>} : memref<2x128xi32, #tpu.memory_space<vmem>>, vector<16xi32>,
    tpu.vector_store %arg6[%swap3A_149, %swap3A_150], %add3A_147 {strides = array<i32>} : memref<2x128xi32, #tpu.memory_space<vmem>>, vector<16xi32>,
    %get3A_152 = arith.constant 1 : i32
    %get3A_153 = arith.index_cast %get3A_152 : i32 to index
    %get3A_154 = arith.constant 32 : index
    %get3A_155 = tpu.vector_load %arg6[%get3A_153, %get3A_154] {strides = array<i32>} : memref<2x128xi32, #tpu.memory_space<vmem>>, vector<16xi32>,
    %add3A_156 = vector.broadcast %mul3A_29 : i32 to vector<16xi32>
    %add3A_157 = arith.addi %get3A_155, %add3A_156 : vector<16xi32>
    %swap3A_158 = arith.constant 1 : i32
    %swap3A_159 = arith.index_cast %swap3A_158 : i32 to index
    %swap3A_160 = arith.constant 32 : index
    %swap3A_161 = tpu.vector_load %arg6[%swap3A_159, %swap3A_160] {strides = array<i32>} : memref<2x128xi32, #tpu.memory_space<vmem>>, vector<16xi32>,
    tpu.vector_store %arg6[%swap3A_159, %swap3A_160], %add3A_157 {strides = array<i32>} : memref<2x128xi32, #tpu.memory_space<vmem>>, vector<16xi32>,
    %get3A_162 = arith.constant 1 : i32
    %get3A_163 = arith.index_cast %get3A_162 : i32 to index
    %get3A_164 = arith.constant 48 : index
    %get3A_165 = tpu.vector_load %arg6[%get3A_163, %get3A_164] {strides = array<i32>} : memref<2x128xi32, #tpu.memory_space<vmem>>, vector<16xi32>,
    %add3A_166 = vector.broadcast %mul3A_29 : i32 to vector<16xi32>
    %add3A_167 = arith.addi %get3A_165, %add3A_166 : vector<16xi32>
    %swap3A_168 = arith.constant 1 : i32
    %swap3A_169 = arith.index_cast %swap3A_168 : i32 to index
    %swap3A_170 = arith.constant 48 : index
    %swap3A_171 = tpu.vector_load %arg6[%swap3A_169, %swap3A_170] {strides = array<i32>} : memref<2x128xi32, #tpu.memory_space<vmem>>, vector<16xi32>,
    tpu.vector_store %arg6[%swap3A_169, %swap3A_170], %add3A_167 {strides = array<i32>} : memref<2x128xi32, #tpu.memory_space<vmem>>, vector<16xi32>,
    %get3A_172 = arith.constant 1 : i32
    %get3A_173 = arith.index_cast %get3A_172 : i32 to index
    %get3A_174 = arith.constant 64 : index
    %get3A_175 = tpu.vector_load %arg6[%get3A_173, %get3A_174] {strides = array<i32>} : memref<2x128xi32, #tpu.memory_space<vmem>>, vector<16xi32>,
    %add3A_176 = vector.broadcast %mul3A_29 : i32 to vector<16xi32>
    %add3A_177 = arith.addi %get3A_175, %add3A_176 : vector<16xi32>
    %swap3A_178 = arith.constant 1 : i32
    %swap3A_179 = arith.index_cast %swap3A_178 : i32 to index
    %swap3A_180 = arith.constant 64 : index
    %swap3A_181 = tpu.vector_load %arg6[%swap3A_179, %swap3A_180] {strides = array<i32>} : memref<2x128xi32, #tpu.memory_space<vmem>>, vector<16xi32>,
    tpu.vector_store %arg6[%swap3A_179, %swap3A_180], %add3A_177 {strides = array<i32>} : memref<2x128xi32, #tpu.memory_space<vmem>>, vector<16xi32>,
    %get3A_182 = arith.constant 1 : i32
    %get3A_183 = arith.index_cast %get3A_182 : i32 to index
    %get3A_184 = arith.constant 80 : index
    %get3A_185 = tpu.vector_load %arg6[%get3A_183, %get3A_184] {strides = array<i32>} : memref<2x128xi32, #tpu.memory_space<vmem>>, vector<16xi32>,
    %add3A_186 = vector.broadcast %mul3A_29 : i32 to vector<16xi32>
    %add3A_187 = arith.addi %get3A_185, %add3A_186 : vector<16xi32>
    %swap3A_188 = arith.constant 1 : i32
    %swap3A_189 = arith.index_cast %swap3A_188 : i32 to index
    %swap3A_190 = arith.constant 80 : index
    %swap3A_191 = tpu.vector_load %arg6[%swap3A_189, %swap3A_190] {strides = array<i32>} : memref<2x128xi32, #tpu.memory_space<vmem>>, vector<16xi32>,
    tpu.vector_store %arg6[%swap3A_189, %swap3A_190], %add3A_187 {strides = array<i32>} : memref<2x128xi32, #tpu.memory_space<vmem>>, vector<16xi32>,
    %get3A_192 = arith.constant 1 : i32
    %get3A_193 = arith.index_cast %get3A_192 : i32 to index
    %get3A_194 = arith.constant 96 : index
    %get3A_195 = tpu.vector_load %arg6[%get3A_193, %get3A_194] {strides = array<i32>} : memref<2x128xi32, #tpu.memory_space<vmem>>, vector<16xi32>,
    %add3A_196 = vector.broadcast %mul3A_29 : i32 to vector<16xi32>
    %add3A_197 = arith.addi %get3A_195, %add3A_196 : vector<16xi32>
    %swap3A_198 = arith.constant 1 : i32
    %swap3A_199 = arith.index_cast %swap3A_198 : i32 to index
    %swap3A_200 = arith.constant 96 : index
    %swap3A_201 = tpu.vector_load %arg6[%swap3A_199, %swap3A_200] {strides = array<i32>} : memref<2x128xi32, #tpu.memory_space<vmem>>, vector<16xi32>,
    tpu.vector_store %arg6[%swap3A_199, %swap3A_200], %add3A_197 {strides = array<i32>} : memref<2x128xi32, #tpu.memory_space<vmem>>, vector<16xi32>,
    %get3A_202 = arith.constant 1 : i32
    %get3A_203 = arith.index_cast %get3A_202 : i32 to index
    %get3A_204 = arith.constant 112 : index
    %get3A_205 = tpu.vector_load %arg6[%get3A_203, %get3A_204] {strides = array<i32>} : memref<2x128xi32, #tpu.memory_space<vmem>>, vector<16xi32>,
    %add3A_206 = vector.broadcast %mul3A_29 : i32 to vector<16xi32>
    %add3A_207 = arith.addi %get3A_205, %add3A_206 : vector<16xi32>
    %swap3A_208 = arith.constant 1 : i32
    %swap3A_209 = arith.index_cast %swap3A_208 : i32 to index
    %swap3A_210 = arith.constant 112 : index
    %swap3A_211 = tpu.vector_load %arg6[%swap3A_209, %swap3A_210] {strides = array<i32>} : memref<2x128xi32, #tpu.memory_space<vmem>>, vector<16xi32>,
    tpu.vector_store %arg6[%swap3A_209, %swap3A_210], %add3A_207 {strides = array<i32>} : memref<2x128xi32, #tpu.memory_space<vmem>>, vector<16xi32>,
    %dma_start3A_212 = arith.constant 1 : i32
    %dma_start3A_213 = arith.constant 1 : i32
    %dma_start3A_214 = arith.constant 0 : i32
    %dma_start3A_215 = arith.constant 0 : i32
    %dma_start3A_216 = tpu.memref_slice %arg8[%dma_start3A_213, %dma_start3A_214, %dma_start3A_215] : memref<2x128x128xf32, #tpu.memory_space<vmem>> -> memref<1x128x128xf32, #tpu.memory_space<vmem>>
    %dma_start3A_217 = tpu.memref_squeeze %dma_start3A_216 : memref<1x128x128xf32, #tpu.memory_space<vmem>> -> memref<128x128xf32, #tpu.memory_space<vmem>>
    %dma_start3A_218 = arith.constant 0 : i32
    %dma_start3A_219 = tpu.memref_slice %arg6[%dma_start3A_212, %dma_start3A_218] : memref<2x128xi32, #tpu.memory_space<vmem>> -> memref<1x128xi32, #tpu.memory_space<vmem>>
    %dma_start3A_220 = tpu.memref_squeeze %dma_start3A_219 : memref<1x128xi32, #tpu.memory_space<vmem>> -> memref<128xi32, #tpu.memory_space<vmem>>
    %dma_start3A_221 = arith.constant 0 : i32
    %dma_start3A_222 = arith.constant 0 : i32
    %dma_start3A_223 = tpu.memref_slice %arg2[%dma_start3A_221, %dma_start3A_222] : memref<20480x128xf32, #tpu.memory_space<hbm>> -> memref<20480x128xf32, #tpu.memory_space<hbm>>
    tpu.enqueue_indirect_dma source(%dma_start3A_223 : memref<20480x128xf32, #tpu.memory_space<hbm>>) target(%dma_start3A_217 : memref<128x128xf32, #tpu.memory_space<vmem>>) offsets(%dma_start3A_220 : memref<128xi32, #tpu.memory_space<vmem>>) semaphore(%arg11 : memref<!tpu.dma_semaphore, #tpu.memory_space<semaphore_mem>>)
    %dma_wait3A = arith.constant 0 : i32
    %dma_wait3A_224 = arith.constant 0 : i32
    %dma_wait3A_225 = arith.constant 0 : i32
    %dma_wait3A_226 = arith.constant 0 : i32
    %dma_wait3A_227 = tpu.memref_slice %arg8[%dma_wait3A_224, %dma_wait3A_225, %dma_wait3A_226] : memref<2x128x128xf32, #tpu.memory_space<vmem>> -> memref<1x128x128xf32, #tpu.memory_space<vmem>>
    %dma_wait3A_228 = tpu.memref_squeeze %dma_wait3A_227 : memref<1x128x128xf32, #tpu.memory_space<vmem>> -> memref<128x128xf32, #tpu.memory_space<vmem>>
    %dma_wait3A_229 = arith.constant 0 : i32
    %dma_wait3A_230 = tpu.memref_slice %arg6[%dma_wait3A, %dma_wait3A_229] : memref<2x128xi32, #tpu.memory_space<vmem>> -> memref<1x128xi32, #tpu.memory_space<vmem>>
    %dma_wait3A_231 = tpu.memref_squeeze %dma_wait3A_230 : memref<1x128xi32, #tpu.memory_space<vmem>> -> memref<128xi32, #tpu.memory_space<vmem>>
    %dma_wait3A_232 = arith.constant 0 : i32
    %dma_wait3A_233 = arith.constant 0 : i32
    %dma_wait3A_234 = tpu.memref_slice %arg2[%dma_wait3A_232, %dma_wait3A_233] : memref<20480x128xf32, #tpu.memory_space<hbm>> -> memref<20480x128xf32, #tpu.memory_space<hbm>>
    tpu.wait_indirect_dma semaphore(%arg10 : memref<!tpu.dma_semaphore, #tpu.memory_space<semaphore_mem>>) src(%dma_wait3A_234 : memref<20480x128xf32, #tpu.memory_space<hbm>>) dst(%dma_wait3A_228 : memref<128x128xf32, #tpu.memory_space<vmem>>)
    %run_scoped3A_235 = arith.constant 0 : i32
    %run_scoped3A_236 = arith.constant 0 : i32
    "tpu.region"() ({
      %run_scoped3A_256 = tpu.sem_alloc : memref<!tpu.dma_semaphore, #tpu.memory_space<semaphore_mem>>
      %dma_start3A_257 = arith.constant 0 : i32
      %dma_start3A_258 = arith.constant 0 : i32
      %dma_start3A_259 = tpu.memref_slice %arg8[%run_scoped3A_235, %dma_start3A_257, %dma_start3A_258] : memref<2x128x128xf32, #tpu.memory_space<vmem>> -> memref<1x128x128xf32, #tpu.memory_space<vmem>>
      %dma_start3A_260 = tpu.memref_squeeze %dma_start3A_259 : memref<1x128x128xf32, #tpu.memory_space<vmem>> -> memref<128x128xf32, #tpu.memory_space<vmem>>
      %dma_start3A_261 = arith.constant 0 : i32
      %dma_start3A_262 = tpu.memref_slice %arg7[%run_scoped3A_236, %dma_start3A_261] : memref<2x128xi32, #tpu.memory_space<vmem>> -> memref<1x128xi32, #tpu.memory_space<vmem>>
      %dma_start3A_263 = tpu.memref_squeeze %dma_start3A_262 : memref<1x128xi32, #tpu.memory_space<vmem>> -> memref<128xi32, #tpu.memory_space<vmem>>
      %dma_start3A_264 = arith.constant 0 : i32
      %dma_start3A_265 = arith.constant 0 : i32
      %dma_start3A_266 = tpu.memref_slice %arg9[%dma_start3A_264, %dma_start3A_265] : memref<10240x128xf32, #tpu.memory_space<vmem_shared>> -> memref<10240x128xf32, #tpu.memory_space<vmem_shared>>
      tpu.enqueue_indirect_dma source(%dma_start3A_260 : memref<128x128xf32, #tpu.memory_space<vmem>>) target(%dma_start3A_266 : memref<10240x128xf32, #tpu.memory_space<vmem_shared>>) offsets(%dma_start3A_263 : memref<128xi32, #tpu.memory_space<vmem>>) semaphore(%run_scoped3A_256 : memref<!tpu.dma_semaphore, #tpu.memory_space<semaphore_mem>>) {add = true}
      %dma_wait3A_267 = arith.constant 0 : i32
      %dma_wait3A_268 = arith.constant 0 : i32
      %dma_wait3A_269 = tpu.memref_slice %arg8[%run_scoped3A_235, %dma_wait3A_267, %dma_wait3A_268] : memref<2x128x128xf32, #tpu.memory_space<vmem>> -> memref<1x128x128xf32, #tpu.memory_space<vmem>>
      %dma_wait3A_270 = tpu.memref_squeeze %dma_wait3A_269 : memref<1x128x128xf32, #tpu.memory_space<vmem>> -> memref<128x128xf32, #tpu.memory_space<vmem>>
      %dma_wait3A_271 = arith.constant 0 : i32
      %dma_wait3A_272 = tpu.memref_slice %arg7[%run_scoped3A_236, %dma_wait3A_271] : memref<2x128xi32, #tpu.memory_space<vmem>> -> memref<1x128xi32, #tpu.memory_space<vmem>>
      %dma_wait3A_273 = tpu.memref_squeeze %dma_wait3A_272 : memref<1x128xi32, #tpu.memory_space<vmem>> -> memref<128xi32, #tpu.memory_space<vmem>>
      %dma_wait3A_274 = arith.constant 0 : i32
      %dma_wait3A_275 = arith.constant 0 : i32
      %dma_wait3A_276 = tpu.memref_slice %arg9[%dma_wait3A_274, %dma_wait3A_275] : memref<10240x128xf32, #tpu.memory_space<vmem_shared>> -> memref<10240x128xf32, #tpu.memory_space<vmem_shared>>
      tpu.wait_indirect_dma semaphore(%run_scoped3A_256 : memref<!tpu.dma_semaphore, #tpu.memory_space<semaphore_mem>>) src(%dma_wait3A_270 : memref<128x128xf32, #tpu.memory_space<vmem>>) dst(%dma_wait3A_276 : memref<10240x128xf32, #tpu.memory_space<vmem_shared>>)
      tpu.yield
    }) : () -> ()
    %dma_wait3A_237 = arith.constant 1 : i32
    %dma_wait3A_238 = arith.constant 1 : i32
    %dma_wait3A_239 = arith.constant 0 : i32
    %dma_wait3A_240 = arith.constant 0 : i32
    %dma_wait3A_241 = tpu.memref_slice %arg8[%dma_wait3A_238, %dma_wait3A_239, %dma_wait3A_240] : memref<2x128x128xf32, #tpu.memory_space<vmem>> -> memref<1x128x128xf32, #tpu.memory_space<vmem>>
    %dma_wait3A_242 = tpu.memref_squeeze %dma_wait3A_241 : memref<1x128x128xf32, #tpu.memory_space<vmem>> -> memref<128x128xf32, #tpu.memory_space<vmem>>
    %dma_wait3A_243 = arith.constant 0 : i32
    %dma_wait3A_244 = tpu.memref_slice %arg6[%dma_wait3A_237, %dma_wait3A_243] : memref<2x128xi32, #tpu.memory_space<vmem>> -> memref<1x128xi32, #tpu.memory_space<vmem>>
    %dma_wait3A_245 = tpu.memref_squeeze %dma_wait3A_244 : memref<1x128xi32, #tpu.memory_space<vmem>> -> memref<128xi32, #tpu.memory_space<vmem>>
    %dma_wait3A_246 = arith.constant 0 : i32
    %dma_wait3A_247 = arith.constant 0 : i32
    %dma_wait3A_248 = tpu.memref_slice %arg2[%dma_wait3A_246, %dma_wait3A_247] : memref<20480x128xf32, #tpu.memory_space<hbm>> -> memref<20480x128xf32, #tpu.memory_space<hbm>>
    tpu.wait_indirect_dma semaphore(%arg11 : memref<!tpu.dma_semaphore, #tpu.memory_space<semaphore_mem>>) src(%dma_wait3A_248 : memref<20480x128xf32, #tpu.memory_space<hbm>>) dst(%dma_wait3A_242 : memref<128x128xf32, #tpu.memory_space<vmem>>)
    %run_scoped3A_249 = arith.constant 1 : i32
    %run_scoped3A_250 = arith.constant 1 : i32
    "tpu.region"() ({
      %run_scoped3A_256 = tpu.sem_alloc : memref<!tpu.dma_semaphore, #tpu.memory_space<semaphore_mem>>
      %dma_start3A_257 = arith.constant 0 : i32
      %dma_start3A_258 = arith.constant 0 : i32
      %dma_start3A_259 = tpu.memref_slice %arg8[%run_scoped3A_249, %dma_start3A_257, %dma_start3A_258] : memref<2x128x128xf32, #tpu.memory_space<vmem>> -> memref<1x128x128xf32, #tpu.memory_space<vmem>>
      %dma_start3A_260 = tpu.memref_squeeze %dma_start3A_259 : memref<1x128x128xf32, #tpu.memory_space<vmem>> -> memref<128x128xf32, #tpu.memory_space<vmem>>
      %dma_start3A_261 = arith.constant 0 : i32
      %dma_start3A_262 = tpu.memref_slice %arg7[%run_scoped3A_250, %dma_start3A_261] : memref<2x128xi32, #tpu.memory_space<vmem>> -> memref<1x128xi32, #tpu.memory_space<vmem>>
      %dma_start3A_263 = tpu.memref_squeeze %dma_start3A_262 : memref<1x128xi32, #tpu.memory_space<vmem>> -> memref<128xi32, #tpu.memory_space<vmem>>
      %dma_start3A_264 = arith.constant 0 : i32
      %dma_start3A_265 = arith.constant 0 : i32
      %dma_start3A_266 = tpu.memref_slice %arg9[%dma_start3A_264, %dma_start3A_265] : memref<10240x128xf32, #tpu.memory_space<vmem_shared>> -> memref<10240x128xf32, #tpu.memory_space<vmem_shared>>
      tpu.enqueue_indirect_dma source(%dma_start3A_260 : memref<128x128xf32, #tpu.memory_space<vmem>>) target(%dma_start3A_266 : memref<10240x128xf32, #tpu.memory_space<vmem_shared>>) offsets(%dma_start3A_263 : memref<128xi32, #tpu.memory_space<vmem>>) semaphore(%run_scoped3A_256 : memref<!tpu.dma_semaphore, #tpu.memory_space<semaphore_mem>>) {add = true}
      %dma_wait3A_267 = arith.constant 0 : i32
      %dma_wait3A_268 = arith.constant 0 : i32
      %dma_wait3A_269 = tpu.memref_slice %arg8[%run_scoped3A_249, %dma_wait3A_267, %dma_wait3A_268] : memref<2x128x128xf32, #tpu.memory_space<vmem>> -> memref<1x128x128xf32, #tpu.memory_space<vmem>>
      %dma_wait3A_270 = tpu.memref_squeeze %dma_wait3A_269 : memref<1x128x128xf32, #tpu.memory_space<vmem>> -> memref<128x128xf32, #tpu.memory_space<vmem>>
      %dma_wait3A_271 = arith.constant 0 : i32
      %dma_wait3A_272 = tpu.memref_slice %arg7[%run_scoped3A_250, %dma_wait3A_271] : memref<2x128xi32, #tpu.memory_space<vmem>> -> memref<1x128xi32, #tpu.memory_space<vmem>>
      %dma_wait3A_273 = tpu.memref_squeeze %dma_wait3A_272 : memref<1x128xi32, #tpu.memory_space<vmem>> -> memref<128xi32, #tpu.memory_space<vmem>>
      %dma_wait3A_274 = arith.constant 0 : i32
      %dma_wait3A_275 = arith.constant 0 : i32
      %dma_wait3A_276 = tpu.memref_slice %arg9[%dma_wait3A_274, %dma_wait3A_275] : memref<10240x128xf32, #tpu.memory_space<vmem_shared>> -> memref<10240x128xf32, #tpu.memory_space<vmem_shared>>
      tpu.wait_indirect_dma semaphore(%run_scoped3A_256 : memref<!tpu.dma_semaphore, #tpu.memory_space<semaphore_mem>>) src(%dma_wait3A_270 : memref<128x128xf32, #tpu.memory_space<vmem>>) dst(%dma_wait3A_276 : memref<10240x128xf32, #tpu.memory_space<vmem_shared>>)
      tpu.yield
    }) : () -> ()
    %barrier3A_251 = arith.constant 0 : index
    tpu.barrier barrier_id(%barrier3A_251)
    %mul3A_252 = arith.constant 640 : i32
    %mul3A_253 = arith.muli %arg1, %mul3A_252 : i32
    %mul3A_254 = arith.constant 640 : i32
    %mul3A_255 = arith.muli %arg1, %mul3A_254 : i32
    "tpu.region"() ({
      %run_scoped3A_256 = tpu.sem_alloc : memref<!tpu.dma_semaphore, #tpu.memory_space<semaphore_mem>>
      %dma_start3A_257 = arith.constant 0 : i32
      %dma_start3A_258 = tpu.memref_slice %arg5[%arg0, %mul3A_255, %dma_start3A_257] : memref<2x10240x128xf32, #tpu.memory_space<hbm>> -> memref<1x640x128xf32, #tpu.memory_space<hbm>>
      %dma_start3A_259 = tpu.memref_squeeze %dma_start3A_258 : memref<1x640x128xf32, #tpu.memory_space<hbm>> -> memref<640x128xf32, #tpu.memory_space<hbm>>
      %dma_start3A_260 = arith.constant 0 : i32
      %dma_start3A_261 = tpu.memref_slice %arg9[%mul3A_253, %dma_start3A_260] : memref<10240x128xf32, #tpu.memory_space<vmem_shared>> -> memref<640x128xf32, #tpu.memory_space<vmem_shared>>
      tpu.enqueue_dma source(%dma_start3A_261 : memref<640x128xf32, #tpu.memory_space<vmem_shared>>) target(%dma_start3A_259 : memref<640x128xf32, #tpu.memory_space<hbm>>) target_semaphore(%run_scoped3A_256 : memref<!tpu.dma_semaphore, #tpu.memory_space<semaphore_mem>>)
      %dma_wait3A_262 = arith.constant 0 : i32
      %dma_wait3A_263 = tpu.memref_slice %arg5[%arg0, %mul3A_255, %dma_wait3A_262] : memref<2x10240x128xf32, #tpu.memory_space<hbm>> -> memref<1x640x128xf32, #tpu.memory_space<hbm>>
      %dma_wait3A_264 = tpu.memref_squeeze %dma_wait3A_263 : memref<1x640x128xf32, #tpu.memory_space<hbm>> -> memref<640x128xf32, #tpu.memory_space<hbm>>
      %dma_wait3A_265 = arith.constant 0 : i32
      %dma_wait3A_266 = tpu.memref_slice %arg9[%mul3A_253, %dma_wait3A_265] : memref<10240x128xf32, #tpu.memory_space<vmem_shared>> -> memref<640x128xf32, #tpu.memory_space<vmem_shared>>
      tpu.wait_dma2 semaphore(%run_scoped3A_256 : memref<!tpu.dma_semaphore, #tpu.memory_space<semaphore_mem>>) src(%dma_wait3A_266 : memref<640x128xf32, #tpu.memory_space<vmem_shared>>) dst(%dma_wait3A_264 : memref<640x128xf32, #tpu.memory_space<hbm>>)
      tpu.yield
    }) : () -> ()
    return
  }
}

module attributes {stable_mosaic.version = 14 : i64} {
  func.func @_prep_body(%arg0: i32, %arg1: i32, %arg2: memref<512x128xf32, #tpu.memory_space<vmem>>, %arg3: memref<512x128xf32, #tpu.memory_space<vmem>>, %arg4: memref<1x512x128xf32, #tpu.memory_space<vmem>>) attributes {dimension_semantics = [#tpu.dimension_semantics<arbitrary>, #tpu.dimension_semantics<arbitrary>], iteration_bounds = array<i64: 20, 2>, scalar_prefetch = 0 : i64, scratch_operands = 0 : i64, tpu.core_type = #tpu.core_type<tc>, window_params = [{transform_indices = @transform_0, window_bounds = array<i64: 512, 128>}, {transform_indices = @transform_1, window_bounds = array<i64: 512, 128>}, {transform_indices = @transform_2, window_bounds = array<i64: 1, 512, 128>}]} {
    %get3A = arith.constant 0 : index
    %get3A_0 = arith.constant 0 : index
    %get3A_1 = vector.load %arg2[%get3A, %get3A_0] : memref<512x128xf32, #tpu.memory_space<vmem>>, vector<512x128xf32>
    %get3A_2 = arith.constant 0 : index
    %get3A_3 = arith.constant 0 : index
    %get3A_4 = vector.load %arg3[%get3A_2, %get3A_3] : memref<512x128xf32, #tpu.memory_space<vmem>>, vector<512x1xf32>
    %max3A = arith.constant 1.000000e+00 : f32
    %max3A_5 = vector.broadcast %max3A : f32 to vector<512x1xf32>
    %max3A_6 = arith.maximumf %get3A_4, %max3A_5 : vector<512x1xf32>
    %rsqrt3A = math.rsqrt %max3A_6 : vector<512x1xf32>
    %mul3A = vector.broadcast %rsqrt3A : vector<512x1xf32> to vector<512x128xf32>
    %mul3A_7 = arith.mulf %get3A_1, %mul3A : vector<512x128xf32>
    %swap3A = arith.constant 0 : index
    %swap3A_8 = arith.constant 0 : index
    %swap3A_9 = arith.constant 0 : index
    %swap3A_10 = vector.load %arg4[%swap3A, %swap3A_8, %swap3A_9] : memref<1x512x128xf32, #tpu.memory_space<vmem>>, vector<1x512x128xf32>
    %swap3A_11 = vector.shape_cast %swap3A_10 : vector<1x512x128xf32> to vector<512x128xf32>
    %swap3A_12 = vector.shape_cast %mul3A_7 : vector<512x128xf32> to vector<1x512x128xf32>
    tpu.vector_store %arg4[%swap3A, %swap3A_8, %swap3A_9], %swap3A_12 {strides = array<i32>} : memref<1x512x128xf32, #tpu.memory_space<vmem>>, vector<1x512x128xf32>,
    return
  }
  func.func @transform_0(%arg0: i32, %arg1: i32) -> (i32, i32) {
    %c0_i32 = arith.constant 0 : i32
    return %arg0, %arg1 : i32, i32
  }
  func.func @transform_1(%arg0: i32, %arg1: i32) -> (i32, i32) {
    %c0_i32 = arith.constant 0 : i32
    %c0_i32_0 = arith.constant 0 : i32
    return %arg0, %c0_i32 : i32, i32
  }
  func.func @transform_2(%arg0: i32, %arg1: i32) -> (i32, i32, i32) {
    %c0_i32 = arith.constant 0 : i32
    %c0_i32_0 = arith.constant 0 : i32
    return %arg1, %arg0, %c0_i32 : i32, i32, i32
  }
}

module attributes {stable_mosaic.version = 14 : i64} {
  func.func @_mid_body(%arg0: i32, %arg1: memref<2x512x128xf32, #tpu.memory_space<vmem>>, %arg2: memref<256x512xf32, #tpu.memory_space<vmem>>, %arg3: memref<512x256xf32, #tpu.memory_space<vmem>>, %arg4: memref<512x128xf32, #tpu.memory_space<vmem>>, %arg5: memref<512x128xf32, #tpu.memory_space<vmem>>, %arg6: memref<2x512x128xf32, #tpu.memory_space<vmem>>) attributes {dimension_semantics = [#tpu.dimension_semantics<arbitrary>], iteration_bounds = array<i64: 20>, scalar_prefetch = 0 : i64, scratch_operands = 0 : i64, tpu.core_type = #tpu.core_type<tc>, window_params = [{transform_indices = @transform_0, window_bounds = array<i64: 2, 512, 128>}, {pipeline_mode = #tpu.pipeline_mode<synchronous>, transform_indices = @transform_1, window_bounds = array<i64: 256, 512>}, {pipeline_mode = #tpu.pipeline_mode<synchronous>, transform_indices = @transform_2, window_bounds = array<i64: 512, 256>}, {transform_indices = @transform_3, window_bounds = array<i64: 512, 128>}, {transform_indices = @transform_4, window_bounds = array<i64: 512, 128>}, {transform_indices = @transform_5, window_bounds = array<i64: 2, 512, 128>}]} {
    %get3A = arith.constant 0 : index
    %get3A_0 = arith.constant 0 : index
    %get3A_1 = arith.constant 0 : index
    %get3A_2 = vector.load %arg1[%get3A, %get3A_0, %get3A_1] : memref<2x512x128xf32, #tpu.memory_space<vmem>>, vector<1x512x128xf32>
    %get3A_3 = vector.shape_cast %get3A_2 : vector<1x512x128xf32> to vector<512x128xf32>
    %get3A_4 = arith.constant 1 : index
    %get3A_5 = arith.constant 0 : index
    %get3A_6 = arith.constant 0 : index
    %get3A_7 = vector.load %arg1[%get3A_4, %get3A_5, %get3A_6] : memref<2x512x128xf32, #tpu.memory_space<vmem>>, vector<1x512x128xf32>
    %get3A_8 = vector.shape_cast %get3A_7 : vector<1x512x128xf32> to vector<512x128xf32>
    %get3A_9 = arith.constant 0 : index
    %get3A_10 = arith.constant 0 : index
    %get3A_11 = vector.load %arg2[%get3A_9, %get3A_10] : memref<256x512xf32, #tpu.memory_space<vmem>>, vector<128x512xf32>
    %dot_general3A = arith.constant dense<0.000000e+00> : vector<512x512xf32>
    %dot_general3A_12 = tpu.matmul %get3A_3, %get3A_11, %dot_general3A {dimension_numbers = #tpu.dot_dimension_numbers<[1], [0], [0], [1], [0, 0, 1, 1], [], []>, transpose_lhs_hint = false} : vector<512x128xf32>, vector<128x512xf32>, vector<512x512xf32> -> vector<512x512xf32>
    %get3A_13 = arith.constant 128 : index
    %get3A_14 = arith.constant 0 : index
    %get3A_15 = vector.load %arg2[%get3A_13, %get3A_14] : memref<256x512xf32, #tpu.memory_space<vmem>>, vector<128x512xf32>
    %dot_general3A_16 = arith.constant dense<0.000000e+00> : vector<512x512xf32>
    %dot_general3A_17 = tpu.matmul %get3A_8, %get3A_15, %dot_general3A_16 {dimension_numbers = #tpu.dot_dimension_numbers<[1], [0], [0], [1], [0, 0, 1, 1], [], []>, transpose_lhs_hint = false} : vector<512x128xf32>, vector<128x512xf32>, vector<512x512xf32> -> vector<512x512xf32>
    %add3A = arith.addf %dot_general3A_12, %dot_general3A_17 : vector<512x512xf32>
    %get3A_18 = arith.constant 0 : index
    %get3A_19 = arith.constant 0 : index
    %get3A_20 = vector.load %arg4[%get3A_18, %get3A_19] : memref<512x128xf32, #tpu.memory_space<vmem>>, vector<512x1xf32>
    %max3A = arith.constant 1.000000e+00 : f32
    %max3A_21 = vector.broadcast %max3A : f32 to vector<512x1xf32>
    %max3A_22 = arith.maximumf %get3A_20, %max3A_21 : vector<512x1xf32>
    %rsqrt3A = math.rsqrt %max3A_22 : vector<512x1xf32>
    %mul3A = vector.broadcast %rsqrt3A : vector<512x1xf32> to vector<512x512xf32>
    %mul3A_23 = arith.mulf %add3A, %mul3A : vector<512x512xf32>
    %max3A_24 = arith.constant 0.000000e+00 : f32
    %max3A_25 = vector.broadcast %max3A_24 : f32 to vector<512x512xf32>
    %max3A_26 = arith.maximumf %mul3A_23, %max3A_25 : vector<512x512xf32>
    %get3A_27 = arith.constant 0 : index
    %get3A_28 = arith.constant 0 : index
    %get3A_29 = vector.load %arg5[%get3A_27, %get3A_28] : memref<512x128xf32, #tpu.memory_space<vmem>>, vector<512x1xf32>
    %max3A_30 = arith.constant 1.000000e+00 : f32
    %max3A_31 = vector.broadcast %max3A_30 : f32 to vector<512x1xf32>
    %max3A_32 = arith.maximumf %get3A_29, %max3A_31 : vector<512x1xf32>
    %rsqrt3A_33 = math.rsqrt %max3A_32 : vector<512x1xf32>
    %mul3A_34 = vector.broadcast %rsqrt3A_33 : vector<512x1xf32> to vector<512x512xf32>
    %mul3A_35 = arith.mulf %max3A_26, %mul3A_34 : vector<512x512xf32>
    %get3A_36 = arith.constant 0 : index
    %get3A_37 = arith.constant 0 : index
    %get3A_38 = vector.load %arg3[%get3A_36, %get3A_37] : memref<512x256xf32, #tpu.memory_space<vmem>>, vector<512x256xf32>
    %dot_general3A_39 = arith.constant dense<0.000000e+00> : vector<512x256xf32>
    %dot_general3A_40 = tpu.matmul %mul3A_35, %get3A_38, %dot_general3A_39 {dimension_numbers = #tpu.dot_dimension_numbers<[1], [0], [0], [1], [0, 0, 1, 1], [], []>, transpose_lhs_hint = false} : vector<512x512xf32>, vector<512x256xf32>, vector<512x256xf32> -> vector<512x256xf32>
    %slice3A = vector.extract_strided_slice %dot_general3A_40 {offsets = [0, 0], sizes = [512, 128], strides = [1, 1]} : vector<512x256xf32> to vector<512x128xf32>
    %swap3A = arith.constant 0 : index
    %swap3A_41 = arith.constant 0 : index
    %swap3A_42 = arith.constant 0 : index
    %swap3A_43 = vector.load %arg6[%swap3A, %swap3A_41, %swap3A_42] : memref<2x512x128xf32, #tpu.memory_space<vmem>>, vector<1x512x128xf32>
    %swap3A_44 = vector.shape_cast %swap3A_43 : vector<1x512x128xf32> to vector<512x128xf32>
    %swap3A_45 = vector.shape_cast %slice3A : vector<512x128xf32> to vector<1x512x128xf32>
    tpu.vector_store %arg6[%swap3A, %swap3A_41, %swap3A_42], %swap3A_45 {strides = array<i32>} : memref<2x512x128xf32, #tpu.memory_space<vmem>>, vector<1x512x128xf32>,
    %slice3A_46 = vector.extract_strided_slice %dot_general3A_40 {offsets = [0, 128], sizes = [512, 128], strides = [1, 1]} : vector<512x256xf32> to vector<512x128xf32>
    %swap3A_47 = arith.constant 1 : index
    %swap3A_48 = arith.constant 0 : index
    %swap3A_49 = arith.constant 0 : index
    %swap3A_50 = vector.load %arg6[%swap3A_47, %swap3A_48, %swap3A_49] : memref<2x512x128xf32, #tpu.memory_space<vmem>>, vector<1x512x128xf32>
    %swap3A_51 = vector.shape_cast %swap3A_50 : vector<1x512x128xf32> to vector<512x128xf32>
    %swap3A_52 = vector.shape_cast %slice3A_46 : vector<512x128xf32> to vector<1x512x128xf32>
    tpu.vector_store %arg6[%swap3A_47, %swap3A_48, %swap3A_49], %swap3A_52 {strides = array<i32>} : memref<2x512x128xf32, #tpu.memory_space<vmem>>, vector<1x512x128xf32>,
    return
  }
  func.func @transform_0(%arg0: i32) -> (i32, i32, i32) {
    %c0_i32 = arith.constant 0 : i32
    %c0_i32_0 = arith.constant 0 : i32
    %c0_i32_1 = arith.constant 0 : i32
    return %c0_i32, %arg0, %c0_i32_0 : i32, i32, i32
  }
  func.func @transform_1(%arg0: i32) -> (i32, i32) {
    %c0_i32 = arith.constant 0 : i32
    %c0_i32_0 = arith.constant 0 : i32
    %c0_i32_1 = arith.constant 0 : i32
    return %c0_i32, %c0_i32_0 : i32, i32
  }
  func.func @transform_2(%arg0: i32) -> (i32, i32) {
    %c0_i32 = arith.constant 0 : i32
    %c0_i32_0 = arith.constant 0 : i32
    %c0_i32_1 = arith.constant 0 : i32
    return %c0_i32, %c0_i32_0 : i32, i32
  }
  func.func @transform_3(%arg0: i32) -> (i32, i32) {
    %c0_i32 = arith.constant 0 : i32
    %c0_i32_0 = arith.constant 0 : i32
    return %arg0, %c0_i32 : i32, i32
  }
  func.func @transform_4(%arg0: i32) -> (i32, i32) {
    %c0_i32 = arith.constant 0 : i32
    %c0_i32_0 = arith.constant 0 : i32
    return %arg0, %c0_i32 : i32, i32
  }
  func.func @transform_5(%arg0: i32) -> (i32, i32, i32) {
    %c0_i32 = arith.constant 0 : i32
    %c0_i32_0 = arith.constant 0 : i32
    %c0_i32_1 = arith.constant 0 : i32
    return %c0_i32, %arg0, %c0_i32_0 : i32, i32, i32
  }
}

module attributes {stable_mosaic.version = 14 : i64} {
  func.func @_final_body(%arg0: i32, %arg1: memref<2x400x128xf32, #tpu.memory_space<vmem>>, %arg2: memref<400x128xf32, #tpu.memory_space<vmem>>, %arg3: memref<400x256xf32, #tpu.memory_space<vmem>>) attributes {dimension_semantics = [#tpu.dimension_semantics<arbitrary>], iteration_bounds = array<i64: 25>, scalar_prefetch = 0 : i64, scratch_operands = 0 : i64, tpu.core_type = #tpu.core_type<tc>, window_params = [{transform_indices = @transform_0, window_bounds = array<i64: 2, 400, 128>}, {transform_indices = @transform_1, window_bounds = array<i64: 400, 128>}, {transform_indices = @transform_2, window_bounds = array<i64: 400, 256>}]} {
    %get3A = arith.constant 0 : index
    %get3A_0 = arith.constant 0 : index
    %get3A_1 = vector.load %arg2[%get3A, %get3A_0] : memref<400x128xf32, #tpu.memory_space<vmem>>, vector<400x1xf32>
    %max3A = arith.constant 1.000000e+00 : f32
    %max3A_2 = vector.broadcast %max3A : f32 to vector<400x1xf32>
    %max3A_3 = arith.maximumf %get3A_1, %max3A_2 : vector<400x1xf32>
    %rsqrt3A = math.rsqrt %max3A_3 : vector<400x1xf32>
    %get3A_4 = arith.constant 0 : index
    %get3A_5 = arith.constant 0 : index
    %get3A_6 = arith.constant 0 : index
    %get3A_7 = vector.load %arg1[%get3A_4, %get3A_5, %get3A_6] : memref<2x400x128xf32, #tpu.memory_space<vmem>>, vector<1x400x128xf32>
    %get3A_8 = vector.shape_cast %get3A_7 : vector<1x400x128xf32> to vector<400x128xf32>
    %mul3A = vector.broadcast %rsqrt3A : vector<400x1xf32> to vector<400x128xf32>
    %mul3A_9 = arith.mulf %get3A_8, %mul3A : vector<400x128xf32>
    %get3A_10 = arith.constant 1 : index
    %get3A_11 = arith.constant 0 : index
    %get3A_12 = arith.constant 0 : index
    %get3A_13 = vector.load %arg1[%get3A_10, %get3A_11, %get3A_12] : memref<2x400x128xf32, #tpu.memory_space<vmem>>, vector<1x400x128xf32>
    %get3A_14 = vector.shape_cast %get3A_13 : vector<1x400x128xf32> to vector<400x128xf32>
    %mul3A_15 = vector.broadcast %rsqrt3A : vector<400x1xf32> to vector<400x128xf32>
    %mul3A_16 = arith.mulf %get3A_14, %mul3A_15 : vector<400x128xf32>
    %concatenate3A = tpu.concatenate %mul3A_9, %mul3A_16 in 1 : vector<400x128xf32>, vector<400x128xf32> -> vector<400x256xf32>
    %swap3A = arith.constant 0 : index
    %swap3A_17 = arith.constant 0 : index
    %swap3A_18 = vector.load %arg3[%swap3A, %swap3A_17] : memref<400x256xf32, #tpu.memory_space<vmem>>, vector<400x256xf32>
    tpu.vector_store %arg3[%swap3A, %swap3A_17], %concatenate3A {strides = array<i32>} : memref<400x256xf32, #tpu.memory_space<vmem>>, vector<400x256xf32>,
    return
  }
  func.func @transform_0(%arg0: i32) -> (i32, i32, i32) {
    %c0_i32 = arith.constant 0 : i32
    %c0_i32_0 = arith.constant 0 : i32
    %c0_i32_1 = arith.constant 0 : i32
    return %c0_i32, %arg0, %c0_i32_0 : i32, i32, i32
  }
  func.func @transform_1(%arg0: i32) -> (i32, i32) {
    %c0_i32 = arith.constant 0 : i32
    %c0_i32_0 = arith.constant 0 : i32
    return %arg0, %c0_i32 : i32, i32
  }
  func.func @transform_2(%arg0: i32) -> (i32, i32) {
    %c0_i32 = arith.constant 0 : i32
    %c0_i32_0 = arith.constant 0 : i32
    return %arg0, %c0_i32 : i32, i32
  }
}

</mosaic_0001>

<sc_bundles>
// kernel: kernel.11.cloned.1.call-start
scs
__scs_entry_jumppad:
0x0: {  	(pc) =	sbr.rel $0x88, $3  }
0x1: {  	(tag) =	ssettag $0x0;
	lr =	simm.s32 $0x1  }
0x2: {  	[smem:$0x3F9D] =	sst lr;
	_ =	strace $0xD0000000  }
0x3: {  	_ = 	snop  }
0x4: {  	_ = 	snop  }
0x5: {  	_ = 	snop  }
0x6: {  	_ = 	snop  }
0x7: {  	_ = 	snop  }
__scs_overlays_trampoline_lowered:
0x8: {  	[smem:$0x3FAC] =	sst s0  }
0x9: {  	[smem:$0x3FAD] =	sst s1  }
0xa: {  	[smem:$0x3FAE] =	sst s2  }
0xb: {  	[smem:$0x3FAF] =	sst s3  }
0xc: {  	[smem:$0x3FB0] =	sst s4  }
0xd: {  	[smem:$0x3FB1] =	sst s5  }
0xe: {  	[smem:$0x3FB2] =	sst s6  }
0xf: {  	[smem:$0x3FB3] =	sst s7  }
0x10: {  	[smem:$0x3FB4] =	sst s8  }
0x11: {  	[smem:$0x3FB5] =	sst s9;
	s0 =	simm.s32 @!p0 $0x0  }
0x12: {  	s1 =	sld [smem:$0x3F9B];
	s0 =	simm.s32 @p0 $0x1  }
0x13: {  	[smem:$0x3FB6] =	sst s0;
	s0 =	simm.s32 @!p1 $0x0  }
0x14: {  	s2 =	sld [smem:$0x3F9A];
	s0 =	simm.s32 @p1 $0x1  }
0x15: {  	[smem:$0x3FB7] =	sst s0;
	s0 =	simm.s32 @!p2 $0x0  }
0x16: {  	s3 =	sld [smem:$0x3FDB];
	s0 =	simm.s32 @p2 $0x1  }
0x17: {  	s4 =	simm.s32 $0x1BF5;
	[smem:$0x3FB9] =	sst s0  }
0x18: {  	s0 =	sld [smem:$0x3F9C];
	_ =	swait.ge [sflag:s4], $0x0  }
0x19: {  	s7 =	sld [smem:$0x3F9D]  }
0x1a: {  	s8 =	sadd.s32 $0xFFFFE003, lr  }
0x1b: {  	s9 =	sadd.s32 $0xFFFFFEF7, lr;
	s5 =	simm.s32 $0xFFFFFFFF;
	p2 =	slt.u32 s8, $0xFFFFF086  }
0x1c: {  	p1 =	slt.u32 s9, $0xF7A;
	s5 =	simm.s32 @!p2 $0x0  }
0x1d: {  	s5 =	simm.s32 @p1 $0x1;
	p0 =	seq.s32 s7, s2  }
0x1e: {  	s7 =	smul.u32 @!p0 $0xF7A, s2;
	p2 =	seq.s32 @!p0 s5, $0x0  }
0x1f: {  	s9 =	smul.u32 $0xF7A, s1;
	s8 =	simm.s32 @!p0 $0x1BF5;
	p2 =	por !p2, p0  }
0x20: {  	[sflag:s8] =	ssyncset.s32 @!p0 $0xFFFFF086;
	s6 =	sadd.s32 @!p0 s3, s7;
	s7 =	simm.s32 @!p0 $0x108  }
0x21: {  	s3 =	sadd.s32 s3, s9;
	s6 =	sadd.s32 @!p0 $0x88, s6;
	s7 =	simm.s32 @p2 $0x1082  }
0x22: {  	[simem:s7], [sflag:s8] =	dma.local @!p0 [hbm:s6], $0xF7A  }
0x23: {  	s9 =	sor.u32 $0xD0000000, s2;
	s6 =	simm.s32 $0x108;
	_ =	swait.ge @!p0 [sflag:s8], $0x0  }
0x24: {  	s3 =	sadd.s32 $0x88, s3;
	s6 =	simm.s32 @!p1 $0x1082;
	[sflag:s4] =	ssyncset.s32 $0xFFFFF086  }
0x25: {  	[simem:s6], [sflag:s4] =	dma.local [hbm:s3], $0xF7A  }
0x26: {  	[smem:$0x3F9D] =	sst s1;
	(tag) =	ssettag s2;
	_ =	strace s9  }
0x27: {  	s1 =	sld [smem:$0x3FAD]  }
0x28: {  	s2 =	sld [smem:$0x3FAE]  }
0x29: {  	s4 =	sld [smem:$0x3FB0]  }
0x2a: {  	p0 =	seq.s32 s5, $0x0;
	s5 =	sld [smem:$0x3FB1]  }
0x2b: {  	s6 =	sld [smem:$0x3FB2]  }
0x2c: {  	s7 =	sld [smem:$0x3FB3]  }
0x2d: {  	s3 =	simm.s32 $0x108;
	s8 =	sld [smem:$0x3FB4]  }
0x2e: {  	s3 =	simm.s32 @!p0 $0x1082;
	s9 =	sld [smem:$0x3FB5]  }
0x2f: {  	lr =	sadd.s32 s0, s3;
	s0 =	sld [smem:$0x3FAC]  }
0x30: {  	s3 =	sld [smem:$0x3FAF]  }
0x31: {  	[smem:$0x3FB8] =	sst s10  }
0x32: {  	s10 =	sld [smem:$0x3FB6];
	_ =	sdelay $0x3  }
0x33: {  	p0 =	seq.s32 s10, $0x1;
	s10 =	sld [smem:$0x3FB8];
	_ =	sdelay $0x3  }
0x34: {  	[smem:$0x3FB8] =	sst s10  }
0x35: {  	s10 =	sld [smem:$0x3FB7];
	_ =	sdelay $0x3  }
0x36: {  	p1 =	seq.s32 s10, $0x1;
	s10 =	sld [smem:$0x3FB8];
	_ =	sdelay $0x3  }
0x37: {  	[smem:$0x3FB8] =	sst s10  }
0x38: {  	s10 =	sld [smem:$0x3FB9]  }
0x39: {  	_ = 	snop;
	(pc) =	sbr.ind lr, $3  }
0x3a: {  	_ = 	snop  }
0x3b: {  	_ = 	snop  }
0x3c: {  	p2 =	seq.s32 s10, $0x1;
	s10 =	sld [smem:$0x3FB8]  }
0x3d: {  	_ =	shalt  }
0x3e: {  	_ =	shalt  }
0x3f: {  	_ =	shalt  }
0x40: {  	_ =	shalt  }
0x41: {  	_ =	shalt  }
0x42: {  	_ =	shalt  }
0x43: {  	_ =	shalt  }
0x44: {  	_ =	shalt  }
0x45: {  	_ =	shalt  }
0x46: {  	_ =	shalt  }
0x47: {  	_ =	shalt  }
0x48: {  	_ =	shalt  }
0x49: {  	_ =	shalt  }
0x4a: {  	_ =	shalt  }
0x4b: {  	_ =	shalt  }
0x4c: {  	_ =	shalt  }
0x4d: {  	_ =	shalt  }
0x4e: {  	_ =	shalt  }
0x4f: {  	_ =	shalt  }
0x50: {  	_ =	shalt  }
0x51: {  	_ =	shalt  }
0x52: {  	_ =	shalt  }
0x53: {  	_ =	shalt  }
0x54: {  	_ =	shalt  }
0x55: {  	_ =	shalt  }
0x56: {  	_ =	shalt  }
0x57: {  	_ =	shalt  }
0x58: {  	_ =	shalt  }
0x59: {  	_ =	shalt  }
0x5a: {  	_ =	shalt  }
0x5b: {  	_ =	shalt  }
0x5c: {  	_ =	shalt  }
0x5d: {  	_ =	shalt  }
0x5e: {  	_ =	shalt  }
0x5f: {  	_ =	shalt  }
0x60: {  	_ =	shalt  }
0x61: {  	_ =	shalt  }
0x62: {  	_ =	shalt  }
0x63: {  	_ =	shalt  }
0x64: {  	_ =	shalt  }
0x65: {  	_ =	shalt  }
0x66: {  	_ =	shalt  }
0x67: {  	_ =	shalt  }
0x68: {  	_ =	shalt  }
0x69: {  	_ =	shalt  }
0x6a: {  	_ =	shalt  }
0x6b: {  	_ =	shalt  }
0x6c: {  	_ =	shalt  }
0x6d: {  	_ =	shalt  }
0x6e: {  	_ =	shalt  }
0x6f: {  	_ =	shalt  }
0x70: {  	_ =	shalt  }
0x71: {  	_ =	shalt  }
0x72: {  	_ =	shalt  }
0x73: {  	_ =	shalt  }
0x74: {  	_ =	shalt  }
0x75: {  	_ =	shalt  }
0x76: {  	_ =	shalt  }
0x77: {  	_ =	shalt  }
0x78: {  	_ =	shalt  }
0x79: {  	_ =	shalt  }
0x7a: {  	_ =	shalt  }
0x7b: {  	_ =	shalt  }
0x7c: {  	_ =	shalt  }
0x7d: {  	_ =	shalt  }
0x7e: {  	_ =	shalt  }
0x7f: {  	_ =	shalt  }
0x80: {  	_ =	shalt  }
0x81: {  	_ =	shalt  }
0x82: {  	_ =	shalt  }
0x83: {  	_ =	shalt  }
0x84: {  	_ =	shalt  }
0x85: {  	_ =	shalt  }
0x86: {  	_ =	shalt  }
0x87: {  	_ =	shalt  }
.Lfunc_end0:
.L_simem_size_0:
called_computation.1_lowered:
.L_overlay_start_0:
0x88: {  	s2 =	sld [smem:$0x3FD9]  }
0x89: {  	s3 =	sld [smem:$0x3FFE];
	_ =	sdelay $0x1  }
0x8a: {  	s1 =	srdreg.scid  }
0x8b: {  	s0 =	sand.u32 $0x1, s1  }
0x8c: {  	s16 =	sshll.u32 s0, $0xA;
	s2 =	sadd.s32 s3, s2  }
0x8d: {  	s2 =	sadd.s32 s2, s16  }
0x8e: {  	[smem:$0x3FC4] =	sst s2  }
0x8f: {  	_ = 	snop  }
0x90: {  	(tm) =	ssettm $0x1  }
0x91: {  	s17 =	sld [smem:$0x3FFB];
	_ =	sdelay $0x3  }
0x92: {  	_ =	strace s17  }
0x93: {  	s2 =	sld [smem:$0x3FFC];
	_ =	sdelay $0x3  }
0x94: {  	_ =	strace s2  }
0x95: {  	s2 =	sld [smem:$0x3FFD];
	_ =	sdelay $0x3  }
0x96: {  	_ =	strace s2  }
0x97: {  	_ =	strace $0x8FFFFFFF  }
0x98: {  	s18 =	sld [smem:$0x3FDB];
	_ =	sdelay $0x1  }
0x99: {  	s19 =	simm.s32 $_scs_section_size  }
0x9a: {  	s4 =	simm.s32 $_size__tile_overlayer_lowered;
	s5 =	simm.s32 $_tile_overlayer_lowered  }
0x9b: {  	s22 =	simm.s32 $0x1BFF;
	s21 =	sshll.u32 s5, $0x1;
	s2 =	sadd.s32 s19, s18  }
0x9c: {  	s6 =	simm.s32 $0x0;
	s20 =	sshll.u32 s4, $0x1;
	s4 =	sadd.s32 s21, s2  }
0x9d: {  	[timem:s6], [sflag:s22] =	dma.local [hbm:s4], s20  }
0x9e: {  	_ =	swait.ge [sflag:s22], s20  }
0x9f: {  	s3 =	ssub.s32 $0x0, s20;
	[sflag:s22] =	ssyncset.done $0x0  }
0xa0: {  	[sflag:s22] =	ssyncadd.s32 s3;
	_ =	sdelay $0x1  }
0xa1: {  	s23 =	simm.s32 $0x1B8B  }
0xa2: {  	_ =	swait.ge [sflag:s23], $0x1  }
0xa3: {  	[sflag:s23] =	ssyncset.done $0x0  }
0xa4: {  	s25 =	simm.s32 $0x1B8E;
	s24 =	sld [smem:$0x3FFE];
	[sflag:s23] =	ssyncadd.s32 $0xFFFFFFFF  }
0xa5: {  	s26 =	simm.s32 $execute0_lowered;
	[smem:$0x3FD2] =	sst s25  }
0xa6: {  	s4 =	sshll.u32 s26, $0x1;
	_ =	strace $0x80000049;
	[dreg:$0x1] =	wrdreg $0xFFFFFFFF  }
0xa7: {  	s28 =	simm.s32 $_size_execute0_lowered;
	s2 =	sadd.s32 s2, s4;
	[dreg:$0x0] =	wrdreg $0x0  }
0xa8: {  	s4 =	sshll.u32 s28, $0x1;
	[dreg:$0x2] =	wrdreg s2  }
0xa9: {  	[dreg:$0x3] =	wrdreg s4  }
0xaa: {  	[dreg:$0x4] =	wrdreg $0xC0  }
0xab: {  	_ =	task [dreg:s6], $0x5FFFF  }
0xac: {  	[dreg:$0x1] =	wrdreg $0xFFFFFFFF  }
0xad: {  	[dreg:$0x0] =	wrdreg $0x60  }
0xae: {  	[dreg:$0x2] =	wrdreg s24  }
0xaf: {  	[dreg:$0x3] =	wrdreg $0x82000  }
0xb0: {  	[dreg:$0x4] =	wrdreg $0x9  }
0xb1: {  	_ =	task.clear_ibuf [dreg:s6], $0x5FFFF;
	_ =	strace $0x90000049  }
0xb2: {  	s29 =	simm.s32 $0x9;
	_ =	strace $0x8000004B  }
0xb3: {  	_ =	swait.ge [sflag:s29], $0x1  }
0xb4: {  	[sflag:s29] =	ssyncadd.s32 $0xFFFFFFFF  }
0xb5: {  	_ =	strace $0x9000004B  }
0xb6: {  	_ =	sfence  }
0xb7: {  	s30 =	sld [smem:$0x0];
	_ =	sdelay $0x2  }
0xb8: {  	s31 =	sshll.u32 s1, $0xD;
	s1 =	sshrl.u32 s1, $0x2  }
0xb9: {  	s3 =	sand.u32 $0x4000, s31;
	s1 =	sadd.s32 s1, s30  }
0xba: {  	s0 =	sor.u32 s3, s0;
	s1 =	sshll.u32 s1, $0x11  }
0xbb: {  	s0 =	sor.u32 s1, s0  }
0xbc: {  	s0 =	sadd.s32 $0x8F2B, s0  }
0xbd: {  	[sflag:s0] =	ssyncadd.remote.s32 $0x1  }
0xbe: {  	_ =	sfence.sel $0xFFFF  }
0xbf: {  	[dreg:$0x0] =	wrdreg $0xFFFFFFFF;
	(pc) =	sbr.abs _section_cstart, $3  }
0xc0: {  	[dreg:$0x1] =	wrdreg $0xFFFFFFFF  }
0xc1: {  	_ =	task.clear_ibuf [dreg:s6], $0x2FFFF;
	_ =	strace $0x9FFFFFFF  }
0xc2: {  	(tm) =	ssettm $0x7FFFFFFF  }
0xc3: {  	_ =	shalt  }
tec
execute0_lowered:
.L_overlay_start_1:
0x0: {  	(tag) =	ssettag $0x1  }
0x1: {  	s6 =	rddreg [dreg:$0x0]  }
0x2: {  	s1 =	rddreg [dreg:$0x1];
	s2 =	srdreg.scid  }
0x3: {  	s3 =	simm.s32 $0x0;
	s19 =	simm.s32 $0x3;
	s20 =	simm.s32 $0x100  }
0x4: {  	s21 =	simm.s32 $0x80;
	s22 =	simm.s32 $0x180;
	s10 =	sand.u32 $0x1, s2  }
0x5: {  	s23 =	simm.s32 $0x4200;
	s2 =	stileid.u32;
	s5 =	smul.u32 $0x140000, s10  }
0x6: {  	s25 =	simm.s32 $0x2;
	s26 =	simm.s32 $0x0;
	s7 =	smul.u32 $0x14000, s2  }
0x7: {  	[smem:$0x7FF] =	sst s3;
	s4 =	sadd.s32 $0x33E00, s6;
	s8 =	smul.u32 $0x50000, s2  }
0x8: {  	s17 =	sadd.s32 $0x6E00, s6;
	s16 =	sadd.s32 $0x1E00, s6;
	s11 =	smul.u32 $0x2800, s2  }
0x9: {  	_ =	strace $0x8000004A;
	s9 =	ssub.s32 $0x2, s10;
	s24 =	smul.u32 $0x2800, s10  }
0xa: {  	s18 =	smul.u32 $0x500, s2;
	s31 =	sshrl.u32 s9, $0x1;
	s5 =	sadd.s32 s7, s5  }
0xb: {  	s30 =	sshrl.u32 s8, $0x2;
	s15 =	ssub.s32 s9, s31;
	s12 =	sshrl.u32 s11, $0x3  }
0xc: {  	v0 =	vmov s24;
	s24 =	simm.s32 $0x1;
	s7 =	sshrl.u32 s5, $0x3;
	s5 =	sadd.s32 s30, s1  }
0xd: {  	s10 =	sadd.s32 s17, s12;
	s11 =	sadd.s32 s16, s12;
	s13 =	sadd.s32 $0x4F0, s12  }
0xe: {  	s15 =	smax.u32 s15, $0x1;
	s14 =	sadd.s32 s7, s6;
	s6 =	sadd.s32 $0x4000, s5  }
0xf: {  	s7 =	sadd.s32 $0x8000, s5;
	s8 =	sadd.s32 $0xC000, s5;
	s9 =	sadd.s32 $0x10000, s5  }
0x10: {  	s12 =	sadd.s32 s17, s13;
	s13 =	sadd.s32 s16, s13;
	s16 =	sadd.s32 s18, s16  }
0x11: {  	v1 =	vimm.f32 $0.0e+00;
	s17 =	sadd.s32 s18, s17;
	s18 =	simm.s32 $0x200;
	s14 =	sadd.s32 $0x83E00, s14  }
.LBB2_1:
0x12: {  	s28 =	simm.s32 $0x0;
	s29 =	simm.s32 $0x200  }
.LBB2_2:
0x13: {  	p0 =	sne.s32 s29, $0xFE00;
	[tilespmem:s28+$0x270] =	vst v1  }
0x14: {  	[tilespmem:s28+$0x200] =	vst v1  }
0x15: {  	[tilespmem:s28+$0x210] =	vst v1  }
.Ltmp0:
0x16: {  	[tilespmem:s28+$0x220] =	vst v1;
	(pc) =	sbr.rel @p0 .LBB2_2-.Ltmp0, $4  }
0x17: {  	[tilespmem:s28+$0x230] =	vst v1  }
0x18: {  	[tilespmem:s28+$0x240] =	vst v1  }
0x19: {  	[tilespmem:s28+$0x250] =	vst v1  }
0x1a: {  	[tilespmem:s28+$0x260] =	vst v1;
	s28 =	sshra.s32 s29, $0x2;
	s29 =	sadd.s32 $0x200, s29  }
0x1b: {  	[tilespmem:s28+$0x270] =	vst v1  }
0x1c: {  	[tilespmem:s28+$0x200] =	vst v1  }
0x1d: {  	[tilespmem:s28+$0x210] =	vst v1  }
0x1e: {  	[tilespmem:s28+$0x220] =	vst v1  }
0x1f: {  	[tilespmem:s28+$0x230] =	vst v1  }
0x20: {  	[tilespmem:s28+$0x240] =	vst v1  }
0x21: {  	[tilespmem:s28+$0x250] =	vst v1  }
0x22: {  	[tilespmem:s28+$0x260] =	vst v1  }
0x23: {  	[spmem:s5] =	stream.linear.scatter [tilespmem:s18], [sflag:$0x3], $0x4000, $0x38;
	[tilespmem:$0x1C200] =	vst v63  }
0x24: {  	_ =	swait.ge [sflag:s19], $0x4000  }
0x25: {  	[sflag:s19] =	ssyncset.done $0x0  }
0x26: {  	[sflag:s19] =	ssyncadd.s32 $0xFFFFC000  }
0x27: {  	[spmem:s6] =	stream.linear.scatter [tilespmem:s18], [sflag:$0x3], $0x4000, $0x38;
	[tilespmem:$0x1C200] =	vst v63  }
0x28: {  	_ =	swait.ge [sflag:s19], $0x4000  }
0x29: {  	[sflag:s19] =	ssyncset.done $0x0  }
0x2a: {  	[sflag:s19] =	ssyncadd.s32 $0xFFFFC000  }
0x2b: {  	[spmem:s7] =	stream.linear.scatter [tilespmem:s18], [sflag:$0x3], $0x4000, $0x38;
	[tilespmem:$0x1C200] =	vst v63  }
0x2c: {  	_ =	swait.ge [sflag:s19], $0x4000  }
0x2d: {  	[sflag:s19] =	ssyncset.done $0x0  }
0x2e: {  	[sflag:s19] =	ssyncadd.s32 $0xFFFFC000  }
0x2f: {  	[spmem:s8] =	stream.linear.scatter [tilespmem:s18], [sflag:$0x3], $0x4000, $0x38;
	[tilespmem:$0x1C200] =	vst v63  }
0x30: {  	_ =	swait.ge [sflag:s19], $0x4000  }
0x31: {  	[sflag:s19] =	ssyncset.done $0x0  }
0x32: {  	[sflag:s19] =	ssyncadd.s32 $0xFFFFC000  }
0x33: {  	[spmem:s9] =	stream.linear.scatter [tilespmem:s18], [sflag:$0x3], $0x4000, $0x38;
	[tilespmem:$0x1C200] =	vst v63  }
0x34: {  	_ =	swait.ge [sflag:s19], $0x4000  }
0x35: {  	[sflag:s19] =	ssyncset.done $0x0  }
0x36: {  	[sflag:s19] =	ssyncadd.s32 $0xFFFFC000  }
0x37: {  	[bflag:$0x0] =	sbarrier.arrive $0xFFFF  }
0x38: {  	[tilespmem:s3], [sflag:$0x3] =	stream.linear.gather [hbm4b:s10+s3], $0x80, $0x38;
	[tilespmem:$0x1C200] =	vst v63  }
0x39: {  	_ =	swait.ge [sflag:s19], $0x80  }
0x3a: {  	[sflag:s19] =	ssyncset.done $0x0  }
0x3b: {  	[sflag:s19] =	ssyncadd.s32 $0xFFFFFF80  }
0x3c: {  	[tilespmem:s20], [sflag:$0x3] =	stream.linear.gather [hbm4b:s11+s3], $0x80, $0x38;
	[tilespmem:$0x1C200] =	vst v63  }
0x3d: {  	_ =	swait.ge [sflag:s19], $0x80  }
0x3e: {  	[sflag:s19] =	ssyncset.done $0x0  }
0x3f: {  	[sflag:s19] =	ssyncadd.s32 $0xFFFFFF80  }
0x40: {  	v2 =	vld [tilespmem:$0x0]  }
0x41: {  	v3 =	vld [tilespmem:$0x10]  }
0x42: {  	v4 =	vld [tilespmem:$0x20]  }
0x43: {  	v5 =	vld [tilespmem:$0x30]  }
0x44: {  	v6 =	vld [tilespmem:$0x40]  }
0x45: {  	v7 =	vld [tilespmem:$0x50];
	v2 =	vadd.s32 v0, v2  }
0x46: {  	[tilespmem:$0x0] =	vst v2;
	v2 =	vadd.s32 v0, v3;
	v3 =	vld [tilespmem:$0x60]  }
0x47: {  	v53 =	vld [tilespmem:$0x70];
	[tilespmem:$0x10] =	vst v2;
	v2 =	vadd.s32 v0, v4  }
0x48: {  	[tilespmem:$0x20] =	vst v2;
	v2 =	vadd.s32 v0, v5  }
0x49: {  	[tilespmem:$0x30] =	vst v2;
	v2 =	vadd.s32 v0, v6  }
0x4a: {  	[tilespmem:$0x40] =	vst v2;
	v2 =	vadd.s32 v0, v7  }
0x4b: {  	[tilespmem:$0x50] =	vst v2;
	v2 =	vadd.s32 v0, v3  }
0x4c: {  	[tilespmem:$0x60] =	vst v2;
	v2 =	vadd.s32 v0, v53  }
0x4d: {  	s28 =	sadd.s32 $0xFFFFFB20, s17;
	[tilespmem:$0x70] =	vst v2  }
0x4e: {  	[tilespmem:s18], [sflag:$0x1] =	stream.indirect.gather [hbm4b:s4+s21], $0x80, s3, s21, $0xb8;
	[tilespmem:$0x1C200] =	vst v63  }
0x4f: {  	s29 =	sadd.s32 $0x4F0, s28  }
0x50: {  	[tilespmem:s21], [sflag:$0x3] =	stream.linear.gather [hbm4b:s29+s3], $0x80, $0x38;
	[tilespmem:$0x1C200] =	vst v63  }
0x51: {  	_ =	swait.ge [sflag:s19], $0x80  }
0x52: {  	s29 =	sadd.s32 $0xFFFFFB20, s16;
	[sflag:s19] =	ssyncset.done $0x0  }
0x53: {  	s30 =	sadd.s32 $0x4F0, s29;
	[sflag:s19] =	ssyncadd.s32 $0xFFFFFF80  }
0x54: {  	[tilespmem:s22], [sflag:$0x3] =	stream.linear.gather [hbm4b:s30+s3], $0x80, $0x38;
	[tilespmem:$0x1C200] =	vst v63  }
0x55: {  	_ =	swait.ge [sflag:s19], $0x80  }
0x56: {  	[sflag:s19] =	ssyncset.done $0x0  }
0x57: {  	[sflag:s19] =	ssyncadd.s32 $0xFFFFFF80  }
0x58: {  	v2 =	vld [tilespmem:$0xF0]  }
0x59: {  	v3 =	vld [tilespmem:$0xC0]  }
0x5a: {  	v54 =	vld [tilespmem:$0x90]  }
0x5b: {  	v57 =	vld [tilespmem:$0x80]  }
0x5c: {  	v55 =	vld [tilespmem:$0xB0]  }
0x5d: {  	v56 =	vld [tilespmem:$0xD0];
	v2 =	vadd.s32 v0, v2  }
0x5e: {  	v8 =	vld [tilespmem:$0xE0];
	v3 =	vadd.s32 v0, v3;
	[tilespmem:$0xF0] =	vst v2  }
0x5f: {  	v4 =	vadd.s32 v0, v54;
	v2 =	vld [tilespmem:$0xA0];
	[tilespmem:$0xC0] =	vst v3  }
0x60: {  	v58 =	vadd.s32 v0, v57;
	[tilespmem:$0x90] =	vst v4  }
0x61: {  	v3 =	vadd.s32 v0, v55;
	[tilespmem:$0x80] =	vst v58  }
0x62: {  	[tilespmem:$0xB0] =	vst v3;
	v3 =	vadd.s32 v0, v56  }
0x63: {  	[tilespmem:$0xD0] =	vst v3;
	v3 =	vadd.s32 v0, v8  }
0x64: {  	[tilespmem:$0xE0] =	vst v3;
	v2 =	vadd.s32 v0, v2  }
0x65: {  	[tilespmem:$0xA0] =	vst v2  }
0x66: {  	[tilespmem:s23], [sflag:$0x2] =	stream.indirect.gather [hbm4b:s4+s21], $0x80, s21, s21, $0xb8;
	[tilespmem:$0x1C200] =	vst v63  }
0x67: {  	_ =	swait.ge [sflag:s24], $0x4000  }
0x68: {  	[sflag:s24] =	ssyncset.done $0x0  }
0x69: {  	[sflag:s24] =	ssyncadd.s32 $0xFFFFC000  }
0x6a: {  	[spmem:s1] =	stream.indirect.scatter.add.f32 [tilespmem:s18], [sflag:$0x3], $0x80, s20, s21, $0xb8;
	[tilespmem:$0x1C200] =	vst v63  }
0x6b: {  	_ =	swait.ge [sflag:s19], $0x4000  }
0x6c: {  	[sflag:s19] =	ssyncset.done $0x0  }
0x6d: {  	s28 =	sadd.s32 $0x500, s28;
	[sflag:s19] =	ssyncadd.s32 $0xFFFFC000  }
0x6e: {  	[tilespmem:s3], [sflag:$0x3] =	stream.linear.gather [hbm4b:s28+s3], $0x80, $0x38;
	[tilespmem:$0x1C200] =	vst v63  }
0x6f: {  	_ =	swait.ge [sflag:s19], $0x80  }
0x70: {  	[sflag:s19] =	ssyncset.done $0x0  }
0x71: {  	s28 =	sadd.s32 $0x500, s29;
	[sflag:s19] =	ssyncadd.s32 $0xFFFFFF80  }
0x72: {  	[tilespmem:s20], [sflag:$0x3] =	stream.linear.gather [hbm4b:s28+s3], $0x80, $0x38;
	[tilespmem:$0x1C200] =	vst v63  }
0x73: {  	_ =	swait.ge [sflag:s19], $0x80  }
0x74: {  	[sflag:s19] =	ssyncset.done $0x0  }
0x75: {  	[sflag:s19] =	ssyncadd.s32 $0xFFFFFF80  }
0x76: {  	v2 =	vld [tilespmem:$0x0]  }
0x77: {  	v3 =	vld [tilespmem:$0x10]  }
0x78: {  	v59 =	vld [tilespmem:$0x20]  }
0x79: {  	v60 =	vld [tilespmem:$0x30]  }
0x7a: {  	v61 =	vld [tilespmem:$0x40]  }
0x7b: {  	v62 =	vld [tilespmem:$0x50];
	v2 =	vadd.s32 v0, v2  }
0x7c: {  	[tilespmem:$0x0] =	vst v2;
	v2 =	vadd.s32 v0, v3;
	v3 =	vld [tilespmem:$0x60]  }
0x7d: {  	v63 =	vld [tilespmem:$0x70];
	[tilespmem:$0x10] =	vst v2;
	v2 =	vadd.s32 v0, v59  }
0x7e: {  	[tilespmem:$0x20] =	vst v2;
	v2 =	vadd.s32 v0, v60  }
0x7f: {  	[tilespmem:$0x30] =	vst v2;
	v2 =	vadd.s32 v0, v61  }
0x80: {  	[tilespmem:$0x40] =	vst v2;
	v2 =	vadd.s32 v0, v62  }
0x81: {  	[tilespmem:$0x50] =	vst v2;
	v2 =	vadd.s32 v0, v3  }
0x82: {  	[tilespmem:$0x60] =	vst v2;
	v2 =	vadd.s32 v0, v63  }
0x83: {  	s29 =	simm.s32 $0xFFFFFB60;
	s28 =	simm.s32 $0xFFFFFB40;
	[tilespmem:$0x70] =	vst v2  }
0x84: {  	[tilespmem:s18], [sflag:$0x1] =	stream.indirect.gather [hbm4b:s4+s21], $0x80, s3, s21, $0xb8;
	[tilespmem:$0x1C200] =	vst v63  }
.LBB2_4:
0x85: {  	p0 =	sne.s32 s29, $0xFFFFFFE0  }
0x86: {  	_ =	swait.ge [sflag:s25], $0x4000;
	s0 =	smov.u32 s29;
	s29 =	sadd.s32 $0x20, s29  }
0x87: {  	[sflag:s25] =	ssyncset.done $0x0  }
0x88: {  	[sflag:s25] =	ssyncadd.s32 $0xFFFFC000  }
0x89: {  	[spmem:s1] =	stream.indirect.scatter.add.f32 [tilespmem:s23], [sflag:$0x3], $0x80, s22, s21, $0xb8;
	[tilespmem:$0x1C200] =	vst v63  }
0x8a: {  	_ =	swait.ge [sflag:s19], $0x4000  }
0x8b: {  	s30 =	sadd.s32 s28, s17;
	[sflag:s19] =	ssyncset.done $0x0  }
0x8c: {  	s31 =	sadd.s32 $0x4F0, s30;
	[sflag:s19] =	ssyncadd.s32 $0xFFFFC000  }
0x8d: {  	[tilespmem:s21], [sflag:$0x3] =	stream.linear.gather [hbm4b:s31+s3], $0x80, $0x38;
	[tilespmem:$0x1C200] =	vst v63  }
0x8e: {  	_ =	swait.ge [sflag:s19], $0x80  }
0x8f: {  	s31 =	sadd.s32 s28, s16;
	s28 =	smov.u32 s0;
	[sflag:s19] =	ssyncset.done $0x0  }
0x90: {  	s0 =	sadd.s32 $0x4F0, s31;
	[sflag:s19] =	ssyncadd.s32 $0xFFFFFF80  }
0x91: {  	[tilespmem:s22], [sflag:$0x3] =	stream.linear.gather [hbm4b:s0+s3], $0x80, $0x38;
	[tilespmem:$0x1C200] =	vst v63  }
0x92: {  	_ =	swait.ge [sflag:s19], $0x80  }
0x93: {  	[sflag:s19] =	ssyncset.done $0x0  }
0x94: {  	[sflag:s19] =	ssyncadd.s32 $0xFFFFFF80  }
0x95: {  	v2 =	vld [tilespmem:$0xF0]  }
0x96: {  	v3 =	vld [tilespmem:$0xB0]  }
0x97: {  	v4 =	vld [tilespmem:$0xC0]  }
0x98: {  	v5 =	vld [tilespmem:$0x90]  }
0x99: {  	v6 =	vld [tilespmem:$0xE0]  }
0x9a: {  	v7 =	vld [tilespmem:$0xD0];
	v2 =	vadd.s32 v0, v2  }
0x9b: {  	v8 =	vld [tilespmem:$0x80];
	[tilespmem:$0xF0] =	vst v2  }
0x9c: {  	v2 =	vld [tilespmem:$0xA0];
	v4 =	vadd.s32 v0, v4  }
0x9d: {  	v3 =	vadd.s32 v0, v3;
	v5 =	vadd.s32 v0, v5;
	[tilespmem:$0xC0] =	vst v4  }
0x9e: {  	[tilespmem:$0x90] =	vst v5;
	v4 =	vadd.s32 v0, v6  }
0x9f: {  	[tilespmem:$0xB0] =	vst v3;
	v3 =	vadd.s32 v0, v7  }
0xa0: {  	v5 =	vadd.s32 v0, v8;
	[tilespmem:$0xD0] =	vst v3  }
0xa1: {  	[tilespmem:$0x80] =	vst v5;
	v2 =	vadd.s32 v0, v2  }
0xa2: {  	[tilespmem:$0xA0] =	vst v2  }
0xa3: {  	[tilespmem:$0xE0] =	vst v4  }
0xa4: {  	[tilespmem:s23], [sflag:$0x2] =	stream.indirect.gather [hbm4b:s4+s21], $0x80, s21, s21, $0xb8;
	[tilespmem:$0x1C200] =	vst v63  }
0xa5: {  	_ =	swait.ge [sflag:s24], $0x4000  }
0xa6: {  	[sflag:s24] =	ssyncset.done $0x0  }
0xa7: {  	[sflag:s24] =	ssyncadd.s32 $0xFFFFC000  }
0xa8: {  	[spmem:s1] =	stream.indirect.scatter.add.f32 [tilespmem:s18], [sflag:$0x3], $0x80, s20, s21, $0xb8;
	[tilespmem:$0x1C200] =	vst v63  }
0xa9: {  	_ =	swait.ge [sflag:s19], $0x4000  }
0xaa: {  	[sflag:s19] =	ssyncset.done $0x0  }
0xab: {  	s0 =	sadd.s32 $0x500, s30;
	[sflag:s19] =	ssyncadd.s32 $0xFFFFC000  }
0xac: {  	[tilespmem:s3], [sflag:$0x3] =	stream.linear.gather [hbm4b:s0+s3], $0x80, $0x38;
	[tilespmem:$0x1C200] =	vst v63  }
0xad: {  	_ =	swait.ge [sflag:s19], $0x80  }
0xae: {  	[sflag:s19] =	ssyncset.done $0x0  }
0xaf: {  	s0 =	sadd.s32 $0x500, s31;
	[sflag:s19] =	ssyncadd.s32 $0xFFFFFF80  }
0xb0: {  	[tilespmem:s20], [sflag:$0x3] =	stream.linear.gather [hbm4b:s0+s3], $0x80, $0x38;
	[tilespmem:$0x1C200] =	vst v63  }
0xb1: {  	_ =	swait.ge [sflag:s19], $0x80  }
0xb2: {  	[sflag:s19] =	ssyncset.done $0x0  }
0xb3: {  	[sflag:s19] =	ssyncadd.s32 $0xFFFFFF80  }
0xb4: {  	v2 =	vld [tilespmem:$0x0]  }
0xb5: {  	v3 =	vld [tilespmem:$0x10]  }
0xb6: {  	v4 =	vld [tilespmem:$0x20]  }
0xb7: {  	v5 =	vld [tilespmem:$0x30]  }
0xb8: {  	v6 =	vld [tilespmem:$0x40]  }
0xb9: {  	v2 =	vadd.s32 v0, v2;
	v7 =	vld [tilespmem:$0x50]  }
0xba: {  	[tilespmem:$0x0] =	vst v2;
	v2 =	vadd.s32 v0, v3;
	v3 =	vld [tilespmem:$0x60]  }
0xbb: {  	[tilespmem:$0x10] =	vst v2;
	v2 =	vadd.s32 v0, v4;
	v4 =	vld [tilespmem:$0x70]  }
0xbc: {  	[tilespmem:$0x20] =	vst v2;
	v2 =	vadd.s32 v0, v5  }
0xbd: {  	[tilespmem:$0x30] =	vst v2;
	v2 =	vadd.s32 v0, v6  }
.Ltmp1:
0xbe: {  	[tilespmem:$0x40] =	vst v2;
	v2 =	vadd.s32 v0, v7;
	(pc) =	sbr.rel @p0 .LBB2_4-.Ltmp1, $4  }
0xbf: {  	[tilespmem:$0x50] =	vst v2;
	v2 =	vadd.s32 v0, v3  }
0xc0: {  	[tilespmem:$0x60] =	vst v2;
	v2 =	vadd.s32 v0, v4  }
0xc1: {  	[tilespmem:$0x70] =	vst v2  }
0xc2: {  	[tilespmem:s18], [sflag:$0x1] =	stream.indirect.gather [hbm4b:s4+s21], $0x80, s3, s21, $0xb8;
	[tilespmem:$0x1C200] =	vst v63  }
0xc3: {  	_ =	swait.ge [sflag:s25], $0x4000  }
0xc4: {  	[sflag:s25] =	ssyncset.done $0x0  }
0xc5: {  	[sflag:s25] =	ssyncadd.s32 $0xFFFFC000  }
0xc6: {  	[spmem:s1] =	stream.indirect.scatter.add.f32 [tilespmem:s23], [sflag:$0x3], $0x80, s22, s21, $0xb8;
	[tilespmem:$0x1C200] =	vst v63  }
0xc7: {  	_ =	swait.ge [sflag:s19], $0x4000  }
0xc8: {  	s0 =	sadd.s32 s28, s17;
	[sflag:s19] =	ssyncset.done $0x0  }
0xc9: {  	s29 =	sadd.s32 $0x4F0, s0;
	[sflag:s19] =	ssyncadd.s32 $0xFFFFC000  }
0xca: {  	[tilespmem:s21], [sflag:$0x3] =	stream.linear.gather [hbm4b:s29+s3], $0x80, $0x38;
	[tilespmem:$0x1C200] =	vst v63  }
0xcb: {  	_ =	swait.ge [sflag:s19], $0x80  }
0xcc: {  	s30 =	sadd.s32 s28, s16;
	[sflag:s19] =	ssyncset.done $0x0  }
0xcd: {  	s31 =	sadd.s32 $0x4F0, s30;
	[sflag:s19] =	ssyncadd.s32 $0xFFFFFF80  }
0xce: {  	[tilespmem:s22], [sflag:$0x3] =	stream.linear.gather [hbm4b:s31+s3], $0x80, $0x38;
	[tilespmem:$0x1C200] =	vst v63  }
0xcf: {  	_ =	swait.ge [sflag:s19], $0x80  }
0xd0: {  	[sflag:s19] =	ssyncset.done $0x0  }
0xd1: {  	[sflag:s19] =	ssyncadd.s32 $0xFFFFFF80  }
0xd2: {  	v2 =	vld [tilespmem:$0xF0]  }
0xd3: {  	v3 =	vld [tilespmem:$0xC0]  }
0xd4: {  	v4 =	vld [tilespmem:$0x90]  }
0xd5: {  	v7 =	vld [tilespmem:$0x80]  }
0xd6: {  	v5 =	vld [tilespmem:$0xB0]  }
0xd7: {  	v6 =	vld [tilespmem:$0xD0];
	v2 =	vadd.s32 v0, v2  }
0xd8: {  	v8 =	vld [tilespmem:$0xE0];
	v3 =	vadd.s32 v0, v3;
	[tilespmem:$0xF0] =	vst v2  }
0xd9: {  	v4 =	vadd.s32 v0, v4;
	v2 =	vld [tilespmem:$0xA0];
	[tilespmem:$0xC0] =	vst v3  }
0xda: {  	v53 =	vadd.s32 v0, v7;
	[tilespmem:$0x90] =	vst v4  }
0xdb: {  	v3 =	vadd.s32 v0, v5;
	[tilespmem:$0x80] =	vst v53  }
0xdc: {  	[tilespmem:$0xB0] =	vst v3;
	v3 =	vadd.s32 v0, v6  }
0xdd: {  	[tilespmem:$0xD0] =	vst v3;
	v3 =	vadd.s32 v0, v8  }
0xde: {  	[tilespmem:$0xE0] =	vst v3;
	v2 =	vadd.s32 v0, v2  }
0xdf: {  	[tilespmem:$0xA0] =	vst v2  }
0xe0: {  	[tilespmem:s23], [sflag:$0x2] =	stream.indirect.gather [hbm4b:s4+s21], $0x80, s21, s21, $0xb8;
	[tilespmem:$0x1C200] =	vst v63  }
0xe1: {  	_ =	swait.ge [sflag:s24], $0x4000  }
0xe2: {  	[sflag:s24] =	ssyncset.done $0x0  }
0xe3: {  	[sflag:s24] =	ssyncadd.s32 $0xFFFFC000  }
0xe4: {  	[spmem:s1] =	stream.indirect.scatter.add.f32 [tilespmem:s18], [sflag:$0x3], $0x80, s20, s21, $0xb8;
	[tilespmem:$0x1C200] =	vst v63  }
0xe5: {  	_ =	swait.ge [sflag:s19], $0x4000  }
0xe6: {  	[sflag:s19] =	ssyncset.done $0x0  }
0xe7: {  	s0 =	sadd.s32 $0x500, s0;
	[sflag:s19] =	ssyncadd.s32 $0xFFFFC000  }
0xe8: {  	[tilespmem:s3], [sflag:$0x3] =	stream.linear.gather [hbm4b:s0+s3], $0x80, $0x38;
	[tilespmem:$0x1C200] =	vst v63  }
0xe9: {  	_ =	swait.ge [sflag:s19], $0x80  }
0xea: {  	[sflag:s19] =	ssyncset.done $0x0  }
0xeb: {  	s29 =	sadd.s32 $0x500, s30;
	[sflag:s19] =	ssyncadd.s32 $0xFFFFFF80  }
0xec: {  	[tilespmem:s20], [sflag:$0x3] =	stream.linear.gather [hbm4b:s29+s3], $0x80, $0x38;
	[tilespmem:$0x1C200] =	vst v63  }
0xed: {  	_ =	swait.ge [sflag:s19], $0x80  }
0xee: {  	[sflag:s19] =	ssyncset.done $0x0  }
0xef: {  	[sflag:s19] =	ssyncadd.s32 $0xFFFFFF80  }
0xf0: {  	v2 =	vld [tilespmem:$0x0]  }
0xf1: {  	v3 =	vld [tilespmem:$0x10]  }
0xf2: {  	v54 =	vld [tilespmem:$0x20]  }
0xf3: {  	v55 =	vld [tilespmem:$0x30]  }
0xf4: {  	v56 =	vld [tilespmem:$0x40]  }
0xf5: {  	v57 =	vld [tilespmem:$0x50];
	v2 =	vadd.s32 v0, v2  }
0xf6: {  	[tilespmem:$0x0] =	vst v2;
	v2 =	vadd.s32 v0, v3;
	v3 =	vld [tilespmem:$0x60]  }
0xf7: {  	v58 =	vld [tilespmem:$0x70];
	[tilespmem:$0x10] =	vst v2;
	v2 =	vadd.s32 v0, v54  }
0xf8: {  	[tilespmem:$0x20] =	vst v2;
	v2 =	vadd.s32 v0, v55  }
0xf9: {  	[tilespmem:$0x30] =	vst v2;
	v2 =	vadd.s32 v0, v56  }
0xfa: {  	[tilespmem:$0x40] =	vst v2;
	v2 =	vadd.s32 v0, v57  }
0xfb: {  	[tilespmem:$0x50] =	vst v2;
	v2 =	vadd.s32 v0, v3  }
0xfc: {  	[tilespmem:$0x60] =	vst v2;
	v2 =	vadd.s32 v0, v58  }
0xfd: {  	[tilespmem:$0x70] =	vst v2  }
0xfe: {  	[tilespmem:s18], [sflag:$0x1] =	stream.indirect.gather [hbm4b:s4+s21], $0x80, s3, s21, $0xb8;
	[tilespmem:$0x1C200] =	vst v63  }
0xff: {  	_ =	swait.ge [sflag:s25], $0x4000  }
0x100: {  	[sflag:s25] =	ssyncset.done $0x0  }
0x101: {  	[sflag:s25] =	ssyncadd.s32 $0xFFFFC000  }
0x102: {  	[spmem:s1] =	stream.indirect.scatter.add.f32 [tilespmem:s23], [sflag:$0x3], $0x80, s22, s21, $0xb8;
	[tilespmem:$0x1C200] =	vst v63  }
0x103: {  	_ =	swait.ge [sflag:s19], $0x4000  }
0x104: {  	[sflag:s19] =	ssyncset.done $0x0  }
0x105: {  	[sflag:s19] =	ssyncadd.s32 $0xFFFFC000  }
0x106: {  	[tilespmem:s21], [sflag:$0x3] =	stream.linear.gather [hbm4b:s12+s3], $0x80, $0x38;
	[tilespmem:$0x1C200] =	vst v63  }
0x107: {  	_ =	swait.ge [sflag:s19], $0x80  }
0x108: {  	[sflag:s19] =	ssyncset.done $0x0  }
0x109: {  	[sflag:s19] =	ssyncadd.s32 $0xFFFFFF80  }
0x10a: {  	[tilespmem:s22], [sflag:$0x3] =	stream.linear.gather [hbm4b:s13+s3], $0x80, $0x38;
	[tilespmem:$0x1C200] =	vst v63  }
0x10b: {  	_ =	swait.ge [sflag:s19], $0x80  }
0x10c: {  	[sflag:s19] =	ssyncset.done $0x0  }
0x10d: {  	[sflag:s19] =	ssyncadd.s32 $0xFFFFFF80  }
0x10e: {  	v2 =	vld [tilespmem:$0x80]  }
0x10f: {  	v3 =	vld [tilespmem:$0x90]  }
0x110: {  	v59 =	vld [tilespmem:$0xA0]  }
0x111: {  	v60 =	vld [tilespmem:$0xB0]  }
0x112: {  	v61 =	vld [tilespmem:$0xC0]  }
0x113: {  	v62 =	vld [tilespmem:$0xD0];
	v2 =	vadd.s32 v0, v2  }
0x114: {  	[tilespmem:$0x80] =	vst v2;
	v2 =	vadd.s32 v0, v3;
	v3 =	vld [tilespmem:$0xE0]  }
0x115: {  	v63 =	vld [tilespmem:$0xF0];
	[tilespmem:$0x90] =	vst v2;
	v2 =	vadd.s32 v0, v59  }
0x116: {  	[tilespmem:$0xA0] =	vst v2;
	v2 =	vadd.s32 v0, v60  }
0x117: {  	[tilespmem:$0xB0] =	vst v2;
	v2 =	vadd.s32 v0, v61  }
0x118: {  	[tilespmem:$0xC0] =	vst v2;
	v2 =	vadd.s32 v0, v62  }
0x119: {  	[tilespmem:$0xD0] =	vst v2;
	v2 =	vadd.s32 v0, v3  }
0x11a: {  	[tilespmem:$0xE0] =	vst v2;
	v2 =	vadd.s32 v0, v63  }
0x11b: {  	[tilespmem:$0xF0] =	vst v2  }
0x11c: {  	[tilespmem:s23], [sflag:$0x2] =	stream.indirect.gather [hbm4b:s4+s21], $0x80, s21, s21, $0xb8;
	[tilespmem:$0x1C200] =	vst v63  }
0x11d: {  	_ =	swait.ge [sflag:s24], $0x4000  }
0x11e: {  	[sflag:s24] =	ssyncset.done $0x0  }
0x11f: {  	[sflag:s24] =	ssyncadd.s32 $0xFFFFC000  }
0x120: {  	[spmem:s1] =	stream.indirect.scatter.add.f32 [tilespmem:s18], [sflag:$0x3], $0x80, s20, s21, $0xb8;
	[tilespmem:$0x1C200] =	vst v63  }
0x121: {  	_ =	swait.ge [sflag:s19], $0x4000  }
0x122: {  	[sflag:s19] =	ssyncset.done $0x0  }
0x123: {  	[sflag:s19] =	ssyncadd.s32 $0xFFFFC000  }
0x124: {  	_ =	swait.ge [sflag:s25], $0x4000  }
0x125: {  	[sflag:s25] =	ssyncset.done $0x0  }
0x126: {  	[sflag:s25] =	ssyncadd.s32 $0xFFFFC000  }
0x127: {  	[spmem:s1] =	stream.indirect.scatter.add.f32 [tilespmem:s23], [sflag:$0x3], $0x80, s22, s21, $0xb8;
	[tilespmem:$0x1C200] =	vst v63  }
0x128: {  	s26 =	sadd.s32 $0x1, s26;
	_ =	swait.ge [sflag:s19], $0x4000  }
0x129: {  	p0 =	sne.s32 s26, s15;
	[sflag:s19] =	ssyncset.done $0x0  }
0x12a: {  	s30 =	sshll.u32 s2, $0x6;
	s31 =	sshrl.u32 s5, $0x3;
	[sflag:s19] =	ssyncadd.s32 $0xFFFFC000  }
.Ltmp2:
0x12b: {  	s0 =	sor.u32 $0x1C03, s30;
	[bflag:$0x0] =	sbarrier.arrive $0xFFFF;
	(pc) =	sbr.rel @p0 .LBB2_1-.Ltmp2, $4  }
0x12c: {  	[hbm:s14], [sflag:s0] =	dma.local [spmem:s31], $0x2800  }
0x12d: {  	_ =	swait.ge [sflag:s19], $0x2800  }
0x12e: {  	[sflag:s19] =	ssyncset.done $0x0  }
0x12f: {  	[sflag:s19] =	ssyncadd.s32 $0xFFFFD800  }
0x130: {  	_ =	sfence.sel $0x180000  }
0x131: {  	[bflag:$0x0] =	sbarrier.arrive $0xFFFF  }
0x132: {  	_ =	strace $0x9000004A  }
0x133: {  	[bflag:$0x2] =	sbarrier.arrive $0xFFFF  }
0x134: {  	p0 =	sne.s32 s2, $0x0;
	s0 =	rddreg [dreg:$0x2]  }
0x135: {  	s0 =	sadd.s32 @!p0 $0x100000, s0  }
0x136: {  	[sflag:s0] =	ssyncadd.tile.s32 @!p0 $0x1;
	_ =	shalt  }
.Lfunc_end2:
_tile_overlayer_lowered:
.L_overlay_start_2:
0x137: {  	(tag) =	ssettag $0x2  }
0x138: {  	s0 =	rddreg [dreg:$0x0];
	s2 =	stileid.u32  }
0x139: {  	s1 =	rddreg [dreg:$0x1];
	p0 =	sne.s32 s2, $0x0  }
0x13a: {  	s3 =	rddreg [dreg:$0x2];
	[bflag:$0x3] =	sbarrier.arrive $0xFFFF;
	s2 =	simm.s32 @!p0 $0x1C03  }
0x13b: {  	[timem:s3], [sflag:s2] =	dma.local @!p0 [hbm:s0], s1  }
0x13c: {  	s0 =	simm.s32 @!p0 $0x3  }
0x13d: {  	_ =	swait.ge @!p0 [sflag:s0], s1  }
0x13e: {  	s1 =	ssub.s32 @!p0 $0x0, s1;
	[sflag:s0] =	ssyncset.done @!p0 $0x0  }
0x13f: {  	[sflag:s0] =	ssyncadd.s32 @!p0 s1  }
0x140: {  	[bflag:$0x3] =	sbarrier.arrive $0xFFFF  }
0x141: {  	_ =	shalt  }

// kernel: kernel.14.cloned.1.call-start
scs
__scs_entry_jumppad:
0x0: {  	(pc) =	sbr.rel $0x88, $3  }
0x1: {  	(tag) =	ssettag $0x0;
	lr =	simm.s32 $0x1  }
0x2: {  	[smem:$0x3F9D] =	sst lr;
	_ =	strace $0xD0000000  }
0x3: {  	_ = 	snop  }
0x4: {  	_ = 	snop  }
0x5: {  	_ = 	snop  }
0x6: {  	_ = 	snop  }
0x7: {  	_ = 	snop  }
__scs_overlays_trampoline_lowered:
0x8: {  	[smem:$0x3FAC] =	sst s0  }
0x9: {  	[smem:$0x3FAD] =	sst s1  }
0xa: {  	[smem:$0x3FAE] =	sst s2  }
0xb: {  	[smem:$0x3FAF] =	sst s3  }
0xc: {  	[smem:$0x3FB0] =	sst s4  }
0xd: {  	[smem:$0x3FB1] =	sst s5  }
0xe: {  	[smem:$0x3FB2] =	sst s6  }
0xf: {  	[smem:$0x3FB3] =	sst s7  }
0x10: {  	[smem:$0x3FB4] =	sst s8  }
0x11: {  	[smem:$0x3FB5] =	sst s9;
	s0 =	simm.s32 @!p0 $0x0  }
0x12: {  	s1 =	sld [smem:$0x3F9B];
	s0 =	simm.s32 @p0 $0x1  }
0x13: {  	[smem:$0x3FB6] =	sst s0;
	s0 =	simm.s32 @!p1 $0x0  }
0x14: {  	s2 =	sld [smem:$0x3F9A];
	s0 =	simm.s32 @p1 $0x1  }
0x15: {  	[smem:$0x3FB7] =	sst s0;
	s0 =	simm.s32 @!p2 $0x0  }
0x16: {  	s3 =	sld [smem:$0x3FDB];
	s0 =	simm.s32 @p2 $0x1  }
0x17: {  	s4 =	simm.s32 $0x1BF5;
	[smem:$0x3FB9] =	sst s0  }
0x18: {  	s0 =	sld [smem:$0x3F9C];
	_ =	swait.ge [sflag:s4], $0x0  }
0x19: {  	s7 =	sld [smem:$0x3F9D]  }
0x1a: {  	s8 =	sadd.s32 $0xFFFFE003, lr  }
0x1b: {  	s9 =	sadd.s32 $0xFFFFFEF7, lr;
	s5 =	simm.s32 $0xFFFFFFFF;
	p2 =	slt.u32 s8, $0xFFFFF086  }
0x1c: {  	p1 =	slt.u32 s9, $0xF7A;
	s5 =	simm.s32 @!p2 $0x0  }
0x1d: {  	s5 =	simm.s32 @p1 $0x1;
	p0 =	seq.s32 s7, s2  }
0x1e: {  	s7 =	smul.u32 @!p0 $0xF7A, s2;
	p2 =	seq.s32 @!p0 s5, $0x0  }
0x1f: {  	s9 =	smul.u32 $0xF7A, s1;
	s8 =	simm.s32 @!p0 $0x1BF5;
	p2 =	por !p2, p0  }
0x20: {  	[sflag:s8] =	ssyncset.s32 @!p0 $0xFFFFF086;
	s6 =	sadd.s32 @!p0 s3, s7;
	s7 =	simm.s32 @!p0 $0x108  }
0x21: {  	s3 =	sadd.s32 s3, s9;
	s6 =	sadd.s32 @!p0 $0x88, s6;
	s7 =	simm.s32 @p2 $0x1082  }
0x22: {  	[simem:s7], [sflag:s8] =	dma.local @!p0 [hbm:s6], $0xF7A  }
0x23: {  	s9 =	sor.u32 $0xD0000000, s2;
	s6 =	simm.s32 $0x108;
	_ =	swait.ge @!p0 [sflag:s8], $0x0  }
0x24: {  	s3 =	sadd.s32 $0x88, s3;
	s6 =	simm.s32 @!p1 $0x1082;
	[sflag:s4] =	ssyncset.s32 $0xFFFFF086  }
0x25: {  	[simem:s6], [sflag:s4] =	dma.local [hbm:s3], $0xF7A  }
0x26: {  	[smem:$0x3F9D] =	sst s1;
	(tag) =	ssettag s2;
	_ =	strace s9  }
0x27: {  	s1 =	sld [smem:$0x3FAD]  }
0x28: {  	s2 =	sld [smem:$0x3FAE]  }
0x29: {  	s4 =	sld [smem:$0x3FB0]  }
0x2a: {  	p0 =	seq.s32 s5, $0x0;
	s5 =	sld [smem:$0x3FB1]  }
0x2b: {  	s6 =	sld [smem:$0x3FB2]  }
0x2c: {  	s7 =	sld [smem:$0x3FB3]  }
0x2d: {  	s3 =	simm.s32 $0x108;
	s8 =	sld [smem:$0x3FB4]  }
0x2e: {  	s3 =	simm.s32 @!p0 $0x1082;
	s9 =	sld [smem:$0x3FB5]  }
0x2f: {  	lr =	sadd.s32 s0, s3;
	s0 =	sld [smem:$0x3FAC]  }
0x30: {  	s3 =	sld [smem:$0x3FAF]  }
0x31: {  	[smem:$0x3FB8] =	sst s10  }
0x32: {  	s10 =	sld [smem:$0x3FB6];
	_ =	sdelay $0x3  }
0x33: {  	p0 =	seq.s32 s10, $0x1;
	s10 =	sld [smem:$0x3FB8];
	_ =	sdelay $0x3  }
0x34: {  	[smem:$0x3FB8] =	sst s10  }
0x35: {  	s10 =	sld [smem:$0x3FB7];
	_ =	sdelay $0x3  }
0x36: {  	p1 =	seq.s32 s10, $0x1;
	s10 =	sld [smem:$0x3FB8];
	_ =	sdelay $0x3  }
0x37: {  	[smem:$0x3FB8] =	sst s10  }
0x38: {  	s10 =	sld [smem:$0x3FB9]  }
0x39: {  	_ = 	snop;
	(pc) =	sbr.ind lr, $3  }
0x3a: {  	_ = 	snop  }
0x3b: {  	_ = 	snop  }
0x3c: {  	p2 =	seq.s32 s10, $0x1;
	s10 =	sld [smem:$0x3FB8]  }
0x3d: {  	_ =	shalt  }
0x3e: {  	_ =	shalt  }
0x3f: {  	_ =	shalt  }
0x40: {  	_ =	shalt  }
0x41: {  	_ =	shalt  }
0x42: {  	_ =	shalt  }
0x43: {  	_ =	shalt  }
0x44: {  	_ =	shalt  }
0x45: {  	_ =	shalt  }
0x46: {  	_ =	shalt  }
0x47: {  	_ =	shalt  }
0x48: {  	_ =	shalt  }
0x49: {  	_ =	shalt  }
0x4a: {  	_ =	shalt  }
0x4b: {  	_ =	shalt  }
0x4c: {  	_ =	shalt  }
0x4d: {  	_ =	shalt  }
0x4e: {  	_ =	shalt  }
0x4f: {  	_ =	shalt  }
0x50: {  	_ =	shalt  }
0x51: {  	_ =	shalt  }
0x52: {  	_ =	shalt  }
0x53: {  	_ =	shalt  }
0x54: {  	_ =	shalt  }
0x55: {  	_ =	shalt  }
0x56: {  	_ =	shalt  }
0x57: {  	_ =	shalt  }
0x58: {  	_ =	shalt  }
0x59: {  	_ =	shalt  }
0x5a: {  	_ =	shalt  }
0x5b: {  	_ =	shalt  }
0x5c: {  	_ =	shalt  }
0x5d: {  	_ =	shalt  }
0x5e: {  	_ =	shalt  }
0x5f: {  	_ =	shalt  }
0x60: {  	_ =	shalt  }
0x61: {  	_ =	shalt  }
0x62: {  	_ =	shalt  }
0x63: {  	_ =	shalt  }
0x64: {  	_ =	shalt  }
0x65: {  	_ =	shalt  }
0x66: {  	_ =	shalt  }
0x67: {  	_ =	shalt  }
0x68: {  	_ =	shalt  }
0x69: {  	_ =	shalt  }
0x6a: {  	_ =	shalt  }
0x6b: {  	_ =	shalt  }
0x6c: {  	_ =	shalt  }
0x6d: {  	_ =	shalt  }
0x6e: {  	_ =	shalt  }
0x6f: {  	_ =	shalt  }
0x70: {  	_ =	shalt  }
0x71: {  	_ =	shalt  }
0x72: {  	_ =	shalt  }
0x73: {  	_ =	shalt  }
0x74: {  	_ =	shalt  }
0x75: {  	_ =	shalt  }
0x76: {  	_ =	shalt  }
0x77: {  	_ =	shalt  }
0x78: {  	_ =	shalt  }
0x79: {  	_ =	shalt  }
0x7a: {  	_ =	shalt  }
0x7b: {  	_ =	shalt  }
0x7c: {  	_ =	shalt  }
0x7d: {  	_ =	shalt  }
0x7e: {  	_ =	shalt  }
0x7f: {  	_ =	shalt  }
0x80: {  	_ =	shalt  }
0x81: {  	_ =	shalt  }
0x82: {  	_ =	shalt  }
0x83: {  	_ =	shalt  }
0x84: {  	_ =	shalt  }
0x85: {  	_ =	shalt  }
0x86: {  	_ =	shalt  }
0x87: {  	_ =	shalt  }
.Lfunc_end0:
.L_simem_size_0:
called_computation.2_lowered:
.L_overlay_start_0:
0x88: {  	s2 =	sld [smem:$0x3FD9]  }
0x89: {  	s3 =	sld [smem:$0x3FFE];
	_ =	sdelay $0x1  }
0x8a: {  	s1 =	srdreg.scid  }
0x8b: {  	s0 =	sand.u32 $0x1, s1  }
0x8c: {  	s16 =	sshll.u32 s0, $0xA;
	s2 =	sadd.s32 s3, s2  }
0x8d: {  	s2 =	sadd.s32 s2, s16  }
0x8e: {  	[smem:$0x3FC4] =	sst s2  }
0x8f: {  	_ = 	snop  }
0x90: {  	(tm) =	ssettm $0x1  }
0x91: {  	s17 =	sld [smem:$0x3FFB];
	_ =	sdelay $0x3  }
0x92: {  	_ =	strace s17  }
0x93: {  	s2 =	sld [smem:$0x3FFC];
	_ =	sdelay $0x3  }
0x94: {  	_ =	strace s2  }
0x95: {  	s2 =	sld [smem:$0x3FFD];
	_ =	sdelay $0x3  }
0x96: {  	_ =	strace s2  }
0x97: {  	_ =	strace $0x8FFFFFFF  }
0x98: {  	s18 =	sld [smem:$0x3FDB];
	_ =	sdelay $0x1  }
0x99: {  	s19 =	simm.s32 $_scs_section_size  }
0x9a: {  	s4 =	simm.s32 $_size__tile_overlayer_lowered;
	s5 =	simm.s32 $_tile_overlayer_lowered  }
0x9b: {  	s22 =	simm.s32 $0x1BFF;
	s21 =	sshll.u32 s5, $0x1;
	s2 =	sadd.s32 s19, s18  }
0x9c: {  	s6 =	simm.s32 $0x0;
	s20 =	sshll.u32 s4, $0x1;
	s4 =	sadd.s32 s21, s2  }
0x9d: {  	[timem:s6], [sflag:s22] =	dma.local [hbm:s4], s20  }
0x9e: {  	_ =	swait.ge [sflag:s22], s20  }
0x9f: {  	s3 =	ssub.s32 $0x0, s20;
	[sflag:s22] =	ssyncset.done $0x0  }
0xa0: {  	[sflag:s22] =	ssyncadd.s32 s3;
	_ =	sdelay $0x1  }
0xa1: {  	s23 =	simm.s32 $0x1B8B  }
0xa2: {  	_ =	swait.ge [sflag:s23], $0x1  }
0xa3: {  	[sflag:s23] =	ssyncset.done $0x0  }
0xa4: {  	s25 =	simm.s32 $0x1B8E;
	s24 =	sld [smem:$0x3FFE];
	[sflag:s23] =	ssyncadd.s32 $0xFFFFFFFF  }
0xa5: {  	s26 =	simm.s32 $execute0_lowered;
	[smem:$0x3FD2] =	sst s25  }
0xa6: {  	s4 =	sshll.u32 s26, $0x1;
	_ =	strace $0x8000004C;
	[dreg:$0x1] =	wrdreg $0xFFFFFFFF  }
0xa7: {  	s28 =	simm.s32 $_size_execute0_lowered;
	s2 =	sadd.s32 s2, s4;
	[dreg:$0x0] =	wrdreg $0x0  }
0xa8: {  	s4 =	sshll.u32 s28, $0x1;
	[dreg:$0x2] =	wrdreg s2  }
0xa9: {  	[dreg:$0x3] =	wrdreg s4  }
0xaa: {  	[dreg:$0x4] =	wrdreg $0xC0  }
0xab: {  	_ =	task [dreg:s6], $0x5FFFF  }
0xac: {  	[dreg:$0x1] =	wrdreg $0xFFFFFFFF  }
0xad: {  	[dreg:$0x0] =	wrdreg $0x60  }
0xae: {  	[dreg:$0x2] =	wrdreg s24  }
0xaf: {  	[dreg:$0x3] =	wrdreg $0x82000  }
0xb0: {  	[dreg:$0x4] =	wrdreg $0x9  }
0xb1: {  	_ =	task.clear_ibuf [dreg:s6], $0x5FFFF;
	_ =	strace $0x9000004C  }
0xb2: {  	s29 =	simm.s32 $0x9;
	_ =	strace $0x8000004E  }
0xb3: {  	_ =	swait.ge [sflag:s29], $0x1  }
0xb4: {  	[sflag:s29] =	ssyncadd.s32 $0xFFFFFFFF  }
0xb5: {  	_ =	strace $0x9000004E  }
0xb6: {  	_ =	sfence  }
0xb7: {  	s30 =	sld [smem:$0x0];
	_ =	sdelay $0x2  }
0xb8: {  	s31 =	sshll.u32 s1, $0xD;
	s1 =	sshrl.u32 s1, $0x2  }
0xb9: {  	s3 =	sand.u32 $0x4000, s31;
	s1 =	sadd.s32 s1, s30  }
0xba: {  	s0 =	sor.u32 s3, s0;
	s1 =	sshll.u32 s1, $0x11  }
0xbb: {  	s0 =	sor.u32 s1, s0  }
0xbc: {  	s0 =	sadd.s32 $0x8F2B, s0  }
0xbd: {  	[sflag:s0] =	ssyncadd.remote.s32 $0x1  }
0xbe: {  	_ =	sfence.sel $0xFFFF  }
0xbf: {  	[dreg:$0x0] =	wrdreg $0xFFFFFFFF;
	(pc) =	sbr.abs _section_cstart, $3  }
0xc0: {  	[dreg:$0x1] =	wrdreg $0xFFFFFFFF  }
0xc1: {  	_ =	task.clear_ibuf [dreg:s6], $0x2FFFF;
	_ =	strace $0x9FFFFFFF  }
0xc2: {  	(tm) =	ssettm $0x7FFFFFFF  }
0xc3: {  	_ =	shalt  }
tec
execute0_lowered:
.L_overlay_start_1:
0x0: {  	(tag) =	ssettag $0x1  }
0x1: {  	s6 =	rddreg [dreg:$0x0]  }
0x2: {  	s1 =	rddreg [dreg:$0x1];
	s2 =	srdreg.scid  }
0x3: {  	s3 =	simm.s32 $0x0;
	s19 =	simm.s32 $0x3;
	s20 =	simm.s32 $0x100  }
0x4: {  	s21 =	simm.s32 $0x80;
	s22 =	simm.s32 $0x180;
	s10 =	sand.u32 $0x1, s2  }
0x5: {  	s23 =	simm.s32 $0x4200;
	s2 =	stileid.u32;
	s5 =	smul.u32 $0x140000, s10  }
0x6: {  	s25 =	simm.s32 $0x2;
	s26 =	simm.s32 $0x0;
	s7 =	smul.u32 $0x14000, s2  }
0x7: {  	[smem:$0x7FF] =	sst s3;
	s4 =	sadd.s32 $0xBE00, s6;
	s8 =	smul.u32 $0x50000, s2  }
0x8: {  	s17 =	sadd.s32 $0x6E00, s6;
	s16 =	sadd.s32 $0x1E00, s6;
	s11 =	smul.u32 $0x2800, s2  }
0x9: {  	_ =	strace $0x8000004D;
	s9 =	ssub.s32 $0x2, s10;
	s24 =	smul.u32 $0x2800, s10  }
0xa: {  	s18 =	smul.u32 $0x500, s2;
	s31 =	sshrl.u32 s9, $0x1;
	s5 =	sadd.s32 s7, s5  }
0xb: {  	s30 =	sshrl.u32 s8, $0x2;
	s15 =	ssub.s32 s9, s31;
	s12 =	sshrl.u32 s11, $0x3  }
0xc: {  	v0 =	vmov s24;
	s24 =	simm.s32 $0x1;
	s7 =	sshrl.u32 s5, $0x3;
	s5 =	sadd.s32 s30, s1  }
0xd: {  	s10 =	sadd.s32 s17, s12;
	s11 =	sadd.s32 s16, s12;
	s13 =	sadd.s32 $0x4F0, s12  }
0xe: {  	s15 =	smax.u32 s15, $0x1;
	s14 =	sadd.s32 s7, s6;
	s6 =	sadd.s32 $0x4000, s5  }
0xf: {  	s7 =	sadd.s32 $0x8000, s5;
	s8 =	sadd.s32 $0xC000, s5;
	s9 =	sadd.s32 $0x10000, s5  }
0x10: {  	s12 =	sadd.s32 s17, s13;
	s13 =	sadd.s32 s16, s13;
	s16 =	sadd.s32 s18, s16  }
0x11: {  	v1 =	vimm.f32 $0.0e+00;
	s17 =	sadd.s32 s18, s17;
	s18 =	simm.s32 $0x200;
	s14 =	sadd.s32 $0x5BE00, s14  }
.LBB2_1:
0x12: {  	s28 =	simm.s32 $0x0;
	s29 =	simm.s32 $0x200  }
.LBB2_2:
0x13: {  	p0 =	sne.s32 s29, $0xFE00;
	[tilespmem:s28+$0x270] =	vst v1  }
0x14: {  	[tilespmem:s28+$0x200] =	vst v1  }
0x15: {  	[tilespmem:s28+$0x210] =	vst v1  }
.Ltmp0:
0x16: {  	[tilespmem:s28+$0x220] =	vst v1;
	(pc) =	sbr.rel @p0 .LBB2_2-.Ltmp0, $4  }
0x17: {  	[tilespmem:s28+$0x230] =	vst v1  }
0x18: {  	[tilespmem:s28+$0x240] =	vst v1  }
0x19: {  	[tilespmem:s28+$0x250] =	vst v1  }
0x1a: {  	[tilespmem:s28+$0x260] =	vst v1;
	s28 =	sshra.s32 s29, $0x2;
	s29 =	sadd.s32 $0x200, s29  }
0x1b: {  	[tilespmem:s28+$0x270] =	vst v1  }
0x1c: {  	[tilespmem:s28+$0x200] =	vst v1  }
0x1d: {  	[tilespmem:s28+$0x210] =	vst v1  }
0x1e: {  	[tilespmem:s28+$0x220] =	vst v1  }
0x1f: {  	[tilespmem:s28+$0x230] =	vst v1  }
0x20: {  	[tilespmem:s28+$0x240] =	vst v1  }
0x21: {  	[tilespmem:s28+$0x250] =	vst v1  }
0x22: {  	[tilespmem:s28+$0x260] =	vst v1  }
0x23: {  	[spmem:s5] =	stream.linear.scatter [tilespmem:s18], [sflag:$0x3], $0x4000, $0x38;
	[tilespmem:$0x1C200] =	vst v63  }
0x24: {  	_ =	swait.ge [sflag:s19], $0x4000  }
0x25: {  	[sflag:s19] =	ssyncset.done $0x0  }
0x26: {  	[sflag:s19] =	ssyncadd.s32 $0xFFFFC000  }
0x27: {  	[spmem:s6] =	stream.linear.scatter [tilespmem:s18], [sflag:$0x3], $0x4000, $0x38;
	[tilespmem:$0x1C200] =	vst v63  }
0x28: {  	_ =	swait.ge [sflag:s19], $0x4000  }
0x29: {  	[sflag:s19] =	ssyncset.done $0x0  }
0x2a: {  	[sflag:s19] =	ssyncadd.s32 $0xFFFFC000  }
0x2b: {  	[spmem:s7] =	stream.linear.scatter [tilespmem:s18], [sflag:$0x3], $0x4000, $0x38;
	[tilespmem:$0x1C200] =	vst v63  }
0x2c: {  	_ =	swait.ge [sflag:s19], $0x4000  }
0x2d: {  	[sflag:s19] =	ssyncset.done $0x0  }
0x2e: {  	[sflag:s19] =	ssyncadd.s32 $0xFFFFC000  }
0x2f: {  	[spmem:s8] =	stream.linear.scatter [tilespmem:s18], [sflag:$0x3], $0x4000, $0x38;
	[tilespmem:$0x1C200] =	vst v63  }
0x30: {  	_ =	swait.ge [sflag:s19], $0x4000  }
0x31: {  	[sflag:s19] =	ssyncset.done $0x0  }
0x32: {  	[sflag:s19] =	ssyncadd.s32 $0xFFFFC000  }
0x33: {  	[spmem:s9] =	stream.linear.scatter [tilespmem:s18], [sflag:$0x3], $0x4000, $0x38;
	[tilespmem:$0x1C200] =	vst v63  }
0x34: {  	_ =	swait.ge [sflag:s19], $0x4000  }
0x35: {  	[sflag:s19] =	ssyncset.done $0x0  }
0x36: {  	[sflag:s19] =	ssyncadd.s32 $0xFFFFC000  }
0x37: {  	[bflag:$0x0] =	sbarrier.arrive $0xFFFF  }
0x38: {  	[tilespmem:s3], [sflag:$0x3] =	stream.linear.gather [hbm4b:s10+s3], $0x80, $0x38;
	[tilespmem:$0x1C200] =	vst v63  }
0x39: {  	_ =	swait.ge [sflag:s19], $0x80  }
0x3a: {  	[sflag:s19] =	ssyncset.done $0x0  }
0x3b: {  	[sflag:s19] =	ssyncadd.s32 $0xFFFFFF80  }
0x3c: {  	[tilespmem:s20], [sflag:$0x3] =	stream.linear.gather [hbm4b:s11+s3], $0x80, $0x38;
	[tilespmem:$0x1C200] =	vst v63  }
0x3d: {  	_ =	swait.ge [sflag:s19], $0x80  }
0x3e: {  	[sflag:s19] =	ssyncset.done $0x0  }
0x3f: {  	[sflag:s19] =	ssyncadd.s32 $0xFFFFFF80  }
0x40: {  	v2 =	vld [tilespmem:$0x0]  }
0x41: {  	v3 =	vld [tilespmem:$0x10]  }
0x42: {  	v4 =	vld [tilespmem:$0x20]  }
0x43: {  	v5 =	vld [tilespmem:$0x30]  }
0x44: {  	v6 =	vld [tilespmem:$0x40]  }
0x45: {  	v7 =	vld [tilespmem:$0x50];
	v2 =	vadd.s32 v0, v2  }
0x46: {  	[tilespmem:$0x0] =	vst v2;
	v2 =	vadd.s32 v0, v3;
	v3 =	vld [tilespmem:$0x60]  }
0x47: {  	v53 =	vld [tilespmem:$0x70];
	[tilespmem:$0x10] =	vst v2;
	v2 =	vadd.s32 v0, v4  }
0x48: {  	[tilespmem:$0x20] =	vst v2;
	v2 =	vadd.s32 v0, v5  }
0x49: {  	[tilespmem:$0x30] =	vst v2;
	v2 =	vadd.s32 v0, v6  }
0x4a: {  	[tilespmem:$0x40] =	vst v2;
	v2 =	vadd.s32 v0, v7  }
0x4b: {  	[tilespmem:$0x50] =	vst v2;
	v2 =	vadd.s32 v0, v3  }
0x4c: {  	[tilespmem:$0x60] =	vst v2;
	v2 =	vadd.s32 v0, v53  }
0x4d: {  	s28 =	sadd.s32 $0xFFFFFB20, s17;
	[tilespmem:$0x70] =	vst v2  }
0x4e: {  	[tilespmem:s18], [sflag:$0x1] =	stream.indirect.gather [hbm4b:s4+s21], $0x80, s3, s21, $0xb8;
	[tilespmem:$0x1C200] =	vst v63  }
0x4f: {  	s29 =	sadd.s32 $0x4F0, s28  }
0x50: {  	[tilespmem:s21], [sflag:$0x3] =	stream.linear.gather [hbm4b:s29+s3], $0x80, $0x38;
	[tilespmem:$0x1C200] =	vst v63  }
0x51: {  	_ =	swait.ge [sflag:s19], $0x80  }
0x52: {  	s29 =	sadd.s32 $0xFFFFFB20, s16;
	[sflag:s19] =	ssyncset.done $0x0  }
0x53: {  	s30 =	sadd.s32 $0x4F0, s29;
	[sflag:s19] =	ssyncadd.s32 $0xFFFFFF80  }
0x54: {  	[tilespmem:s22], [sflag:$0x3] =	stream.linear.gather [hbm4b:s30+s3], $0x80, $0x38;
	[tilespmem:$0x1C200] =	vst v63  }
0x55: {  	_ =	swait.ge [sflag:s19], $0x80  }
0x56: {  	[sflag:s19] =	ssyncset.done $0x0  }
0x57: {  	[sflag:s19] =	ssyncadd.s32 $0xFFFFFF80  }
0x58: {  	v2 =	vld [tilespmem:$0xF0]  }
0x59: {  	v3 =	vld [tilespmem:$0xC0]  }
0x5a: {  	v54 =	vld [tilespmem:$0x90]  }
0x5b: {  	v57 =	vld [tilespmem:$0x80]  }
0x5c: {  	v55 =	vld [tilespmem:$0xB0]  }
0x5d: {  	v56 =	vld [tilespmem:$0xD0];
	v2 =	vadd.s32 v0, v2  }
0x5e: {  	v8 =	vld [tilespmem:$0xE0];
	v3 =	vadd.s32 v0, v3;
	[tilespmem:$0xF0] =	vst v2  }
0x5f: {  	v4 =	vadd.s32 v0, v54;
	v2 =	vld [tilespmem:$0xA0];
	[tilespmem:$0xC0] =	vst v3  }
0x60: {  	v58 =	vadd.s32 v0, v57;
	[tilespmem:$0x90] =	vst v4  }
0x61: {  	v3 =	vadd.s32 v0, v55;
	[tilespmem:$0x80] =	vst v58  }
0x62: {  	[tilespmem:$0xB0] =	vst v3;
	v3 =	vadd.s32 v0, v56  }
0x63: {  	[tilespmem:$0xD0] =	vst v3;
	v3 =	vadd.s32 v0, v8  }
0x64: {  	[tilespmem:$0xE0] =	vst v3;
	v2 =	vadd.s32 v0, v2  }
0x65: {  	[tilespmem:$0xA0] =	vst v2  }
0x66: {  	[tilespmem:s23], [sflag:$0x2] =	stream.indirect.gather [hbm4b:s4+s21], $0x80, s21, s21, $0xb8;
	[tilespmem:$0x1C200] =	vst v63  }
0x67: {  	_ =	swait.ge [sflag:s24], $0x4000  }
0x68: {  	[sflag:s24] =	ssyncset.done $0x0  }
0x69: {  	[sflag:s24] =	ssyncadd.s32 $0xFFFFC000  }
0x6a: {  	[spmem:s1] =	stream.indirect.scatter.add.f32 [tilespmem:s18], [sflag:$0x3], $0x80, s20, s21, $0xb8;
	[tilespmem:$0x1C200] =	vst v63  }
0x6b: {  	_ =	swait.ge [sflag:s19], $0x4000  }
0x6c: {  	[sflag:s19] =	ssyncset.done $0x0  }
0x6d: {  	s28 =	sadd.s32 $0x500, s28;
	[sflag:s19] =	ssyncadd.s32 $0xFFFFC000  }
0x6e: {  	[tilespmem:s3], [sflag:$0x3] =	stream.linear.gather [hbm4b:s28+s3], $0x80, $0x38;
	[tilespmem:$0x1C200] =	vst v63  }
0x6f: {  	_ =	swait.ge [sflag:s19], $0x80  }
0x70: {  	[sflag:s19] =	ssyncset.done $0x0  }
0x71: {  	s28 =	sadd.s32 $0x500, s29;
	[sflag:s19] =	ssyncadd.s32 $0xFFFFFF80  }
0x72: {  	[tilespmem:s20], [sflag:$0x3] =	stream.linear.gather [hbm4b:s28+s3], $0x80, $0x38;
	[tilespmem:$0x1C200] =	vst v63  }
0x73: {  	_ =	swait.ge [sflag:s19], $0x80  }
0x74: {  	[sflag:s19] =	ssyncset.done $0x0  }
0x75: {  	[sflag:s19] =	ssyncadd.s32 $0xFFFFFF80  }
0x76: {  	v2 =	vld [tilespmem:$0x0]  }
0x77: {  	v3 =	vld [tilespmem:$0x10]  }
0x78: {  	v59 =	vld [tilespmem:$0x20]  }
0x79: {  	v60 =	vld [tilespmem:$0x30]  }
0x7a: {  	v61 =	vld [tilespmem:$0x40]  }
0x7b: {  	v62 =	vld [tilespmem:$0x50];
	v2 =	vadd.s32 v0, v2  }
0x7c: {  	[tilespmem:$0x0] =	vst v2;
	v2 =	vadd.s32 v0, v3;
	v3 =	vld [tilespmem:$0x60]  }
0x7d: {  	v63 =	vld [tilespmem:$0x70];
	[tilespmem:$0x10] =	vst v2;
	v2 =	vadd.s32 v0, v59  }
0x7e: {  	[tilespmem:$0x20] =	vst v2;
	v2 =	vadd.s32 v0, v60  }
0x7f: {  	[tilespmem:$0x30] =	vst v2;
	v2 =	vadd.s32 v0, v61  }
0x80: {  	[tilespmem:$0x40] =	vst v2;
	v2 =	vadd.s32 v0, v62  }
0x81: {  	[tilespmem:$0x50] =	vst v2;
	v2 =	vadd.s32 v0, v3  }
0x82: {  	[tilespmem:$0x60] =	vst v2;
	v2 =	vadd.s32 v0, v63  }
0x83: {  	s29 =	simm.s32 $0xFFFFFB60;
	s28 =	simm.s32 $0xFFFFFB40;
	[tilespmem:$0x70] =	vst v2  }
0x84: {  	[tilespmem:s18], [sflag:$0x1] =	stream.indirect.gather [hbm4b:s4+s21], $0x80, s3, s21, $0xb8;
	[tilespmem:$0x1C200] =	vst v63  }
.LBB2_4:
0x85: {  	p0 =	sne.s32 s29, $0xFFFFFFE0  }
0x86: {  	_ =	swait.ge [sflag:s25], $0x4000;
	s0 =	smov.u32 s29;
	s29 =	sadd.s32 $0x20, s29  }
0x87: {  	[sflag:s25] =	ssyncset.done $0x0  }
0x88: {  	[sflag:s25] =	ssyncadd.s32 $0xFFFFC000  }
0x89: {  	[spmem:s1] =	stream.indirect.scatter.add.f32 [tilespmem:s23], [sflag:$0x3], $0x80, s22, s21, $0xb8;
	[tilespmem:$0x1C200] =	vst v63  }
0x8a: {  	_ =	swait.ge [sflag:s19], $0x4000  }
0x8b: {  	s30 =	sadd.s32 s28, s17;
	[sflag:s19] =	ssyncset.done $0x0  }
0x8c: {  	s31 =	sadd.s32 $0x4F0, s30;
	[sflag:s19] =	ssyncadd.s32 $0xFFFFC000  }
0x8d: {  	[tilespmem:s21], [sflag:$0x3] =	stream.linear.gather [hbm4b:s31+s3], $0x80, $0x38;
	[tilespmem:$0x1C200] =	vst v63  }
0x8e: {  	_ =	swait.ge [sflag:s19], $0x80  }
0x8f: {  	s31 =	sadd.s32 s28, s16;
	s28 =	smov.u32 s0;
	[sflag:s19] =	ssyncset.done $0x0  }
0x90: {  	s0 =	sadd.s32 $0x4F0, s31;
	[sflag:s19] =	ssyncadd.s32 $0xFFFFFF80  }
0x91: {  	[tilespmem:s22], [sflag:$0x3] =	stream.linear.gather [hbm4b:s0+s3], $0x80, $0x38;
	[tilespmem:$0x1C200] =	vst v63  }
0x92: {  	_ =	swait.ge [sflag:s19], $0x80  }
0x93: {  	[sflag:s19] =	ssyncset.done $0x0  }
0x94: {  	[sflag:s19] =	ssyncadd.s32 $0xFFFFFF80  }
0x95: {  	v2 =	vld [tilespmem:$0xF0]  }
0x96: {  	v3 =	vld [tilespmem:$0xB0]  }
0x97: {  	v4 =	vld [tilespmem:$0xC0]  }
0x98: {  	v5 =	vld [tilespmem:$0x90]  }
0x99: {  	v6 =	vld [tilespmem:$0xE0]  }
0x9a: {  	v7 =	vld [tilespmem:$0xD0];
	v2 =	vadd.s32 v0, v2  }
0x9b: {  	v8 =	vld [tilespmem:$0x80];
	[tilespmem:$0xF0] =	vst v2  }
0x9c: {  	v2 =	vld [tilespmem:$0xA0];
	v4 =	vadd.s32 v0, v4  }
0x9d: {  	v3 =	vadd.s32 v0, v3;
	v5 =	vadd.s32 v0, v5;
	[tilespmem:$0xC0] =	vst v4  }
0x9e: {  	[tilespmem:$0x90] =	vst v5;
	v4 =	vadd.s32 v0, v6  }
0x9f: {  	[tilespmem:$0xB0] =	vst v3;
	v3 =	vadd.s32 v0, v7  }
0xa0: {  	v5 =	vadd.s32 v0, v8;
	[tilespmem:$0xD0] =	vst v3  }
0xa1: {  	[tilespmem:$0x80] =	vst v5;
	v2 =	vadd.s32 v0, v2  }
0xa2: {  	[tilespmem:$0xA0] =	vst v2  }
0xa3: {  	[tilespmem:$0xE0] =	vst v4  }
0xa4: {  	[tilespmem:s23], [sflag:$0x2] =	stream.indirect.gather [hbm4b:s4+s21], $0x80, s21, s21, $0xb8;
	[tilespmem:$0x1C200] =	vst v63  }
0xa5: {  	_ =	swait.ge [sflag:s24], $0x4000  }
0xa6: {  	[sflag:s24] =	ssyncset.done $0x0  }
0xa7: {  	[sflag:s24] =	ssyncadd.s32 $0xFFFFC000  }
0xa8: {  	[spmem:s1] =	stream.indirect.scatter.add.f32 [tilespmem:s18], [sflag:$0x3], $0x80, s20, s21, $0xb8;
	[tilespmem:$0x1C200] =	vst v63  }
0xa9: {  	_ =	swait.ge [sflag:s19], $0x4000  }
0xaa: {  	[sflag:s19] =	ssyncset.done $0x0  }
0xab: {  	s0 =	sadd.s32 $0x500, s30;
	[sflag:s19] =	ssyncadd.s32 $0xFFFFC000  }
0xac: {  	[tilespmem:s3], [sflag:$0x3] =	stream.linear.gather [hbm4b:s0+s3], $0x80, $0x38;
	[tilespmem:$0x1C200] =	vst v63  }
0xad: {  	_ =	swait.ge [sflag:s19], $0x80  }
0xae: {  	[sflag:s19] =	ssyncset.done $0x0  }
0xaf: {  	s0 =	sadd.s32 $0x500, s31;
	[sflag:s19] =	ssyncadd.s32 $0xFFFFFF80  }
0xb0: {  	[tilespmem:s20], [sflag:$0x3] =	stream.linear.gather [hbm4b:s0+s3], $0x80, $0x38;
	[tilespmem:$0x1C200] =	vst v63  }
0xb1: {  	_ =	swait.ge [sflag:s19], $0x80  }
0xb2: {  	[sflag:s19] =	ssyncset.done $0x0  }
0xb3: {  	[sflag:s19] =	ssyncadd.s32 $0xFFFFFF80  }
0xb4: {  	v2 =	vld [tilespmem:$0x0]  }
0xb5: {  	v3 =	vld [tilespmem:$0x10]  }
0xb6: {  	v4 =	vld [tilespmem:$0x20]  }
0xb7: {  	v5 =	vld [tilespmem:$0x30]  }
0xb8: {  	v6 =	vld [tilespmem:$0x40]  }
0xb9: {  	v2 =	vadd.s32 v0, v2;
	v7 =	vld [tilespmem:$0x50]  }
0xba: {  	[tilespmem:$0x0] =	vst v2;
	v2 =	vadd.s32 v0, v3;
	v3 =	vld [tilespmem:$0x60]  }
0xbb: {  	[tilespmem:$0x10] =	vst v2;
	v2 =	vadd.s32 v0, v4;
	v4 =	vld [tilespmem:$0x70]  }
0xbc: {  	[tilespmem:$0x20] =	vst v2;
	v2 =	vadd.s32 v0, v5  }
0xbd: {  	[tilespmem:$0x30] =	vst v2;
	v2 =	vadd.s32 v0, v6  }
.Ltmp1:
0xbe: {  	[tilespmem:$0x40] =	vst v2;
	v2 =	vadd.s32 v0, v7;
	(pc) =	sbr.rel @p0 .LBB2_4-.Ltmp1, $4  }
0xbf: {  	[tilespmem:$0x50] =	vst v2;
	v2 =	vadd.s32 v0, v3  }
0xc0: {  	[tilespmem:$0x60] =	vst v2;
	v2 =	vadd.s32 v0, v4  }
0xc1: {  	[tilespmem:$0x70] =	vst v2  }
0xc2: {  	[tilespmem:s18], [sflag:$0x1] =	stream.indirect.gather [hbm4b:s4+s21], $0x80, s3, s21, $0xb8;
	[tilespmem:$0x1C200] =	vst v63  }
0xc3: {  	_ =	swait.ge [sflag:s25], $0x4000  }
0xc4: {  	[sflag:s25] =	ssyncset.done $0x0  }
0xc5: {  	[sflag:s25] =	ssyncadd.s32 $0xFFFFC000  }
0xc6: {  	[spmem:s1] =	stream.indirect.scatter.add.f32 [tilespmem:s23], [sflag:$0x3], $0x80, s22, s21, $0xb8;
	[tilespmem:$0x1C200] =	vst v63  }
0xc7: {  	_ =	swait.ge [sflag:s19], $0x4000  }
0xc8: {  	s0 =	sadd.s32 s28, s17;
	[sflag:s19] =	ssyncset.done $0x0  }
0xc9: {  	s29 =	sadd.s32 $0x4F0, s0;
	[sflag:s19] =	ssyncadd.s32 $0xFFFFC000  }
0xca: {  	[tilespmem:s21], [sflag:$0x3] =	stream.linear.gather [hbm4b:s29+s3], $0x80, $0x38;
	[tilespmem:$0x1C200] =	vst v63  }
0xcb: {  	_ =	swait.ge [sflag:s19], $0x80  }
0xcc: {  	s30 =	sadd.s32 s28, s16;
	[sflag:s19] =	ssyncset.done $0x0  }
0xcd: {  	s31 =	sadd.s32 $0x4F0, s30;
	[sflag:s19] =	ssyncadd.s32 $0xFFFFFF80  }
0xce: {  	[tilespmem:s22], [sflag:$0x3] =	stream.linear.gather [hbm4b:s31+s3], $0x80, $0x38;
	[tilespmem:$0x1C200] =	vst v63  }
0xcf: {  	_ =	swait.ge [sflag:s19], $0x80  }
0xd0: {  	[sflag:s19] =	ssyncset.done $0x0  }
0xd1: {  	[sflag:s19] =	ssyncadd.s32 $0xFFFFFF80  }
0xd2: {  	v2 =	vld [tilespmem:$0xF0]  }
0xd3: {  	v3 =	vld [tilespmem:$0xC0]  }
0xd4: {  	v4 =	vld [tilespmem:$0x90]  }
0xd5: {  	v7 =	vld [tilespmem:$0x80]  }
0xd6: {  	v5 =	vld [tilespmem:$0xB0]  }
0xd7: {  	v6 =	vld [tilespmem:$0xD0];
	v2 =	vadd.s32 v0, v2  }
0xd8: {  	v8 =	vld [tilespmem:$0xE0];
	v3 =	vadd.s32 v0, v3;
	[tilespmem:$0xF0] =	vst v2  }
0xd9: {  	v4 =	vadd.s32 v0, v4;
	v2 =	vld [tilespmem:$0xA0];
	[tilespmem:$0xC0] =	vst v3  }
0xda: {  	v53 =	vadd.s32 v0, v7;
	[tilespmem:$0x90] =	vst v4  }
0xdb: {  	v3 =	vadd.s32 v0, v5;
	[tilespmem:$0x80] =	vst v53  }
0xdc: {  	[tilespmem:$0xB0] =	vst v3;
	v3 =	vadd.s32 v0, v6  }
0xdd: {  	[tilespmem:$0xD0] =	vst v3;
	v3 =	vadd.s32 v0, v8  }
0xde: {  	[tilespmem:$0xE0] =	vst v3;
	v2 =	vadd.s32 v0, v2  }
0xdf: {  	[tilespmem:$0xA0] =	vst v2  }
0xe0: {  	[tilespmem:s23], [sflag:$0x2] =	stream.indirect.gather [hbm4b:s4+s21], $0x80, s21, s21, $0xb8;
	[tilespmem:$0x1C200] =	vst v63  }
0xe1: {  	_ =	swait.ge [sflag:s24], $0x4000  }
0xe2: {  	[sflag:s24] =	ssyncset.done $0x0  }
0xe3: {  	[sflag:s24] =	ssyncadd.s32 $0xFFFFC000  }
0xe4: {  	[spmem:s1] =	stream.indirect.scatter.add.f32 [tilespmem:s18], [sflag:$0x3], $0x80, s20, s21, $0xb8;
	[tilespmem:$0x1C200] =	vst v63  }
0xe5: {  	_ =	swait.ge [sflag:s19], $0x4000  }
0xe6: {  	[sflag:s19] =	ssyncset.done $0x0  }
0xe7: {  	s0 =	sadd.s32 $0x500, s0;
	[sflag:s19] =	ssyncadd.s32 $0xFFFFC000  }
0xe8: {  	[tilespmem:s3], [sflag:$0x3] =	stream.linear.gather [hbm4b:s0+s3], $0x80, $0x38;
	[tilespmem:$0x1C200] =	vst v63  }
0xe9: {  	_ =	swait.ge [sflag:s19], $0x80  }
0xea: {  	[sflag:s19] =	ssyncset.done $0x0  }
0xeb: {  	s29 =	sadd.s32 $0x500, s30;
	[sflag:s19] =	ssyncadd.s32 $0xFFFFFF80  }
0xec: {  	[tilespmem:s20], [sflag:$0x3] =	stream.linear.gather [hbm4b:s29+s3], $0x80, $0x38;
	[tilespmem:$0x1C200] =	vst v63  }
0xed: {  	_ =	swait.ge [sflag:s19], $0x80  }
0xee: {  	[sflag:s19] =	ssyncset.done $0x0  }
0xef: {  	[sflag:s19] =	ssyncadd.s32 $0xFFFFFF80  }
0xf0: {  	v2 =	vld [tilespmem:$0x0]  }
0xf1: {  	v3 =	vld [tilespmem:$0x10]  }
0xf2: {  	v54 =	vld [tilespmem:$0x20]  }
0xf3: {  	v55 =	vld [tilespmem:$0x30]  }
0xf4: {  	v56 =	vld [tilespmem:$0x40]  }
0xf5: {  	v57 =	vld [tilespmem:$0x50];
	v2 =	vadd.s32 v0, v2  }
0xf6: {  	[tilespmem:$0x0] =	vst v2;
	v2 =	vadd.s32 v0, v3;
	v3 =	vld [tilespmem:$0x60]  }
0xf7: {  	v58 =	vld [tilespmem:$0x70];
	[tilespmem:$0x10] =	vst v2;
	v2 =	vadd.s32 v0, v54  }
0xf8: {  	[tilespmem:$0x20] =	vst v2;
	v2 =	vadd.s32 v0, v55  }
0xf9: {  	[tilespmem:$0x30] =	vst v2;
	v2 =	vadd.s32 v0, v56  }
0xfa: {  	[tilespmem:$0x40] =	vst v2;
	v2 =	vadd.s32 v0, v57  }
0xfb: {  	[tilespmem:$0x50] =	vst v2;
	v2 =	vadd.s32 v0, v3  }
0xfc: {  	[tilespmem:$0x60] =	vst v2;
	v2 =	vadd.s32 v0, v58  }
0xfd: {  	[tilespmem:$0x70] =	vst v2  }
0xfe: {  	[tilespmem:s18], [sflag:$0x1] =	stream.indirect.gather [hbm4b:s4+s21], $0x80, s3, s21, $0xb8;
	[tilespmem:$0x1C200] =	vst v63  }
0xff: {  	_ =	swait.ge [sflag:s25], $0x4000  }
0x100: {  	[sflag:s25] =	ssyncset.done $0x0  }
0x101: {  	[sflag:s25] =	ssyncadd.s32 $0xFFFFC000  }
0x102: {  	[spmem:s1] =	stream.indirect.scatter.add.f32 [tilespmem:s23], [sflag:$0x3], $0x80, s22, s21, $0xb8;
	[tilespmem:$0x1C200] =	vst v63  }
0x103: {  	_ =	swait.ge [sflag:s19], $0x4000  }
0x104: {  	[sflag:s19] =	ssyncset.done $0x0  }
0x105: {  	[sflag:s19] =	ssyncadd.s32 $0xFFFFC000  }
0x106: {  	[tilespmem:s21], [sflag:$0x3] =	stream.linear.gather [hbm4b:s12+s3], $0x80, $0x38;
	[tilespmem:$0x1C200] =	vst v63  }
0x107: {  	_ =	swait.ge [sflag:s19], $0x80  }
0x108: {  	[sflag:s19] =	ssyncset.done $0x0  }
0x109: {  	[sflag:s19] =	ssyncadd.s32 $0xFFFFFF80  }
0x10a: {  	[tilespmem:s22], [sflag:$0x3] =	stream.linear.gather [hbm4b:s13+s3], $0x80, $0x38;
	[tilespmem:$0x1C200] =	vst v63  }
0x10b: {  	_ =	swait.ge [sflag:s19], $0x80  }
0x10c: {  	[sflag:s19] =	ssyncset.done $0x0  }
0x10d: {  	[sflag:s19] =	ssyncadd.s32 $0xFFFFFF80  }
0x10e: {  	v2 =	vld [tilespmem:$0x80]  }
0x10f: {  	v3 =	vld [tilespmem:$0x90]  }
0x110: {  	v59 =	vld [tilespmem:$0xA0]  }
0x111: {  	v60 =	vld [tilespmem:$0xB0]  }
0x112: {  	v61 =	vld [tilespmem:$0xC0]  }
0x113: {  	v62 =	vld [tilespmem:$0xD0];
	v2 =	vadd.s32 v0, v2  }
0x114: {  	[tilespmem:$0x80] =	vst v2;
	v2 =	vadd.s32 v0, v3;
	v3 =	vld [tilespmem:$0xE0]  }
0x115: {  	v63 =	vld [tilespmem:$0xF0];
	[tilespmem:$0x90] =	vst v2;
	v2 =	vadd.s32 v0, v59  }
0x116: {  	[tilespmem:$0xA0] =	vst v2;
	v2 =	vadd.s32 v0, v60  }
0x117: {  	[tilespmem:$0xB0] =	vst v2;
	v2 =	vadd.s32 v0, v61  }
0x118: {  	[tilespmem:$0xC0] =	vst v2;
	v2 =	vadd.s32 v0, v62  }
0x119: {  	[tilespmem:$0xD0] =	vst v2;
	v2 =	vadd.s32 v0, v3  }
0x11a: {  	[tilespmem:$0xE0] =	vst v2;
	v2 =	vadd.s32 v0, v63  }
0x11b: {  	[tilespmem:$0xF0] =	vst v2  }
0x11c: {  	[tilespmem:s23], [sflag:$0x2] =	stream.indirect.gather [hbm4b:s4+s21], $0x80, s21, s21, $0xb8;
	[tilespmem:$0x1C200] =	vst v63  }
0x11d: {  	_ =	swait.ge [sflag:s24], $0x4000  }
0x11e: {  	[sflag:s24] =	ssyncset.done $0x0  }
0x11f: {  	[sflag:s24] =	ssyncadd.s32 $0xFFFFC000  }
0x120: {  	[spmem:s1] =	stream.indirect.scatter.add.f32 [tilespmem:s18], [sflag:$0x3], $0x80, s20, s21, $0xb8;
	[tilespmem:$0x1C200] =	vst v63  }
0x121: {  	_ =	swait.ge [sflag:s19], $0x4000  }
0x122: {  	[sflag:s19] =	ssyncset.done $0x0  }
0x123: {  	[sflag:s19] =	ssyncadd.s32 $0xFFFFC000  }
0x124: {  	_ =	swait.ge [sflag:s25], $0x4000  }
0x125: {  	[sflag:s25] =	ssyncset.done $0x0  }
0x126: {  	[sflag:s25] =	ssyncadd.s32 $0xFFFFC000  }
0x127: {  	[spmem:s1] =	stream.indirect.scatter.add.f32 [tilespmem:s23], [sflag:$0x3], $0x80, s22, s21, $0xb8;
	[tilespmem:$0x1C200] =	vst v63  }
0x128: {  	s26 =	sadd.s32 $0x1, s26;
	_ =	swait.ge [sflag:s19], $0x4000  }
0x129: {  	p0 =	sne.s32 s26, s15;
	[sflag:s19] =	ssyncset.done $0x0  }
0x12a: {  	s30 =	sshll.u32 s2, $0x6;
	s31 =	sshrl.u32 s5, $0x3;
	[sflag:s19] =	ssyncadd.s32 $0xFFFFC000  }
.Ltmp2:
0x12b: {  	s0 =	sor.u32 $0x1C03, s30;
	[bflag:$0x0] =	sbarrier.arrive $0xFFFF;
	(pc) =	sbr.rel @p0 .LBB2_1-.Ltmp2, $4  }
0x12c: {  	[hbm:s14], [sflag:s0] =	dma.local [spmem:s31], $0x2800  }
0x12d: {  	_ =	swait.ge [sflag:s19], $0x2800  }
0x12e: {  	[sflag:s19] =	ssyncset.done $0x0  }
0x12f: {  	[sflag:s19] =	ssyncadd.s32 $0xFFFFD800  }
0x130: {  	_ =	sfence.sel $0x180000  }
0x131: {  	[bflag:$0x0] =	sbarrier.arrive $0xFFFF  }
0x132: {  	_ =	strace $0x9000004D  }
0x133: {  	[bflag:$0x2] =	sbarrier.arrive $0xFFFF  }
0x134: {  	p0 =	sne.s32 s2, $0x0;
	s0 =	rddreg [dreg:$0x2]  }
0x135: {  	s0 =	sadd.s32 @!p0 $0x100000, s0  }
0x136: {  	[sflag:s0] =	ssyncadd.tile.s32 @!p0 $0x1;
	_ =	shalt  }
.Lfunc_end2:
_tile_overlayer_lowered:
.L_overlay_start_2:
0x137: {  	(tag) =	ssettag $0x2  }
0x138: {  	s0 =	rddreg [dreg:$0x0];
	s2 =	stileid.u32  }
0x139: {  	s1 =	rddreg [dreg:$0x1];
	p0 =	sne.s32 s2, $0x0  }
0x13a: {  	s3 =	rddreg [dreg:$0x2];
	[bflag:$0x3] =	sbarrier.arrive $0xFFFF;
	s2 =	simm.s32 @!p0 $0x1C03  }
0x13b: {  	[timem:s3], [sflag:s2] =	dma.local @!p0 [hbm:s0], s1  }
0x13c: {  	s0 =	simm.s32 @!p0 $0x3  }
0x13d: {  	_ =	swait.ge @!p0 [sflag:s0], s1  }
0x13e: {  	s1 =	ssub.s32 @!p0 $0x0, s1;
	[sflag:s0] =	ssyncset.done @!p0 $0x0  }
0x13f: {  	[sflag:s0] =	ssyncadd.s32 @!p0 s1  }
0x140: {  	[bflag:$0x3] =	sbarrier.arrive $0xFFFF  }
0x141: {  	_ =	shalt  }

// kernel: kernel.8.cloned.1.call-start
scs
__scs_entry_jumppad:
0x0: {  	(pc) =	sbr.rel $0x88, $3  }
0x1: {  	(tag) =	ssettag $0x0;
	lr =	simm.s32 $0x1  }
0x2: {  	[smem:$0x3F9D] =	sst lr;
	_ =	strace $0xD0000000  }
0x3: {  	_ = 	snop  }
0x4: {  	_ = 	snop  }
0x5: {  	_ = 	snop  }
0x6: {  	_ = 	snop  }
0x7: {  	_ = 	snop  }
__scs_overlays_trampoline_lowered:
0x8: {  	[smem:$0x3FAC] =	sst s0  }
0x9: {  	[smem:$0x3FAD] =	sst s1  }
0xa: {  	[smem:$0x3FAE] =	sst s2  }
0xb: {  	[smem:$0x3FAF] =	sst s3  }
0xc: {  	[smem:$0x3FB0] =	sst s4  }
0xd: {  	[smem:$0x3FB1] =	sst s5  }
0xe: {  	[smem:$0x3FB2] =	sst s6  }
0xf: {  	[smem:$0x3FB3] =	sst s7  }
0x10: {  	[smem:$0x3FB4] =	sst s8  }
0x11: {  	[smem:$0x3FB5] =	sst s9;
	s0 =	simm.s32 @!p0 $0x0  }
0x12: {  	s1 =	sld [smem:$0x3F9B];
	s0 =	simm.s32 @p0 $0x1  }
0x13: {  	[smem:$0x3FB6] =	sst s0;
	s0 =	simm.s32 @!p1 $0x0  }
0x14: {  	s2 =	sld [smem:$0x3F9A];
	s0 =	simm.s32 @p1 $0x1  }
0x15: {  	[smem:$0x3FB7] =	sst s0;
	s0 =	simm.s32 @!p2 $0x0  }
0x16: {  	s3 =	sld [smem:$0x3FDB];
	s0 =	simm.s32 @p2 $0x1  }
0x17: {  	s4 =	simm.s32 $0x1BF5;
	[smem:$0x3FB9] =	sst s0  }
0x18: {  	s0 =	sld [smem:$0x3F9C];
	_ =	swait.ge [sflag:s4], $0x0  }
0x19: {  	s7 =	sld [smem:$0x3F9D]  }
0x1a: {  	s8 =	sadd.s32 $0xFFFFE003, lr  }
0x1b: {  	s9 =	sadd.s32 $0xFFFFFEF7, lr;
	s5 =	simm.s32 $0xFFFFFFFF;
	p2 =	slt.u32 s8, $0xFFFFF086  }
0x1c: {  	p1 =	slt.u32 s9, $0xF7A;
	s5 =	simm.s32 @!p2 $0x0  }
0x1d: {  	s5 =	simm.s32 @p1 $0x1;
	p0 =	seq.s32 s7, s2  }
0x1e: {  	s7 =	smul.u32 @!p0 $0xF7A, s2;
	p2 =	seq.s32 @!p0 s5, $0x0  }
0x1f: {  	s9 =	smul.u32 $0xF7A, s1;
	s8 =	simm.s32 @!p0 $0x1BF5;
	p2 =	por !p2, p0  }
0x20: {  	[sflag:s8] =	ssyncset.s32 @!p0 $0xFFFFF086;
	s6 =	sadd.s32 @!p0 s3, s7;
	s7 =	simm.s32 @!p0 $0x108  }
0x21: {  	s3 =	sadd.s32 s3, s9;
	s6 =	sadd.s32 @!p0 $0x88, s6;
	s7 =	simm.s32 @p2 $0x1082  }
0x22: {  	[simem:s7], [sflag:s8] =	dma.local @!p0 [hbm:s6], $0xF7A  }
0x23: {  	s9 =	sor.u32 $0xD0000000, s2;
	s6 =	simm.s32 $0x108;
	_ =	swait.ge @!p0 [sflag:s8], $0x0  }
0x24: {  	s3 =	sadd.s32 $0x88, s3;
	s6 =	simm.s32 @!p1 $0x1082;
	[sflag:s4] =	ssyncset.s32 $0xFFFFF086  }
0x25: {  	[simem:s6], [sflag:s4] =	dma.local [hbm:s3], $0xF7A  }
0x26: {  	[smem:$0x3F9D] =	sst s1;
	(tag) =	ssettag s2;
	_ =	strace s9  }
0x27: {  	s1 =	sld [smem:$0x3FAD]  }
0x28: {  	s2 =	sld [smem:$0x3FAE]  }
0x29: {  	s4 =	sld [smem:$0x3FB0]  }
0x2a: {  	p0 =	seq.s32 s5, $0x0;
	s5 =	sld [smem:$0x3FB1]  }
0x2b: {  	s6 =	sld [smem:$0x3FB2]  }
0x2c: {  	s7 =	sld [smem:$0x3FB3]  }
0x2d: {  	s3 =	simm.s32 $0x108;
	s8 =	sld [smem:$0x3FB4]  }
0x2e: {  	s3 =	simm.s32 @!p0 $0x1082;
	s9 =	sld [smem:$0x3FB5]  }
0x2f: {  	lr =	sadd.s32 s0, s3;
	s0 =	sld [smem:$0x3FAC]  }
0x30: {  	s3 =	sld [smem:$0x3FAF]  }
0x31: {  	[smem:$0x3FB8] =	sst s10  }
0x32: {  	s10 =	sld [smem:$0x3FB6];
	_ =	sdelay $0x3  }
0x33: {  	p0 =	seq.s32 s10, $0x1;
	s10 =	sld [smem:$0x3FB8];
	_ =	sdelay $0x3  }
0x34: {  	[smem:$0x3FB8] =	sst s10  }
0x35: {  	s10 =	sld [smem:$0x3FB7];
	_ =	sdelay $0x3  }
0x36: {  	p1 =	seq.s32 s10, $0x1;
	s10 =	sld [smem:$0x3FB8];
	_ =	sdelay $0x3  }
0x37: {  	[smem:$0x3FB8] =	sst s10  }
0x38: {  	s10 =	sld [smem:$0x3FB9]  }
0x39: {  	_ = 	snop;
	(pc) =	sbr.ind lr, $3  }
0x3a: {  	_ = 	snop  }
0x3b: {  	_ = 	snop  }
0x3c: {  	p2 =	seq.s32 s10, $0x1;
	s10 =	sld [smem:$0x3FB8]  }
0x3d: {  	_ =	shalt  }
0x3e: {  	_ =	shalt  }
0x3f: {  	_ =	shalt  }
0x40: {  	_ =	shalt  }
0x41: {  	_ =	shalt  }
0x42: {  	_ =	shalt  }
0x43: {  	_ =	shalt  }
0x44: {  	_ =	shalt  }
0x45: {  	_ =	shalt  }
0x46: {  	_ =	shalt  }
0x47: {  	_ =	shalt  }
0x48: {  	_ =	shalt  }
0x49: {  	_ =	shalt  }
0x4a: {  	_ =	shalt  }
0x4b: {  	_ =	shalt  }
0x4c: {  	_ =	shalt  }
0x4d: {  	_ =	shalt  }
0x4e: {  	_ =	shalt  }
0x4f: {  	_ =	shalt  }
0x50: {  	_ =	shalt  }
0x51: {  	_ =	shalt  }
0x52: {  	_ =	shalt  }
0x53: {  	_ =	shalt  }
0x54: {  	_ =	shalt  }
0x55: {  	_ =	shalt  }
0x56: {  	_ =	shalt  }
0x57: {  	_ =	shalt  }
0x58: {  	_ =	shalt  }
0x59: {  	_ =	shalt  }
0x5a: {  	_ =	shalt  }
0x5b: {  	_ =	shalt  }
0x5c: {  	_ =	shalt  }
0x5d: {  	_ =	shalt  }
0x5e: {  	_ =	shalt  }
0x5f: {  	_ =	shalt  }
0x60: {  	_ =	shalt  }
0x61: {  	_ =	shalt  }
0x62: {  	_ =	shalt  }
0x63: {  	_ =	shalt  }
0x64: {  	_ =	shalt  }
0x65: {  	_ =	shalt  }
0x66: {  	_ =	shalt  }
0x67: {  	_ =	shalt  }
0x68: {  	_ =	shalt  }
0x69: {  	_ =	shalt  }
0x6a: {  	_ =	shalt  }
0x6b: {  	_ =	shalt  }
0x6c: {  	_ =	shalt  }
0x6d: {  	_ =	shalt  }
0x6e: {  	_ =	shalt  }
0x6f: {  	_ =	shalt  }
0x70: {  	_ =	shalt  }
0x71: {  	_ =	shalt  }
0x72: {  	_ =	shalt  }
0x73: {  	_ =	shalt  }
0x74: {  	_ =	shalt  }
0x75: {  	_ =	shalt  }
0x76: {  	_ =	shalt  }
0x77: {  	_ =	shalt  }
0x78: {  	_ =	shalt  }
0x79: {  	_ =	shalt  }
0x7a: {  	_ =	shalt  }
0x7b: {  	_ =	shalt  }
0x7c: {  	_ =	shalt  }
0x7d: {  	_ =	shalt  }
0x7e: {  	_ =	shalt  }
0x7f: {  	_ =	shalt  }
0x80: {  	_ =	shalt  }
0x81: {  	_ =	shalt  }
0x82: {  	_ =	shalt  }
0x83: {  	_ =	shalt  }
0x84: {  	_ =	shalt  }
0x85: {  	_ =	shalt  }
0x86: {  	_ =	shalt  }
0x87: {  	_ =	shalt  }
.Lfunc_end0:
.L_simem_size_0:
called_computation_lowered:
.L_overlay_start_0:
0x88: {  	s2 =	sld [smem:$0x3FD9]  }
0x89: {  	s3 =	sld [smem:$0x3FFE];
	_ =	sdelay $0x1  }
0x8a: {  	s1 =	srdreg.scid  }
0x8b: {  	s0 =	sand.u32 $0x1, s1  }
0x8c: {  	s17 =	sshll.u32 s0, $0xA;
	s2 =	sadd.s32 s3, s2  }
0x8d: {  	s2 =	sadd.s32 s2, s17  }
0x8e: {  	[smem:$0x3FC4] =	sst s2  }
0x8f: {  	_ = 	snop  }
0x90: {  	s2 =	sld [smem:$0x3FD0];
	(tm) =	ssettm $0x1  }
0x91: {  	s18 =	sld [smem:$0x3FFB];
	_ =	sdelay $0x3  }
0x92: {  	_ =	strace s18  }
0x93: {  	s3 =	sld [smem:$0x3FFC];
	_ =	sdelay $0x3  }
0x94: {  	_ =	strace s3  }
0x95: {  	s3 =	sld [smem:$0x3FFD];
	_ =	sdelay $0x3  }
0x96: {  	_ =	strace s3  }
0x97: {  	_ =	strace $0x8FFFFFFF  }
0x98: {  	s19 =	sld [smem:$0x3FDB];
	_ =	sdelay $0x1  }
0x99: {  	s4 =	simm.s32 $_scs_section_size  }
0x9a: {  	s5 =	simm.s32 $_size__tile_overlayer_lowered;
	s6 =	simm.s32 $_tile_overlayer_lowered  }
0x9b: {  	s22 =	simm.s32 $0x1BFF;
	s21 =	sshll.u32 s6, $0x1;
	s3 =	sadd.s32 s4, s19  }
0x9c: {  	s7 =	simm.s32 $0x0;
	s20 =	sshll.u32 s5, $0x1;
	s5 =	sadd.s32 s21, s3  }
0x9d: {  	[timem:s7], [sflag:s22] =	dma.local [hbm:s5], s20  }
0x9e: {  	_ =	swait.ge [sflag:s22], s20  }
0x9f: {  	s4 =	ssub.s32 $0x0, s20;
	[sflag:s22] =	ssyncset.done $0x0  }
0xa0: {  	[sflag:s22] =	ssyncadd.s32 s4;
	_ =	sdelay $0x1  }
0xa1: {  	s23 =	simm.s32 $0x1B8B  }
0xa2: {  	_ =	swait.ge [sflag:s23], $0x1  }
0xa3: {  	[sflag:s23] =	ssyncset.done $0x0  }
0xa4: {  	s25 =	simm.s32 $0x1B8E;
	s24 =	sld [smem:$0x3FFE];
	[sflag:s23] =	ssyncadd.s32 $0xFFFFFFFF  }
0xa5: {  	s26 =	simm.s32 $execute0_lowered;
	[smem:$0x3FD2] =	sst s25  }
0xa6: {  	s5 =	sshll.u32 s26, $0x1;
	_ =	strace $0x80000046;
	[dreg:$0x1] =	wrdreg $0xFFFFFFFF  }
0xa7: {  	s28 =	simm.s32 $_size_execute0_lowered;
	s3 =	sadd.s32 s3, s5;
	[dreg:$0x0] =	wrdreg $0x0  }
0xa8: {  	s5 =	sshll.u32 s28, $0x1;
	[dreg:$0x2] =	wrdreg s3  }
0xa9: {  	[dreg:$0x3] =	wrdreg s5  }
0xaa: {  	[dreg:$0x4] =	wrdreg $0xC0  }
0xab: {  	_ =	task [dreg:s7], $0x5FFFF  }
0xac: {  	[dreg:$0x1] =	wrdreg $0xFFFFFFFF  }
0xad: {  	[dreg:$0x0] =	wrdreg $0x60  }
0xae: {  	[dreg:$0x2] =	wrdreg s24  }
0xaf: {  	[dreg:$0x3] =	wrdreg s2  }
0xb0: {  	[dreg:$0x4] =	wrdreg $0x143800  }
0xb1: {  	[dreg:$0x5] =	wrdreg $0x9  }
0xb2: {  	_ =	task.clear_ibuf [dreg:s7], $0x6FFFF;
	_ =	strace $0x90000046  }
0xb3: {  	s29 =	simm.s32 $0x9;
	_ =	strace $0x80000048  }
0xb4: {  	_ =	swait.ge [sflag:s29], $0x1  }
0xb5: {  	[sflag:s29] =	ssyncadd.s32 $0xFFFFFFFF  }
0xb6: {  	_ =	strace $0x90000048  }
0xb7: {  	_ =	sfence  }
0xb8: {  	s30 =	sld [smem:$0x0];
	_ =	sdelay $0x2  }
0xb9: {  	s31 =	sshll.u32 s1, $0xD;
	s1 =	sshrl.u32 s1, $0x2  }
0xba: {  	s3 =	sand.u32 $0x4000, s31;
	s1 =	sadd.s32 s1, s30  }
0xbb: {  	s0 =	sor.u32 s3, s0;
	s1 =	sshll.u32 s1, $0x11  }
0xbc: {  	s0 =	sor.u32 s1, s0  }
0xbd: {  	s0 =	sadd.s32 $0x8F2B, s0  }
0xbe: {  	[sflag:s0] =	ssyncadd.remote.s32 $0x1  }
0xbf: {  	_ =	sfence.sel $0xFFFF  }
0xc0: {  	[dreg:$0x0] =	wrdreg $0xFFFFFFFF;
	(pc) =	sbr.abs _section_cstart, $3  }
0xc1: {  	[dreg:$0x1] =	wrdreg $0xFFFFFFFF  }
0xc2: {  	_ =	task.clear_ibuf [dreg:s7], $0x2FFFF;
	_ =	strace $0x9FFFFFFF  }
0xc3: {  	(tm) =	ssettm $0x7FFFFFFF  }
tec
execute0_lowered:
.L_overlay_start_1:
0x0: {  	(tag) =	ssettag $0x1  }
0x1: {  	s4 =	rddreg [dreg:$0x0]  }
0x2: {  	s6 =	rddreg [dreg:$0x1]  }
0x3: {  	s1 =	rddreg [dreg:$0x2]  }
0x4: {  	s0 =	rddreg [dreg:$0x3];
	s2 =	simm.s32 $0x0;
	s3 =	srdreg.scid  }
0x5: {  	[smem:$0x7FF] =	sst s2;
	s5 =	sand.u32 $0x1, s3  }
0x6: {  	s3 =	stileid.u32;
	s8 =	sadd.s32 $0x6E00, s4;
	s11 =	sadd.s32 $0x1E00, s4  }
0x7: {  	s12 =	sadd.s32 $0xBE00, s4;
	_ =	strace $0x80000047;
	s10 =	smul.u32 $0xA00, s3  }
0x8: {  	s7 =	ssub.s32 $0x2, s5;
	p0 =	seq.s32 s5, $0x1;
	s30 =	smul.u32 $0x2800, s3  }
0x9: {  	s31 =	smul.u32 $0x500, s3;
	s9 =	sshrl.u32 s7, $0x1;
	s6 =	smov.u32 @p0 s12  }
0xa: {  	s8 =	smov.u32 @p0 s11;
	s11 =	simm.s32 $0x380;
	s12 =	simm.s32 $0x0  }
0xb: {  	s7 =	ssub.s32 s7, s9;
	s29 =	sshrl.u32 s10, $0x2;
	s6 =	sadd.s32 s6, s30  }
0xc: {  	s9 =	simm.s32 $0x1;
	s10 =	simm.s32 $0x80;
	s4 =	sadd.s32 s29, s1  }
0xd: {  	v0 =	vimm.f32 $1.000000000e+00;
	v1 =	vimm.f32 $0.0e+00;
	s5 =	smax.u32 s7, $0x1;
	s7 =	sadd.s32 s31, s8;
	s8 =	simm.s32 $0x100  }
.LBB2_1:
0xe: {  	[tilespmem:$0x80] =	vst v0  }
0xf: {  	[tilespmem:$0x90] =	vst v0  }
0x10: {  	[tilespmem:$0xA0] =	vst v0  }
0x11: {  	[tilespmem:$0xB0] =	vst v0  }
0x12: {  	[tilespmem:$0xC0] =	vst v0  }
0x13: {  	[tilespmem:$0xD0] =	vst v0  }
0x14: {  	[tilespmem:$0xE0] =	vst v0  }
0x15: {  	[tilespmem:$0xF0] =	vst v0  }
0x16: {  	[tilespmem:$0x100] =	vst v1  }
0x17: {  	[tilespmem:$0x110] =	vst v1  }
0x18: {  	[tilespmem:$0x120] =	vst v1  }
0x19: {  	[tilespmem:$0x130] =	vst v1  }
0x1a: {  	[tilespmem:$0x140] =	vst v1  }
0x1b: {  	[tilespmem:$0x150] =	vst v1  }
0x1c: {  	[tilespmem:$0x160] =	vst v1  }
0x1d: {  	[tilespmem:$0x170] =	vst v1  }
0x1e: {  	[tilespmem:$0x180] =	vst v1  }
0x1f: {  	[tilespmem:$0x190] =	vst v1  }
0x20: {  	[tilespmem:$0x1A0] =	vst v1  }
0x21: {  	[tilespmem:$0x1B0] =	vst v1  }
0x22: {  	[tilespmem:$0x1C0] =	vst v1  }
0x23: {  	[tilespmem:$0x1D0] =	vst v1  }
0x24: {  	[tilespmem:$0x1E0] =	vst v1  }
0x25: {  	[tilespmem:$0x1F0] =	vst v1  }
0x26: {  	[tilespmem:$0x200] =	vst v1  }
0x27: {  	[tilespmem:$0x210] =	vst v1  }
0x28: {  	[tilespmem:$0x220] =	vst v1  }
0x29: {  	[tilespmem:$0x230] =	vst v1  }
0x2a: {  	[tilespmem:$0x240] =	vst v1  }
0x2b: {  	[tilespmem:$0x250] =	vst v1  }
0x2c: {  	[tilespmem:$0x260] =	vst v1  }
0x2d: {  	[tilespmem:$0x270] =	vst v1  }
0x2e: {  	[tilespmem:$0x280] =	vst v1  }
0x2f: {  	[tilespmem:$0x290] =	vst v1  }
0x30: {  	[tilespmem:$0x2A0] =	vst v1  }
0x31: {  	[tilespmem:$0x2B0] =	vst v1  }
0x32: {  	[tilespmem:$0x2C0] =	vst v1  }
0x33: {  	[tilespmem:$0x2D0] =	vst v1  }
0x34: {  	[tilespmem:$0x2E0] =	vst v1  }
0x35: {  	[tilespmem:$0x2F0] =	vst v1  }
0x36: {  	[tilespmem:$0x300] =	vst v1  }
0x37: {  	[tilespmem:$0x310] =	vst v1  }
0x38: {  	[tilespmem:$0x320] =	vst v1  }
0x39: {  	[tilespmem:$0x330] =	vst v1  }
0x3a: {  	[tilespmem:$0x340] =	vst v1  }
0x3b: {  	[tilespmem:$0x350] =	vst v1  }
0x3c: {  	[tilespmem:$0x360] =	vst v1  }
0x3d: {  	[tilespmem:$0x370] =	vst v1  }
0x3e: {  	[spmem:s4] =	stream.linear.scatter [tilespmem:s8], [sflag:$0x1], $0x280, $0x38;
	[tilespmem:$0x14600] =	vst v63  }
0x3f: {  	_ =	swait.ge [sflag:s9], $0x280  }
0x40: {  	[sflag:s9] =	ssyncset.done $0x0  }
0x41: {  	[sflag:s9] =	ssyncadd.s32 $0xFFFFFD80  }
0x42: {  	s13 =	sadd.s32 $0x0, s7;
	[bflag:$0x0] =	sbarrier.arrive $0xFFFF  }
0x43: {  	[tilespmem:s2], [sflag:$0x1] =	stream.linear.gather [hbm4b:s13+s2], $0x80, $0x38;
	[tilespmem:$0x14600] =	vst v63  }
0x44: {  	_ =	swait.ge [sflag:s9], $0x80  }
0x45: {  	[sflag:s9] =	ssyncset.done $0x0  }
0x46: {  	[sflag:s9] =	ssyncadd.s32 $0xFFFFFF80  }
0x47: {  	[spmem:s1] =	stream.indirect.scatter.add.f32 [tilespmem:s10], [sflag:$0x1], $0x1, s2, s10, $0xb8;
	[tilespmem:$0x14600] =	vst v63  }
0x48: {  	_ =	swait.ge [sflag:s9], $0x80  }
0x49: {  	s14 =	simm.s32 $0x20;
	s13 =	simm.s32 $0x10;
	[sflag:s9] =	ssyncset.done $0x0  }
.LBB2_2:
0x4a: {  	s15 =	sadd.s32 s13, s7  }
0x4b: {  	[sflag:s9] =	ssyncadd.s32 $0xFFFFFF80;
	s13 =	smov.u32 s14;
	s16 =	sadd.s32 $0x10, s14  }
0x4c: {  	[tilespmem:s2], [sflag:$0x1] =	stream.linear.gather [hbm4b:s15+s2], $0x80, $0x38;
	[tilespmem:$0x14600] =	vst v63  }
0x4d: {  	p0 =	sne.s32 s14, $0x4F0;
	_ =	swait.ge [sflag:s9], $0x80  }
.Ltmp0:
0x4e: {  	[sflag:s9] =	ssyncset.done $0x0;
	(pc) =	sbr.rel @p0 .LBB2_2-.Ltmp0, $4  }
0x4f: {  	[sflag:s9] =	ssyncadd.s32 $0xFFFFFF80  }
0x50: {  	[spmem:s1] =	stream.indirect.scatter.add.f32 [tilespmem:s10], [sflag:$0x1], $0x1, s2, s10, $0xb8;
	[tilespmem:$0x14600] =	vst v63  }
0x51: {  	_ =	swait.ge [sflag:s9], $0x80  }
0x52: {  	s14 =	smov.u32 s16;
	[sflag:s9] =	ssyncset.done $0x0  }
0x53: {  	s13 =	sadd.s32 s13, s7;
	[sflag:s9] =	ssyncadd.s32 $0xFFFFFF80  }
0x54: {  	[tilespmem:s2], [sflag:$0x1] =	stream.linear.gather [hbm4b:s13+s2], $0x80, $0x38;
	[tilespmem:$0x14600] =	vst v63  }
0x55: {  	_ =	swait.ge [sflag:s9], $0x80  }
0x56: {  	[sflag:s9] =	ssyncset.done $0x0  }
0x57: {  	[sflag:s9] =	ssyncadd.s32 $0xFFFFFF80  }
0x58: {  	[spmem:s1] =	stream.indirect.scatter.add.f32 [tilespmem:s10], [sflag:$0x1], $0x1, s2, s10, $0xb8;
	[tilespmem:$0x14600] =	vst v63  }
0x59: {  	_ =	swait.ge [sflag:s9], $0x80  }
0x5a: {  	[sflag:s9] =	ssyncset.done $0x0  }
0x5b: {  	s31 =	simm.s32 $0x0;
	[sflag:s9] =	ssyncadd.s32 $0xFFFFFF80  }
0x5c: {  	v2 =	vmov s31;
	[bflag:$0x0] =	sbarrier.arrive $0xFFFF  }
0x5d: {  	[tilespmem:s8], [sflag:$0x1] =	stream.linear.gather [spmem:s4], $0x280, $0x38;
	[tilespmem:$0x14600] =	vst v63  }
0x5e: {  	_ =	swait.ge [sflag:s9], $0x280  }
0x5f: {  	[sflag:s9] =	ssyncset.done $0x0  }
0x60: {  	[sflag:s9] =	ssyncadd.s32 $0xFFFFFD80  }
0x61: {  	v2 =	vld.idx.msk [tilespmem:v2+s8+$0x0], $0xffff;
	_ =	sdelay $0x3  }
0x62: {  	s13 =	simm.s32 $0x3C0  }
0x63: {  	[tilespmem:s13+$0xFFFFFFC0] =	vst v2  }
0x64: {  	[tilespmem:s13+$0xFFFFFFD0] =	vst v2  }
0x65: {  	s14 =	simm.s32 $0x1;
	[tilespmem:s13+$0xFFFFFFE0] =	vst v2  }
0x66: {  	v3 =	vmov s14;
	s14 =	simm.s32 $0x2;
	[tilespmem:s13+$0xFFFFFFF0] =	vst v2  }
.LBB2_4:
0x67: {  	p0 =	sne.s32 s14, $0x27F;
	[tilespmem:s13+$0x0] =	vst v2  }
0x68: {  	[tilespmem:s13+$0x10] =	vst v2  }
0x69: {  	[tilespmem:s13+$0x20] =	vst v2  }
0x6a: {  	[tilespmem:s13+$0x30] =	vst v2  }
0x6b: {  	v2 =	vld.idx.msk [tilespmem:v3+s8+$0x0], $0xffff;
	_ =	sdelay $0x4  }
.Ltmp1:
0x6c: {  	s13 =	sadd.s32 $0x80, s13;
	(pc) =	sbr.rel @p0 .LBB2_4-.Ltmp1, $4  }
0x6d: {  	[tilespmem:s13+$0xFFFFFFC0] =	vst v2  }
0x6e: {  	[tilespmem:s13+$0xFFFFFFD0] =	vst v2  }
0x6f: {  	[tilespmem:s13+$0xFFFFFFE0] =	vst v2  }
0x70: {  	v3 =	vmov s14;
	s14 =	sadd.s32 $0x1, s14;
	[tilespmem:s13+$0xFFFFFFF0] =	vst v2  }
0x71: {  	[tilespmem:s13+$0x0] =	vst v2  }
0x72: {  	[tilespmem:s13+$0x10] =	vst v2  }
0x73: {  	[tilespmem:s13+$0x20] =	vst v2  }
0x74: {  	[tilespmem:s13+$0x30] =	vst v2  }
0x75: {  	v2 =	vld.idx.msk [tilespmem:v3+s8+$0x0], $0xffff;
	_ =	sdelay $0x3  }
0x76: {  	s31 =	sadd.s32 $0x80, s13  }
0x77: {  	[tilespmem:s31+$0xFFFFFFC0] =	vst v2  }
0x78: {  	[tilespmem:s31+$0xFFFFFFD0] =	vst v2  }
0x79: {  	[tilespmem:s31+$0xFFFFFFE0] =	vst v2  }
0x7a: {  	[tilespmem:s31+$0xFFFFFFF0] =	vst v2  }
0x7b: {  	[tilespmem:s31+$0x0] =	vst v2  }
0x7c: {  	s12 =	sadd.s32 $0x1, s12;
	[tilespmem:s31+$0x10] =	vst v2  }
0x7d: {  	p0 =	sne.s32 s12, s5;
	[tilespmem:s31+$0x20] =	vst v2  }
.Ltmp2:
0x7e: {  	[tilespmem:s31+$0x30] =	vst v2;
	(pc) =	sbr.rel @p0 .LBB2_1-.Ltmp2, $4  }
0x7f: {  	[hbm4b:s6+s2] =	stream.linear.scatter [tilespmem:s11], [sflag:$0x1], $0x14000, $0x38;
	[tilespmem:$0x14600] =	vst v63  }
0x80: {  	_ =	swait.ge [sflag:s9], $0x14000  }
0x81: {  	[sflag:s9] =	ssyncset.done $0x0  }
0x82: {  	[sflag:s9] =	ssyncadd.s32 $0xFFFEC000  }
0x83: {  	_ =	sfence.sel $0x180000  }
0x84: {  	[bflag:$0x0] =	sbarrier.arrive $0xFFFF  }
0x85: {  	p0 =	sne.s32 s3, $0x0;
	_ =	strace $0x90000047  }
0x86: {  	s0 =	sadd.s32 @!p0 $0x100000, s0;
	[bflag:$0x2] =	sbarrier.arrive $0xFFFF  }
0x87: {  	[sflag:s0] =	ssyncadd.tile.s32 @!p0 $0x1;
	_ =	shalt  }
.Lfunc_end2:
_tile_overlayer_lowered:
.L_overlay_start_2:
0x88: {  	(tag) =	ssettag $0x2  }
0x89: {  	s0 =	rddreg [dreg:$0x0];
	s2 =	stileid.u32  }
0x8a: {  	s1 =	rddreg [dreg:$0x1];
	p0 =	sne.s32 s2, $0x0  }
0x8b: {  	s3 =	rddreg [dreg:$0x2];
	[bflag:$0x3] =	sbarrier.arrive $0xFFFF;
	s2 =	simm.s32 @!p0 $0x1C01  }
0x8c: {  	[timem:s3], [sflag:s2] =	dma.local @!p0 [hbm:s0], s1  }
0x8d: {  	s0 =	simm.s32 @!p0 $0x1  }
0x8e: {  	_ =	swait.ge @!p0 [sflag:s0], s1  }
0x8f: {  	s1 =	ssub.s32 @!p0 $0x0, s1;
	[sflag:s0] =	ssyncset.done @!p0 $0x0  }
0x90: {  	[sflag:s0] =	ssyncadd.s32 @!p0 s1  }
0x91: {  	[bflag:$0x3] =	sbarrier.arrive $0xFFFF  }
0x92: {  	_ =	shalt  }

</sc_bundles>
